<compile_context>
chip_gen: v7x
topology: tpu7x:2x2x1
jax: 0.10.2.dev20260603
libtpu: 0.0.44.dev20260713+nightly
codegen_flags: <defaults>
</compile_context>

<pallas_src>
import functools

import jax
import jax.numpy as jnp
from jax import lax
from jax.experimental import pallas as pl
from jax.experimental.pallas import tpu as pltpu
from jax.experimental.pallas import tpu_sc as plsc

B = 128
K = 4096
DPC = 8
N = K * DPC

NW = 32
ROWS_PER_W = B // NW
HALF = N // 2
KHALF = K // 2


def _dk_body(x_hbm, out_hbm, x0, x1, o0, o1, sx0, sx1, so0, so1):
    wid = lax.axis_index("s") * 2 + lax.axis_index("c")
    xbufs = (x0, x1)
    obufs = (o0, o1)
    xsems = (sx0, sx1)
    osems = (so0, so1)

    def in_copy(r, b):
        row = wid * ROWS_PER_W + r
        return pltpu.async_copy(x_hbm.at[row], xbufs[b], xsems[b])

    def run_win(xbuf, obuf, h):
        @plsc.parallel_loop(0, KHALF // 16, unroll=4)
        def win_body(i):
            zeros = jnp.zeros((16,), jnp.float32)
            for v in range(8):
                obuf[pl.ds(i * 128 + v * 16, 16)] = zeros
            kloc = h * KHALF + i * 16 + lax.iota(jnp.int32, 16)
            base7 = kloc * 7
            m = plsc.load_gather(xbuf, [base7])
            w = jnp.zeros((16,), jnp.int32)
            for j in range(1, DPC):
                cj = plsc.load_gather(xbuf, [base7 + j])
                gt = cj > m
                m = jnp.where(gt, cj, m)
                w = jnp.where(gt, j, w)
            oidx = kloc * 8 + w
            vals = plsc.load_gather(xbuf, [oidx])
            plsc.store_scatter(obuf, [oidx - h * HALF], vals)

    in_handles = [None] * ROWS_PER_W
    out_handles = [None] * (2 * ROWS_PER_W)
    in_handles[0] = in_copy(0, 0)
    for r in range(ROWS_PER_W):
        xb = r % 2
        if r + 1 < ROWS_PER_W:
            in_handles[r + 1] = in_copy(r + 1, (r + 1) % 2)
        row = wid * ROWS_PER_W + r
        for h in range(2):
            ob = h
            ci = 2 * r + h
            if ci >= 2:
                out_handles[ci - 2].wait()
            if h == 0:
                in_handles[r].wait()
            run_win(xbufs[xb], obufs[ob], h)
            out_handles[ci] = pltpu.async_copy(
                obufs[ob], out_hbm.at[row, pl.ds(h * HALF, HALF)], osems[ob])
    out_handles[-2].wait()
    out_handles[-1].wait()


@jax.jit
def kernel(x):
    mesh = plsc.VectorSubcoreMesh(core_axis_name="c", subcore_axis_name="s")
    run = functools.partial(
        pl.kernel,
        mesh=mesh,
        out_type=jax.ShapeDtypeStruct((B, N), jnp.float32),
        compiler_params=pltpu.CompilerParams(needs_layout_passes=False),
        scratch_types=[
            pltpu.VMEM((N,), jnp.float32),
            pltpu.VMEM((N,), jnp.float32),
            pltpu.VMEM((HALF,), jnp.float32),
            pltpu.VMEM((HALF,), jnp.float32),
            pltpu.SemaphoreType.DMA,
            pltpu.SemaphoreType.DMA,
            pltpu.SemaphoreType.DMA,
            pltpu.SemaphoreType.DMA,
        ],
    )(_dk_body)
    return run(x)

# --- scband reference (transcript-rebuilt; emitter-appended) ---
"""Pipeline reference for scband-dkwinners-87454124081886 (READ-ONLY COPY).

The authoritative reference and input builder live on the scoring server;
editing this copy changes nothing except your own understanding.
"""

import jax, jax.numpy as jnp
import numpy as np

OUT_DIM = 4096
DPC = 8  # dendrites_per_neuron
BATCH = 128


def setup_inputs(seed: int = 0) -> dict:
    key = jax.random.key(seed)
    x = jax.random.normal(key, (BATCH, OUT_DIM * DPC), dtype=jnp.float32)
    return {"x": x}


def _dkwinners_mask(boosted):
    # Faithful to DendriteKWinners.forward: for each output neuron k, take the
    # argmax over the window boosted[:, k*(dpc-1) : k*(dpc-1)+dpc] (note the
    # overlapping stride of dpc-1, exactly as in the torch code) and set the
    # winning dendrite's mask entry to 1 (per batch row).
    B = boosted.shape[0]
    starts = jnp.arange(OUT_DIM) * (DPC - 1)            # [OUT_DIM]
    win_idx = starts[:, None] + jnp.arange(DPC)[None, :]  # [OUT_DIM, DPC]
    windows = boosted[:, win_idx]                        # gather -> [B, OUT_DIM, DPC]
    winners = jnp.argmax(windows, axis=-1)               # [B, OUT_DIM]
    mask3 = jnp.zeros((B, OUT_DIM, DPC), dtype=boosted.dtype)
    mask3 = mask3.at[jnp.arange(B)[:, None], jnp.arange(OUT_DIM)[None, :], winners].set(1.0)
    return mask3.reshape(B, OUT_DIM * DPC)


def reference(x):
    # boosted = x.detach() in torch -> stop_gradient here
    mask = _dkwinners_mask(jax.lax.stop_gradient(x))
    res = mask * x
    return res

if __name__ == "__main__":
    import jax
    _d = setup_inputs()
    print(jax.jit(kernel)(*tuple(_d.values())))

</pallas_src>

<mosaic_0001>
#map = affine_map<(d0, d1) -> (0, 0)>
module attributes {stable_mosaic.version = 14 : i64} {
  func.func @_dk_body(%arg0: i32, %arg1: i32, %arg2: memref<128x32768xf32, #tpu.memory_space<hbm>>, %arg3: memref<128x32768xf32, #tpu.memory_space<hbm>>, %arg4: memref<32768xf32, #tpu.memory_space<vmem>>, %arg5: memref<32768xf32, #tpu.memory_space<vmem>>, %arg6: memref<16384xf32, #tpu.memory_space<vmem>>, %arg7: memref<16384xf32, #tpu.memory_space<vmem>>, %arg8: memref<!tpu.dma_semaphore, #tpu.memory_space<semaphore_mem>>, %arg9: memref<!tpu.dma_semaphore, #tpu.memory_space<semaphore_mem>>, %arg10: memref<!tpu.dma_semaphore, #tpu.memory_space<semaphore_mem>>, %arg11: memref<!tpu.dma_semaphore, #tpu.memory_space<semaphore_mem>>) attributes {dimension_semantics = [#tpu.dimension_semantics<core_parallel>, #tpu.dimension_semantics<subcore_parallel>], iteration_bounds = array<i64: 2, 16>, scalar_prefetch = 0 : i64, scratch_operands = 8 : i64, tpu.core_type = #tpu.core_type<sc_vector_subcore>, window_params = [{transform_indices = #map}, {transform_indices = #map}]} {
    %mul3A = arith.constant 2 : i32
    %mul3A_0 = arith.muli %arg1, %mul3A : i32
    %add3A = arith.addi %mul3A_0, %arg0 : i32
    %mul3A_1 = arith.constant 4 : i32
    %mul3A_2 = arith.muli %add3A, %mul3A_1 : i32
    %add3A_3 = arith.constant 0 : i32
    %add3A_4 = arith.addi %mul3A_2, %add3A_3 : i32
    %dma_start3A = arith.constant 0 : i32
    %dma_start3A_5 = tpu.memref_slice %arg2[%add3A_4, %dma_start3A] : memref<128x32768xf32, #tpu.memory_space<hbm>> -> memref<1x32768xf32, #tpu.memory_space<hbm>>
    %dma_start3A_6 = tpu.memref_squeeze %dma_start3A_5 : memref<1x32768xf32, #tpu.memory_space<hbm>> -> memref<32768xf32, #tpu.memory_space<hbm>>
    %dma_start3A_7 = arith.constant 0 : i32
    %dma_start3A_8 = tpu.memref_slice %arg2[%add3A_4, %dma_start3A_7] : memref<128x32768xf32, #tpu.memory_space<hbm>> -> memref<1x32768xf32, #tpu.memory_space<hbm>>
    %dma_start3A_9 = tpu.memref_squeeze %dma_start3A_8 : memref<1x32768xf32, #tpu.memory_space<hbm>> -> memref<32768xf32, #tpu.memory_space<hbm>>
    tpu.enqueue_dma source(%dma_start3A_9 : memref<32768xf32, #tpu.memory_space<hbm>>) target(%arg4 : memref<32768xf32, #tpu.memory_space<vmem>>) target_semaphore(%arg8 : memref<!tpu.dma_semaphore, #tpu.memory_space<semaphore_mem>>)
    %mul3A_10 = arith.constant 4 : i32
    %mul3A_11 = arith.muli %add3A, %mul3A_10 : i32
    %add3A_12 = arith.constant 1 : i32
    %add3A_13 = arith.addi %mul3A_11, %add3A_12 : i32
    %dma_start3A_14 = arith.constant 0 : i32
    %dma_start3A_15 = tpu.memref_slice %arg2[%add3A_13, %dma_start3A_14] : memref<128x32768xf32, #tpu.memory_space<hbm>> -> memref<1x32768xf32, #tpu.memory_space<hbm>>
    %dma_start3A_16 = tpu.memref_squeeze %dma_start3A_15 : memref<1x32768xf32, #tpu.memory_space<hbm>> -> memref<32768xf32, #tpu.memory_space<hbm>>
    %dma_start3A_17 = arith.constant 0 : i32
    %dma_start3A_18 = tpu.memref_slice %arg2[%add3A_13, %dma_start3A_17] : memref<128x32768xf32, #tpu.memory_space<hbm>> -> memref<1x32768xf32, #tpu.memory_space<hbm>>
    %dma_start3A_19 = tpu.memref_squeeze %dma_start3A_18 : memref<1x32768xf32, #tpu.memory_space<hbm>> -> memref<32768xf32, #tpu.memory_space<hbm>>
    tpu.enqueue_dma source(%dma_start3A_19 : memref<32768xf32, #tpu.memory_space<hbm>>) target(%arg5 : memref<32768xf32, #tpu.memory_space<vmem>>) target_semaphore(%arg9 : memref<!tpu.dma_semaphore, #tpu.memory_space<semaphore_mem>>)
    %mul3A_20 = arith.constant 4 : i32
    %mul3A_21 = arith.muli %add3A, %mul3A_20 : i32
    %add3A_22 = arith.constant 0 : i32
    %add3A_23 = arith.addi %mul3A_21, %add3A_22 : i32
    %dma_wait3A = arith.constant 0 : i32
    %dma_wait3A_24 = tpu.memref_slice %arg2[%add3A_4, %dma_wait3A] : memref<128x32768xf32, #tpu.memory_space<hbm>> -> memref<1x32768xf32, #tpu.memory_space<hbm>>
    %dma_wait3A_25 = tpu.memref_squeeze %dma_wait3A_24 : memref<1x32768xf32, #tpu.memory_space<hbm>> -> memref<32768xf32, #tpu.memory_space<hbm>>
    %dma_wait3A_26 = arith.constant 0 : i32
    %dma_wait3A_27 = tpu.memref_slice %arg2[%add3A_4, %dma_wait3A_26] : memref<128x32768xf32, #tpu.memory_space<hbm>> -> memref<1x32768xf32, #tpu.memory_space<hbm>>
    %dma_wait3A_28 = tpu.memref_squeeze %dma_wait3A_27 : memref<1x32768xf32, #tpu.memory_space<hbm>> -> memref<32768xf32, #tpu.memory_space<hbm>>
    tpu.wait_dma2 semaphore(%arg8 : memref<!tpu.dma_semaphore, #tpu.memory_space<semaphore_mem>>) src(%dma_wait3A_28 : memref<32768xf32, #tpu.memory_space<hbm>>) dst(%arg4 : memref<32768xf32, #tpu.memory_space<vmem>>)
    %parallel_loop3A = arith.constant 0 : i32
    %parallel_loop3A_29 = arith.constant 128 : i32
    %parallel_loop3A_30 = arith.constant 1 : i32
    scf.for %parallel_loop3A_198 = %parallel_loop3A to %parallel_loop3A_29 step %parallel_loop3A_30  : i32 {
      %parallel_loop3A_199 = arith.constant 0.000000e+00 : f32
      %parallel_loop3A_200 = vector.broadcast %parallel_loop3A_199 : f32 to vector<16xf32>
      %parallel_loop3A_201 = arith.constant 128 : i32
      %parallel_loop3A_202 = arith.muli %parallel_loop3A_198, %parallel_loop3A_201 : i32
      %parallel_loop3A_203 = arith.constant 0 : i32
      %parallel_loop3A_204 = arith.addi %parallel_loop3A_202, %parallel_loop3A_203 : i32
      %parallel_loop3A_205 = arith.index_cast %parallel_loop3A_204 : i32 to index
      %parallel_loop3A_206 = tpu.vector_load %arg6[%parallel_loop3A_205] {strides = array<i32>} : memref<16384xf32, #tpu.memory_space<vmem>>, vector<16xf32>,
      tpu.vector_store %arg6[%parallel_loop3A_205], %parallel_loop3A_200 {strides = array<i32>} : memref<16384xf32, #tpu.memory_space<vmem>>, vector<16xf32>,
      %parallel_loop3A_207 = arith.constant 128 : i32
      %parallel_loop3A_208 = arith.muli %parallel_loop3A_198, %parallel_loop3A_207 : i32
      %parallel_loop3A_209 = arith.constant 16 : i32
      %parallel_loop3A_210 = arith.addi %parallel_loop3A_208, %parallel_loop3A_209 : i32
      %parallel_loop3A_211 = arith.index_cast %parallel_loop3A_210 : i32 to index
      %parallel_loop3A_212 = tpu.vector_load %arg6[%parallel_loop3A_211] {strides = array<i32>} : memref<16384xf32, #tpu.memory_space<vmem>>, vector<16xf32>,
      tpu.vector_store %arg6[%parallel_loop3A_211], %parallel_loop3A_200 {strides = array<i32>} : memref<16384xf32, #tpu.memory_space<vmem>>, vector<16xf32>,
      %parallel_loop3A_213 = arith.constant 128 : i32
      %parallel_loop3A_214 = arith.muli %parallel_loop3A_198, %parallel_loop3A_213 : i32
      %parallel_loop3A_215 = arith.constant 32 : i32
      %parallel_loop3A_216 = arith.addi %parallel_loop3A_214, %parallel_loop3A_215 : i32
      %parallel_loop3A_217 = arith.index_cast %parallel_loop3A_216 : i32 to index
      %parallel_loop3A_218 = tpu.vector_load %arg6[%parallel_loop3A_217] {strides = array<i32>} : memref<16384xf32, #tpu.memory_space<vmem>>, vector<16xf32>,
      tpu.vector_store %arg6[%parallel_loop3A_217], %parallel_loop3A_200 {strides = array<i32>} : memref<16384xf32, #tpu.memory_space<vmem>>, vector<16xf32>,
      %parallel_loop3A_219 = arith.constant 128 : i32
      %parallel_loop3A_220 = arith.muli %parallel_loop3A_198, %parallel_loop3A_219 : i32
      %parallel_loop3A_221 = arith.constant 48 : i32
      %parallel_loop3A_222 = arith.addi %parallel_loop3A_220, %parallel_loop3A_221 : i32
      %parallel_loop3A_223 = arith.index_cast %parallel_loop3A_222 : i32 to index
      %parallel_loop3A_224 = tpu.vector_load %arg6[%parallel_loop3A_223] {strides = array<i32>} : memref<16384xf32, #tpu.memory_space<vmem>>, vector<16xf32>,
      tpu.vector_store %arg6[%parallel_loop3A_223], %parallel_loop3A_200 {strides = array<i32>} : memref<16384xf32, #tpu.memory_space<vmem>>, vector<16xf32>,
      %parallel_loop3A_225 = arith.constant 128 : i32
      %parallel_loop3A_226 = arith.muli %parallel_loop3A_198, %parallel_loop3A_225 : i32
      %parallel_loop3A_227 = arith.constant 64 : i32
      %parallel_loop3A_228 = arith.addi %parallel_loop3A_226, %parallel_loop3A_227 : i32
      %parallel_loop3A_229 = arith.index_cast %parallel_loop3A_228 : i32 to index
      %parallel_loop3A_230 = tpu.vector_load %arg6[%parallel_loop3A_229] {strides = array<i32>} : memref<16384xf32, #tpu.memory_space<vmem>>, vector<16xf32>,
      tpu.vector_store %arg6[%parallel_loop3A_229], %parallel_loop3A_200 {strides = array<i32>} : memref<16384xf32, #tpu.memory_space<vmem>>, vector<16xf32>,
      %parallel_loop3A_231 = arith.constant 128 : i32
      %parallel_loop3A_232 = arith.muli %parallel_loop3A_198, %parallel_loop3A_231 : i32
      %parallel_loop3A_233 = arith.constant 80 : i32
      %parallel_loop3A_234 = arith.addi %parallel_loop3A_232, %parallel_loop3A_233 : i32
      %parallel_loop3A_235 = arith.index_cast %parallel_loop3A_234 : i32 to index
      %parallel_loop3A_236 = tpu.vector_load %arg6[%parallel_loop3A_235] {strides = array<i32>} : memref<16384xf32, #tpu.memory_space<vmem>>, vector<16xf32>,
      tpu.vector_store %arg6[%parallel_loop3A_235], %parallel_loop3A_200 {strides = array<i32>} : memref<16384xf32, #tpu.memory_space<vmem>>, vector<16xf32>,
      %parallel_loop3A_237 = arith.constant 128 : i32
      %parallel_loop3A_238 = arith.muli %parallel_loop3A_198, %parallel_loop3A_237 : i32
      %parallel_loop3A_239 = arith.constant 96 : i32
      %parallel_loop3A_240 = arith.addi %parallel_loop3A_238, %parallel_loop3A_239 : i32
      %parallel_loop3A_241 = arith.index_cast %parallel_loop3A_240 : i32 to index
      %parallel_loop3A_242 = tpu.vector_load %arg6[%parallel_loop3A_241] {strides = array<i32>} : memref<16384xf32, #tpu.memory_space<vmem>>, vector<16xf32>,
      tpu.vector_store %arg6[%parallel_loop3A_241], %parallel_loop3A_200 {strides = array<i32>} : memref<16384xf32, #tpu.memory_space<vmem>>, vector<16xf32>,
      %parallel_loop3A_243 = arith.constant 128 : i32
      %parallel_loop3A_244 = arith.muli %parallel_loop3A_198, %parallel_loop3A_243 : i32
      %parallel_loop3A_245 = arith.constant 112 : i32
      %parallel_loop3A_246 = arith.addi %parallel_loop3A_244, %parallel_loop3A_245 : i32
      %parallel_loop3A_247 = arith.index_cast %parallel_loop3A_246 : i32 to index
      %parallel_loop3A_248 = tpu.vector_load %arg6[%parallel_loop3A_247] {strides = array<i32>} : memref<16384xf32, #tpu.memory_space<vmem>>, vector<16xf32>,
      tpu.vector_store %arg6[%parallel_loop3A_247], %parallel_loop3A_200 {strides = array<i32>} : memref<16384xf32, #tpu.memory_space<vmem>>, vector<16xf32>,
      %parallel_loop3A_249 = arith.constant 16 : i32
      %parallel_loop3A_250 = arith.muli %parallel_loop3A_198, %parallel_loop3A_249 : i32
      %parallel_loop3A_251 = arith.constant 0 : i32
      %parallel_loop3A_252 = arith.addi %parallel_loop3A_251, %parallel_loop3A_250 : i32
      %parallel_loop3A_253 = tpu.iota {dimensions = array<i32: 0>} : vector<16xi32>
      %parallel_loop3A_254 = vector.broadcast %parallel_loop3A_252 : i32 to vector<16xi32>
      %parallel_loop3A_255 = arith.addi %parallel_loop3A_254, %parallel_loop3A_253 : vector<16xi32>
      %parallel_loop3A_256 = arith.constant 7 : i32
      %parallel_loop3A_257 = vector.broadcast %parallel_loop3A_256 : i32 to vector<16xi32>
      %parallel_loop3A_258 = arith.muli %parallel_loop3A_255, %parallel_loop3A_257 : vector<16xi32>
      %parallel_loop3A_259 = tpu.vector_load_idx %arg4[%parallel_loop3A_258] : memref<32768xf32, #tpu.memory_space<vmem>>[vector<16xi32>], vector<16xf32>,
      %parallel_loop3A_260 = arith.constant 0 : i32
      %parallel_loop3A_261 = vector.broadcast %parallel_loop3A_260 : i32 to vector<16xi32>
      %parallel_loop3A_262 = arith.constant 1 : i32
      %parallel_loop3A_263 = vector.broadcast %parallel_loop3A_262 : i32 to vector<16xi32>
      %parallel_loop3A_264 = arith.addi %parallel_loop3A_258, %parallel_loop3A_263 : vector<16xi32>
      %parallel_loop3A_265 = tpu.vector_load_idx %arg4[%parallel_loop3A_264] : memref<32768xf32, #tpu.memory_space<vmem>>[vector<16xi32>], vector<16xf32>,
      %parallel_loop3A_266 = arith.cmpf ogt, %parallel_loop3A_265, %parallel_loop3A_259 : vector<16xf32>
      %parallel_loop3A_267 = arith.select %parallel_loop3A_266, %parallel_loop3A_265, %parallel_loop3A_259 : vector<16xi1>, vector<16xf32>
      %parallel_loop3A_268 = arith.constant 1 : i32
      %parallel_loop3A_269 = vector.broadcast %parallel_loop3A_268 : i32 to vector<16xi32>
      %parallel_loop3A_270 = arith.select %parallel_loop3A_266, %parallel_loop3A_269, %parallel_loop3A_261 : vector<16xi1>, vector<16xi32>
      %parallel_loop3A_271 = arith.constant 2 : i32
      %parallel_loop3A_272 = vector.broadcast %parallel_loop3A_271 : i32 to vector<16xi32>
      %parallel_loop3A_273 = arith.addi %parallel_loop3A_258, %parallel_loop3A_272 : vector<16xi32>
      %parallel_loop3A_274 = tpu.vector_load_idx %arg4[%parallel_loop3A_273] : memref<32768xf32, #tpu.memory_space<vmem>>[vector<16xi32>], vector<16xf32>,
      %parallel_loop3A_275 = arith.cmpf ogt, %parallel_loop3A_274, %parallel_loop3A_267 : vector<16xf32>
      %parallel_loop3A_276 = arith.select %parallel_loop3A_275, %parallel_loop3A_274, %parallel_loop3A_267 : vector<16xi1>, vector<16xf32>
      %parallel_loop3A_277 = arith.constant 2 : i32
      %parallel_loop3A_278 = vector.broadcast %parallel_loop3A_277 : i32 to vector<16xi32>
      %parallel_loop3A_279 = arith.select %parallel_loop3A_275, %parallel_loop3A_278, %parallel_loop3A_270 : vector<16xi1>, vector<16xi32>
      %parallel_loop3A_280 = arith.constant 3 : i32
      %parallel_loop3A_281 = vector.broadcast %parallel_loop3A_280 : i32 to vector<16xi32>
      %parallel_loop3A_282 = arith.addi %parallel_loop3A_258, %parallel_loop3A_281 : vector<16xi32>
      %parallel_loop3A_283 = tpu.vector_load_idx %arg4[%parallel_loop3A_282] : memref<32768xf32, #tpu.memory_space<vmem>>[vector<16xi32>], vector<16xf32>,
      %parallel_loop3A_284 = arith.cmpf ogt, %parallel_loop3A_283, %parallel_loop3A_276 : vector<16xf32>
      %parallel_loop3A_285 = arith.select %parallel_loop3A_284, %parallel_loop3A_283, %parallel_loop3A_276 : vector<16xi1>, vector<16xf32>
      %parallel_loop3A_286 = arith.constant 3 : i32
      %parallel_loop3A_287 = vector.broadcast %parallel_loop3A_286 : i32 to vector<16xi32>
      %parallel_loop3A_288 = arith.select %parallel_loop3A_284, %parallel_loop3A_287, %parallel_loop3A_279 : vector<16xi1>, vector<16xi32>
      %parallel_loop3A_289 = arith.constant 4 : i32
      %parallel_loop3A_290 = vector.broadcast %parallel_loop3A_289 : i32 to vector<16xi32>
      %parallel_loop3A_291 = arith.addi %parallel_loop3A_258, %parallel_loop3A_290 : vector<16xi32>
      %parallel_loop3A_292 = tpu.vector_load_idx %arg4[%parallel_loop3A_291] : memref<32768xf32, #tpu.memory_space<vmem>>[vector<16xi32>], vector<16xf32>,
      %parallel_loop3A_293 = arith.cmpf ogt, %parallel_loop3A_292, %parallel_loop3A_285 : vector<16xf32>
      %parallel_loop3A_294 = arith.select %parallel_loop3A_293, %parallel_loop3A_292, %parallel_loop3A_285 : vector<16xi1>, vector<16xf32>
      %parallel_loop3A_295 = arith.constant 4 : i32
      %parallel_loop3A_296 = vector.broadcast %parallel_loop3A_295 : i32 to vector<16xi32>
      %parallel_loop3A_297 = arith.select %parallel_loop3A_293, %parallel_loop3A_296, %parallel_loop3A_288 : vector<16xi1>, vector<16xi32>
      %parallel_loop3A_298 = arith.constant 5 : i32
      %parallel_loop3A_299 = vector.broadcast %parallel_loop3A_298 : i32 to vector<16xi32>
      %parallel_loop3A_300 = arith.addi %parallel_loop3A_258, %parallel_loop3A_299 : vector<16xi32>
      %parallel_loop3A_301 = tpu.vector_load_idx %arg4[%parallel_loop3A_300] : memref<32768xf32, #tpu.memory_space<vmem>>[vector<16xi32>], vector<16xf32>,
      %parallel_loop3A_302 = arith.cmpf ogt, %parallel_loop3A_301, %parallel_loop3A_294 : vector<16xf32>
      %parallel_loop3A_303 = arith.select %parallel_loop3A_302, %parallel_loop3A_301, %parallel_loop3A_294 : vector<16xi1>, vector<16xf32>
      %parallel_loop3A_304 = arith.constant 5 : i32
      %parallel_loop3A_305 = vector.broadcast %parallel_loop3A_304 : i32 to vector<16xi32>
      %parallel_loop3A_306 = arith.select %parallel_loop3A_302, %parallel_loop3A_305, %parallel_loop3A_297 : vector<16xi1>, vector<16xi32>
      %parallel_loop3A_307 = arith.constant 6 : i32
      %parallel_loop3A_308 = vector.broadcast %parallel_loop3A_307 : i32 to vector<16xi32>
      %parallel_loop3A_309 = arith.addi %parallel_loop3A_258, %parallel_loop3A_308 : vector<16xi32>
      %parallel_loop3A_310 = tpu.vector_load_idx %arg4[%parallel_loop3A_309] : memref<32768xf32, #tpu.memory_space<vmem>>[vector<16xi32>], vector<16xf32>,
      %parallel_loop3A_311 = arith.cmpf ogt, %parallel_loop3A_310, %parallel_loop3A_303 : vector<16xf32>
      %parallel_loop3A_312 = arith.select %parallel_loop3A_311, %parallel_loop3A_310, %parallel_loop3A_303 : vector<16xi1>, vector<16xf32>
      %parallel_loop3A_313 = arith.constant 6 : i32
      %parallel_loop3A_314 = vector.broadcast %parallel_loop3A_313 : i32 to vector<16xi32>
      %parallel_loop3A_315 = arith.select %parallel_loop3A_311, %parallel_loop3A_314, %parallel_loop3A_306 : vector<16xi1>, vector<16xi32>
      %parallel_loop3A_316 = arith.constant 7 : i32
      %parallel_loop3A_317 = vector.broadcast %parallel_loop3A_316 : i32 to vector<16xi32>
      %parallel_loop3A_318 = arith.addi %parallel_loop3A_258, %parallel_loop3A_317 : vector<16xi32>
      %parallel_loop3A_319 = tpu.vector_load_idx %arg4[%parallel_loop3A_318] : memref<32768xf32, #tpu.memory_space<vmem>>[vector<16xi32>], vector<16xf32>,
      %parallel_loop3A_320 = arith.cmpf ogt, %parallel_loop3A_319, %parallel_loop3A_312 : vector<16xf32>
      %parallel_loop3A_321 = arith.select %parallel_loop3A_320, %parallel_loop3A_319, %parallel_loop3A_312 : vector<16xi1>, vector<16xf32>
      %parallel_loop3A_322 = arith.constant 7 : i32
      %parallel_loop3A_323 = vector.broadcast %parallel_loop3A_322 : i32 to vector<16xi32>
      %parallel_loop3A_324 = arith.select %parallel_loop3A_320, %parallel_loop3A_323, %parallel_loop3A_315 : vector<16xi1>, vector<16xi32>
      %parallel_loop3A_325 = arith.constant 8 : i32
      %parallel_loop3A_326 = vector.broadcast %parallel_loop3A_325 : i32 to vector<16xi32>
      %parallel_loop3A_327 = arith.muli %parallel_loop3A_255, %parallel_loop3A_326 : vector<16xi32>
      %parallel_loop3A_328 = arith.addi %parallel_loop3A_327, %parallel_loop3A_324 : vector<16xi32>
      %parallel_loop3A_329 = tpu.vector_load_idx %arg4[%parallel_loop3A_328] : memref<32768xf32, #tpu.memory_space<vmem>>[vector<16xi32>], vector<16xf32>,
      %parallel_loop3A_330 = arith.constant 0 : i32
      %parallel_loop3A_331 = vector.broadcast %parallel_loop3A_330 : i32 to vector<16xi32>
      %parallel_loop3A_332 = arith.subi %parallel_loop3A_328, %parallel_loop3A_331 : vector<16xi32>
      tpu.vector_store_idx %arg6[%parallel_loop3A_332], %parallel_loop3A_329 : memref<16384xf32, #tpu.memory_space<vmem>>[vector<16xi32>], vector<16xf32>,
    } {sc.loop_unroll_factor = 4 : i64, sc.parallel_access}
    %dma_start3A_31 = arith.constant 0 : i32
    %dma_start3A_32 = tpu.memref_slice %arg3[%add3A_23, %dma_start3A_31] : memref<128x32768xf32, #tpu.memory_space<hbm>> -> memref<1x16384xf32, #tpu.memory_space<hbm>>
    %dma_start3A_33 = tpu.memref_squeeze %dma_start3A_32 : memref<1x16384xf32, #tpu.memory_space<hbm>> -> memref<16384xf32, #tpu.memory_space<hbm>>
    %dma_start3A_34 = arith.constant 0 : i32
    %dma_start3A_35 = tpu.memref_slice %arg3[%add3A_23, %dma_start3A_34] : memref<128x32768xf32, #tpu.memory_space<hbm>> -> memref<1x16384xf32, #tpu.memory_space<hbm>>
    %dma_start3A_36 = tpu.memref_squeeze %dma_start3A_35 : memref<1x16384xf32, #tpu.memory_space<hbm>> -> memref<16384xf32, #tpu.memory_space<hbm>>
    tpu.enqueue_dma source(%arg6 : memref<16384xf32, #tpu.memory_space<vmem>>) target(%dma_start3A_36 : memref<16384xf32, #tpu.memory_space<hbm>>) target_semaphore(%arg10 : memref<!tpu.dma_semaphore, #tpu.memory_space<semaphore_mem>>)
    %parallel_loop3A_37 = arith.constant 0 : i32
    %parallel_loop3A_38 = arith.constant 128 : i32
    %parallel_loop3A_39 = arith.constant 1 : i32
    scf.for %parallel_loop3A_198 = %parallel_loop3A_37 to %parallel_loop3A_38 step %parallel_loop3A_39  : i32 {
      %parallel_loop3A_199 = arith.constant 0.000000e+00 : f32
      %parallel_loop3A_200 = vector.broadcast %parallel_loop3A_199 : f32 to vector<16xf32>
      %parallel_loop3A_201 = arith.constant 128 : i32
      %parallel_loop3A_202 = arith.muli %parallel_loop3A_198, %parallel_loop3A_201 : i32
      %parallel_loop3A_203 = arith.constant 0 : i32
      %parallel_loop3A_204 = arith.addi %parallel_loop3A_202, %parallel_loop3A_203 : i32
      %parallel_loop3A_205 = arith.index_cast %parallel_loop3A_204 : i32 to index
      %parallel_loop3A_206 = tpu.vector_load %arg7[%parallel_loop3A_205] {strides = array<i32>} : memref<16384xf32, #tpu.memory_space<vmem>>, vector<16xf32>,
      tpu.vector_store %arg7[%parallel_loop3A_205], %parallel_loop3A_200 {strides = array<i32>} : memref<16384xf32, #tpu.memory_space<vmem>>, vector<16xf32>,
      %parallel_loop3A_207 = arith.constant 128 : i32
      %parallel_loop3A_208 = arith.muli %parallel_loop3A_198, %parallel_loop3A_207 : i32
      %parallel_loop3A_209 = arith.constant 16 : i32
      %parallel_loop3A_210 = arith.addi %parallel_loop3A_208, %parallel_loop3A_209 : i32
      %parallel_loop3A_211 = arith.index_cast %parallel_loop3A_210 : i32 to index
      %parallel_loop3A_212 = tpu.vector_load %arg7[%parallel_loop3A_211] {strides = array<i32>} : memref<16384xf32, #tpu.memory_space<vmem>>, vector<16xf32>,
      tpu.vector_store %arg7[%parallel_loop3A_211], %parallel_loop3A_200 {strides = array<i32>} : memref<16384xf32, #tpu.memory_space<vmem>>, vector<16xf32>,
      %parallel_loop3A_213 = arith.constant 128 : i32
      %parallel_loop3A_214 = arith.muli %parallel_loop3A_198, %parallel_loop3A_213 : i32
      %parallel_loop3A_215 = arith.constant 32 : i32
      %parallel_loop3A_216 = arith.addi %parallel_loop3A_214, %parallel_loop3A_215 : i32
      %parallel_loop3A_217 = arith.index_cast %parallel_loop3A_216 : i32 to index
      %parallel_loop3A_218 = tpu.vector_load %arg7[%parallel_loop3A_217] {strides = array<i32>} : memref<16384xf32, #tpu.memory_space<vmem>>, vector<16xf32>,
      tpu.vector_store %arg7[%parallel_loop3A_217], %parallel_loop3A_200 {strides = array<i32>} : memref<16384xf32, #tpu.memory_space<vmem>>, vector<16xf32>,
      %parallel_loop3A_219 = arith.constant 128 : i32
      %parallel_loop3A_220 = arith.muli %parallel_loop3A_198, %parallel_loop3A_219 : i32
      %parallel_loop3A_221 = arith.constant 48 : i32
      %parallel_loop3A_222 = arith.addi %parallel_loop3A_220, %parallel_loop3A_221 : i32
      %parallel_loop3A_223 = arith.index_cast %parallel_loop3A_222 : i32 to index
      %parallel_loop3A_224 = tpu.vector_load %arg7[%parallel_loop3A_223] {strides = array<i32>} : memref<16384xf32, #tpu.memory_space<vmem>>, vector<16xf32>,
      tpu.vector_store %arg7[%parallel_loop3A_223], %parallel_loop3A_200 {strides = array<i32>} : memref<16384xf32, #tpu.memory_space<vmem>>, vector<16xf32>,
      %parallel_loop3A_225 = arith.constant 128 : i32
      %parallel_loop3A_226 = arith.muli %parallel_loop3A_198, %parallel_loop3A_225 : i32
      %parallel_loop3A_227 = arith.constant 64 : i32
      %parallel_loop3A_228 = arith.addi %parallel_loop3A_226, %parallel_loop3A_227 : i32
      %parallel_loop3A_229 = arith.index_cast %parallel_loop3A_228 : i32 to index
      %parallel_loop3A_230 = tpu.vector_load %arg7[%parallel_loop3A_229] {strides = array<i32>} : memref<16384xf32, #tpu.memory_space<vmem>>, vector<16xf32>,
      tpu.vector_store %arg7[%parallel_loop3A_229], %parallel_loop3A_200 {strides = array<i32>} : memref<16384xf32, #tpu.memory_space<vmem>>, vector<16xf32>,
      %parallel_loop3A_231 = arith.constant 128 : i32
      %parallel_loop3A_232 = arith.muli %parallel_loop3A_198, %parallel_loop3A_231 : i32
      %parallel_loop3A_233 = arith.constant 80 : i32
      %parallel_loop3A_234 = arith.addi %parallel_loop3A_232, %parallel_loop3A_233 : i32
      %parallel_loop3A_235 = arith.index_cast %parallel_loop3A_234 : i32 to index
      %parallel_loop3A_236 = tpu.vector_load %arg7[%parallel_loop3A_235] {strides = array<i32>} : memref<16384xf32, #tpu.memory_space<vmem>>, vector<16xf32>,
      tpu.vector_store %arg7[%parallel_loop3A_235], %parallel_loop3A_200 {strides = array<i32>} : memref<16384xf32, #tpu.memory_space<vmem>>, vector<16xf32>,
      %parallel_loop3A_237 = arith.constant 128 : i32
      %parallel_loop3A_238 = arith.muli %parallel_loop3A_198, %parallel_loop3A_237 : i32
      %parallel_loop3A_239 = arith.constant 96 : i32
      %parallel_loop3A_240 = arith.addi %parallel_loop3A_238, %parallel_loop3A_239 : i32
      %parallel_loop3A_241 = arith.index_cast %parallel_loop3A_240 : i32 to index
      %parallel_loop3A_242 = tpu.vector_load %arg7[%parallel_loop3A_241] {strides = array<i32>} : memref<16384xf32, #tpu.memory_space<vmem>>, vector<16xf32>,
      tpu.vector_store %arg7[%parallel_loop3A_241], %parallel_loop3A_200 {strides = array<i32>} : memref<16384xf32, #tpu.memory_space<vmem>>, vector<16xf32>,
      %parallel_loop3A_243 = arith.constant 128 : i32
      %parallel_loop3A_244 = arith.muli %parallel_loop3A_198, %parallel_loop3A_243 : i32
      %parallel_loop3A_245 = arith.constant 112 : i32
      %parallel_loop3A_246 = arith.addi %parallel_loop3A_244, %parallel_loop3A_245 : i32
      %parallel_loop3A_247 = arith.index_cast %parallel_loop3A_246 : i32 to index
      %parallel_loop3A_248 = tpu.vector_load %arg7[%parallel_loop3A_247] {strides = array<i32>} : memref<16384xf32, #tpu.memory_space<vmem>>, vector<16xf32>,
      tpu.vector_store %arg7[%parallel_loop3A_247], %parallel_loop3A_200 {strides = array<i32>} : memref<16384xf32, #tpu.memory_space<vmem>>, vector<16xf32>,
      %parallel_loop3A_249 = arith.constant 16 : i32
      %parallel_loop3A_250 = arith.muli %parallel_loop3A_198, %parallel_loop3A_249 : i32
      %parallel_loop3A_251 = arith.constant 2048 : i32
      %parallel_loop3A_252 = arith.addi %parallel_loop3A_251, %parallel_loop3A_250 : i32
      %parallel_loop3A_253 = tpu.iota {dimensions = array<i32: 0>} : vector<16xi32>
      %parallel_loop3A_254 = vector.broadcast %parallel_loop3A_252 : i32 to vector<16xi32>
      %parallel_loop3A_255 = arith.addi %parallel_loop3A_254, %parallel_loop3A_253 : vector<16xi32>
      %parallel_loop3A_256 = arith.constant 7 : i32
      %parallel_loop3A_257 = vector.broadcast %parallel_loop3A_256 : i32 to vector<16xi32>
      %parallel_loop3A_258 = arith.muli %parallel_loop3A_255, %parallel_loop3A_257 : vector<16xi32>
      %parallel_loop3A_259 = tpu.vector_load_idx %arg4[%parallel_loop3A_258] : memref<32768xf32, #tpu.memory_space<vmem>>[vector<16xi32>], vector<16xf32>,
      %parallel_loop3A_260 = arith.constant 0 : i32
      %parallel_loop3A_261 = vector.broadcast %parallel_loop3A_260 : i32 to vector<16xi32>
      %parallel_loop3A_262 = arith.constant 1 : i32
      %parallel_loop3A_263 = vector.broadcast %parallel_loop3A_262 : i32 to vector<16xi32>
      %parallel_loop3A_264 = arith.addi %parallel_loop3A_258, %parallel_loop3A_263 : vector<16xi32>
      %parallel_loop3A_265 = tpu.vector_load_idx %arg4[%parallel_loop3A_264] : memref<32768xf32, #tpu.memory_space<vmem>>[vector<16xi32>], vector<16xf32>,
      %parallel_loop3A_266 = arith.cmpf ogt, %parallel_loop3A_265, %parallel_loop3A_259 : vector<16xf32>
      %parallel_loop3A_267 = arith.select %parallel_loop3A_266, %parallel_loop3A_265, %parallel_loop3A_259 : vector<16xi1>, vector<16xf32>
      %parallel_loop3A_268 = arith.constant 1 : i32
      %parallel_loop3A_269 = vector.broadcast %parallel_loop3A_268 : i32 to vector<16xi32>
      %parallel_loop3A_270 = arith.select %parallel_loop3A_266, %parallel_loop3A_269, %parallel_loop3A_261 : vector<16xi1>, vector<16xi32>
      %parallel_loop3A_271 = arith.constant 2 : i32
      %parallel_loop3A_272 = vector.broadcast %parallel_loop3A_271 : i32 to vector<16xi32>
      %parallel_loop3A_273 = arith.addi %parallel_loop3A_258, %parallel_loop3A_272 : vector<16xi32>
      %parallel_loop3A_274 = tpu.vector_load_idx %arg4[%parallel_loop3A_273] : memref<32768xf32, #tpu.memory_space<vmem>>[vector<16xi32>], vector<16xf32>,
      %parallel_loop3A_275 = arith.cmpf ogt, %parallel_loop3A_274, %parallel_loop3A_267 : vector<16xf32>
      %parallel_loop3A_276 = arith.select %parallel_loop3A_275, %parallel_loop3A_274, %parallel_loop3A_267 : vector<16xi1>, vector<16xf32>
      %parallel_loop3A_277 = arith.constant 2 : i32
      %parallel_loop3A_278 = vector.broadcast %parallel_loop3A_277 : i32 to vector<16xi32>
      %parallel_loop3A_279 = arith.select %parallel_loop3A_275, %parallel_loop3A_278, %parallel_loop3A_270 : vector<16xi1>, vector<16xi32>
      %parallel_loop3A_280 = arith.constant 3 : i32
      %parallel_loop3A_281 = vector.broadcast %parallel_loop3A_280 : i32 to vector<16xi32>
      %parallel_loop3A_282 = arith.addi %parallel_loop3A_258, %parallel_loop3A_281 : vector<16xi32>
      %parallel_loop3A_283 = tpu.vector_load_idx %arg4[%parallel_loop3A_282] : memref<32768xf32, #tpu.memory_space<vmem>>[vector<16xi32>], vector<16xf32>,
      %parallel_loop3A_284 = arith.cmpf ogt, %parallel_loop3A_283, %parallel_loop3A_276 : vector<16xf32>
      %parallel_loop3A_285 = arith.select %parallel_loop3A_284, %parallel_loop3A_283, %parallel_loop3A_276 : vector<16xi1>, vector<16xf32>
      %parallel_loop3A_286 = arith.constant 3 : i32
      %parallel_loop3A_287 = vector.broadcast %parallel_loop3A_286 : i32 to vector<16xi32>
      %parallel_loop3A_288 = arith.select %parallel_loop3A_284, %parallel_loop3A_287, %parallel_loop3A_279 : vector<16xi1>, vector<16xi32>
      %parallel_loop3A_289 = arith.constant 4 : i32
      %parallel_loop3A_290 = vector.broadcast %parallel_loop3A_289 : i32 to vector<16xi32>
      %parallel_loop3A_291 = arith.addi %parallel_loop3A_258, %parallel_loop3A_290 : vector<16xi32>
      %parallel_loop3A_292 = tpu.vector_load_idx %arg4[%parallel_loop3A_291] : memref<32768xf32, #tpu.memory_space<vmem>>[vector<16xi32>], vector<16xf32>,
      %parallel_loop3A_293 = arith.cmpf ogt, %parallel_loop3A_292, %parallel_loop3A_285 : vector<16xf32>
      %parallel_loop3A_294 = arith.select %parallel_loop3A_293, %parallel_loop3A_292, %parallel_loop3A_285 : vector<16xi1>, vector<16xf32>
      %parallel_loop3A_295 = arith.constant 4 : i32
      %parallel_loop3A_296 = vector.broadcast %parallel_loop3A_295 : i32 to vector<16xi32>
      %parallel_loop3A_297 = arith.select %parallel_loop3A_293, %parallel_loop3A_296, %parallel_loop3A_288 : vector<16xi1>, vector<16xi32>
      %parallel_loop3A_298 = arith.constant 5 : i32
      %parallel_loop3A_299 = vector.broadcast %parallel_loop3A_298 : i32 to vector<16xi32>
      %parallel_loop3A_300 = arith.addi %parallel_loop3A_258, %parallel_loop3A_299 : vector<16xi32>
      %parallel_loop3A_301 = tpu.vector_load_idx %arg4[%parallel_loop3A_300] : memref<32768xf32, #tpu.memory_space<vmem>>[vector<16xi32>], vector<16xf32>,
      %parallel_loop3A_302 = arith.cmpf ogt, %parallel_loop3A_301, %parallel_loop3A_294 : vector<16xf32>
      %parallel_loop3A_303 = arith.select %parallel_loop3A_302, %parallel_loop3A_301, %parallel_loop3A_294 : vector<16xi1>, vector<16xf32>
      %parallel_loop3A_304 = arith.constant 5 : i32
      %parallel_loop3A_305 = vector.broadcast %parallel_loop3A_304 : i32 to vector<16xi32>
      %parallel_loop3A_306 = arith.select %parallel_loop3A_302, %parallel_loop3A_305, %parallel_loop3A_297 : vector<16xi1>, vector<16xi32>
      %parallel_loop3A_307 = arith.constant 6 : i32
      %parallel_loop3A_308 = vector.broadcast %parallel_loop3A_307 : i32 to vector<16xi32>
      %parallel_loop3A_309 = arith.addi %parallel_loop3A_258, %parallel_loop3A_308 : vector<16xi32>
      %parallel_loop3A_310 = tpu.vector_load_idx %arg4[%parallel_loop3A_309] : memref<32768xf32, #tpu.memory_space<vmem>>[vector<16xi32>], vector<16xf32>,
      %parallel_loop3A_311 = arith.cmpf ogt, %parallel_loop3A_310, %parallel_loop3A_303 : vector<16xf32>
      %parallel_loop3A_312 = arith.select %parallel_loop3A_311, %parallel_loop3A_310, %parallel_loop3A_303 : vector<16xi1>, vector<16xf32>
      %parallel_loop3A_313 = arith.constant 6 : i32
      %parallel_loop3A_314 = vector.broadcast %parallel_loop3A_313 : i32 to vector<16xi32>
      %parallel_loop3A_315 = arith.select %parallel_loop3A_311, %parallel_loop3A_314, %parallel_loop3A_306 : vector<16xi1>, vector<16xi32>
      %parallel_loop3A_316 = arith.constant 7 : i32
      %parallel_loop3A_317 = vector.broadcast %parallel_loop3A_316 : i32 to vector<16xi32>
      %parallel_loop3A_318 = arith.addi %parallel_loop3A_258, %parallel_loop3A_317 : vector<16xi32>
      %parallel_loop3A_319 = tpu.vector_load_idx %arg4[%parallel_loop3A_318] : memref<32768xf32, #tpu.memory_space<vmem>>[vector<16xi32>], vector<16xf32>,
      %parallel_loop3A_320 = arith.cmpf ogt, %parallel_loop3A_319, %parallel_loop3A_312 : vector<16xf32>
      %parallel_loop3A_321 = arith.select %parallel_loop3A_320, %parallel_loop3A_319, %parallel_loop3A_312 : vector<16xi1>, vector<16xf32>
      %parallel_loop3A_322 = arith.constant 7 : i32
      %parallel_loop3A_323 = vector.broadcast %parallel_loop3A_322 : i32 to vector<16xi32>
      %parallel_loop3A_324 = arith.select %parallel_loop3A_320, %parallel_loop3A_323, %parallel_loop3A_315 : vector<16xi1>, vector<16xi32>
      %parallel_loop3A_325 = arith.constant 8 : i32
      %parallel_loop3A_326 = vector.broadcast %parallel_loop3A_325 : i32 to vector<16xi32>
      %parallel_loop3A_327 = arith.muli %parallel_loop3A_255, %parallel_loop3A_326 : vector<16xi32>
      %parallel_loop3A_328 = arith.addi %parallel_loop3A_327, %parallel_loop3A_324 : vector<16xi32>
      %parallel_loop3A_329 = tpu.vector_load_idx %arg4[%parallel_loop3A_328] : memref<32768xf32, #tpu.memory_space<vmem>>[vector<16xi32>], vector<16xf32>,
      %parallel_loop3A_330 = arith.constant 16384 : i32
      %parallel_loop3A_331 = vector.broadcast %parallel_loop3A_330 : i32 to vector<16xi32>
      %parallel_loop3A_332 = arith.subi %parallel_loop3A_328, %parallel_loop3A_331 : vector<16xi32>
      tpu.vector_store_idx %arg7[%parallel_loop3A_332], %parallel_loop3A_329 : memref<16384xf32, #tpu.memory_space<vmem>>[vector<16xi32>], vector<16xf32>,
    } {sc.loop_unroll_factor = 4 : i64, sc.parallel_access}
    %dma_start3A_40 = arith.constant 16384 : i32
    %dma_start3A_41 = tpu.memref_slice %arg3[%add3A_23, %dma_start3A_40] : memref<128x32768xf32, #tpu.memory_space<hbm>> -> memref<1x16384xf32, #tpu.memory_space<hbm>>
    %dma_start3A_42 = tpu.memref_squeeze %dma_start3A_41 : memref<1x16384xf32, #tpu.memory_space<hbm>> -> memref<16384xf32, #tpu.memory_space<hbm>>
    %dma_start3A_43 = arith.constant 16384 : i32
    %dma_start3A_44 = tpu.memref_slice %arg3[%add3A_23, %dma_start3A_43] : memref<128x32768xf32, #tpu.memory_space<hbm>> -> memref<1x16384xf32, #tpu.memory_space<hbm>>
    %dma_start3A_45 = tpu.memref_squeeze %dma_start3A_44 : memref<1x16384xf32, #tpu.memory_space<hbm>> -> memref<16384xf32, #tpu.memory_space<hbm>>
    tpu.enqueue_dma source(%arg7 : memref<16384xf32, #tpu.memory_space<vmem>>) target(%dma_start3A_45 : memref<16384xf32, #tpu.memory_space<hbm>>) target_semaphore(%arg11 : memref<!tpu.dma_semaphore, #tpu.memory_space<semaphore_mem>>)
    %mul3A_46 = arith.constant 4 : i32
    %mul3A_47 = arith.muli %add3A, %mul3A_46 : i32
    %add3A_48 = arith.constant 2 : i32
    %add3A_49 = arith.addi %mul3A_47, %add3A_48 : i32
    %dma_start3A_50 = arith.constant 0 : i32
    %dma_start3A_51 = tpu.memref_slice %arg2[%add3A_49, %dma_start3A_50] : memref<128x32768xf32, #tpu.memory_space<hbm>> -> memref<1x32768xf32, #tpu.memory_space<hbm>>
    %dma_start3A_52 = tpu.memref_squeeze %dma_start3A_51 : memref<1x32768xf32, #tpu.memory_space<hbm>> -> memref<32768xf32, #tpu.memory_space<hbm>>
    %dma_start3A_53 = arith.constant 0 : i32
    %dma_start3A_54 = tpu.memref_slice %arg2[%add3A_49, %dma_start3A_53] : memref<128x32768xf32, #tpu.memory_space<hbm>> -> memref<1x32768xf32, #tpu.memory_space<hbm>>
    %dma_start3A_55 = tpu.memref_squeeze %dma_start3A_54 : memref<1x32768xf32, #tpu.memory_space<hbm>> -> memref<32768xf32, #tpu.memory_space<hbm>>
    tpu.enqueue_dma source(%dma_start3A_55 : memref<32768xf32, #tpu.memory_space<hbm>>) target(%arg4 : memref<32768xf32, #tpu.memory_space<vmem>>) target_semaphore(%arg8 : memref<!tpu.dma_semaphore, #tpu.memory_space<semaphore_mem>>)
    %mul3A_56 = arith.constant 4 : i32
    %mul3A_57 = arith.muli %add3A, %mul3A_56 : i32
    %add3A_58 = arith.constant 1 : i32
    %add3A_59 = arith.addi %mul3A_57, %add3A_58 : i32
    %dma_wait3A_60 = arith.constant 0 : i32
    %dma_wait3A_61 = tpu.memref_slice %arg3[%add3A_23, %dma_wait3A_60] : memref<128x32768xf32, #tpu.memory_space<hbm>> -> memref<1x16384xf32, #tpu.memory_space<hbm>>
    %dma_wait3A_62 = tpu.memref_squeeze %dma_wait3A_61 : memref<1x16384xf32, #tpu.memory_space<hbm>> -> memref<16384xf32, #tpu.memory_space<hbm>>
    %dma_wait3A_63 = arith.constant 0 : i32
    %dma_wait3A_64 = tpu.memref_slice %arg3[%add3A_23, %dma_wait3A_63] : memref<128x32768xf32, #tpu.memory_space<hbm>> -> memref<1x16384xf32, #tpu.memory_space<hbm>>
    %dma_wait3A_65 = tpu.memref_squeeze %dma_wait3A_64 : memref<1x16384xf32, #tpu.memory_space<hbm>> -> memref<16384xf32, #tpu.memory_space<hbm>>
    tpu.wait_dma2 semaphore(%arg10 : memref<!tpu.dma_semaphore, #tpu.memory_space<semaphore_mem>>) src(%arg6 : memref<16384xf32, #tpu.memory_space<vmem>>) dst(%dma_wait3A_65 : memref<16384xf32, #tpu.memory_space<hbm>>)
    %dma_wait3A_66 = arith.constant 0 : i32
    %dma_wait3A_67 = tpu.memref_slice %arg2[%add3A_13, %dma_wait3A_66] : memref<128x32768xf32, #tpu.memory_space<hbm>> -> memref<1x32768xf32, #tpu.memory_space<hbm>>
    %dma_wait3A_68 = tpu.memref_squeeze %dma_wait3A_67 : memref<1x32768xf32, #tpu.memory_space<hbm>> -> memref<32768xf32, #tpu.memory_space<hbm>>
    %dma_wait3A_69 = arith.constant 0 : i32
    %dma_wait3A_70 = tpu.memref_slice %arg2[%add3A_13, %dma_wait3A_69] : memref<128x32768xf32, #tpu.memory_space<hbm>> -> memref<1x32768xf32, #tpu.memory_space<hbm>>
    %dma_wait3A_71 = tpu.memref_squeeze %dma_wait3A_70 : memref<1x32768xf32, #tpu.memory_space<hbm>> -> memref<32768xf32, #tpu.memory_space<hbm>>
    tpu.wait_dma2 semaphore(%arg9 : memref<!tpu.dma_semaphore, #tpu.memory_space<semaphore_mem>>) src(%dma_wait3A_71 : memref<32768xf32, #tpu.memory_space<hbm>>) dst(%arg5 : memref<32768xf32, #tpu.memory_space<vmem>>)
    %parallel_loop3A_72 = arith.constant 0 : i32
    %parallel_loop3A_73 = arith.constant 128 : i32
    %parallel_loop3A_74 = arith.constant 1 : i32
    scf.for %parallel_loop3A_198 = %parallel_loop3A_72 to %parallel_loop3A_73 step %parallel_loop3A_74  : i32 {
      %parallel_loop3A_199 = arith.constant 0.000000e+00 : f32
      %parallel_loop3A_200 = vector.broadcast %parallel_loop3A_199 : f32 to vector<16xf32>
      %parallel_loop3A_201 = arith.constant 128 : i32
      %parallel_loop3A_202 = arith.muli %parallel_loop3A_198, %parallel_loop3A_201 : i32
      %parallel_loop3A_203 = arith.constant 0 : i32
      %parallel_loop3A_204 = arith.addi %parallel_loop3A_202, %parallel_loop3A_203 : i32
      %parallel_loop3A_205 = arith.index_cast %parallel_loop3A_204 : i32 to index
      %parallel_loop3A_206 = tpu.vector_load %arg6[%parallel_loop3A_205] {strides = array<i32>} : memref<16384xf32, #tpu.memory_space<vmem>>, vector<16xf32>,
      tpu.vector_store %arg6[%parallel_loop3A_205], %parallel_loop3A_200 {strides = array<i32>} : memref<16384xf32, #tpu.memory_space<vmem>>, vector<16xf32>,
      %parallel_loop3A_207 = arith.constant 128 : i32
      %parallel_loop3A_208 = arith.muli %parallel_loop3A_198, %parallel_loop3A_207 : i32
      %parallel_loop3A_209 = arith.constant 16 : i32
      %parallel_loop3A_210 = arith.addi %parallel_loop3A_208, %parallel_loop3A_209 : i32
      %parallel_loop3A_211 = arith.index_cast %parallel_loop3A_210 : i32 to index
      %parallel_loop3A_212 = tpu.vector_load %arg6[%parallel_loop3A_211] {strides = array<i32>} : memref<16384xf32, #tpu.memory_space<vmem>>, vector<16xf32>,
      tpu.vector_store %arg6[%parallel_loop3A_211], %parallel_loop3A_200 {strides = array<i32>} : memref<16384xf32, #tpu.memory_space<vmem>>, vector<16xf32>,
      %parallel_loop3A_213 = arith.constant 128 : i32
      %parallel_loop3A_214 = arith.muli %parallel_loop3A_198, %parallel_loop3A_213 : i32
      %parallel_loop3A_215 = arith.constant 32 : i32
      %parallel_loop3A_216 = arith.addi %parallel_loop3A_214, %parallel_loop3A_215 : i32
      %parallel_loop3A_217 = arith.index_cast %parallel_loop3A_216 : i32 to index
      %parallel_loop3A_218 = tpu.vector_load %arg6[%parallel_loop3A_217] {strides = array<i32>} : memref<16384xf32, #tpu.memory_space<vmem>>, vector<16xf32>,
      tpu.vector_store %arg6[%parallel_loop3A_217], %parallel_loop3A_200 {strides = array<i32>} : memref<16384xf32, #tpu.memory_space<vmem>>, vector<16xf32>,
      %parallel_loop3A_219 = arith.constant 128 : i32
      %parallel_loop3A_220 = arith.muli %parallel_loop3A_198, %parallel_loop3A_219 : i32
      %parallel_loop3A_221 = arith.constant 48 : i32
      %parallel_loop3A_222 = arith.addi %parallel_loop3A_220, %parallel_loop3A_221 : i32
      %parallel_loop3A_223 = arith.index_cast %parallel_loop3A_222 : i32 to index
      %parallel_loop3A_224 = tpu.vector_load %arg6[%parallel_loop3A_223] {strides = array<i32>} : memref<16384xf32, #tpu.memory_space<vmem>>, vector<16xf32>,
      tpu.vector_store %arg6[%parallel_loop3A_223], %parallel_loop3A_200 {strides = array<i32>} : memref<16384xf32, #tpu.memory_space<vmem>>, vector<16xf32>,
      %parallel_loop3A_225 = arith.constant 128 : i32
      %parallel_loop3A_226 = arith.muli %parallel_loop3A_198, %parallel_loop3A_225 : i32
      %parallel_loop3A_227 = arith.constant 64 : i32
      %parallel_loop3A_228 = arith.addi %parallel_loop3A_226, %parallel_loop3A_227 : i32
      %parallel_loop3A_229 = arith.index_cast %parallel_loop3A_228 : i32 to index
      %parallel_loop3A_230 = tpu.vector_load %arg6[%parallel_loop3A_229] {strides = array<i32>} : memref<16384xf32, #tpu.memory_space<vmem>>, vector<16xf32>,
      tpu.vector_store %arg6[%parallel_loop3A_229], %parallel_loop3A_200 {strides = array<i32>} : memref<16384xf32, #tpu.memory_space<vmem>>, vector<16xf32>,
      %parallel_loop3A_231 = arith.constant 128 : i32
      %parallel_loop3A_232 = arith.muli %parallel_loop3A_198, %parallel_loop3A_231 : i32
      %parallel_loop3A_233 = arith.constant 80 : i32
      %parallel_loop3A_234 = arith.addi %parallel_loop3A_232, %parallel_loop3A_233 : i32
      %parallel_loop3A_235 = arith.index_cast %parallel_loop3A_234 : i32 to index
      %parallel_loop3A_236 = tpu.vector_load %arg6[%parallel_loop3A_235] {strides = array<i32>} : memref<16384xf32, #tpu.memory_space<vmem>>, vector<16xf32>,
      tpu.vector_store %arg6[%parallel_loop3A_235], %parallel_loop3A_200 {strides = array<i32>} : memref<16384xf32, #tpu.memory_space<vmem>>, vector<16xf32>,
      %parallel_loop3A_237 = arith.constant 128 : i32
      %parallel_loop3A_238 = arith.muli %parallel_loop3A_198, %parallel_loop3A_237 : i32
      %parallel_loop3A_239 = arith.constant 96 : i32
      %parallel_loop3A_240 = arith.addi %parallel_loop3A_238, %parallel_loop3A_239 : i32
      %parallel_loop3A_241 = arith.index_cast %parallel_loop3A_240 : i32 to index
      %parallel_loop3A_242 = tpu.vector_load %arg6[%parallel_loop3A_241] {strides = array<i32>} : memref<16384xf32, #tpu.memory_space<vmem>>, vector<16xf32>,
      tpu.vector_store %arg6[%parallel_loop3A_241], %parallel_loop3A_200 {strides = array<i32>} : memref<16384xf32, #tpu.memory_space<vmem>>, vector<16xf32>,
      %parallel_loop3A_243 = arith.constant 128 : i32
      %parallel_loop3A_244 = arith.muli %parallel_loop3A_198, %parallel_loop3A_243 : i32
      %parallel_loop3A_245 = arith.constant 112 : i32
      %parallel_loop3A_246 = arith.addi %parallel_loop3A_244, %parallel_loop3A_245 : i32
      %parallel_loop3A_247 = arith.index_cast %parallel_loop3A_246 : i32 to index
      %parallel_loop3A_248 = tpu.vector_load %arg6[%parallel_loop3A_247] {strides = array<i32>} : memref<16384xf32, #tpu.memory_space<vmem>>, vector<16xf32>,
      tpu.vector_store %arg6[%parallel_loop3A_247], %parallel_loop3A_200 {strides = array<i32>} : memref<16384xf32, #tpu.memory_space<vmem>>, vector<16xf32>,
      %parallel_loop3A_249 = arith.constant 16 : i32
      %parallel_loop3A_250 = arith.muli %parallel_loop3A_198, %parallel_loop3A_249 : i32
      %parallel_loop3A_251 = arith.constant 0 : i32
      %parallel_loop3A_252 = arith.addi %parallel_loop3A_251, %parallel_loop3A_250 : i32
      %parallel_loop3A_253 = tpu.iota {dimensions = array<i32: 0>} : vector<16xi32>
      %parallel_loop3A_254 = vector.broadcast %parallel_loop3A_252 : i32 to vector<16xi32>
      %parallel_loop3A_255 = arith.addi %parallel_loop3A_254, %parallel_loop3A_253 : vector<16xi32>
      %parallel_loop3A_256 = arith.constant 7 : i32
      %parallel_loop3A_257 = vector.broadcast %parallel_loop3A_256 : i32 to vector<16xi32>
      %parallel_loop3A_258 = arith.muli %parallel_loop3A_255, %parallel_loop3A_257 : vector<16xi32>
      %parallel_loop3A_259 = tpu.vector_load_idx %arg5[%parallel_loop3A_258] : memref<32768xf32, #tpu.memory_space<vmem>>[vector<16xi32>], vector<16xf32>,
      %parallel_loop3A_260 = arith.constant 0 : i32
      %parallel_loop3A_261 = vector.broadcast %parallel_loop3A_260 : i32 to vector<16xi32>
      %parallel_loop3A_262 = arith.constant 1 : i32
      %parallel_loop3A_263 = vector.broadcast %parallel_loop3A_262 : i32 to vector<16xi32>
      %parallel_loop3A_264 = arith.addi %parallel_loop3A_258, %parallel_loop3A_263 : vector<16xi32>
      %parallel_loop3A_265 = tpu.vector_load_idx %arg5[%parallel_loop3A_264] : memref<32768xf32, #tpu.memory_space<vmem>>[vector<16xi32>], vector<16xf32>,
      %parallel_loop3A_266 = arith.cmpf ogt, %parallel_loop3A_265, %parallel_loop3A_259 : vector<16xf32>
      %parallel_loop3A_267 = arith.select %parallel_loop3A_266, %parallel_loop3A_265, %parallel_loop3A_259 : vector<16xi1>, vector<16xf32>
      %parallel_loop3A_268 = arith.constant 1 : i32
      %parallel_loop3A_269 = vector.broadcast %parallel_loop3A_268 : i32 to vector<16xi32>
      %parallel_loop3A_270 = arith.select %parallel_loop3A_266, %parallel_loop3A_269, %parallel_loop3A_261 : vector<16xi1>, vector<16xi32>
      %parallel_loop3A_271 = arith.constant 2 : i32
      %parallel_loop3A_272 = vector.broadcast %parallel_loop3A_271 : i32 to vector<16xi32>
      %parallel_loop3A_273 = arith.addi %parallel_loop3A_258, %parallel_loop3A_272 : vector<16xi32>
      %parallel_loop3A_274 = tpu.vector_load_idx %arg5[%parallel_loop3A_273] : memref<32768xf32, #tpu.memory_space<vmem>>[vector<16xi32>], vector<16xf32>,
      %parallel_loop3A_275 = arith.cmpf ogt, %parallel_loop3A_274, %parallel_loop3A_267 : vector<16xf32>
      %parallel_loop3A_276 = arith.select %parallel_loop3A_275, %parallel_loop3A_274, %parallel_loop3A_267 : vector<16xi1>, vector<16xf32>
      %parallel_loop3A_277 = arith.constant 2 : i32
      %parallel_loop3A_278 = vector.broadcast %parallel_loop3A_277 : i32 to vector<16xi32>
      %parallel_loop3A_279 = arith.select %parallel_loop3A_275, %parallel_loop3A_278, %parallel_loop3A_270 : vector<16xi1>, vector<16xi32>
      %parallel_loop3A_280 = arith.constant 3 : i32
      %parallel_loop3A_281 = vector.broadcast %parallel_loop3A_280 : i32 to vector<16xi32>
      %parallel_loop3A_282 = arith.addi %parallel_loop3A_258, %parallel_loop3A_281 : vector<16xi32>
      %parallel_loop3A_283 = tpu.vector_load_idx %arg5[%parallel_loop3A_282] : memref<32768xf32, #tpu.memory_space<vmem>>[vector<16xi32>], vector<16xf32>,
      %parallel_loop3A_284 = arith.cmpf ogt, %parallel_loop3A_283, %parallel_loop3A_276 : vector<16xf32>
      %parallel_loop3A_285 = arith.select %parallel_loop3A_284, %parallel_loop3A_283, %parallel_loop3A_276 : vector<16xi1>, vector<16xf32>
      %parallel_loop3A_286 = arith.constant 3 : i32
      %parallel_loop3A_287 = vector.broadcast %parallel_loop3A_286 : i32 to vector<16xi32>
      %parallel_loop3A_288 = arith.select %parallel_loop3A_284, %parallel_loop3A_287, %parallel_loop3A_279 : vector<16xi1>, vector<16xi32>
      %parallel_loop3A_289 = arith.constant 4 : i32
      %parallel_loop3A_290 = vector.broadcast %parallel_loop3A_289 : i32 to vector<16xi32>
      %parallel_loop3A_291 = arith.addi %parallel_loop3A_258, %parallel_loop3A_290 : vector<16xi32>
      %parallel_loop3A_292 = tpu.vector_load_idx %arg5[%parallel_loop3A_291] : memref<32768xf32, #tpu.memory_space<vmem>>[vector<16xi32>], vector<16xf32>,
      %parallel_loop3A_293 = arith.cmpf ogt, %parallel_loop3A_292, %parallel_loop3A_285 : vector<16xf32>
      %parallel_loop3A_294 = arith.select %parallel_loop3A_293, %parallel_loop3A_292, %parallel_loop3A_285 : vector<16xi1>, vector<16xf32>
      %parallel_loop3A_295 = arith.constant 4 : i32
      %parallel_loop3A_296 = vector.broadcast %parallel_loop3A_295 : i32 to vector<16xi32>
      %parallel_loop3A_297 = arith.select %parallel_loop3A_293, %parallel_loop3A_296, %parallel_loop3A_288 : vector<16xi1>, vector<16xi32>
      %parallel_loop3A_298 = arith.constant 5 : i32
      %parallel_loop3A_299 = vector.broadcast %parallel_loop3A_298 : i32 to vector<16xi32>
      %parallel_loop3A_300 = arith.addi %parallel_loop3A_258, %parallel_loop3A_299 : vector<16xi32>
      %parallel_loop3A_301 = tpu.vector_load_idx %arg5[%parallel_loop3A_300] : memref<32768xf32, #tpu.memory_space<vmem>>[vector<16xi32>], vector<16xf32>,
      %parallel_loop3A_302 = arith.cmpf ogt, %parallel_loop3A_301, %parallel_loop3A_294 : vector<16xf32>
      %parallel_loop3A_303 = arith.select %parallel_loop3A_302, %parallel_loop3A_301, %parallel_loop3A_294 : vector<16xi1>, vector<16xf32>
      %parallel_loop3A_304 = arith.constant 5 : i32
      %parallel_loop3A_305 = vector.broadcast %parallel_loop3A_304 : i32 to vector<16xi32>
      %parallel_loop3A_306 = arith.select %parallel_loop3A_302, %parallel_loop3A_305, %parallel_loop3A_297 : vector<16xi1>, vector<16xi32>
      %parallel_loop3A_307 = arith.constant 6 : i32
      %parallel_loop3A_308 = vector.broadcast %parallel_loop3A_307 : i32 to vector<16xi32>
      %parallel_loop3A_309 = arith.addi %parallel_loop3A_258, %parallel_loop3A_308 : vector<16xi32>
      %parallel_loop3A_310 = tpu.vector_load_idx %arg5[%parallel_loop3A_309] : memref<32768xf32, #tpu.memory_space<vmem>>[vector<16xi32>], vector<16xf32>,
      %parallel_loop3A_311 = arith.cmpf ogt, %parallel_loop3A_310, %parallel_loop3A_303 : vector<16xf32>
      %parallel_loop3A_312 = arith.select %parallel_loop3A_311, %parallel_loop3A_310, %parallel_loop3A_303 : vector<16xi1>, vector<16xf32>
      %parallel_loop3A_313 = arith.constant 6 : i32
      %parallel_loop3A_314 = vector.broadcast %parallel_loop3A_313 : i32 to vector<16xi32>
      %parallel_loop3A_315 = arith.select %parallel_loop3A_311, %parallel_loop3A_314, %parallel_loop3A_306 : vector<16xi1>, vector<16xi32>
      %parallel_loop3A_316 = arith.constant 7 : i32
      %parallel_loop3A_317 = vector.broadcast %parallel_loop3A_316 : i32 to vector<16xi32>
      %parallel_loop3A_318 = arith.addi %parallel_loop3A_258, %parallel_loop3A_317 : vector<16xi32>
      %parallel_loop3A_319 = tpu.vector_load_idx %arg5[%parallel_loop3A_318] : memref<32768xf32, #tpu.memory_space<vmem>>[vector<16xi32>], vector<16xf32>,
      %parallel_loop3A_320 = arith.cmpf ogt, %parallel_loop3A_319, %parallel_loop3A_312 : vector<16xf32>
      %parallel_loop3A_321 = arith.select %parallel_loop3A_320, %parallel_loop3A_319, %parallel_loop3A_312 : vector<16xi1>, vector<16xf32>
      %parallel_loop3A_322 = arith.constant 7 : i32
      %parallel_loop3A_323 = vector.broadcast %parallel_loop3A_322 : i32 to vector<16xi32>
      %parallel_loop3A_324 = arith.select %parallel_loop3A_320, %parallel_loop3A_323, %parallel_loop3A_315 : vector<16xi1>, vector<16xi32>
      %parallel_loop3A_325 = arith.constant 8 : i32
      %parallel_loop3A_326 = vector.broadcast %parallel_loop3A_325 : i32 to vector<16xi32>
      %parallel_loop3A_327 = arith.muli %parallel_loop3A_255, %parallel_loop3A_326 : vector<16xi32>
      %parallel_loop3A_328 = arith.addi %parallel_loop3A_327, %parallel_loop3A_324 : vector<16xi32>
      %parallel_loop3A_329 = tpu.vector_load_idx %arg5[%parallel_loop3A_328] : memref<32768xf32, #tpu.memory_space<vmem>>[vector<16xi32>], vector<16xf32>,
      %parallel_loop3A_330 = arith.constant 0 : i32
      %parallel_loop3A_331 = vector.broadcast %parallel_loop3A_330 : i32 to vector<16xi32>
      %parallel_loop3A_332 = arith.subi %parallel_loop3A_328, %parallel_loop3A_331 : vector<16xi32>
      tpu.vector_store_idx %arg6[%parallel_loop3A_332], %parallel_loop3A_329 : memref<16384xf32, #tpu.memory_space<vmem>>[vector<16xi32>], vector<16xf32>,
    } {sc.loop_unroll_factor = 4 : i64, sc.parallel_access}
    %dma_start3A_75 = arith.constant 0 : i32
    %dma_start3A_76 = tpu.memref_slice %arg3[%add3A_59, %dma_start3A_75] : memref<128x32768xf32, #tpu.memory_space<hbm>> -> memref<1x16384xf32, #tpu.memory_space<hbm>>
    %dma_start3A_77 = tpu.memref_squeeze %dma_start3A_76 : memref<1x16384xf32, #tpu.memory_space<hbm>> -> memref<16384xf32, #tpu.memory_space<hbm>>
    %dma_start3A_78 = arith.constant 0 : i32
    %dma_start3A_79 = tpu.memref_slice %arg3[%add3A_59, %dma_start3A_78] : memref<128x32768xf32, #tpu.memory_space<hbm>> -> memref<1x16384xf32, #tpu.memory_space<hbm>>
    %dma_start3A_80 = tpu.memref_squeeze %dma_start3A_79 : memref<1x16384xf32, #tpu.memory_space<hbm>> -> memref<16384xf32, #tpu.memory_space<hbm>>
    tpu.enqueue_dma source(%arg6 : memref<16384xf32, #tpu.memory_space<vmem>>) target(%dma_start3A_80 : memref<16384xf32, #tpu.memory_space<hbm>>) target_semaphore(%arg10 : memref<!tpu.dma_semaphore, #tpu.memory_space<semaphore_mem>>)
    %dma_wait3A_81 = arith.constant 16384 : i32
    %dma_wait3A_82 = tpu.memref_slice %arg3[%add3A_23, %dma_wait3A_81] : memref<128x32768xf32, #tpu.memory_space<hbm>> -> memref<1x16384xf32, #tpu.memory_space<hbm>>
    %dma_wait3A_83 = tpu.memref_squeeze %dma_wait3A_82 : memref<1x16384xf32, #tpu.memory_space<hbm>> -> memref<16384xf32, #tpu.memory_space<hbm>>
    %dma_wait3A_84 = arith.constant 16384 : i32
    %dma_wait3A_85 = tpu.memref_slice %arg3[%add3A_23, %dma_wait3A_84] : memref<128x32768xf32, #tpu.memory_space<hbm>> -> memref<1x16384xf32, #tpu.memory_space<hbm>>
    %dma_wait3A_86 = tpu.memref_squeeze %dma_wait3A_85 : memref<1x16384xf32, #tpu.memory_space<hbm>> -> memref<16384xf32, #tpu.memory_space<hbm>>
    tpu.wait_dma2 semaphore(%arg11 : memref<!tpu.dma_semaphore, #tpu.memory_space<semaphore_mem>>) src(%arg7 : memref<16384xf32, #tpu.memory_space<vmem>>) dst(%dma_wait3A_86 : memref<16384xf32, #tpu.memory_space<hbm>>)
    %parallel_loop3A_87 = arith.constant 0 : i32
    %parallel_loop3A_88 = arith.constant 128 : i32
    %parallel_loop3A_89 = arith.constant 1 : i32
    scf.for %parallel_loop3A_198 = %parallel_loop3A_87 to %parallel_loop3A_88 step %parallel_loop3A_89  : i32 {
      %parallel_loop3A_199 = arith.constant 0.000000e+00 : f32
      %parallel_loop3A_200 = vector.broadcast %parallel_loop3A_199 : f32 to vector<16xf32>
      %parallel_loop3A_201 = arith.constant 128 : i32
      %parallel_loop3A_202 = arith.muli %parallel_loop3A_198, %parallel_loop3A_201 : i32
      %parallel_loop3A_203 = arith.constant 0 : i32
      %parallel_loop3A_204 = arith.addi %parallel_loop3A_202, %parallel_loop3A_203 : i32
      %parallel_loop3A_205 = arith.index_cast %parallel_loop3A_204 : i32 to index
      %parallel_loop3A_206 = tpu.vector_load %arg7[%parallel_loop3A_205] {strides = array<i32>} : memref<16384xf32, #tpu.memory_space<vmem>>, vector<16xf32>,
      tpu.vector_store %arg7[%parallel_loop3A_205], %parallel_loop3A_200 {strides = array<i32>} : memref<16384xf32, #tpu.memory_space<vmem>>, vector<16xf32>,
      %parallel_loop3A_207 = arith.constant 128 : i32
      %parallel_loop3A_208 = arith.muli %parallel_loop3A_198, %parallel_loop3A_207 : i32
      %parallel_loop3A_209 = arith.constant 16 : i32
      %parallel_loop3A_210 = arith.addi %parallel_loop3A_208, %parallel_loop3A_209 : i32
      %parallel_loop3A_211 = arith.index_cast %parallel_loop3A_210 : i32 to index
      %parallel_loop3A_212 = tpu.vector_load %arg7[%parallel_loop3A_211] {strides = array<i32>} : memref<16384xf32, #tpu.memory_space<vmem>>, vector<16xf32>,
      tpu.vector_store %arg7[%parallel_loop3A_211], %parallel_loop3A_200 {strides = array<i32>} : memref<16384xf32, #tpu.memory_space<vmem>>, vector<16xf32>,
      %parallel_loop3A_213 = arith.constant 128 : i32
      %parallel_loop3A_214 = arith.muli %parallel_loop3A_198, %parallel_loop3A_213 : i32
      %parallel_loop3A_215 = arith.constant 32 : i32
      %parallel_loop3A_216 = arith.addi %parallel_loop3A_214, %parallel_loop3A_215 : i32
      %parallel_loop3A_217 = arith.index_cast %parallel_loop3A_216 : i32 to index
      %parallel_loop3A_218 = tpu.vector_load %arg7[%parallel_loop3A_217] {strides = array<i32>} : memref<16384xf32, #tpu.memory_space<vmem>>, vector<16xf32>,
      tpu.vector_store %arg7[%parallel_loop3A_217], %parallel_loop3A_200 {strides = array<i32>} : memref<16384xf32, #tpu.memory_space<vmem>>, vector<16xf32>,
      %parallel_loop3A_219 = arith.constant 128 : i32
      %parallel_loop3A_220 = arith.muli %parallel_loop3A_198, %parallel_loop3A_219 : i32
      %parallel_loop3A_221 = arith.constant 48 : i32
      %parallel_loop3A_222 = arith.addi %parallel_loop3A_220, %parallel_loop3A_221 : i32
      %parallel_loop3A_223 = arith.index_cast %parallel_loop3A_222 : i32 to index
      %parallel_loop3A_224 = tpu.vector_load %arg7[%parallel_loop3A_223] {strides = array<i32>} : memref<16384xf32, #tpu.memory_space<vmem>>, vector<16xf32>,
      tpu.vector_store %arg7[%parallel_loop3A_223], %parallel_loop3A_200 {strides = array<i32>} : memref<16384xf32, #tpu.memory_space<vmem>>, vector<16xf32>,
      %parallel_loop3A_225 = arith.constant 128 : i32
      %parallel_loop3A_226 = arith.muli %parallel_loop3A_198, %parallel_loop3A_225 : i32
      %parallel_loop3A_227 = arith.constant 64 : i32
      %parallel_loop3A_228 = arith.addi %parallel_loop3A_226, %parallel_loop3A_227 : i32
      %parallel_loop3A_229 = arith.index_cast %parallel_loop3A_228 : i32 to index
      %parallel_loop3A_230 = tpu.vector_load %arg7[%parallel_loop3A_229] {strides = array<i32>} : memref<16384xf32, #tpu.memory_space<vmem>>, vector<16xf32>,
      tpu.vector_store %arg7[%parallel_loop3A_229], %parallel_loop3A_200 {strides = array<i32>} : memref<16384xf32, #tpu.memory_space<vmem>>, vector<16xf32>,
      %parallel_loop3A_231 = arith.constant 128 : i32
      %parallel_loop3A_232 = arith.muli %parallel_loop3A_198, %parallel_loop3A_231 : i32
      %parallel_loop3A_233 = arith.constant 80 : i32
      %parallel_loop3A_234 = arith.addi %parallel_loop3A_232, %parallel_loop3A_233 : i32
      %parallel_loop3A_235 = arith.index_cast %parallel_loop3A_234 : i32 to index
      %parallel_loop3A_236 = tpu.vector_load %arg7[%parallel_loop3A_235] {strides = array<i32>} : memref<16384xf32, #tpu.memory_space<vmem>>, vector<16xf32>,
      tpu.vector_store %arg7[%parallel_loop3A_235], %parallel_loop3A_200 {strides = array<i32>} : memref<16384xf32, #tpu.memory_space<vmem>>, vector<16xf32>,
      %parallel_loop3A_237 = arith.constant 128 : i32
      %parallel_loop3A_238 = arith.muli %parallel_loop3A_198, %parallel_loop3A_237 : i32
      %parallel_loop3A_239 = arith.constant 96 : i32
      %parallel_loop3A_240 = arith.addi %parallel_loop3A_238, %parallel_loop3A_239 : i32
      %parallel_loop3A_241 = arith.index_cast %parallel_loop3A_240 : i32 to index
      %parallel_loop3A_242 = tpu.vector_load %arg7[%parallel_loop3A_241] {strides = array<i32>} : memref<16384xf32, #tpu.memory_space<vmem>>, vector<16xf32>,
      tpu.vector_store %arg7[%parallel_loop3A_241], %parallel_loop3A_200 {strides = array<i32>} : memref<16384xf32, #tpu.memory_space<vmem>>, vector<16xf32>,
      %parallel_loop3A_243 = arith.constant 128 : i32
      %parallel_loop3A_244 = arith.muli %parallel_loop3A_198, %parallel_loop3A_243 : i32
      %parallel_loop3A_245 = arith.constant 112 : i32
      %parallel_loop3A_246 = arith.addi %parallel_loop3A_244, %parallel_loop3A_245 : i32
      %parallel_loop3A_247 = arith.index_cast %parallel_loop3A_246 : i32 to index
      %parallel_loop3A_248 = tpu.vector_load %arg7[%parallel_loop3A_247] {strides = array<i32>} : memref<16384xf32, #tpu.memory_space<vmem>>, vector<16xf32>,
      tpu.vector_store %arg7[%parallel_loop3A_247], %parallel_loop3A_200 {strides = array<i32>} : memref<16384xf32, #tpu.memory_space<vmem>>, vector<16xf32>,
      %parallel_loop3A_249 = arith.constant 16 : i32
      %parallel_loop3A_250 = arith.muli %parallel_loop3A_198, %parallel_loop3A_249 : i32
      %parallel_loop3A_251 = arith.constant 2048 : i32
      %parallel_loop3A_252 = arith.addi %parallel_loop3A_251, %parallel_loop3A_250 : i32
      %parallel_loop3A_253 = tpu.iota {dimensions = array<i32: 0>} : vector<16xi32>
      %parallel_loop3A_254 = vector.broadcast %parallel_loop3A_252 : i32 to vector<16xi32>
      %parallel_loop3A_255 = arith.addi %parallel_loop3A_254, %parallel_loop3A_253 : vector<16xi32>
      %parallel_loop3A_256 = arith.constant 7 : i32
      %parallel_loop3A_257 = vector.broadcast %parallel_loop3A_256 : i32 to vector<16xi32>
      %parallel_loop3A_258 = arith.muli %parallel_loop3A_255, %parallel_loop3A_257 : vector<16xi32>
      %parallel_loop3A_259 = tpu.vector_load_idx %arg5[%parallel_loop3A_258] : memref<32768xf32, #tpu.memory_space<vmem>>[vector<16xi32>], vector<16xf32>,
      %parallel_loop3A_260 = arith.constant 0 : i32
      %parallel_loop3A_261 = vector.broadcast %parallel_loop3A_260 : i32 to vector<16xi32>
      %parallel_loop3A_262 = arith.constant 1 : i32
      %parallel_loop3A_263 = vector.broadcast %parallel_loop3A_262 : i32 to vector<16xi32>
      %parallel_loop3A_264 = arith.addi %parallel_loop3A_258, %parallel_loop3A_263 : vector<16xi32>
      %parallel_loop3A_265 = tpu.vector_load_idx %arg5[%parallel_loop3A_264] : memref<32768xf32, #tpu.memory_space<vmem>>[vector<16xi32>], vector<16xf32>,
      %parallel_loop3A_266 = arith.cmpf ogt, %parallel_loop3A_265, %parallel_loop3A_259 : vector<16xf32>
      %parallel_loop3A_267 = arith.select %parallel_loop3A_266, %parallel_loop3A_265, %parallel_loop3A_259 : vector<16xi1>, vector<16xf32>
      %parallel_loop3A_268 = arith.constant 1 : i32
      %parallel_loop3A_269 = vector.broadcast %parallel_loop3A_268 : i32 to vector<16xi32>
      %parallel_loop3A_270 = arith.select %parallel_loop3A_266, %parallel_loop3A_269, %parallel_loop3A_261 : vector<16xi1>, vector<16xi32>
      %parallel_loop3A_271 = arith.constant 2 : i32
      %parallel_loop3A_272 = vector.broadcast %parallel_loop3A_271 : i32 to vector<16xi32>
      %parallel_loop3A_273 = arith.addi %parallel_loop3A_258, %parallel_loop3A_272 : vector<16xi32>
      %parallel_loop3A_274 = tpu.vector_load_idx %arg5[%parallel_loop3A_273] : memref<32768xf32, #tpu.memory_space<vmem>>[vector<16xi32>], vector<16xf32>,
      %parallel_loop3A_275 = arith.cmpf ogt, %parallel_loop3A_274, %parallel_loop3A_267 : vector<16xf32>
      %parallel_loop3A_276 = arith.select %parallel_loop3A_275, %parallel_loop3A_274, %parallel_loop3A_267 : vector<16xi1>, vector<16xf32>
      %parallel_loop3A_277 = arith.constant 2 : i32
      %parallel_loop3A_278 = vector.broadcast %parallel_loop3A_277 : i32 to vector<16xi32>
      %parallel_loop3A_279 = arith.select %parallel_loop3A_275, %parallel_loop3A_278, %parallel_loop3A_270 : vector<16xi1>, vector<16xi32>
      %parallel_loop3A_280 = arith.constant 3 : i32
      %parallel_loop3A_281 = vector.broadcast %parallel_loop3A_280 : i32 to vector<16xi32>
      %parallel_loop3A_282 = arith.addi %parallel_loop3A_258, %parallel_loop3A_281 : vector<16xi32>
      %parallel_loop3A_283 = tpu.vector_load_idx %arg5[%parallel_loop3A_282] : memref<32768xf32, #tpu.memory_space<vmem>>[vector<16xi32>], vector<16xf32>,
      %parallel_loop3A_284 = arith.cmpf ogt, %parallel_loop3A_283, %parallel_loop3A_276 : vector<16xf32>
      %parallel_loop3A_285 = arith.select %parallel_loop3A_284, %parallel_loop3A_283, %parallel_loop3A_276 : vector<16xi1>, vector<16xf32>
      %parallel_loop3A_286 = arith.constant 3 : i32
      %parallel_loop3A_287 = vector.broadcast %parallel_loop3A_286 : i32 to vector<16xi32>
      %parallel_loop3A_288 = arith.select %parallel_loop3A_284, %parallel_loop3A_287, %parallel_loop3A_279 : vector<16xi1>, vector<16xi32>
      %parallel_loop3A_289 = arith.constant 4 : i32
      %parallel_loop3A_290 = vector.broadcast %parallel_loop3A_289 : i32 to vector<16xi32>
      %parallel_loop3A_291 = arith.addi %parallel_loop3A_258, %parallel_loop3A_290 : vector<16xi32>
      %parallel_loop3A_292 = tpu.vector_load_idx %arg5[%parallel_loop3A_291] : memref<32768xf32, #tpu.memory_space<vmem>>[vector<16xi32>], vector<16xf32>,
      %parallel_loop3A_293 = arith.cmpf ogt, %parallel_loop3A_292, %parallel_loop3A_285 : vector<16xf32>
      %parallel_loop3A_294 = arith.select %parallel_loop3A_293, %parallel_loop3A_292, %parallel_loop3A_285 : vector<16xi1>, vector<16xf32>
      %parallel_loop3A_295 = arith.constant 4 : i32
      %parallel_loop3A_296 = vector.broadcast %parallel_loop3A_295 : i32 to vector<16xi32>
      %parallel_loop3A_297 = arith.select %parallel_loop3A_293, %parallel_loop3A_296, %parallel_loop3A_288 : vector<16xi1>, vector<16xi32>
      %parallel_loop3A_298 = arith.constant 5 : i32
      %parallel_loop3A_299 = vector.broadcast %parallel_loop3A_298 : i32 to vector<16xi32>
      %parallel_loop3A_300 = arith.addi %parallel_loop3A_258, %parallel_loop3A_299 : vector<16xi32>
      %parallel_loop3A_301 = tpu.vector_load_idx %arg5[%parallel_loop3A_300] : memref<32768xf32, #tpu.memory_space<vmem>>[vector<16xi32>], vector<16xf32>,
      %parallel_loop3A_302 = arith.cmpf ogt, %parallel_loop3A_301, %parallel_loop3A_294 : vector<16xf32>
      %parallel_loop3A_303 = arith.select %parallel_loop3A_302, %parallel_loop3A_301, %parallel_loop3A_294 : vector<16xi1>, vector<16xf32>
      %parallel_loop3A_304 = arith.constant 5 : i32
      %parallel_loop3A_305 = vector.broadcast %parallel_loop3A_304 : i32 to vector<16xi32>
      %parallel_loop3A_306 = arith.select %parallel_loop3A_302, %parallel_loop3A_305, %parallel_loop3A_297 : vector<16xi1>, vector<16xi32>
      %parallel_loop3A_307 = arith.constant 6 : i32
      %parallel_loop3A_308 = vector.broadcast %parallel_loop3A_307 : i32 to vector<16xi32>
      %parallel_loop3A_309 = arith.addi %parallel_loop3A_258, %parallel_loop3A_308 : vector<16xi32>
      %parallel_loop3A_310 = tpu.vector_load_idx %arg5[%parallel_loop3A_309] : memref<32768xf32, #tpu.memory_space<vmem>>[vector<16xi32>], vector<16xf32>,
      %parallel_loop3A_311 = arith.cmpf ogt, %parallel_loop3A_310, %parallel_loop3A_303 : vector<16xf32>
      %parallel_loop3A_312 = arith.select %parallel_loop3A_311, %parallel_loop3A_310, %parallel_loop3A_303 : vector<16xi1>, vector<16xf32>
      %parallel_loop3A_313 = arith.constant 6 : i32
      %parallel_loop3A_314 = vector.broadcast %parallel_loop3A_313 : i32 to vector<16xi32>
      %parallel_loop3A_315 = arith.select %parallel_loop3A_311, %parallel_loop3A_314, %parallel_loop3A_306 : vector<16xi1>, vector<16xi32>
      %parallel_loop3A_316 = arith.constant 7 : i32
      %parallel_loop3A_317 = vector.broadcast %parallel_loop3A_316 : i32 to vector<16xi32>
      %parallel_loop3A_318 = arith.addi %parallel_loop3A_258, %parallel_loop3A_317 : vector<16xi32>
      %parallel_loop3A_319 = tpu.vector_load_idx %arg5[%parallel_loop3A_318] : memref<32768xf32, #tpu.memory_space<vmem>>[vector<16xi32>], vector<16xf32>,
      %parallel_loop3A_320 = arith.cmpf ogt, %parallel_loop3A_319, %parallel_loop3A_312 : vector<16xf32>
      %parallel_loop3A_321 = arith.select %parallel_loop3A_320, %parallel_loop3A_319, %parallel_loop3A_312 : vector<16xi1>, vector<16xf32>
      %parallel_loop3A_322 = arith.constant 7 : i32
      %parallel_loop3A_323 = vector.broadcast %parallel_loop3A_322 : i32 to vector<16xi32>
      %parallel_loop3A_324 = arith.select %parallel_loop3A_320, %parallel_loop3A_323, %parallel_loop3A_315 : vector<16xi1>, vector<16xi32>
      %parallel_loop3A_325 = arith.constant 8 : i32
      %parallel_loop3A_326 = vector.broadcast %parallel_loop3A_325 : i32 to vector<16xi32>
      %parallel_loop3A_327 = arith.muli %parallel_loop3A_255, %parallel_loop3A_326 : vector<16xi32>
      %parallel_loop3A_328 = arith.addi %parallel_loop3A_327, %parallel_loop3A_324 : vector<16xi32>
      %parallel_loop3A_329 = tpu.vector_load_idx %arg5[%parallel_loop3A_328] : memref<32768xf32, #tpu.memory_space<vmem>>[vector<16xi32>], vector<16xf32>,
      %parallel_loop3A_330 = arith.constant 16384 : i32
      %parallel_loop3A_331 = vector.broadcast %parallel_loop3A_330 : i32 to vector<16xi32>
      %parallel_loop3A_332 = arith.subi %parallel_loop3A_328, %parallel_loop3A_331 : vector<16xi32>
      tpu.vector_store_idx %arg7[%parallel_loop3A_332], %parallel_loop3A_329 : memref<16384xf32, #tpu.memory_space<vmem>>[vector<16xi32>], vector<16xf32>,
    } {sc.loop_unroll_factor = 4 : i64, sc.parallel_access}
    %dma_start3A_90 = arith.constant 16384 : i32
    %dma_start3A_91 = tpu.memref_slice %arg3[%add3A_59, %dma_start3A_90] : memref<128x32768xf32, #tpu.memory_space<hbm>> -> memref<1x16384xf32, #tpu.memory_space<hbm>>
    %dma_start3A_92 = tpu.memref_squeeze %dma_start3A_91 : memref<1x16384xf32, #tpu.memory_space<hbm>> -> memref<16384xf32, #tpu.memory_space<hbm>>
    %dma_start3A_93 = arith.constant 16384 : i32
    %dma_start3A_94 = tpu.memref_slice %arg3[%add3A_59, %dma_start3A_93] : memref<128x32768xf32, #tpu.memory_space<hbm>> -> memref<1x16384xf32, #tpu.memory_space<hbm>>
    %dma_start3A_95 = tpu.memref_squeeze %dma_start3A_94 : memref<1x16384xf32, #tpu.memory_space<hbm>> -> memref<16384xf32, #tpu.memory_space<hbm>>
    tpu.enqueue_dma source(%arg7 : memref<16384xf32, #tpu.memory_space<vmem>>) target(%dma_start3A_95 : memref<16384xf32, #tpu.memory_space<hbm>>) target_semaphore(%arg11 : memref<!tpu.dma_semaphore, #tpu.memory_space<semaphore_mem>>)
    %mul3A_96 = arith.constant 4 : i32
    %mul3A_97 = arith.muli %add3A, %mul3A_96 : i32
    %add3A_98 = arith.constant 3 : i32
    %add3A_99 = arith.addi %mul3A_97, %add3A_98 : i32
    %dma_start3A_100 = arith.constant 0 : i32
    %dma_start3A_101 = tpu.memref_slice %arg2[%add3A_99, %dma_start3A_100] : memref<128x32768xf32, #tpu.memory_space<hbm>> -> memref<1x32768xf32, #tpu.memory_space<hbm>>
    %dma_start3A_102 = tpu.memref_squeeze %dma_start3A_101 : memref<1x32768xf32, #tpu.memory_space<hbm>> -> memref<32768xf32, #tpu.memory_space<hbm>>
    %dma_start3A_103 = arith.constant 0 : i32
    %dma_start3A_104 = tpu.memref_slice %arg2[%add3A_99, %dma_start3A_103] : memref<128x32768xf32, #tpu.memory_space<hbm>> -> memref<1x32768xf32, #tpu.memory_space<hbm>>
    %dma_start3A_105 = tpu.memref_squeeze %dma_start3A_104 : memref<1x32768xf32, #tpu.memory_space<hbm>> -> memref<32768xf32, #tpu.memory_space<hbm>>
    tpu.enqueue_dma source(%dma_start3A_105 : memref<32768xf32, #tpu.memory_space<hbm>>) target(%arg5 : memref<32768xf32, #tpu.memory_space<vmem>>) target_semaphore(%arg9 : memref<!tpu.dma_semaphore, #tpu.memory_space<semaphore_mem>>)
    %mul3A_106 = arith.constant 4 : i32
    %mul3A_107 = arith.muli %add3A, %mul3A_106 : i32
    %add3A_108 = arith.constant 2 : i32
    %add3A_109 = arith.addi %mul3A_107, %add3A_108 : i32
    %dma_wait3A_110 = arith.constant 0 : i32
    %dma_wait3A_111 = tpu.memref_slice %arg3[%add3A_59, %dma_wait3A_110] : memref<128x32768xf32, #tpu.memory_space<hbm>> -> memref<1x16384xf32, #tpu.memory_space<hbm>>
    %dma_wait3A_112 = tpu.memref_squeeze %dma_wait3A_111 : memref<1x16384xf32, #tpu.memory_space<hbm>> -> memref<16384xf32, #tpu.memory_space<hbm>>
    %dma_wait3A_113 = arith.constant 0 : i32
    %dma_wait3A_114 = tpu.memref_slice %arg3[%add3A_59, %dma_wait3A_113] : memref<128x32768xf32, #tpu.memory_space<hbm>> -> memref<1x16384xf32, #tpu.memory_space<hbm>>
    %dma_wait3A_115 = tpu.memref_squeeze %dma_wait3A_114 : memref<1x16384xf32, #tpu.memory_space<hbm>> -> memref<16384xf32, #tpu.memory_space<hbm>>
    tpu.wait_dma2 semaphore(%arg10 : memref<!tpu.dma_semaphore, #tpu.memory_space<semaphore_mem>>) src(%arg6 : memref<16384xf32, #tpu.memory_space<vmem>>) dst(%dma_wait3A_115 : memref<16384xf32, #tpu.memory_space<hbm>>)
    %dma_wait3A_116 = arith.constant 0 : i32
    %dma_wait3A_117 = tpu.memref_slice %arg2[%add3A_49, %dma_wait3A_116] : memref<128x32768xf32, #tpu.memory_space<hbm>> -> memref<1x32768xf32, #tpu.memory_space<hbm>>
    %dma_wait3A_118 = tpu.memref_squeeze %dma_wait3A_117 : memref<1x32768xf32, #tpu.memory_space<hbm>> -> memref<32768xf32, #tpu.memory_space<hbm>>
    %dma_wait3A_119 = arith.constant 0 : i32
    %dma_wait3A_120 = tpu.memref_slice %arg2[%add3A_49, %dma_wait3A_119] : memref<128x32768xf32, #tpu.memory_space<hbm>> -> memref<1x32768xf32, #tpu.memory_space<hbm>>
    %dma_wait3A_121 = tpu.memref_squeeze %dma_wait3A_120 : memref<1x32768xf32, #tpu.memory_space<hbm>> -> memref<32768xf32, #tpu.memory_space<hbm>>
    tpu.wait_dma2 semaphore(%arg8 : memref<!tpu.dma_semaphore, #tpu.memory_space<semaphore_mem>>) src(%dma_wait3A_121 : memref<32768xf32, #tpu.memory_space<hbm>>) dst(%arg4 : memref<32768xf32, #tpu.memory_space<vmem>>)
    %parallel_loop3A_122 = arith.constant 0 : i32
    %parallel_loop3A_123 = arith.constant 128 : i32
    %parallel_loop3A_124 = arith.constant 1 : i32
    scf.for %parallel_loop3A_198 = %parallel_loop3A_122 to %parallel_loop3A_123 step %parallel_loop3A_124  : i32 {
      %parallel_loop3A_199 = arith.constant 0.000000e+00 : f32
      %parallel_loop3A_200 = vector.broadcast %parallel_loop3A_199 : f32 to vector<16xf32>
      %parallel_loop3A_201 = arith.constant 128 : i32
      %parallel_loop3A_202 = arith.muli %parallel_loop3A_198, %parallel_loop3A_201 : i32
      %parallel_loop3A_203 = arith.constant 0 : i32
      %parallel_loop3A_204 = arith.addi %parallel_loop3A_202, %parallel_loop3A_203 : i32
      %parallel_loop3A_205 = arith.index_cast %parallel_loop3A_204 : i32 to index
      %parallel_loop3A_206 = tpu.vector_load %arg6[%parallel_loop3A_205] {strides = array<i32>} : memref<16384xf32, #tpu.memory_space<vmem>>, vector<16xf32>,
      tpu.vector_store %arg6[%parallel_loop3A_205], %parallel_loop3A_200 {strides = array<i32>} : memref<16384xf32, #tpu.memory_space<vmem>>, vector<16xf32>,
      %parallel_loop3A_207 = arith.constant 128 : i32
      %parallel_loop3A_208 = arith.muli %parallel_loop3A_198, %parallel_loop3A_207 : i32
      %parallel_loop3A_209 = arith.constant 16 : i32
      %parallel_loop3A_210 = arith.addi %parallel_loop3A_208, %parallel_loop3A_209 : i32
      %parallel_loop3A_211 = arith.index_cast %parallel_loop3A_210 : i32 to index
      %parallel_loop3A_212 = tpu.vector_load %arg6[%parallel_loop3A_211] {strides = array<i32>} : memref<16384xf32, #tpu.memory_space<vmem>>, vector<16xf32>,
      tpu.vector_store %arg6[%parallel_loop3A_211], %parallel_loop3A_200 {strides = array<i32>} : memref<16384xf32, #tpu.memory_space<vmem>>, vector<16xf32>,
      %parallel_loop3A_213 = arith.constant 128 : i32
      %parallel_loop3A_214 = arith.muli %parallel_loop3A_198, %parallel_loop3A_213 : i32
      %parallel_loop3A_215 = arith.constant 32 : i32
      %parallel_loop3A_216 = arith.addi %parallel_loop3A_214, %parallel_loop3A_215 : i32
      %parallel_loop3A_217 = arith.index_cast %parallel_loop3A_216 : i32 to index
      %parallel_loop3A_218 = tpu.vector_load %arg6[%parallel_loop3A_217] {strides = array<i32>} : memref<16384xf32, #tpu.memory_space<vmem>>, vector<16xf32>,
      tpu.vector_store %arg6[%parallel_loop3A_217], %parallel_loop3A_200 {strides = array<i32>} : memref<16384xf32, #tpu.memory_space<vmem>>, vector<16xf32>,
      %parallel_loop3A_219 = arith.constant 128 : i32
      %parallel_loop3A_220 = arith.muli %parallel_loop3A_198, %parallel_loop3A_219 : i32
      %parallel_loop3A_221 = arith.constant 48 : i32
      %parallel_loop3A_222 = arith.addi %parallel_loop3A_220, %parallel_loop3A_221 : i32
      %parallel_loop3A_223 = arith.index_cast %parallel_loop3A_222 : i32 to index
      %parallel_loop3A_224 = tpu.vector_load %arg6[%parallel_loop3A_223] {strides = array<i32>} : memref<16384xf32, #tpu.memory_space<vmem>>, vector<16xf32>,
      tpu.vector_store %arg6[%parallel_loop3A_223], %parallel_loop3A_200 {strides = array<i32>} : memref<16384xf32, #tpu.memory_space<vmem>>, vector<16xf32>,
      %parallel_loop3A_225 = arith.constant 128 : i32
      %parallel_loop3A_226 = arith.muli %parallel_loop3A_198, %parallel_loop3A_225 : i32
      %parallel_loop3A_227 = arith.constant 64 : i32
      %parallel_loop3A_228 = arith.addi %parallel_loop3A_226, %parallel_loop3A_227 : i32
      %parallel_loop3A_229 = arith.index_cast %parallel_loop3A_228 : i32 to index
      %parallel_loop3A_230 = tpu.vector_load %arg6[%parallel_loop3A_229] {strides = array<i32>} : memref<16384xf32, #tpu.memory_space<vmem>>, vector<16xf32>,
      tpu.vector_store %arg6[%parallel_loop3A_229], %parallel_loop3A_200 {strides = array<i32>} : memref<16384xf32, #tpu.memory_space<vmem>>, vector<16xf32>,
      %parallel_loop3A_231 = arith.constant 128 : i32
      %parallel_loop3A_232 = arith.muli %parallel_loop3A_198, %parallel_loop3A_231 : i32
      %parallel_loop3A_233 = arith.constant 80 : i32
      %parallel_loop3A_234 = arith.addi %parallel_loop3A_232, %parallel_loop3A_233 : i32
      %parallel_loop3A_235 = arith.index_cast %parallel_loop3A_234 : i32 to index
      %parallel_loop3A_236 = tpu.vector_load %arg6[%parallel_loop3A_235] {strides = array<i32>} : memref<16384xf32, #tpu.memory_space<vmem>>, vector<16xf32>,
      tpu.vector_store %arg6[%parallel_loop3A_235], %parallel_loop3A_200 {strides = array<i32>} : memref<16384xf32, #tpu.memory_space<vmem>>, vector<16xf32>,
      %parallel_loop3A_237 = arith.constant 128 : i32
      %parallel_loop3A_238 = arith.muli %parallel_loop3A_198, %parallel_loop3A_237 : i32
      %parallel_loop3A_239 = arith.constant 96 : i32
      %parallel_loop3A_240 = arith.addi %parallel_loop3A_238, %parallel_loop3A_239 : i32
      %parallel_loop3A_241 = arith.index_cast %parallel_loop3A_240 : i32 to index
      %parallel_loop3A_242 = tpu.vector_load %arg6[%parallel_loop3A_241] {strides = array<i32>} : memref<16384xf32, #tpu.memory_space<vmem>>, vector<16xf32>,
      tpu.vector_store %arg6[%parallel_loop3A_241], %parallel_loop3A_200 {strides = array<i32>} : memref<16384xf32, #tpu.memory_space<vmem>>, vector<16xf32>,
      %parallel_loop3A_243 = arith.constant 128 : i32
      %parallel_loop3A_244 = arith.muli %parallel_loop3A_198, %parallel_loop3A_243 : i32
      %parallel_loop3A_245 = arith.constant 112 : i32
      %parallel_loop3A_246 = arith.addi %parallel_loop3A_244, %parallel_loop3A_245 : i32
      %parallel_loop3A_247 = arith.index_cast %parallel_loop3A_246 : i32 to index
      %parallel_loop3A_248 = tpu.vector_load %arg6[%parallel_loop3A_247] {strides = array<i32>} : memref<16384xf32, #tpu.memory_space<vmem>>, vector<16xf32>,
      tpu.vector_store %arg6[%parallel_loop3A_247], %parallel_loop3A_200 {strides = array<i32>} : memref<16384xf32, #tpu.memory_space<vmem>>, vector<16xf32>,
      %parallel_loop3A_249 = arith.constant 16 : i32
      %parallel_loop3A_250 = arith.muli %parallel_loop3A_198, %parallel_loop3A_249 : i32
      %parallel_loop3A_251 = arith.constant 0 : i32
      %parallel_loop3A_252 = arith.addi %parallel_loop3A_251, %parallel_loop3A_250 : i32
      %parallel_loop3A_253 = tpu.iota {dimensions = array<i32: 0>} : vector<16xi32>
      %parallel_loop3A_254 = vector.broadcast %parallel_loop3A_252 : i32 to vector<16xi32>
      %parallel_loop3A_255 = arith.addi %parallel_loop3A_254, %parallel_loop3A_253 : vector<16xi32>
      %parallel_loop3A_256 = arith.constant 7 : i32
      %parallel_loop3A_257 = vector.broadcast %parallel_loop3A_256 : i32 to vector<16xi32>
      %parallel_loop3A_258 = arith.muli %parallel_loop3A_255, %parallel_loop3A_257 : vector<16xi32>
      %parallel_loop3A_259 = tpu.vector_load_idx %arg4[%parallel_loop3A_258] : memref<32768xf32, #tpu.memory_space<vmem>>[vector<16xi32>], vector<16xf32>,
      %parallel_loop3A_260 = arith.constant 0 : i32
      %parallel_loop3A_261 = vector.broadcast %parallel_loop3A_260 : i32 to vector<16xi32>
      %parallel_loop3A_262 = arith.constant 1 : i32
      %parallel_loop3A_263 = vector.broadcast %parallel_loop3A_262 : i32 to vector<16xi32>
      %parallel_loop3A_264 = arith.addi %parallel_loop3A_258, %parallel_loop3A_263 : vector<16xi32>
      %parallel_loop3A_265 = tpu.vector_load_idx %arg4[%parallel_loop3A_264] : memref<32768xf32, #tpu.memory_space<vmem>>[vector<16xi32>], vector<16xf32>,
      %parallel_loop3A_266 = arith.cmpf ogt, %parallel_loop3A_265, %parallel_loop3A_259 : vector<16xf32>
      %parallel_loop3A_267 = arith.select %parallel_loop3A_266, %parallel_loop3A_265, %parallel_loop3A_259 : vector<16xi1>, vector<16xf32>
      %parallel_loop3A_268 = arith.constant 1 : i32
      %parallel_loop3A_269 = vector.broadcast %parallel_loop3A_268 : i32 to vector<16xi32>
      %parallel_loop3A_270 = arith.select %parallel_loop3A_266, %parallel_loop3A_269, %parallel_loop3A_261 : vector<16xi1>, vector<16xi32>
      %parallel_loop3A_271 = arith.constant 2 : i32
      %parallel_loop3A_272 = vector.broadcast %parallel_loop3A_271 : i32 to vector<16xi32>
      %parallel_loop3A_273 = arith.addi %parallel_loop3A_258, %parallel_loop3A_272 : vector<16xi32>
      %parallel_loop3A_274 = tpu.vector_load_idx %arg4[%parallel_loop3A_273] : memref<32768xf32, #tpu.memory_space<vmem>>[vector<16xi32>], vector<16xf32>,
      %parallel_loop3A_275 = arith.cmpf ogt, %parallel_loop3A_274, %parallel_loop3A_267 : vector<16xf32>
      %parallel_loop3A_276 = arith.select %parallel_loop3A_275, %parallel_loop3A_274, %parallel_loop3A_267 : vector<16xi1>, vector<16xf32>
      %parallel_loop3A_277 = arith.constant 2 : i32
      %parallel_loop3A_278 = vector.broadcast %parallel_loop3A_277 : i32 to vector<16xi32>
      %parallel_loop3A_279 = arith.select %parallel_loop3A_275, %parallel_loop3A_278, %parallel_loop3A_270 : vector<16xi1>, vector<16xi32>
      %parallel_loop3A_280 = arith.constant 3 : i32
      %parallel_loop3A_281 = vector.broadcast %parallel_loop3A_280 : i32 to vector<16xi32>
      %parallel_loop3A_282 = arith.addi %parallel_loop3A_258, %parallel_loop3A_281 : vector<16xi32>
      %parallel_loop3A_283 = tpu.vector_load_idx %arg4[%parallel_loop3A_282] : memref<32768xf32, #tpu.memory_space<vmem>>[vector<16xi32>], vector<16xf32>,
      %parallel_loop3A_284 = arith.cmpf ogt, %parallel_loop3A_283, %parallel_loop3A_276 : vector<16xf32>
      %parallel_loop3A_285 = arith.select %parallel_loop3A_284, %parallel_loop3A_283, %parallel_loop3A_276 : vector<16xi1>, vector<16xf32>
      %parallel_loop3A_286 = arith.constant 3 : i32
      %parallel_loop3A_287 = vector.broadcast %parallel_loop3A_286 : i32 to vector<16xi32>
      %parallel_loop3A_288 = arith.select %parallel_loop3A_284, %parallel_loop3A_287, %parallel_loop3A_279 : vector<16xi1>, vector<16xi32>
      %parallel_loop3A_289 = arith.constant 4 : i32
      %parallel_loop3A_290 = vector.broadcast %parallel_loop3A_289 : i32 to vector<16xi32>
      %parallel_loop3A_291 = arith.addi %parallel_loop3A_258, %parallel_loop3A_290 : vector<16xi32>
      %parallel_loop3A_292 = tpu.vector_load_idx %arg4[%parallel_loop3A_291] : memref<32768xf32, #tpu.memory_space<vmem>>[vector<16xi32>], vector<16xf32>,
      %parallel_loop3A_293 = arith.cmpf ogt, %parallel_loop3A_292, %parallel_loop3A_285 : vector<16xf32>
      %parallel_loop3A_294 = arith.select %parallel_loop3A_293, %parallel_loop3A_292, %parallel_loop3A_285 : vector<16xi1>, vector<16xf32>
      %parallel_loop3A_295 = arith.constant 4 : i32
      %parallel_loop3A_296 = vector.broadcast %parallel_loop3A_295 : i32 to vector<16xi32>
      %parallel_loop3A_297 = arith.select %parallel_loop3A_293, %parallel_loop3A_296, %parallel_loop3A_288 : vector<16xi1>, vector<16xi32>
      %parallel_loop3A_298 = arith.constant 5 : i32
      %parallel_loop3A_299 = vector.broadcast %parallel_loop3A_298 : i32 to vector<16xi32>
      %parallel_loop3A_300 = arith.addi %parallel_loop3A_258, %parallel_loop3A_299 : vector<16xi32>
      %parallel_loop3A_301 = tpu.vector_load_idx %arg4[%parallel_loop3A_300] : memref<32768xf32, #tpu.memory_space<vmem>>[vector<16xi32>], vector<16xf32>,
      %parallel_loop3A_302 = arith.cmpf ogt, %parallel_loop3A_301, %parallel_loop3A_294 : vector<16xf32>
      %parallel_loop3A_303 = arith.select %parallel_loop3A_302, %parallel_loop3A_301, %parallel_loop3A_294 : vector<16xi1>, vector<16xf32>
      %parallel_loop3A_304 = arith.constant 5 : i32
      %parallel_loop3A_305 = vector.broadcast %parallel_loop3A_304 : i32 to vector<16xi32>
      %parallel_loop3A_306 = arith.select %parallel_loop3A_302, %parallel_loop3A_305, %parallel_loop3A_297 : vector<16xi1>, vector<16xi32>
      %parallel_loop3A_307 = arith.constant 6 : i32
      %parallel_loop3A_308 = vector.broadcast %parallel_loop3A_307 : i32 to vector<16xi32>
      %parallel_loop3A_309 = arith.addi %parallel_loop3A_258, %parallel_loop3A_308 : vector<16xi32>
      %parallel_loop3A_310 = tpu.vector_load_idx %arg4[%parallel_loop3A_309] : memref<32768xf32, #tpu.memory_space<vmem>>[vector<16xi32>], vector<16xf32>,
      %parallel_loop3A_311 = arith.cmpf ogt, %parallel_loop3A_310, %parallel_loop3A_303 : vector<16xf32>
      %parallel_loop3A_312 = arith.select %parallel_loop3A_311, %parallel_loop3A_310, %parallel_loop3A_303 : vector<16xi1>, vector<16xf32>
      %parallel_loop3A_313 = arith.constant 6 : i32
      %parallel_loop3A_314 = vector.broadcast %parallel_loop3A_313 : i32 to vector<16xi32>
      %parallel_loop3A_315 = arith.select %parallel_loop3A_311, %parallel_loop3A_314, %parallel_loop3A_306 : vector<16xi1>, vector<16xi32>
      %parallel_loop3A_316 = arith.constant 7 : i32
      %parallel_loop3A_317 = vector.broadcast %parallel_loop3A_316 : i32 to vector<16xi32>
      %parallel_loop3A_318 = arith.addi %parallel_loop3A_258, %parallel_loop3A_317 : vector<16xi32>
      %parallel_loop3A_319 = tpu.vector_load_idx %arg4[%parallel_loop3A_318] : memref<32768xf32, #tpu.memory_space<vmem>>[vector<16xi32>], vector<16xf32>,
      %parallel_loop3A_320 = arith.cmpf ogt, %parallel_loop3A_319, %parallel_loop3A_312 : vector<16xf32>
      %parallel_loop3A_321 = arith.select %parallel_loop3A_320, %parallel_loop3A_319, %parallel_loop3A_312 : vector<16xi1>, vector<16xf32>
      %parallel_loop3A_322 = arith.constant 7 : i32
      %parallel_loop3A_323 = vector.broadcast %parallel_loop3A_322 : i32 to vector<16xi32>
      %parallel_loop3A_324 = arith.select %parallel_loop3A_320, %parallel_loop3A_323, %parallel_loop3A_315 : vector<16xi1>, vector<16xi32>
      %parallel_loop3A_325 = arith.constant 8 : i32
      %parallel_loop3A_326 = vector.broadcast %parallel_loop3A_325 : i32 to vector<16xi32>
      %parallel_loop3A_327 = arith.muli %parallel_loop3A_255, %parallel_loop3A_326 : vector<16xi32>
      %parallel_loop3A_328 = arith.addi %parallel_loop3A_327, %parallel_loop3A_324 : vector<16xi32>
      %parallel_loop3A_329 = tpu.vector_load_idx %arg4[%parallel_loop3A_328] : memref<32768xf32, #tpu.memory_space<vmem>>[vector<16xi32>], vector<16xf32>,
      %parallel_loop3A_330 = arith.constant 0 : i32
      %parallel_loop3A_331 = vector.broadcast %parallel_loop3A_330 : i32 to vector<16xi32>
      %parallel_loop3A_332 = arith.subi %parallel_loop3A_328, %parallel_loop3A_331 : vector<16xi32>
      tpu.vector_store_idx %arg6[%parallel_loop3A_332], %parallel_loop3A_329 : memref<16384xf32, #tpu.memory_space<vmem>>[vector<16xi32>], vector<16xf32>,
    } {sc.loop_unroll_factor = 4 : i64, sc.parallel_access}
    %dma_start3A_125 = arith.constant 0 : i32
    %dma_start3A_126 = tpu.memref_slice %arg3[%add3A_109, %dma_start3A_125] : memref<128x32768xf32, #tpu.memory_space<hbm>> -> memref<1x16384xf32, #tpu.memory_space<hbm>>
    %dma_start3A_127 = tpu.memref_squeeze %dma_start3A_126 : memref<1x16384xf32, #tpu.memory_space<hbm>> -> memref<16384xf32, #tpu.memory_space<hbm>>
    %dma_start3A_128 = arith.constant 0 : i32
    %dma_start3A_129 = tpu.memref_slice %arg3[%add3A_109, %dma_start3A_128] : memref<128x32768xf32, #tpu.memory_space<hbm>> -> memref<1x16384xf32, #tpu.memory_space<hbm>>
    %dma_start3A_130 = tpu.memref_squeeze %dma_start3A_129 : memref<1x16384xf32, #tpu.memory_space<hbm>> -> memref<16384xf32, #tpu.memory_space<hbm>>
    tpu.enqueue_dma source(%arg6 : memref<16384xf32, #tpu.memory_space<vmem>>) target(%dma_start3A_130 : memref<16384xf32, #tpu.memory_space<hbm>>) target_semaphore(%arg10 : memref<!tpu.dma_semaphore, #tpu.memory_space<semaphore_mem>>)
    %dma_wait3A_131 = arith.constant 16384 : i32
    %dma_wait3A_132 = tpu.memref_slice %arg3[%add3A_59, %dma_wait3A_131] : memref<128x32768xf32, #tpu.memory_space<hbm>> -> memref<1x16384xf32, #tpu.memory_space<hbm>>
    %dma_wait3A_133 = tpu.memref_squeeze %dma_wait3A_132 : memref<1x16384xf32, #tpu.memory_space<hbm>> -> memref<16384xf32, #tpu.memory_space<hbm>>
    %dma_wait3A_134 = arith.constant 16384 : i32
    %dma_wait3A_135 = tpu.memref_slice %arg3[%add3A_59, %dma_wait3A_134] : memref<128x32768xf32, #tpu.memory_space<hbm>> -> memref<1x16384xf32, #tpu.memory_space<hbm>>
    %dma_wait3A_136 = tpu.memref_squeeze %dma_wait3A_135 : memref<1x16384xf32, #tpu.memory_space<hbm>> -> memref<16384xf32, #tpu.memory_space<hbm>>
    tpu.wait_dma2 semaphore(%arg11 : memref<!tpu.dma_semaphore, #tpu.memory_space<semaphore_mem>>) src(%arg7 : memref<16384xf32, #tpu.memory_space<vmem>>) dst(%dma_wait3A_136 : memref<16384xf32, #tpu.memory_space<hbm>>)
    %parallel_loop3A_137 = arith.constant 0 : i32
    %parallel_loop3A_138 = arith.constant 128 : i32
    %parallel_loop3A_139 = arith.constant 1 : i32
    scf.for %parallel_loop3A_198 = %parallel_loop3A_137 to %parallel_loop3A_138 step %parallel_loop3A_139  : i32 {
      %parallel_loop3A_199 = arith.constant 0.000000e+00 : f32
      %parallel_loop3A_200 = vector.broadcast %parallel_loop3A_199 : f32 to vector<16xf32>
      %parallel_loop3A_201 = arith.constant 128 : i32
      %parallel_loop3A_202 = arith.muli %parallel_loop3A_198, %parallel_loop3A_201 : i32
      %parallel_loop3A_203 = arith.constant 0 : i32
      %parallel_loop3A_204 = arith.addi %parallel_loop3A_202, %parallel_loop3A_203 : i32
      %parallel_loop3A_205 = arith.index_cast %parallel_loop3A_204 : i32 to index
      %parallel_loop3A_206 = tpu.vector_load %arg7[%parallel_loop3A_205] {strides = array<i32>} : memref<16384xf32, #tpu.memory_space<vmem>>, vector<16xf32>,
      tpu.vector_store %arg7[%parallel_loop3A_205], %parallel_loop3A_200 {strides = array<i32>} : memref<16384xf32, #tpu.memory_space<vmem>>, vector<16xf32>,
      %parallel_loop3A_207 = arith.constant 128 : i32
      %parallel_loop3A_208 = arith.muli %parallel_loop3A_198, %parallel_loop3A_207 : i32
      %parallel_loop3A_209 = arith.constant 16 : i32
      %parallel_loop3A_210 = arith.addi %parallel_loop3A_208, %parallel_loop3A_209 : i32
      %parallel_loop3A_211 = arith.index_cast %parallel_loop3A_210 : i32 to index
      %parallel_loop3A_212 = tpu.vector_load %arg7[%parallel_loop3A_211] {strides = array<i32>} : memref<16384xf32, #tpu.memory_space<vmem>>, vector<16xf32>,
      tpu.vector_store %arg7[%parallel_loop3A_211], %parallel_loop3A_200 {strides = array<i32>} : memref<16384xf32, #tpu.memory_space<vmem>>, vector<16xf32>,
      %parallel_loop3A_213 = arith.constant 128 : i32
      %parallel_loop3A_214 = arith.muli %parallel_loop3A_198, %parallel_loop3A_213 : i32
      %parallel_loop3A_215 = arith.constant 32 : i32
      %parallel_loop3A_216 = arith.addi %parallel_loop3A_214, %parallel_loop3A_215 : i32
      %parallel_loop3A_217 = arith.index_cast %parallel_loop3A_216 : i32 to index
      %parallel_loop3A_218 = tpu.vector_load %arg7[%parallel_loop3A_217] {strides = array<i32>} : memref<16384xf32, #tpu.memory_space<vmem>>, vector<16xf32>,
      tpu.vector_store %arg7[%parallel_loop3A_217], %parallel_loop3A_200 {strides = array<i32>} : memref<16384xf32, #tpu.memory_space<vmem>>, vector<16xf32>,
      %parallel_loop3A_219 = arith.constant 128 : i32
      %parallel_loop3A_220 = arith.muli %parallel_loop3A_198, %parallel_loop3A_219 : i32
      %parallel_loop3A_221 = arith.constant 48 : i32
      %parallel_loop3A_222 = arith.addi %parallel_loop3A_220, %parallel_loop3A_221 : i32
      %parallel_loop3A_223 = arith.index_cast %parallel_loop3A_222 : i32 to index
      %parallel_loop3A_224 = tpu.vector_load %arg7[%parallel_loop3A_223] {strides = array<i32>} : memref<16384xf32, #tpu.memory_space<vmem>>, vector<16xf32>,
      tpu.vector_store %arg7[%parallel_loop3A_223], %parallel_loop3A_200 {strides = array<i32>} : memref<16384xf32, #tpu.memory_space<vmem>>, vector<16xf32>,
      %parallel_loop3A_225 = arith.constant 128 : i32
      %parallel_loop3A_226 = arith.muli %parallel_loop3A_198, %parallel_loop3A_225 : i32
      %parallel_loop3A_227 = arith.constant 64 : i32
      %parallel_loop3A_228 = arith.addi %parallel_loop3A_226, %parallel_loop3A_227 : i32
      %parallel_loop3A_229 = arith.index_cast %parallel_loop3A_228 : i32 to index
      %parallel_loop3A_230 = tpu.vector_load %arg7[%parallel_loop3A_229] {strides = array<i32>} : memref<16384xf32, #tpu.memory_space<vmem>>, vector<16xf32>,
      tpu.vector_store %arg7[%parallel_loop3A_229], %parallel_loop3A_200 {strides = array<i32>} : memref<16384xf32, #tpu.memory_space<vmem>>, vector<16xf32>,
      %parallel_loop3A_231 = arith.constant 128 : i32
      %parallel_loop3A_232 = arith.muli %parallel_loop3A_198, %parallel_loop3A_231 : i32
      %parallel_loop3A_233 = arith.constant 80 : i32
      %parallel_loop3A_234 = arith.addi %parallel_loop3A_232, %parallel_loop3A_233 : i32
      %parallel_loop3A_235 = arith.index_cast %parallel_loop3A_234 : i32 to index
      %parallel_loop3A_236 = tpu.vector_load %arg7[%parallel_loop3A_235] {strides = array<i32>} : memref<16384xf32, #tpu.memory_space<vmem>>, vector<16xf32>,
      tpu.vector_store %arg7[%parallel_loop3A_235], %parallel_loop3A_200 {strides = array<i32>} : memref<16384xf32, #tpu.memory_space<vmem>>, vector<16xf32>,
      %parallel_loop3A_237 = arith.constant 128 : i32
      %parallel_loop3A_238 = arith.muli %parallel_loop3A_198, %parallel_loop3A_237 : i32
      %parallel_loop3A_239 = arith.constant 96 : i32
      %parallel_loop3A_240 = arith.addi %parallel_loop3A_238, %parallel_loop3A_239 : i32
      %parallel_loop3A_241 = arith.index_cast %parallel_loop3A_240 : i32 to index
      %parallel_loop3A_242 = tpu.vector_load %arg7[%parallel_loop3A_241] {strides = array<i32>} : memref<16384xf32, #tpu.memory_space<vmem>>, vector<16xf32>,
      tpu.vector_store %arg7[%parallel_loop3A_241], %parallel_loop3A_200 {strides = array<i32>} : memref<16384xf32, #tpu.memory_space<vmem>>, vector<16xf32>,
      %parallel_loop3A_243 = arith.constant 128 : i32
      %parallel_loop3A_244 = arith.muli %parallel_loop3A_198, %parallel_loop3A_243 : i32
      %parallel_loop3A_245 = arith.constant 112 : i32
      %parallel_loop3A_246 = arith.addi %parallel_loop3A_244, %parallel_loop3A_245 : i32
      %parallel_loop3A_247 = arith.index_cast %parallel_loop3A_246 : i32 to index
      %parallel_loop3A_248 = tpu.vector_load %arg7[%parallel_loop3A_247] {strides = array<i32>} : memref<16384xf32, #tpu.memory_space<vmem>>, vector<16xf32>,
      tpu.vector_store %arg7[%parallel_loop3A_247], %parallel_loop3A_200 {strides = array<i32>} : memref<16384xf32, #tpu.memory_space<vmem>>, vector<16xf32>,
      %parallel_loop3A_249 = arith.constant 16 : i32
      %parallel_loop3A_250 = arith.muli %parallel_loop3A_198, %parallel_loop3A_249 : i32
      %parallel_loop3A_251 = arith.constant 2048 : i32
      %parallel_loop3A_252 = arith.addi %parallel_loop3A_251, %parallel_loop3A_250 : i32
      %parallel_loop3A_253 = tpu.iota {dimensions = array<i32: 0>} : vector<16xi32>
      %parallel_loop3A_254 = vector.broadcast %parallel_loop3A_252 : i32 to vector<16xi32>
      %parallel_loop3A_255 = arith.addi %parallel_loop3A_254, %parallel_loop3A_253 : vector<16xi32>
      %parallel_loop3A_256 = arith.constant 7 : i32
      %parallel_loop3A_257 = vector.broadcast %parallel_loop3A_256 : i32 to vector<16xi32>
      %parallel_loop3A_258 = arith.muli %parallel_loop3A_255, %parallel_loop3A_257 : vector<16xi32>
      %parallel_loop3A_259 = tpu.vector_load_idx %arg4[%parallel_loop3A_258] : memref<32768xf32, #tpu.memory_space<vmem>>[vector<16xi32>], vector<16xf32>,
      %parallel_loop3A_260 = arith.constant 0 : i32
      %parallel_loop3A_261 = vector.broadcast %parallel_loop3A_260 : i32 to vector<16xi32>
      %parallel_loop3A_262 = arith.constant 1 : i32
      %parallel_loop3A_263 = vector.broadcast %parallel_loop3A_262 : i32 to vector<16xi32>
      %parallel_loop3A_264 = arith.addi %parallel_loop3A_258, %parallel_loop3A_263 : vector<16xi32>
      %parallel_loop3A_265 = tpu.vector_load_idx %arg4[%parallel_loop3A_264] : memref<32768xf32, #tpu.memory_space<vmem>>[vector<16xi32>], vector<16xf32>,
      %parallel_loop3A_266 = arith.cmpf ogt, %parallel_loop3A_265, %parallel_loop3A_259 : vector<16xf32>
      %parallel_loop3A_267 = arith.select %parallel_loop3A_266, %parallel_loop3A_265, %parallel_loop3A_259 : vector<16xi1>, vector<16xf32>
      %parallel_loop3A_268 = arith.constant 1 : i32
      %parallel_loop3A_269 = vector.broadcast %parallel_loop3A_268 : i32 to vector<16xi32>
      %parallel_loop3A_270 = arith.select %parallel_loop3A_266, %parallel_loop3A_269, %parallel_loop3A_261 : vector<16xi1>, vector<16xi32>
      %parallel_loop3A_271 = arith.constant 2 : i32
      %parallel_loop3A_272 = vector.broadcast %parallel_loop3A_271 : i32 to vector<16xi32>
      %parallel_loop3A_273 = arith.addi %parallel_loop3A_258, %parallel_loop3A_272 : vector<16xi32>
      %parallel_loop3A_274 = tpu.vector_load_idx %arg4[%parallel_loop3A_273] : memref<32768xf32, #tpu.memory_space<vmem>>[vector<16xi32>], vector<16xf32>,
      %parallel_loop3A_275 = arith.cmpf ogt, %parallel_loop3A_274, %parallel_loop3A_267 : vector<16xf32>
      %parallel_loop3A_276 = arith.select %parallel_loop3A_275, %parallel_loop3A_274, %parallel_loop3A_267 : vector<16xi1>, vector<16xf32>
      %parallel_loop3A_277 = arith.constant 2 : i32
      %parallel_loop3A_278 = vector.broadcast %parallel_loop3A_277 : i32 to vector<16xi32>
      %parallel_loop3A_279 = arith.select %parallel_loop3A_275, %parallel_loop3A_278, %parallel_loop3A_270 : vector<16xi1>, vector<16xi32>
      %parallel_loop3A_280 = arith.constant 3 : i32
      %parallel_loop3A_281 = vector.broadcast %parallel_loop3A_280 : i32 to vector<16xi32>
      %parallel_loop3A_282 = arith.addi %parallel_loop3A_258, %parallel_loop3A_281 : vector<16xi32>
      %parallel_loop3A_283 = tpu.vector_load_idx %arg4[%parallel_loop3A_282] : memref<32768xf32, #tpu.memory_space<vmem>>[vector<16xi32>], vector<16xf32>,
      %parallel_loop3A_284 = arith.cmpf ogt, %parallel_loop3A_283, %parallel_loop3A_276 : vector<16xf32>
      %parallel_loop3A_285 = arith.select %parallel_loop3A_284, %parallel_loop3A_283, %parallel_loop3A_276 : vector<16xi1>, vector<16xf32>
      %parallel_loop3A_286 = arith.constant 3 : i32
      %parallel_loop3A_287 = vector.broadcast %parallel_loop3A_286 : i32 to vector<16xi32>
      %parallel_loop3A_288 = arith.select %parallel_loop3A_284, %parallel_loop3A_287, %parallel_loop3A_279 : vector<16xi1>, vector<16xi32>
      %parallel_loop3A_289 = arith.constant 4 : i32
      %parallel_loop3A_290 = vector.broadcast %parallel_loop3A_289 : i32 to vector<16xi32>
      %parallel_loop3A_291 = arith.addi %parallel_loop3A_258, %parallel_loop3A_290 : vector<16xi32>
      %parallel_loop3A_292 = tpu.vector_load_idx %arg4[%parallel_loop3A_291] : memref<32768xf32, #tpu.memory_space<vmem>>[vector<16xi32>], vector<16xf32>,
      %parallel_loop3A_293 = arith.cmpf ogt, %parallel_loop3A_292, %parallel_loop3A_285 : vector<16xf32>
      %parallel_loop3A_294 = arith.select %parallel_loop3A_293, %parallel_loop3A_292, %parallel_loop3A_285 : vector<16xi1>, vector<16xf32>
      %parallel_loop3A_295 = arith.constant 4 : i32
      %parallel_loop3A_296 = vector.broadcast %parallel_loop3A_295 : i32 to vector<16xi32>
      %parallel_loop3A_297 = arith.select %parallel_loop3A_293, %parallel_loop3A_296, %parallel_loop3A_288 : vector<16xi1>, vector<16xi32>
      %parallel_loop3A_298 = arith.constant 5 : i32
      %parallel_loop3A_299 = vector.broadcast %parallel_loop3A_298 : i32 to vector<16xi32>
      %parallel_loop3A_300 = arith.addi %parallel_loop3A_258, %parallel_loop3A_299 : vector<16xi32>
      %parallel_loop3A_301 = tpu.vector_load_idx %arg4[%parallel_loop3A_300] : memref<32768xf32, #tpu.memory_space<vmem>>[vector<16xi32>], vector<16xf32>,
      %parallel_loop3A_302 = arith.cmpf ogt, %parallel_loop3A_301, %parallel_loop3A_294 : vector<16xf32>
      %parallel_loop3A_303 = arith.select %parallel_loop3A_302, %parallel_loop3A_301, %parallel_loop3A_294 : vector<16xi1>, vector<16xf32>
      %parallel_loop3A_304 = arith.constant 5 : i32
      %parallel_loop3A_305 = vector.broadcast %parallel_loop3A_304 : i32 to vector<16xi32>
      %parallel_loop3A_306 = arith.select %parallel_loop3A_302, %parallel_loop3A_305, %parallel_loop3A_297 : vector<16xi1>, vector<16xi32>
      %parallel_loop3A_307 = arith.constant 6 : i32
      %parallel_loop3A_308 = vector.broadcast %parallel_loop3A_307 : i32 to vector<16xi32>
      %parallel_loop3A_309 = arith.addi %parallel_loop3A_258, %parallel_loop3A_308 : vector<16xi32>
      %parallel_loop3A_310 = tpu.vector_load_idx %arg4[%parallel_loop3A_309] : memref<32768xf32, #tpu.memory_space<vmem>>[vector<16xi32>], vector<16xf32>,
      %parallel_loop3A_311 = arith.cmpf ogt, %parallel_loop3A_310, %parallel_loop3A_303 : vector<16xf32>
      %parallel_loop3A_312 = arith.select %parallel_loop3A_311, %parallel_loop3A_310, %parallel_loop3A_303 : vector<16xi1>, vector<16xf32>
      %parallel_loop3A_313 = arith.constant 6 : i32
      %parallel_loop3A_314 = vector.broadcast %parallel_loop3A_313 : i32 to vector<16xi32>
      %parallel_loop3A_315 = arith.select %parallel_loop3A_311, %parallel_loop3A_314, %parallel_loop3A_306 : vector<16xi1>, vector<16xi32>
      %parallel_loop3A_316 = arith.constant 7 : i32
      %parallel_loop3A_317 = vector.broadcast %parallel_loop3A_316 : i32 to vector<16xi32>
      %parallel_loop3A_318 = arith.addi %parallel_loop3A_258, %parallel_loop3A_317 : vector<16xi32>
      %parallel_loop3A_319 = tpu.vector_load_idx %arg4[%parallel_loop3A_318] : memref<32768xf32, #tpu.memory_space<vmem>>[vector<16xi32>], vector<16xf32>,
      %parallel_loop3A_320 = arith.cmpf ogt, %parallel_loop3A_319, %parallel_loop3A_312 : vector<16xf32>
      %parallel_loop3A_321 = arith.select %parallel_loop3A_320, %parallel_loop3A_319, %parallel_loop3A_312 : vector<16xi1>, vector<16xf32>
      %parallel_loop3A_322 = arith.constant 7 : i32
      %parallel_loop3A_323 = vector.broadcast %parallel_loop3A_322 : i32 to vector<16xi32>
      %parallel_loop3A_324 = arith.select %parallel_loop3A_320, %parallel_loop3A_323, %parallel_loop3A_315 : vector<16xi1>, vector<16xi32>
      %parallel_loop3A_325 = arith.constant 8 : i32
      %parallel_loop3A_326 = vector.broadcast %parallel_loop3A_325 : i32 to vector<16xi32>
      %parallel_loop3A_327 = arith.muli %parallel_loop3A_255, %parallel_loop3A_326 : vector<16xi32>
      %parallel_loop3A_328 = arith.addi %parallel_loop3A_327, %parallel_loop3A_324 : vector<16xi32>
      %parallel_loop3A_329 = tpu.vector_load_idx %arg4[%parallel_loop3A_328] : memref<32768xf32, #tpu.memory_space<vmem>>[vector<16xi32>], vector<16xf32>,
      %parallel_loop3A_330 = arith.constant 16384 : i32
      %parallel_loop3A_331 = vector.broadcast %parallel_loop3A_330 : i32 to vector<16xi32>
      %parallel_loop3A_332 = arith.subi %parallel_loop3A_328, %parallel_loop3A_331 : vector<16xi32>
      tpu.vector_store_idx %arg7[%parallel_loop3A_332], %parallel_loop3A_329 : memref<16384xf32, #tpu.memory_space<vmem>>[vector<16xi32>], vector<16xf32>,
    } {sc.loop_unroll_factor = 4 : i64, sc.parallel_access}
    %dma_start3A_140 = arith.constant 16384 : i32
    %dma_start3A_141 = tpu.memref_slice %arg3[%add3A_109, %dma_start3A_140] : memref<128x32768xf32, #tpu.memory_space<hbm>> -> memref<1x16384xf32, #tpu.memory_space<hbm>>
    %dma_start3A_142 = tpu.memref_squeeze %dma_start3A_141 : memref<1x16384xf32, #tpu.memory_space<hbm>> -> memref<16384xf32, #tpu.memory_space<hbm>>
    %dma_start3A_143 = arith.constant 16384 : i32
    %dma_start3A_144 = tpu.memref_slice %arg3[%add3A_109, %dma_start3A_143] : memref<128x32768xf32, #tpu.memory_space<hbm>> -> memref<1x16384xf32, #tpu.memory_space<hbm>>
    %dma_start3A_145 = tpu.memref_squeeze %dma_start3A_144 : memref<1x16384xf32, #tpu.memory_space<hbm>> -> memref<16384xf32, #tpu.memory_space<hbm>>
    tpu.enqueue_dma source(%arg7 : memref<16384xf32, #tpu.memory_space<vmem>>) target(%dma_start3A_145 : memref<16384xf32, #tpu.memory_space<hbm>>) target_semaphore(%arg11 : memref<!tpu.dma_semaphore, #tpu.memory_space<semaphore_mem>>)
    %mul3A_146 = arith.constant 4 : i32
    %mul3A_147 = arith.muli %add3A, %mul3A_146 : i32
    %add3A_148 = arith.constant 3 : i32
    %add3A_149 = arith.addi %mul3A_147, %add3A_148 : i32
    %dma_wait3A_150 = arith.constant 0 : i32
    %dma_wait3A_151 = tpu.memref_slice %arg3[%add3A_109, %dma_wait3A_150] : memref<128x32768xf32, #tpu.memory_space<hbm>> -> memref<1x16384xf32, #tpu.memory_space<hbm>>
    %dma_wait3A_152 = tpu.memref_squeeze %dma_wait3A_151 : memref<1x16384xf32, #tpu.memory_space<hbm>> -> memref<16384xf32, #tpu.memory_space<hbm>>
    %dma_wait3A_153 = arith.constant 0 : i32
    %dma_wait3A_154 = tpu.memref_slice %arg3[%add3A_109, %dma_wait3A_153] : memref<128x32768xf32, #tpu.memory_space<hbm>> -> memref<1x16384xf32, #tpu.memory_space<hbm>>
    %dma_wait3A_155 = tpu.memref_squeeze %dma_wait3A_154 : memref<1x16384xf32, #tpu.memory_space<hbm>> -> memref<16384xf32, #tpu.memory_space<hbm>>
    tpu.wait_dma2 semaphore(%arg10 : memref<!tpu.dma_semaphore, #tpu.memory_space<semaphore_mem>>) src(%arg6 : memref<16384xf32, #tpu.memory_space<vmem>>) dst(%dma_wait3A_155 : memref<16384xf32, #tpu.memory_space<hbm>>)
    %dma_wait3A_156 = arith.constant 0 : i32
    %dma_wait3A_157 = tpu.memref_slice %arg2[%add3A_99, %dma_wait3A_156] : memref<128x32768xf32, #tpu.memory_space<hbm>> -> memref<1x32768xf32, #tpu.memory_space<hbm>>
    %dma_wait3A_158 = tpu.memref_squeeze %dma_wait3A_157 : memref<1x32768xf32, #tpu.memory_space<hbm>> -> memref<32768xf32, #tpu.memory_space<hbm>>
    %dma_wait3A_159 = arith.constant 0 : i32
    %dma_wait3A_160 = tpu.memref_slice %arg2[%add3A_99, %dma_wait3A_159] : memref<128x32768xf32, #tpu.memory_space<hbm>> -> memref<1x32768xf32, #tpu.memory_space<hbm>>
    %dma_wait3A_161 = tpu.memref_squeeze %dma_wait3A_160 : memref<1x32768xf32, #tpu.memory_space<hbm>> -> memref<32768xf32, #tpu.memory_space<hbm>>
    tpu.wait_dma2 semaphore(%arg9 : memref<!tpu.dma_semaphore, #tpu.memory_space<semaphore_mem>>) src(%dma_wait3A_161 : memref<32768xf32, #tpu.memory_space<hbm>>) dst(%arg5 : memref<32768xf32, #tpu.memory_space<vmem>>)
    %parallel_loop3A_162 = arith.constant 0 : i32
    %parallel_loop3A_163 = arith.constant 128 : i32
    %parallel_loop3A_164 = arith.constant 1 : i32
    scf.for %parallel_loop3A_198 = %parallel_loop3A_162 to %parallel_loop3A_163 step %parallel_loop3A_164  : i32 {
      %parallel_loop3A_199 = arith.constant 0.000000e+00 : f32
      %parallel_loop3A_200 = vector.broadcast %parallel_loop3A_199 : f32 to vector<16xf32>
      %parallel_loop3A_201 = arith.constant 128 : i32
      %parallel_loop3A_202 = arith.muli %parallel_loop3A_198, %parallel_loop3A_201 : i32
      %parallel_loop3A_203 = arith.constant 0 : i32
      %parallel_loop3A_204 = arith.addi %parallel_loop3A_202, %parallel_loop3A_203 : i32
      %parallel_loop3A_205 = arith.index_cast %parallel_loop3A_204 : i32 to index
      %parallel_loop3A_206 = tpu.vector_load %arg6[%parallel_loop3A_205] {strides = array<i32>} : memref<16384xf32, #tpu.memory_space<vmem>>, vector<16xf32>,
      tpu.vector_store %arg6[%parallel_loop3A_205], %parallel_loop3A_200 {strides = array<i32>} : memref<16384xf32, #tpu.memory_space<vmem>>, vector<16xf32>,
      %parallel_loop3A_207 = arith.constant 128 : i32
      %parallel_loop3A_208 = arith.muli %parallel_loop3A_198, %parallel_loop3A_207 : i32
      %parallel_loop3A_209 = arith.constant 16 : i32
      %parallel_loop3A_210 = arith.addi %parallel_loop3A_208, %parallel_loop3A_209 : i32
      %parallel_loop3A_211 = arith.index_cast %parallel_loop3A_210 : i32 to index
      %parallel_loop3A_212 = tpu.vector_load %arg6[%parallel_loop3A_211] {strides = array<i32>} : memref<16384xf32, #tpu.memory_space<vmem>>, vector<16xf32>,
      tpu.vector_store %arg6[%parallel_loop3A_211], %parallel_loop3A_200 {strides = array<i32>} : memref<16384xf32, #tpu.memory_space<vmem>>, vector<16xf32>,
      %parallel_loop3A_213 = arith.constant 128 : i32
      %parallel_loop3A_214 = arith.muli %parallel_loop3A_198, %parallel_loop3A_213 : i32
      %parallel_loop3A_215 = arith.constant 32 : i32
      %parallel_loop3A_216 = arith.addi %parallel_loop3A_214, %parallel_loop3A_215 : i32
      %parallel_loop3A_217 = arith.index_cast %parallel_loop3A_216 : i32 to index
      %parallel_loop3A_218 = tpu.vector_load %arg6[%parallel_loop3A_217] {strides = array<i32>} : memref<16384xf32, #tpu.memory_space<vmem>>, vector<16xf32>,
      tpu.vector_store %arg6[%parallel_loop3A_217], %parallel_loop3A_200 {strides = array<i32>} : memref<16384xf32, #tpu.memory_space<vmem>>, vector<16xf32>,
      %parallel_loop3A_219 = arith.constant 128 : i32
      %parallel_loop3A_220 = arith.muli %parallel_loop3A_198, %parallel_loop3A_219 : i32
      %parallel_loop3A_221 = arith.constant 48 : i32
      %parallel_loop3A_222 = arith.addi %parallel_loop3A_220, %parallel_loop3A_221 : i32
      %parallel_loop3A_223 = arith.index_cast %parallel_loop3A_222 : i32 to index
      %parallel_loop3A_224 = tpu.vector_load %arg6[%parallel_loop3A_223] {strides = array<i32>} : memref<16384xf32, #tpu.memory_space<vmem>>, vector<16xf32>,
      tpu.vector_store %arg6[%parallel_loop3A_223], %parallel_loop3A_200 {strides = array<i32>} : memref<16384xf32, #tpu.memory_space<vmem>>, vector<16xf32>,
      %parallel_loop3A_225 = arith.constant 128 : i32
      %parallel_loop3A_226 = arith.muli %parallel_loop3A_198, %parallel_loop3A_225 : i32
      %parallel_loop3A_227 = arith.constant 64 : i32
      %parallel_loop3A_228 = arith.addi %parallel_loop3A_226, %parallel_loop3A_227 : i32
      %parallel_loop3A_229 = arith.index_cast %parallel_loop3A_228 : i32 to index
      %parallel_loop3A_230 = tpu.vector_load %arg6[%parallel_loop3A_229] {strides = array<i32>} : memref<16384xf32, #tpu.memory_space<vmem>>, vector<16xf32>,
      tpu.vector_store %arg6[%parallel_loop3A_229], %parallel_loop3A_200 {strides = array<i32>} : memref<16384xf32, #tpu.memory_space<vmem>>, vector<16xf32>,
      %parallel_loop3A_231 = arith.constant 128 : i32
      %parallel_loop3A_232 = arith.muli %parallel_loop3A_198, %parallel_loop3A_231 : i32
      %parallel_loop3A_233 = arith.constant 80 : i32
      %parallel_loop3A_234 = arith.addi %parallel_loop3A_232, %parallel_loop3A_233 : i32
      %parallel_loop3A_235 = arith.index_cast %parallel_loop3A_234 : i32 to index
      %parallel_loop3A_236 = tpu.vector_load %arg6[%parallel_loop3A_235] {strides = array<i32>} : memref<16384xf32, #tpu.memory_space<vmem>>, vector<16xf32>,
      tpu.vector_store %arg6[%parallel_loop3A_235], %parallel_loop3A_200 {strides = array<i32>} : memref<16384xf32, #tpu.memory_space<vmem>>, vector<16xf32>,
      %parallel_loop3A_237 = arith.constant 128 : i32
      %parallel_loop3A_238 = arith.muli %parallel_loop3A_198, %parallel_loop3A_237 : i32
      %parallel_loop3A_239 = arith.constant 96 : i32
      %parallel_loop3A_240 = arith.addi %parallel_loop3A_238, %parallel_loop3A_239 : i32
      %parallel_loop3A_241 = arith.index_cast %parallel_loop3A_240 : i32 to index
      %parallel_loop3A_242 = tpu.vector_load %arg6[%parallel_loop3A_241] {strides = array<i32>} : memref<16384xf32, #tpu.memory_space<vmem>>, vector<16xf32>,
      tpu.vector_store %arg6[%parallel_loop3A_241], %parallel_loop3A_200 {strides = array<i32>} : memref<16384xf32, #tpu.memory_space<vmem>>, vector<16xf32>,
      %parallel_loop3A_243 = arith.constant 128 : i32
      %parallel_loop3A_244 = arith.muli %parallel_loop3A_198, %parallel_loop3A_243 : i32
      %parallel_loop3A_245 = arith.constant 112 : i32
      %parallel_loop3A_246 = arith.addi %parallel_loop3A_244, %parallel_loop3A_245 : i32
      %parallel_loop3A_247 = arith.index_cast %parallel_loop3A_246 : i32 to index
      %parallel_loop3A_248 = tpu.vector_load %arg6[%parallel_loop3A_247] {strides = array<i32>} : memref<16384xf32, #tpu.memory_space<vmem>>, vector<16xf32>,
      tpu.vector_store %arg6[%parallel_loop3A_247], %parallel_loop3A_200 {strides = array<i32>} : memref<16384xf32, #tpu.memory_space<vmem>>, vector<16xf32>,
      %parallel_loop3A_249 = arith.constant 16 : i32
      %parallel_loop3A_250 = arith.muli %parallel_loop3A_198, %parallel_loop3A_249 : i32
      %parallel_loop3A_251 = arith.constant 0 : i32
      %parallel_loop3A_252 = arith.addi %parallel_loop3A_251, %parallel_loop3A_250 : i32
      %parallel_loop3A_253 = tpu.iota {dimensions = array<i32: 0>} : vector<16xi32>
      %parallel_loop3A_254 = vector.broadcast %parallel_loop3A_252 : i32 to vector<16xi32>
      %parallel_loop3A_255 = arith.addi %parallel_loop3A_254, %parallel_loop3A_253 : vector<16xi32>
      %parallel_loop3A_256 = arith.constant 7 : i32
      %parallel_loop3A_257 = vector.broadcast %parallel_loop3A_256 : i32 to vector<16xi32>
      %parallel_loop3A_258 = arith.muli %parallel_loop3A_255, %parallel_loop3A_257 : vector<16xi32>
      %parallel_loop3A_259 = tpu.vector_load_idx %arg5[%parallel_loop3A_258] : memref<32768xf32, #tpu.memory_space<vmem>>[vector<16xi32>], vector<16xf32>,
      %parallel_loop3A_260 = arith.constant 0 : i32
      %parallel_loop3A_261 = vector.broadcast %parallel_loop3A_260 : i32 to vector<16xi32>
      %parallel_loop3A_262 = arith.constant 1 : i32
      %parallel_loop3A_263 = vector.broadcast %parallel_loop3A_262 : i32 to vector<16xi32>
      %parallel_loop3A_264 = arith.addi %parallel_loop3A_258, %parallel_loop3A_263 : vector<16xi32>
      %parallel_loop3A_265 = tpu.vector_load_idx %arg5[%parallel_loop3A_264] : memref<32768xf32, #tpu.memory_space<vmem>>[vector<16xi32>], vector<16xf32>,
      %parallel_loop3A_266 = arith.cmpf ogt, %parallel_loop3A_265, %parallel_loop3A_259 : vector<16xf32>
      %parallel_loop3A_267 = arith.select %parallel_loop3A_266, %parallel_loop3A_265, %parallel_loop3A_259 : vector<16xi1>, vector<16xf32>
      %parallel_loop3A_268 = arith.constant 1 : i32
      %parallel_loop3A_269 = vector.broadcast %parallel_loop3A_268 : i32 to vector<16xi32>
      %parallel_loop3A_270 = arith.select %parallel_loop3A_266, %parallel_loop3A_269, %parallel_loop3A_261 : vector<16xi1>, vector<16xi32>
      %parallel_loop3A_271 = arith.constant 2 : i32
      %parallel_loop3A_272 = vector.broadcast %parallel_loop3A_271 : i32 to vector<16xi32>
      %parallel_loop3A_273 = arith.addi %parallel_loop3A_258, %parallel_loop3A_272 : vector<16xi32>
      %parallel_loop3A_274 = tpu.vector_load_idx %arg5[%parallel_loop3A_273] : memref<32768xf32, #tpu.memory_space<vmem>>[vector<16xi32>], vector<16xf32>,
      %parallel_loop3A_275 = arith.cmpf ogt, %parallel_loop3A_274, %parallel_loop3A_267 : vector<16xf32>
      %parallel_loop3A_276 = arith.select %parallel_loop3A_275, %parallel_loop3A_274, %parallel_loop3A_267 : vector<16xi1>, vector<16xf32>
      %parallel_loop3A_277 = arith.constant 2 : i32
      %parallel_loop3A_278 = vector.broadcast %parallel_loop3A_277 : i32 to vector<16xi32>
      %parallel_loop3A_279 = arith.select %parallel_loop3A_275, %parallel_loop3A_278, %parallel_loop3A_270 : vector<16xi1>, vector<16xi32>
      %parallel_loop3A_280 = arith.constant 3 : i32
      %parallel_loop3A_281 = vector.broadcast %parallel_loop3A_280 : i32 to vector<16xi32>
      %parallel_loop3A_282 = arith.addi %parallel_loop3A_258, %parallel_loop3A_281 : vector<16xi32>
      %parallel_loop3A_283 = tpu.vector_load_idx %arg5[%parallel_loop3A_282] : memref<32768xf32, #tpu.memory_space<vmem>>[vector<16xi32>], vector<16xf32>,
      %parallel_loop3A_284 = arith.cmpf ogt, %parallel_loop3A_283, %parallel_loop3A_276 : vector<16xf32>
      %parallel_loop3A_285 = arith.select %parallel_loop3A_284, %parallel_loop3A_283, %parallel_loop3A_276 : vector<16xi1>, vector<16xf32>
      %parallel_loop3A_286 = arith.constant 3 : i32
      %parallel_loop3A_287 = vector.broadcast %parallel_loop3A_286 : i32 to vector<16xi32>
      %parallel_loop3A_288 = arith.select %parallel_loop3A_284, %parallel_loop3A_287, %parallel_loop3A_279 : vector<16xi1>, vector<16xi32>
      %parallel_loop3A_289 = arith.constant 4 : i32
      %parallel_loop3A_290 = vector.broadcast %parallel_loop3A_289 : i32 to vector<16xi32>
      %parallel_loop3A_291 = arith.addi %parallel_loop3A_258, %parallel_loop3A_290 : vector<16xi32>
      %parallel_loop3A_292 = tpu.vector_load_idx %arg5[%parallel_loop3A_291] : memref<32768xf32, #tpu.memory_space<vmem>>[vector<16xi32>], vector<16xf32>,
      %parallel_loop3A_293 = arith.cmpf ogt, %parallel_loop3A_292, %parallel_loop3A_285 : vector<16xf32>
      %parallel_loop3A_294 = arith.select %parallel_loop3A_293, %parallel_loop3A_292, %parallel_loop3A_285 : vector<16xi1>, vector<16xf32>
      %parallel_loop3A_295 = arith.constant 4 : i32
      %parallel_loop3A_296 = vector.broadcast %parallel_loop3A_295 : i32 to vector<16xi32>
      %parallel_loop3A_297 = arith.select %parallel_loop3A_293, %parallel_loop3A_296, %parallel_loop3A_288 : vector<16xi1>, vector<16xi32>
      %parallel_loop3A_298 = arith.constant 5 : i32
      %parallel_loop3A_299 = vector.broadcast %parallel_loop3A_298 : i32 to vector<16xi32>
      %parallel_loop3A_300 = arith.addi %parallel_loop3A_258, %parallel_loop3A_299 : vector<16xi32>
      %parallel_loop3A_301 = tpu.vector_load_idx %arg5[%parallel_loop3A_300] : memref<32768xf32, #tpu.memory_space<vmem>>[vector<16xi32>], vector<16xf32>,
      %parallel_loop3A_302 = arith.cmpf ogt, %parallel_loop3A_301, %parallel_loop3A_294 : vector<16xf32>
      %parallel_loop3A_303 = arith.select %parallel_loop3A_302, %parallel_loop3A_301, %parallel_loop3A_294 : vector<16xi1>, vector<16xf32>
      %parallel_loop3A_304 = arith.constant 5 : i32
      %parallel_loop3A_305 = vector.broadcast %parallel_loop3A_304 : i32 to vector<16xi32>
      %parallel_loop3A_306 = arith.select %parallel_loop3A_302, %parallel_loop3A_305, %parallel_loop3A_297 : vector<16xi1>, vector<16xi32>
      %parallel_loop3A_307 = arith.constant 6 : i32
      %parallel_loop3A_308 = vector.broadcast %parallel_loop3A_307 : i32 to vector<16xi32>
      %parallel_loop3A_309 = arith.addi %parallel_loop3A_258, %parallel_loop3A_308 : vector<16xi32>
      %parallel_loop3A_310 = tpu.vector_load_idx %arg5[%parallel_loop3A_309] : memref<32768xf32, #tpu.memory_space<vmem>>[vector<16xi32>], vector<16xf32>,
      %parallel_loop3A_311 = arith.cmpf ogt, %parallel_loop3A_310, %parallel_loop3A_303 : vector<16xf32>
      %parallel_loop3A_312 = arith.select %parallel_loop3A_311, %parallel_loop3A_310, %parallel_loop3A_303 : vector<16xi1>, vector<16xf32>
      %parallel_loop3A_313 = arith.constant 6 : i32
      %parallel_loop3A_314 = vector.broadcast %parallel_loop3A_313 : i32 to vector<16xi32>
      %parallel_loop3A_315 = arith.select %parallel_loop3A_311, %parallel_loop3A_314, %parallel_loop3A_306 : vector<16xi1>, vector<16xi32>
      %parallel_loop3A_316 = arith.constant 7 : i32
      %parallel_loop3A_317 = vector.broadcast %parallel_loop3A_316 : i32 to vector<16xi32>
      %parallel_loop3A_318 = arith.addi %parallel_loop3A_258, %parallel_loop3A_317 : vector<16xi32>
      %parallel_loop3A_319 = tpu.vector_load_idx %arg5[%parallel_loop3A_318] : memref<32768xf32, #tpu.memory_space<vmem>>[vector<16xi32>], vector<16xf32>,
      %parallel_loop3A_320 = arith.cmpf ogt, %parallel_loop3A_319, %parallel_loop3A_312 : vector<16xf32>
      %parallel_loop3A_321 = arith.select %parallel_loop3A_320, %parallel_loop3A_319, %parallel_loop3A_312 : vector<16xi1>, vector<16xf32>
      %parallel_loop3A_322 = arith.constant 7 : i32
      %parallel_loop3A_323 = vector.broadcast %parallel_loop3A_322 : i32 to vector<16xi32>
      %parallel_loop3A_324 = arith.select %parallel_loop3A_320, %parallel_loop3A_323, %parallel_loop3A_315 : vector<16xi1>, vector<16xi32>
      %parallel_loop3A_325 = arith.constant 8 : i32
      %parallel_loop3A_326 = vector.broadcast %parallel_loop3A_325 : i32 to vector<16xi32>
      %parallel_loop3A_327 = arith.muli %parallel_loop3A_255, %parallel_loop3A_326 : vector<16xi32>
      %parallel_loop3A_328 = arith.addi %parallel_loop3A_327, %parallel_loop3A_324 : vector<16xi32>
      %parallel_loop3A_329 = tpu.vector_load_idx %arg5[%parallel_loop3A_328] : memref<32768xf32, #tpu.memory_space<vmem>>[vector<16xi32>], vector<16xf32>,
      %parallel_loop3A_330 = arith.constant 0 : i32
      %parallel_loop3A_331 = vector.broadcast %parallel_loop3A_330 : i32 to vector<16xi32>
      %parallel_loop3A_332 = arith.subi %parallel_loop3A_328, %parallel_loop3A_331 : vector<16xi32>
      tpu.vector_store_idx %arg6[%parallel_loop3A_332], %parallel_loop3A_329 : memref<16384xf32, #tpu.memory_space<vmem>>[vector<16xi32>], vector<16xf32>,
    } {sc.loop_unroll_factor = 4 : i64, sc.parallel_access}
    %dma_start3A_165 = arith.constant 0 : i32
    %dma_start3A_166 = tpu.memref_slice %arg3[%add3A_149, %dma_start3A_165] : memref<128x32768xf32, #tpu.memory_space<hbm>> -> memref<1x16384xf32, #tpu.memory_space<hbm>>
    %dma_start3A_167 = tpu.memref_squeeze %dma_start3A_166 : memref<1x16384xf32, #tpu.memory_space<hbm>> -> memref<16384xf32, #tpu.memory_space<hbm>>
    %dma_start3A_168 = arith.constant 0 : i32
    %dma_start3A_169 = tpu.memref_slice %arg3[%add3A_149, %dma_start3A_168] : memref<128x32768xf32, #tpu.memory_space<hbm>> -> memref<1x16384xf32, #tpu.memory_space<hbm>>
    %dma_start3A_170 = tpu.memref_squeeze %dma_start3A_169 : memref<1x16384xf32, #tpu.memory_space<hbm>> -> memref<16384xf32, #tpu.memory_space<hbm>>
    tpu.enqueue_dma source(%arg6 : memref<16384xf32, #tpu.memory_space<vmem>>) target(%dma_start3A_170 : memref<16384xf32, #tpu.memory_space<hbm>>) target_semaphore(%arg10 : memref<!tpu.dma_semaphore, #tpu.memory_space<semaphore_mem>>)
    %dma_wait3A_171 = arith.constant 16384 : i32
    %dma_wait3A_172 = tpu.memref_slice %arg3[%add3A_109, %dma_wait3A_171] : memref<128x32768xf32, #tpu.memory_space<hbm>> -> memref<1x16384xf32, #tpu.memory_space<hbm>>
    %dma_wait3A_173 = tpu.memref_squeeze %dma_wait3A_172 : memref<1x16384xf32, #tpu.memory_space<hbm>> -> memref<16384xf32, #tpu.memory_space<hbm>>
    %dma_wait3A_174 = arith.constant 16384 : i32
    %dma_wait3A_175 = tpu.memref_slice %arg3[%add3A_109, %dma_wait3A_174] : memref<128x32768xf32, #tpu.memory_space<hbm>> -> memref<1x16384xf32, #tpu.memory_space<hbm>>
    %dma_wait3A_176 = tpu.memref_squeeze %dma_wait3A_175 : memref<1x16384xf32, #tpu.memory_space<hbm>> -> memref<16384xf32, #tpu.memory_space<hbm>>
    tpu.wait_dma2 semaphore(%arg11 : memref<!tpu.dma_semaphore, #tpu.memory_space<semaphore_mem>>) src(%arg7 : memref<16384xf32, #tpu.memory_space<vmem>>) dst(%dma_wait3A_176 : memref<16384xf32, #tpu.memory_space<hbm>>)
    %parallel_loop3A_177 = arith.constant 0 : i32
    %parallel_loop3A_178 = arith.constant 128 : i32
    %parallel_loop3A_179 = arith.constant 1 : i32
    scf.for %parallel_loop3A_198 = %parallel_loop3A_177 to %parallel_loop3A_178 step %parallel_loop3A_179  : i32 {
      %parallel_loop3A_199 = arith.constant 0.000000e+00 : f32
      %parallel_loop3A_200 = vector.broadcast %parallel_loop3A_199 : f32 to vector<16xf32>
      %parallel_loop3A_201 = arith.constant 128 : i32
      %parallel_loop3A_202 = arith.muli %parallel_loop3A_198, %parallel_loop3A_201 : i32
      %parallel_loop3A_203 = arith.constant 0 : i32
      %parallel_loop3A_204 = arith.addi %parallel_loop3A_202, %parallel_loop3A_203 : i32
      %parallel_loop3A_205 = arith.index_cast %parallel_loop3A_204 : i32 to index
      %parallel_loop3A_206 = tpu.vector_load %arg7[%parallel_loop3A_205] {strides = array<i32>} : memref<16384xf32, #tpu.memory_space<vmem>>, vector<16xf32>,
      tpu.vector_store %arg7[%parallel_loop3A_205], %parallel_loop3A_200 {strides = array<i32>} : memref<16384xf32, #tpu.memory_space<vmem>>, vector<16xf32>,
      %parallel_loop3A_207 = arith.constant 128 : i32
      %parallel_loop3A_208 = arith.muli %parallel_loop3A_198, %parallel_loop3A_207 : i32
      %parallel_loop3A_209 = arith.constant 16 : i32
      %parallel_loop3A_210 = arith.addi %parallel_loop3A_208, %parallel_loop3A_209 : i32
      %parallel_loop3A_211 = arith.index_cast %parallel_loop3A_210 : i32 to index
      %parallel_loop3A_212 = tpu.vector_load %arg7[%parallel_loop3A_211] {strides = array<i32>} : memref<16384xf32, #tpu.memory_space<vmem>>, vector<16xf32>,
      tpu.vector_store %arg7[%parallel_loop3A_211], %parallel_loop3A_200 {strides = array<i32>} : memref<16384xf32, #tpu.memory_space<vmem>>, vector<16xf32>,
      %parallel_loop3A_213 = arith.constant 128 : i32
      %parallel_loop3A_214 = arith.muli %parallel_loop3A_198, %parallel_loop3A_213 : i32
      %parallel_loop3A_215 = arith.constant 32 : i32
      %parallel_loop3A_216 = arith.addi %parallel_loop3A_214, %parallel_loop3A_215 : i32
      %parallel_loop3A_217 = arith.index_cast %parallel_loop3A_216 : i32 to index
      %parallel_loop3A_218 = tpu.vector_load %arg7[%parallel_loop3A_217] {strides = array<i32>} : memref<16384xf32, #tpu.memory_space<vmem>>, vector<16xf32>,
      tpu.vector_store %arg7[%parallel_loop3A_217], %parallel_loop3A_200 {strides = array<i32>} : memref<16384xf32, #tpu.memory_space<vmem>>, vector<16xf32>,
      %parallel_loop3A_219 = arith.constant 128 : i32
      %parallel_loop3A_220 = arith.muli %parallel_loop3A_198, %parallel_loop3A_219 : i32
      %parallel_loop3A_221 = arith.constant 48 : i32
      %parallel_loop3A_222 = arith.addi %parallel_loop3A_220, %parallel_loop3A_221 : i32
      %parallel_loop3A_223 = arith.index_cast %parallel_loop3A_222 : i32 to index
      %parallel_loop3A_224 = tpu.vector_load %arg7[%parallel_loop3A_223] {strides = array<i32>} : memref<16384xf32, #tpu.memory_space<vmem>>, vector<16xf32>,
      tpu.vector_store %arg7[%parallel_loop3A_223], %parallel_loop3A_200 {strides = array<i32>} : memref<16384xf32, #tpu.memory_space<vmem>>, vector<16xf32>,
      %parallel_loop3A_225 = arith.constant 128 : i32
      %parallel_loop3A_226 = arith.muli %parallel_loop3A_198, %parallel_loop3A_225 : i32
      %parallel_loop3A_227 = arith.constant 64 : i32
      %parallel_loop3A_228 = arith.addi %parallel_loop3A_226, %parallel_loop3A_227 : i32
      %parallel_loop3A_229 = arith.index_cast %parallel_loop3A_228 : i32 to index
      %parallel_loop3A_230 = tpu.vector_load %arg7[%parallel_loop3A_229] {strides = array<i32>} : memref<16384xf32, #tpu.memory_space<vmem>>, vector<16xf32>,
      tpu.vector_store %arg7[%parallel_loop3A_229], %parallel_loop3A_200 {strides = array<i32>} : memref<16384xf32, #tpu.memory_space<vmem>>, vector<16xf32>,
      %parallel_loop3A_231 = arith.constant 128 : i32
      %parallel_loop3A_232 = arith.muli %parallel_loop3A_198, %parallel_loop3A_231 : i32
      %parallel_loop3A_233 = arith.constant 80 : i32
      %parallel_loop3A_234 = arith.addi %parallel_loop3A_232, %parallel_loop3A_233 : i32
      %parallel_loop3A_235 = arith.index_cast %parallel_loop3A_234 : i32 to index
      %parallel_loop3A_236 = tpu.vector_load %arg7[%parallel_loop3A_235] {strides = array<i32>} : memref<16384xf32, #tpu.memory_space<vmem>>, vector<16xf32>,
      tpu.vector_store %arg7[%parallel_loop3A_235], %parallel_loop3A_200 {strides = array<i32>} : memref<16384xf32, #tpu.memory_space<vmem>>, vector<16xf32>,
      %parallel_loop3A_237 = arith.constant 128 : i32
      %parallel_loop3A_238 = arith.muli %parallel_loop3A_198, %parallel_loop3A_237 : i32
      %parallel_loop3A_239 = arith.constant 96 : i32
      %parallel_loop3A_240 = arith.addi %parallel_loop3A_238, %parallel_loop3A_239 : i32
      %parallel_loop3A_241 = arith.index_cast %parallel_loop3A_240 : i32 to index
      %parallel_loop3A_242 = tpu.vector_load %arg7[%parallel_loop3A_241] {strides = array<i32>} : memref<16384xf32, #tpu.memory_space<vmem>>, vector<16xf32>,
      tpu.vector_store %arg7[%parallel_loop3A_241], %parallel_loop3A_200 {strides = array<i32>} : memref<16384xf32, #tpu.memory_space<vmem>>, vector<16xf32>,
      %parallel_loop3A_243 = arith.constant 128 : i32
      %parallel_loop3A_244 = arith.muli %parallel_loop3A_198, %parallel_loop3A_243 : i32
      %parallel_loop3A_245 = arith.constant 112 : i32
      %parallel_loop3A_246 = arith.addi %parallel_loop3A_244, %parallel_loop3A_245 : i32
      %parallel_loop3A_247 = arith.index_cast %parallel_loop3A_246 : i32 to index
      %parallel_loop3A_248 = tpu.vector_load %arg7[%parallel_loop3A_247] {strides = array<i32>} : memref<16384xf32, #tpu.memory_space<vmem>>, vector<16xf32>,
      tpu.vector_store %arg7[%parallel_loop3A_247], %parallel_loop3A_200 {strides = array<i32>} : memref<16384xf32, #tpu.memory_space<vmem>>, vector<16xf32>,
      %parallel_loop3A_249 = arith.constant 16 : i32
      %parallel_loop3A_250 = arith.muli %parallel_loop3A_198, %parallel_loop3A_249 : i32
      %parallel_loop3A_251 = arith.constant 2048 : i32
      %parallel_loop3A_252 = arith.addi %parallel_loop3A_251, %parallel_loop3A_250 : i32
      %parallel_loop3A_253 = tpu.iota {dimensions = array<i32: 0>} : vector<16xi32>
      %parallel_loop3A_254 = vector.broadcast %parallel_loop3A_252 : i32 to vector<16xi32>
      %parallel_loop3A_255 = arith.addi %parallel_loop3A_254, %parallel_loop3A_253 : vector<16xi32>
      %parallel_loop3A_256 = arith.constant 7 : i32
      %parallel_loop3A_257 = vector.broadcast %parallel_loop3A_256 : i32 to vector<16xi32>
      %parallel_loop3A_258 = arith.muli %parallel_loop3A_255, %parallel_loop3A_257 : vector<16xi32>
      %parallel_loop3A_259 = tpu.vector_load_idx %arg5[%parallel_loop3A_258] : memref<32768xf32, #tpu.memory_space<vmem>>[vector<16xi32>], vector<16xf32>,
      %parallel_loop3A_260 = arith.constant 0 : i32
      %parallel_loop3A_261 = vector.broadcast %parallel_loop3A_260 : i32 to vector<16xi32>
      %parallel_loop3A_262 = arith.constant 1 : i32
      %parallel_loop3A_263 = vector.broadcast %parallel_loop3A_262 : i32 to vector<16xi32>
      %parallel_loop3A_264 = arith.addi %parallel_loop3A_258, %parallel_loop3A_263 : vector<16xi32>
      %parallel_loop3A_265 = tpu.vector_load_idx %arg5[%parallel_loop3A_264] : memref<32768xf32, #tpu.memory_space<vmem>>[vector<16xi32>], vector<16xf32>,
      %parallel_loop3A_266 = arith.cmpf ogt, %parallel_loop3A_265, %parallel_loop3A_259 : vector<16xf32>
      %parallel_loop3A_267 = arith.select %parallel_loop3A_266, %parallel_loop3A_265, %parallel_loop3A_259 : vector<16xi1>, vector<16xf32>
      %parallel_loop3A_268 = arith.constant 1 : i32
      %parallel_loop3A_269 = vector.broadcast %parallel_loop3A_268 : i32 to vector<16xi32>
      %parallel_loop3A_270 = arith.select %parallel_loop3A_266, %parallel_loop3A_269, %parallel_loop3A_261 : vector<16xi1>, vector<16xi32>
      %parallel_loop3A_271 = arith.constant 2 : i32
      %parallel_loop3A_272 = vector.broadcast %parallel_loop3A_271 : i32 to vector<16xi32>
      %parallel_loop3A_273 = arith.addi %parallel_loop3A_258, %parallel_loop3A_272 : vector<16xi32>
      %parallel_loop3A_274 = tpu.vector_load_idx %arg5[%parallel_loop3A_273] : memref<32768xf32, #tpu.memory_space<vmem>>[vector<16xi32>], vector<16xf32>,
      %parallel_loop3A_275 = arith.cmpf ogt, %parallel_loop3A_274, %parallel_loop3A_267 : vector<16xf32>
      %parallel_loop3A_276 = arith.select %parallel_loop3A_275, %parallel_loop3A_274, %parallel_loop3A_267 : vector<16xi1>, vector<16xf32>
      %parallel_loop3A_277 = arith.constant 2 : i32
      %parallel_loop3A_278 = vector.broadcast %parallel_loop3A_277 : i32 to vector<16xi32>
      %parallel_loop3A_279 = arith.select %parallel_loop3A_275, %parallel_loop3A_278, %parallel_loop3A_270 : vector<16xi1>, vector<16xi32>
      %parallel_loop3A_280 = arith.constant 3 : i32
      %parallel_loop3A_281 = vector.broadcast %parallel_loop3A_280 : i32 to vector<16xi32>
      %parallel_loop3A_282 = arith.addi %parallel_loop3A_258, %parallel_loop3A_281 : vector<16xi32>
      %parallel_loop3A_283 = tpu.vector_load_idx %arg5[%parallel_loop3A_282] : memref<32768xf32, #tpu.memory_space<vmem>>[vector<16xi32>], vector<16xf32>,
      %parallel_loop3A_284 = arith.cmpf ogt, %parallel_loop3A_283, %parallel_loop3A_276 : vector<16xf32>
      %parallel_loop3A_285 = arith.select %parallel_loop3A_284, %parallel_loop3A_283, %parallel_loop3A_276 : vector<16xi1>, vector<16xf32>
      %parallel_loop3A_286 = arith.constant 3 : i32
      %parallel_loop3A_287 = vector.broadcast %parallel_loop3A_286 : i32 to vector<16xi32>
      %parallel_loop3A_288 = arith.select %parallel_loop3A_284, %parallel_loop3A_287, %parallel_loop3A_279 : vector<16xi1>, vector<16xi32>
      %parallel_loop3A_289 = arith.constant 4 : i32
      %parallel_loop3A_290 = vector.broadcast %parallel_loop3A_289 : i32 to vector<16xi32>
      %parallel_loop3A_291 = arith.addi %parallel_loop3A_258, %parallel_loop3A_290 : vector<16xi32>
      %parallel_loop3A_292 = tpu.vector_load_idx %arg5[%parallel_loop3A_291] : memref<32768xf32, #tpu.memory_space<vmem>>[vector<16xi32>], vector<16xf32>,
      %parallel_loop3A_293 = arith.cmpf ogt, %parallel_loop3A_292, %parallel_loop3A_285 : vector<16xf32>
      %parallel_loop3A_294 = arith.select %parallel_loop3A_293, %parallel_loop3A_292, %parallel_loop3A_285 : vector<16xi1>, vector<16xf32>
      %parallel_loop3A_295 = arith.constant 4 : i32
      %parallel_loop3A_296 = vector.broadcast %parallel_loop3A_295 : i32 to vector<16xi32>
      %parallel_loop3A_297 = arith.select %parallel_loop3A_293, %parallel_loop3A_296, %parallel_loop3A_288 : vector<16xi1>, vector<16xi32>
      %parallel_loop3A_298 = arith.constant 5 : i32
      %parallel_loop3A_299 = vector.broadcast %parallel_loop3A_298 : i32 to vector<16xi32>
      %parallel_loop3A_300 = arith.addi %parallel_loop3A_258, %parallel_loop3A_299 : vector<16xi32>
      %parallel_loop3A_301 = tpu.vector_load_idx %arg5[%parallel_loop3A_300] : memref<32768xf32, #tpu.memory_space<vmem>>[vector<16xi32>], vector<16xf32>,
      %parallel_loop3A_302 = arith.cmpf ogt, %parallel_loop3A_301, %parallel_loop3A_294 : vector<16xf32>
      %parallel_loop3A_303 = arith.select %parallel_loop3A_302, %parallel_loop3A_301, %parallel_loop3A_294 : vector<16xi1>, vector<16xf32>
      %parallel_loop3A_304 = arith.constant 5 : i32
      %parallel_loop3A_305 = vector.broadcast %parallel_loop3A_304 : i32 to vector<16xi32>
      %parallel_loop3A_306 = arith.select %parallel_loop3A_302, %parallel_loop3A_305, %parallel_loop3A_297 : vector<16xi1>, vector<16xi32>
      %parallel_loop3A_307 = arith.constant 6 : i32
      %parallel_loop3A_308 = vector.broadcast %parallel_loop3A_307 : i32 to vector<16xi32>
      %parallel_loop3A_309 = arith.addi %parallel_loop3A_258, %parallel_loop3A_308 : vector<16xi32>
      %parallel_loop3A_310 = tpu.vector_load_idx %arg5[%parallel_loop3A_309] : memref<32768xf32, #tpu.memory_space<vmem>>[vector<16xi32>], vector<16xf32>,
      %parallel_loop3A_311 = arith.cmpf ogt, %parallel_loop3A_310, %parallel_loop3A_303 : vector<16xf32>
      %parallel_loop3A_312 = arith.select %parallel_loop3A_311, %parallel_loop3A_310, %parallel_loop3A_303 : vector<16xi1>, vector<16xf32>
      %parallel_loop3A_313 = arith.constant 6 : i32
      %parallel_loop3A_314 = vector.broadcast %parallel_loop3A_313 : i32 to vector<16xi32>
      %parallel_loop3A_315 = arith.select %parallel_loop3A_311, %parallel_loop3A_314, %parallel_loop3A_306 : vector<16xi1>, vector<16xi32>
      %parallel_loop3A_316 = arith.constant 7 : i32
      %parallel_loop3A_317 = vector.broadcast %parallel_loop3A_316 : i32 to vector<16xi32>
      %parallel_loop3A_318 = arith.addi %parallel_loop3A_258, %parallel_loop3A_317 : vector<16xi32>
      %parallel_loop3A_319 = tpu.vector_load_idx %arg5[%parallel_loop3A_318] : memref<32768xf32, #tpu.memory_space<vmem>>[vector<16xi32>], vector<16xf32>,
      %parallel_loop3A_320 = arith.cmpf ogt, %parallel_loop3A_319, %parallel_loop3A_312 : vector<16xf32>
      %parallel_loop3A_321 = arith.select %parallel_loop3A_320, %parallel_loop3A_319, %parallel_loop3A_312 : vector<16xi1>, vector<16xf32>
      %parallel_loop3A_322 = arith.constant 7 : i32
      %parallel_loop3A_323 = vector.broadcast %parallel_loop3A_322 : i32 to vector<16xi32>
      %parallel_loop3A_324 = arith.select %parallel_loop3A_320, %parallel_loop3A_323, %parallel_loop3A_315 : vector<16xi1>, vector<16xi32>
      %parallel_loop3A_325 = arith.constant 8 : i32
      %parallel_loop3A_326 = vector.broadcast %parallel_loop3A_325 : i32 to vector<16xi32>
      %parallel_loop3A_327 = arith.muli %parallel_loop3A_255, %parallel_loop3A_326 : vector<16xi32>
      %parallel_loop3A_328 = arith.addi %parallel_loop3A_327, %parallel_loop3A_324 : vector<16xi32>
      %parallel_loop3A_329 = tpu.vector_load_idx %arg5[%parallel_loop3A_328] : memref<32768xf32, #tpu.memory_space<vmem>>[vector<16xi32>], vector<16xf32>,
      %parallel_loop3A_330 = arith.constant 16384 : i32
      %parallel_loop3A_331 = vector.broadcast %parallel_loop3A_330 : i32 to vector<16xi32>
      %parallel_loop3A_332 = arith.subi %parallel_loop3A_328, %parallel_loop3A_331 : vector<16xi32>
      tpu.vector_store_idx %arg7[%parallel_loop3A_332], %parallel_loop3A_329 : memref<16384xf32, #tpu.memory_space<vmem>>[vector<16xi32>], vector<16xf32>,
    } {sc.loop_unroll_factor = 4 : i64, sc.parallel_access}
    %dma_start3A_180 = arith.constant 16384 : i32
    %dma_start3A_181 = tpu.memref_slice %arg3[%add3A_149, %dma_start3A_180] : memref<128x32768xf32, #tpu.memory_space<hbm>> -> memref<1x16384xf32, #tpu.memory_space<hbm>>
    %dma_start3A_182 = tpu.memref_squeeze %dma_start3A_181 : memref<1x16384xf32, #tpu.memory_space<hbm>> -> memref<16384xf32, #tpu.memory_space<hbm>>
    %dma_start3A_183 = arith.constant 16384 : i32
    %dma_start3A_184 = tpu.memref_slice %arg3[%add3A_149, %dma_start3A_183] : memref<128x32768xf32, #tpu.memory_space<hbm>> -> memref<1x16384xf32, #tpu.memory_space<hbm>>
    %dma_start3A_185 = tpu.memref_squeeze %dma_start3A_184 : memref<1x16384xf32, #tpu.memory_space<hbm>> -> memref<16384xf32, #tpu.memory_space<hbm>>
    tpu.enqueue_dma source(%arg7 : memref<16384xf32, #tpu.memory_space<vmem>>) target(%dma_start3A_185 : memref<16384xf32, #tpu.memory_space<hbm>>) target_semaphore(%arg11 : memref<!tpu.dma_semaphore, #tpu.memory_space<semaphore_mem>>)
    %dma_wait3A_186 = arith.constant 0 : i32
    %dma_wait3A_187 = tpu.memref_slice %arg3[%add3A_149, %dma_wait3A_186] : memref<128x32768xf32, #tpu.memory_space<hbm>> -> memref<1x16384xf32, #tpu.memory_space<hbm>>
    %dma_wait3A_188 = tpu.memref_squeeze %dma_wait3A_187 : memref<1x16384xf32, #tpu.memory_space<hbm>> -> memref<16384xf32, #tpu.memory_space<hbm>>
    %dma_wait3A_189 = arith.constant 0 : i32
    %dma_wait3A_190 = tpu.memref_slice %arg3[%add3A_149, %dma_wait3A_189] : memref<128x32768xf32, #tpu.memory_space<hbm>> -> memref<1x16384xf32, #tpu.memory_space<hbm>>
    %dma_wait3A_191 = tpu.memref_squeeze %dma_wait3A_190 : memref<1x16384xf32, #tpu.memory_space<hbm>> -> memref<16384xf32, #tpu.memory_space<hbm>>
    tpu.wait_dma2 semaphore(%arg10 : memref<!tpu.dma_semaphore, #tpu.memory_space<semaphore_mem>>) src(%arg6 : memref<16384xf32, #tpu.memory_space<vmem>>) dst(%dma_wait3A_191 : memref<16384xf32, #tpu.memory_space<hbm>>)
    %dma_wait3A_192 = arith.constant 16384 : i32
    %dma_wait3A_193 = tpu.memref_slice %arg3[%add3A_149, %dma_wait3A_192] : memref<128x32768xf32, #tpu.memory_space<hbm>> -> memref<1x16384xf32, #tpu.memory_space<hbm>>
    %dma_wait3A_194 = tpu.memref_squeeze %dma_wait3A_193 : memref<1x16384xf32, #tpu.memory_space<hbm>> -> memref<16384xf32, #tpu.memory_space<hbm>>
    %dma_wait3A_195 = arith.constant 16384 : i32
    %dma_wait3A_196 = tpu.memref_slice %arg3[%add3A_149, %dma_wait3A_195] : memref<128x32768xf32, #tpu.memory_space<hbm>> -> memref<1x16384xf32, #tpu.memory_space<hbm>>
    %dma_wait3A_197 = tpu.memref_squeeze %dma_wait3A_196 : memref<1x16384xf32, #tpu.memory_space<hbm>> -> memref<16384xf32, #tpu.memory_space<hbm>>
    tpu.wait_dma2 semaphore(%arg11 : memref<!tpu.dma_semaphore, #tpu.memory_space<semaphore_mem>>) src(%arg7 : memref<16384xf32, #tpu.memory_space<vmem>>) dst(%dma_wait3A_197 : memref<16384xf32, #tpu.memory_space<hbm>>)
    return
  }
}

</mosaic_0001>

<sc_bundles>
// kernel: kernel.3.cloned.1.call-start
scs
__scs_entry_jumppad:
0x0: {  	(pc) =	sbr.rel $0x88, $3  }
0x1: {  	(tag) =	ssettag $0x0;
	lr =	simm.s32 $0x1  }
0x2: {  	[smem:$0x3FA0] =	sst lr;
	_ =	strace $0xD0000000  }
0x3: {  	_ = 	snop  }
0x4: {  	_ = 	snop  }
0x5: {  	_ = 	snop  }
0x6: {  	_ = 	snop  }
0x7: {  	_ = 	snop  }
__scs_overlays_trampoline_lowered:
0x8: {  	[smem:$0x3FAF] =	sst s0  }
0x9: {  	[smem:$0x3FB0] =	sst s1  }
0xa: {  	[smem:$0x3FB1] =	sst s2  }
0xb: {  	[smem:$0x3FB2] =	sst s3  }
0xc: {  	[smem:$0x3FB3] =	sst s4  }
0xd: {  	[smem:$0x3FB4] =	sst s5  }
0xe: {  	[smem:$0x3FB5] =	sst s6  }
0xf: {  	[smem:$0x3FB6] =	sst s7  }
0x10: {  	[smem:$0x3FB7] =	sst s8  }
0x11: {  	[smem:$0x3FB8] =	sst s9;
	s0 =	simm.s32 @!p0 $0x0  }
0x12: {  	s1 =	sld [smem:$0x3F9E];
	s0 =	simm.s32 @p0 $0x1  }
0x13: {  	[smem:$0x3FB9] =	sst s0;
	s0 =	simm.s32 @!p1 $0x0  }
0x14: {  	s2 =	sld [smem:$0x3F9D];
	s0 =	simm.s32 @p1 $0x1  }
0x15: {  	[smem:$0x3FBA] =	sst s0;
	s0 =	simm.s32 @!p2 $0x0  }
0x16: {  	s3 =	sld [smem:$0x3FDB];
	s0 =	simm.s32 @p2 $0x1  }
0x17: {  	s4 =	simm.s32 $0x1BF5;
	[smem:$0x3FBC] =	sst s0  }
0x18: {  	s0 =	sld [smem:$0x3F9F];
	_ =	swait.ge [sflag:s4], $0x0  }
0x19: {  	s7 =	sld [smem:$0x3FA0]  }
0x1a: {  	s8 =	sadd.s32 $0xFFFFE003, lr  }
0x1b: {  	s9 =	sadd.s32 $0xFFFFFEF7, lr;
	s5 =	simm.s32 $0xFFFFFFFF;
	p2 =	slt.u32 s8, $0xFFFFF086  }
0x1c: {  	p1 =	slt.u32 s9, $0xF7A;
	s5 =	simm.s32 @!p2 $0x0  }
0x1d: {  	s5 =	simm.s32 @p1 $0x1;
	p0 =	seq.s32 s7, s2  }
0x1e: {  	s7 =	smul.u32 @!p0 $0xF7A, s2;
	p2 =	seq.s32 @!p0 s5, $0x0  }
0x1f: {  	s9 =	smul.u32 $0xF7A, s1;
	s8 =	simm.s32 @!p0 $0x1BF5;
	p2 =	por !p2, p0  }
0x20: {  	[sflag:s8] =	ssyncset.s32 @!p0 $0xFFFFF086;
	s6 =	sadd.s32 @!p0 s3, s7;
	s7 =	simm.s32 @!p0 $0x108  }
0x21: {  	s3 =	sadd.s32 s3, s9;
	s6 =	sadd.s32 @!p0 $0x88, s6;
	s7 =	simm.s32 @p2 $0x1082  }
0x22: {  	[simem:s7], [sflag:s8] =	dma.local @!p0 [hbm:s6], $0xF7A  }
0x23: {  	s9 =	sor.u32 $0xD0000000, s2;
	s6 =	simm.s32 $0x108;
	_ =	swait.ge @!p0 [sflag:s8], $0x0  }
0x24: {  	s3 =	sadd.s32 $0x88, s3;
	s6 =	simm.s32 @!p1 $0x1082;
	[sflag:s4] =	ssyncset.s32 $0xFFFFF086  }
0x25: {  	[simem:s6], [sflag:s4] =	dma.local [hbm:s3], $0xF7A  }
0x26: {  	[smem:$0x3FA0] =	sst s1;
	(tag) =	ssettag s2;
	_ =	strace s9  }
0x27: {  	s1 =	sld [smem:$0x3FB0]  }
0x28: {  	s2 =	sld [smem:$0x3FB1]  }
0x29: {  	s4 =	sld [smem:$0x3FB3]  }
0x2a: {  	p0 =	seq.s32 s5, $0x0;
	s5 =	sld [smem:$0x3FB4]  }
0x2b: {  	s6 =	sld [smem:$0x3FB5]  }
0x2c: {  	s7 =	sld [smem:$0x3FB6]  }
0x2d: {  	s3 =	simm.s32 $0x108;
	s8 =	sld [smem:$0x3FB7]  }
0x2e: {  	s3 =	simm.s32 @!p0 $0x1082;
	s9 =	sld [smem:$0x3FB8]  }
0x2f: {  	lr =	sadd.s32 s0, s3;
	s0 =	sld [smem:$0x3FAF]  }
0x30: {  	s3 =	sld [smem:$0x3FB2]  }
0x31: {  	[smem:$0x3FBB] =	sst s10  }
0x32: {  	s10 =	sld [smem:$0x3FB9];
	_ =	sdelay $0x3  }
0x33: {  	p0 =	seq.s32 s10, $0x1;
	s10 =	sld [smem:$0x3FBB];
	_ =	sdelay $0x3  }
0x34: {  	[smem:$0x3FBB] =	sst s10  }
0x35: {  	s10 =	sld [smem:$0x3FBA];
	_ =	sdelay $0x3  }
0x36: {  	p1 =	seq.s32 s10, $0x1;
	s10 =	sld [smem:$0x3FBB];
	_ =	sdelay $0x3  }
0x37: {  	[smem:$0x3FBB] =	sst s10  }
0x38: {  	s10 =	sld [smem:$0x3FBC]  }
0x39: {  	_ = 	snop;
	(pc) =	sbr.ind lr, $3  }
0x3a: {  	_ = 	snop  }
0x3b: {  	_ = 	snop  }
0x3c: {  	p2 =	seq.s32 s10, $0x1;
	s10 =	sld [smem:$0x3FBB]  }
0x3d: {  	_ =	shalt  }
0x3e: {  	_ =	shalt  }
0x3f: {  	_ =	shalt  }
0x40: {  	_ =	shalt  }
0x41: {  	_ =	shalt  }
0x42: {  	_ =	shalt  }
0x43: {  	_ =	shalt  }
0x44: {  	_ =	shalt  }
0x45: {  	_ =	shalt  }
0x46: {  	_ =	shalt  }
0x47: {  	_ =	shalt  }
0x48: {  	_ =	shalt  }
0x49: {  	_ =	shalt  }
0x4a: {  	_ =	shalt  }
0x4b: {  	_ =	shalt  }
0x4c: {  	_ =	shalt  }
0x4d: {  	_ =	shalt  }
0x4e: {  	_ =	shalt  }
0x4f: {  	_ =	shalt  }
0x50: {  	_ =	shalt  }
0x51: {  	_ =	shalt  }
0x52: {  	_ =	shalt  }
0x53: {  	_ =	shalt  }
0x54: {  	_ =	shalt  }
0x55: {  	_ =	shalt  }
0x56: {  	_ =	shalt  }
0x57: {  	_ =	shalt  }
0x58: {  	_ =	shalt  }
0x59: {  	_ =	shalt  }
0x5a: {  	_ =	shalt  }
0x5b: {  	_ =	shalt  }
0x5c: {  	_ =	shalt  }
0x5d: {  	_ =	shalt  }
0x5e: {  	_ =	shalt  }
0x5f: {  	_ =	shalt  }
0x60: {  	_ =	shalt  }
0x61: {  	_ =	shalt  }
0x62: {  	_ =	shalt  }
0x63: {  	_ =	shalt  }
0x64: {  	_ =	shalt  }
0x65: {  	_ =	shalt  }
0x66: {  	_ =	shalt  }
0x67: {  	_ =	shalt  }
0x68: {  	_ =	shalt  }
0x69: {  	_ =	shalt  }
0x6a: {  	_ =	shalt  }
0x6b: {  	_ =	shalt  }
0x6c: {  	_ =	shalt  }
0x6d: {  	_ =	shalt  }
0x6e: {  	_ =	shalt  }
0x6f: {  	_ =	shalt  }
0x70: {  	_ =	shalt  }
0x71: {  	_ =	shalt  }
0x72: {  	_ =	shalt  }
0x73: {  	_ =	shalt  }
0x74: {  	_ =	shalt  }
0x75: {  	_ =	shalt  }
0x76: {  	_ =	shalt  }
0x77: {  	_ =	shalt  }
0x78: {  	_ =	shalt  }
0x79: {  	_ =	shalt  }
0x7a: {  	_ =	shalt  }
0x7b: {  	_ =	shalt  }
0x7c: {  	_ =	shalt  }
0x7d: {  	_ =	shalt  }
0x7e: {  	_ =	shalt  }
0x7f: {  	_ =	shalt  }
0x80: {  	_ =	shalt  }
0x81: {  	_ =	shalt  }
0x82: {  	_ =	shalt  }
0x83: {  	_ =	shalt  }
0x84: {  	_ =	shalt  }
0x85: {  	_ =	shalt  }
0x86: {  	_ =	shalt  }
0x87: {  	_ =	shalt  }
.Lfunc_end0:
.L_simem_size_0:
called_computation_lowered:
.L_overlay_start_0:
0x88: {  	s2 =	sld [smem:$0x3FD9]  }
0x89: {  	s3 =	sld [smem:$0x3FFE];
	_ =	sdelay $0x1  }
0x8a: {  	s1 =	srdreg.scid  }
0x8b: {  	s0 =	sand.u32 $0x1, s1  }
0x8c: {  	s18 =	sshll.u32 s0, $0xA;
	s2 =	sadd.s32 s3, s2  }
0x8d: {  	s2 =	sadd.s32 s2, s18  }
0x8e: {  	[smem:$0x3FC7] =	sst s2  }
0x8f: {  	_ = 	snop  }
0x90: {  	s2 =	sld [smem:$0x3FC9]  }
0x91: {  	s19 =	sld [smem:$0x3FD0];
	(tm) =	ssettm $0x1  }
0x92: {  	s4 =	sld [smem:$0x3FFB];
	_ =	sdelay $0x3  }
0x93: {  	_ =	strace s4  }
0x94: {  	s4 =	sld [smem:$0x3FFC];
	_ =	sdelay $0x3  }
0x95: {  	_ =	strace s4  }
0x96: {  	s4 =	sld [smem:$0x3FFD];
	_ =	sdelay $0x3  }
0x97: {  	_ =	strace s4  }
0x98: {  	_ =	strace $0x8FFFFFFF  }
0x99: {  	s20 =	sld [smem:$0x3FDB];
	_ =	sdelay $0x1  }
0x9a: {  	s5 =	simm.s32 $_scs_section_size  }
0x9b: {  	s6 =	simm.s32 $_size__tile_overlayer_lowered;
	s7 =	simm.s32 $_tile_overlayer_lowered  }
0x9c: {  	s23 =	simm.s32 $0x1BFF;
	s22 =	sshll.u32 s7, $0x1;
	s4 =	sadd.s32 s5, s20  }
0x9d: {  	s8 =	simm.s32 $0x0;
	s21 =	sshll.u32 s6, $0x1;
	s6 =	sadd.s32 s22, s4  }
0x9e: {  	[timem:s8], [sflag:s23] =	dma.local [hbm:s6], s21  }
0x9f: {  	_ =	swait.ge [sflag:s23], s21  }
0xa0: {  	s5 =	ssub.s32 $0x0, s21;
	[sflag:s23] =	ssyncset.done $0x0  }
0xa1: {  	[sflag:s23] =	ssyncadd.s32 s5;
	_ =	sdelay $0x1  }
0xa2: {  	s24 =	simm.s32 $0x1B8B  }
0xa3: {  	_ =	swait.ge [sflag:s24], $0x1  }
0xa4: {  	[sflag:s24] =	ssyncset.done $0x0  }
0xa5: {  	s25 =	simm.s32 $0x1B8E;
	[sflag:s24] =	ssyncadd.s32 $0xFFFFFFFF  }
0xa6: {  	s26 =	simm.s32 $execute0_lowered;
	[smem:$0x3FD2] =	sst s25  }
0xa7: {  	s5 =	sshll.u32 s26, $0x1;
	_ =	strace $0x80000046;
	[dreg:$0x1] =	wrdreg $0xFFFFFFFF  }
0xa8: {  	s28 =	simm.s32 $_size_execute0_lowered;
	s4 =	sadd.s32 s4, s5;
	[dreg:$0x0] =	wrdreg $0x0  }
0xa9: {  	s5 =	sshll.u32 s28, $0x1;
	[dreg:$0x2] =	wrdreg s4  }
0xaa: {  	[dreg:$0x3] =	wrdreg s5  }
0xab: {  	[dreg:$0x4] =	wrdreg $0xC0  }
0xac: {  	_ =	task [dreg:s8], $0x5FFFF  }
0xad: {  	[dreg:$0x1] =	wrdreg $0xFFFFFFFF  }
0xae: {  	[dreg:$0x0] =	wrdreg $0x60  }
0xaf: {  	[dreg:$0x2] =	wrdreg s2  }
0xb0: {  	[dreg:$0x3] =	wrdreg s19  }
0xb1: {  	[dreg:$0x4] =	wrdreg $0x9  }
0xb2: {  	_ =	task.clear_ibuf [dreg:s8], $0x5FFFF;
	_ =	strace $0x90000046  }
0xb3: {  	s29 =	simm.s32 $0x9;
	_ =	strace $0x80000048  }
0xb4: {  	_ =	swait.ge [sflag:s29], $0x1  }
0xb5: {  	[sflag:s29] =	ssyncadd.s32 $0xFFFFFFFF  }
0xb6: {  	_ =	strace $0x90000048  }
0xb7: {  	_ =	sfence  }
0xb8: {  	s30 =	sld [smem:$0x0];
	_ =	sdelay $0x2  }
0xb9: {  	s31 =	sshll.u32 s1, $0xD;
	s1 =	sshrl.u32 s1, $0x2  }
0xba: {  	s3 =	sand.u32 $0x4000, s31;
	s1 =	sadd.s32 s1, s30  }
0xbb: {  	s0 =	sor.u32 s3, s0;
	s1 =	sshll.u32 s1, $0x11  }
0xbc: {  	s0 =	sor.u32 s1, s0  }
0xbd: {  	s0 =	sadd.s32 $0x8F2B, s0  }
0xbe: {  	[sflag:s0] =	ssyncadd.remote.s32 $0x1  }
0xbf: {  	_ =	sfence.sel $0xFFFF  }
0xc0: {  	[dreg:$0x0] =	wrdreg $0xFFFFFFFF;
	(pc) =	sbr.abs _section_cstart, $3  }
0xc1: {  	[dreg:$0x1] =	wrdreg $0xFFFFFFFF  }
0xc2: {  	_ =	task.clear_ibuf [dreg:s8], $0x2FFFF;
	_ =	strace $0x9FFFFFFF  }
0xc3: {  	(tm) =	ssettm $0x7FFFFFFF  }
tec
execute0_lowered:
.L_overlay_start_1:
0x0: {  	(tag) =	ssettag $0x1  }
0x1: {  	s10 =	rddreg [dreg:$0x0]  }
0x2: {  	s13 =	rddreg [dreg:$0x1];
	s2 =	srdreg.scid  }
0x3: {  	s0 =	rddreg [dreg:$0x2];
	s1 =	stileid.u32;
	s17 =	simm.s32 $0x400  }
0x4: {  	s18 =	simm.s32 $0x8000;
	s19 =	simm.s32 $0x1;
	s20 =	simm.s32 $0x10000  }
0x5: {  	s21 =	simm.s32 $0x14000;
	s22 =	simm.s32 $0x3;
	s23 =	simm.s32 $0x2  }
0x6: {  	s24 =	simm.s32 $0x4;
	s25 =	simm.s32 $0x0;
	s3 =	sand.u32 $0x1, s2  }
0x7: {  	s2 =	simm.s32 $0x0;
	s4 =	sshll.u32 s1, $0xF;
	s14 =	sadd.s32 $0x4000, s13  }
0x8: {  	s5 =	sshll.u32 s3, $0x6;
	[smem:$0x7FF] =	sst s2;
	s3 =	ssub.s32 $0x2, s3  }
0x9: {  	s8 =	sor.u32 s5, s4;
	_ =	strace $0x80000047;
	s31 =	sshrl.u32 s3, $0x1  }
0xa: {  	s9 =	sor.u32 $0x10, s8;
	s15 =	ssub.s32 s3, s31;
	s3 =	sadd.s32 s10, s8  }
0xb: {  	s5 =	sadd.s32 s13, s8;
	s12 =	sor.u32 $0x20, s8;
	s6 =	sadd.s32 s8, s14  }
0xc: {  	s16 =	sor.u32 $0x30, s8;
	s4 =	sadd.s32 s10, s9;
	s7 =	sadd.s32 s10, s12  }
0xd: {  	s8 =	sadd.s32 s13, s9;
	s9 =	sadd.s32 s9, s14;
	s10 =	sadd.s32 s10, s16  }
0xe: {  	s11 =	sadd.s32 s13, s12;
	s12 =	sadd.s32 s12, s14;
	s13 =	sadd.s32 s13, s16  }
0xf: {  	v0 =	vimm.f32 $0.0e+00;
	v1 =	vlaneseq.u32;
	v2 =	vimm.s32 $0x0;
	s14 =	sadd.s32 s16, s14;
	s15 =	smax.u32 s15, $0x1;
	s16 =	simm.s32 $0x80  }
.LBB2_1:
0x10: {  	[tilespmem:s2], [sflag:$0x1] =	stream.strided.gather [hbm4b:s3+s16], $0x8000, s17, s16, $0x38;
	[tilespmem:$0x18000] =	vst v63  }
0x11: {  	_ = 	snop  }
0x12: {  	[tilespmem:s18], [sflag:$0x2] =	stream.strided.gather [hbm4b:s4+s16], $0x8000, s17, s16, $0x38;
	[tilespmem:$0x18000] =	vst v63  }
0x13: {  	_ =	swait.ge [sflag:s19], $0x8000  }
0x14: {  	[sflag:s19] =	ssyncset.done $0x0  }
0x15: {  	s26 =	simm.s32 $0x10100;
	[sflag:s19] =	ssyncadd.s32 $0xFFFF8000  }
0x16: {  	[tilespmem:s26+$0x0] =	vst v0  }
0x17: {  	[tilespmem:s26+$0x10] =	vst v0  }
0x18: {  	[tilespmem:s26+$0x20] =	vst v0  }
0x19: {  	[tilespmem:s26+$0x30] =	vst v0  }
0x1a: {  	[tilespmem:s26+$0x40] =	vst v0  }
0x1b: {  	[tilespmem:s26+$0x50] =	vst v0  }
0x1c: {  	[tilespmem:s26+$0x60] =	vst v0  }
0x1d: {  	[tilespmem:s26+$0x70] =	vst v0  }
0x1e: {  	[tilespmem:s26+$0xFFFFFF10] =	vst v0  }
0x1f: {  	[tilespmem:s26+$0xFFFFFF20] =	vst v0  }
0x20: {  	[tilespmem:s26+$0xFFFFFF30] =	vst v0  }
0x21: {  	[tilespmem:s26+$0xFFFFFF40] =	vst v0  }
0x22: {  	[tilespmem:s26+$0xFFFFFF50] =	vst v0  }
0x23: {  	[tilespmem:s26+$0xFFFFFF60] =	vst v0  }
0x24: {  	[tilespmem:s26+$0xFFFFFF70] =	vst v0  }
0x25: {  	[tilespmem:s26+$0xFFFFFF80] =	vst v0  }
0x26: {  	[tilespmem:s26+$0xFFFFFF90] =	vst v0  }
0x27: {  	[tilespmem:s26+$0xFFFFFFA0] =	vst v0  }
0x28: {  	[tilespmem:s26+$0xFFFFFFB0] =	vst v0  }
0x29: {  	[tilespmem:s26+$0xFFFFFFC0] =	vst v0  }
0x2a: {  	[tilespmem:s26+$0xFFFFFFD0] =	vst v0  }
0x2b: {  	s28 =	simm.s32 $0x20;
	[tilespmem:s26+$0xFFFFFFE0] =	vst v0  }
0x2c: {  	s29 =	simm.s32 $0x0;
	s31 =	simm.s32 $0x10300;
	v3 =	vor.u32 s28, v1;
	[tilespmem:s26+$0xFFFFFF00] =	vst v0  }
0x2d: {  	s30 =	simm.s32 $0x60;
	v10 =	vor.u32 s29, v1;
	v4 =	vmul.u32 $0x7, v3;
	[tilespmem:s31+$0x0] =	vst v0  }
0x2e: {  	v31 =	vor.u32 s30, v1;
	v16 =	vmul.u32 $0x7, v10;
	[tilespmem:s31+$0x10] =	vst v0  }
0x2f: {  	v40 =	vmul.u32 $0x7, v31;
	[tilespmem:s31+$0x20] =	vst v0  }
0x30: {  	[tilespmem:s31+$0x30] =	vst v0  }
0x31: {  	s28 =	simm.s32 $0x30;
	v5 =	vadd.s32 $0x1, v4;
	[tilespmem:s31+$0x40] =	vst v0  }
0x32: {  	v7 =	vor.u32 s28, v1;
	s28 =	simm.s32 $0x10;
	v3 =	vshll.u32 v3, $0x3;
	v6 =	vadd.s32 $0x2, v4;
	[tilespmem:s31+$0x50] =	vst v0  }
0x33: {  	v31 =	vshll.u32 v31, $0x3;
	v11 =	vor.u32 s28, v1;
	v9 =	vadd.s32 $0x3, v4;
	[tilespmem:s31+$0x60] =	vst v0;
	v8 =	vld.idx.msk [tilespmem:v4+s2+$0x0], $0xffff  }
0x34: {  	v13 =	vmul.u32 $0x7, v7;
	v12 =	vadd.s32 $0x4, v4;
	v14 =	vmul.u32 $0x7, v11;
	[tilespmem:s31+$0x70] =	vst v0;
	v60 =	vld.idx.msk [tilespmem:v16+s2+$0x0], $0xffff  }
0x35: {  	v15 =	vadd.s32 $0x5, v4;
	v17 =	vadd.s32 $0x6, v4;
	v44 =	vadd.s32 $0x1, v40;
	[tilespmem:s26+$0xFFFFFFF0] =	vst v0;
	v50 =	vld.idx.msk [tilespmem:v40+s2+$0x0], $0xffff  }
0x36: {  	v21 =	vadd.s32 $0x1, v16;
	v22 =	vadd.s32 $0x2, v16;
	v48 =	vadd.s32 $0x2, v40;
	[tilespmem:s26+$0x80] =	vst v0;
	v5 =	vld.idx.msk [tilespmem:v5+s2+$0x0], $0xffff  }
0x37: {  	v23 =	vadd.s32 $0x3, v16;
	v28 =	vadd.s32 $0x4, v16;
	v51 =	vadd.s32 $0x3, v40;
	[tilespmem:s26+$0x90] =	vst v0;
	v6 =	vld.idx.msk [tilespmem:v6+s2+$0x0], $0xffff  }
0x38: {  	v33 =	vadd.s32 $0x5, v16;
	v35 =	vadd.s32 $0x6, v16;
	v37 =	vadd.s32 $0x7, v16;
	[tilespmem:s26+$0xA0] =	vst v0;
	v9 =	vld.idx.msk [tilespmem:v9+s2+$0x0], $0xffff  }
0x39: {  	v53 =	vadd.s32 $0x4, v40;
	v56 =	vadd.s32 $0x5, v40;
	v18 =	vadd.s32 $0x1, v13;
	[tilespmem:s26+$0xB0] =	vst v0;
	v12 =	vld.idx.msk [tilespmem:v12+s2+$0x0], $0xffff  }
0x3a: {  	v61 =	vadd.s32 $0x6, v40;
	v20 =	vadd.s32 $0x2, v13;
	v26 =	vadd.s32 $0x3, v13;
	[tilespmem:s26+$0xC0] =	vst v0;
	v44 =	vld.idx.msk [tilespmem:v44+s2+$0x0], $0xffff  }
0x3b: {  	v32 =	vadd.s32 $0x4, v13;
	v34 =	vadd.s32 $0x5, v13;
	v19 =	vadd.s32 $0x1, v14;
	[tilespmem:s26+$0xD0] =	vst v0;
	v48 =	vld.idx.msk [tilespmem:v48+s2+$0x0], $0xffff  }
0x3c: {  	v36 =	vadd.s32 $0x6, v13;
	v24 =	vadd.s32 $0x2, v14;
	[tilespmem:s26+$0xE0] =	vst v0;
	v51 =	vld.idx.msk [tilespmem:v51+s2+$0x0], $0xffff;
	vm0 =	vgt.f32 v5, v8  }
0x3d: {  	v25 =	vadd.s32 $0x3, v14;
	v29 =	vadd.s32 $0x6, v14;
	[tilespmem:s26+$0xF0] =	vst v0;
	v27 =	vld.idx.msk [tilespmem:v14+s2+$0x0], $0xffff;
	v5 =	vsel vm0, v5, v8  }
0x3e: {  	v30 =	vadd.s32 $0x7, v14;
	v4 =	vadd.s32 $0x7, v4;
	v59 =	vld.idx.msk [tilespmem:v18+s2+$0x0], $0xffff;
	vm1 =	vgt.f32 v6, v5  }
0x3f: {  	v16 =	vshll.u32 v11, $0x3;
	v40 =	vadd.s32 $0x7, v40;
	v8 =	vld.idx.msk [tilespmem:v15+s2+$0x0], $0xffff;
	v5 =	vsel vm1, v6, v5  }
0x40: {  	v18 =	vshll.u32 v7, $0x3;
	vm9 =	vgt.f32 v44, v50;
	v6 =	vld.idx.msk [tilespmem:v19+s2+$0x0], $0xffff;
	vm2 =	vgt.f32 v9, v5  }
0x41: {  	v17 =	vld.idx.msk [tilespmem:v17+s2+$0x0], $0xffff;
	v15 =	vadd.s32 $0x4, v14;
	v44 =	vsel vm9, v44, v50;
	v5 =	vsel vm2, v9, v5  }
0x42: {  	v24 =	vld.idx.msk [tilespmem:v24+s2+$0x0], $0xffff;
	vm10 =	vgt.f32 v48, v44;
	v19 =	vadd.s32 $0x5, v14;
	vm3 =	vgt.f32 v12, v5  }
0x43: {  	v4 =	vld.idx.msk [tilespmem:v4+s2+$0x0], $0xffff;
	v14 =	vsel vm0, $0x1, v2;
	v62 =	vsel vm10, v48, v44;
	v5 =	vsel vm3, v12, v5  }
0x44: {  	v14 =	vsel vm1, $0x2, v14;
	vm11 =	vgt.f32 v51, v62;
	v12 =	vld.idx.msk [tilespmem:v25+s2+$0x0], $0xffff;
	vm0 =	vgt.f32 v8, v5  }
0x45: {  	v14 =	vsel vm2, $0x3, v14;
	vm1 =	vgt.f32 v6, v27;
	v5 =	vsel vm0, v8, v5  }
0x46: {  	v14 =	vsel vm3, $0x4, v14;
	v6 =	vsel vm1, v6, v27;
	vm2 =	vgt.f32 v17, v5  }
0x47: {  	v15 =	vld.idx.msk [tilespmem:v15+s2+$0x0], $0xffff;
	v14 =	vsel vm0, $0x5, v14;
	vm0 =	vgt.f32 v24, v6;
	v5 =	vsel vm2, v17, v5  }
0x48: {  	v19 =	vld.idx.msk [tilespmem:v19+s2+$0x0], $0xffff;
	v14 =	vsel vm2, $0x6, v14;
	vm2 =	vgt.f32 v4, v5;
	v5 =	vsel vm0, v24, v6  }
0x49: {  	v9 =	vadd.s32 $0x7, v13;
	v4 =	vld.idx.msk [tilespmem:v21+s2+$0x0], $0xffff;
	v6 =	vsel vm2, $0x7, v14;
	vm2 =	vgt.f32 v12, v5  }
0x4a: {  	s29 =	simm.s32 $0x40;
	s28 =	simm.s32 $0x70;
	v14 =	vshll.u32 v10, $0x3;
	v17 =	vadd.s32 v3, v6;
	v3 =	vsel vm1, $0x1, v2  }
0x4b: {  	v5 =	vsel vm2, v12, v5;
	v6 =	vld.idx.msk [tilespmem:v13+s2+$0x0], $0xffff;
	v13 =	vor.u32 s28, v1;
	v12 =	vor.u32 s29, v1  }
0x4c: {  	v38 =	vld.idx.msk [tilespmem:v22+s2+$0x0], $0xffff;
	s28 =	simm.s32 $0x50;
	v3 =	vsel vm0, $0x2, v3;
	vm0 =	vgt.f32 v15, v5;
	v27 =	vmul.u32 $0x7, v12  }
0x4d: {  	v43 =	vld.idx.msk [tilespmem:v28+s2+$0x0], $0xffff;
	v3 =	vsel vm2, $0x3, v3;
	v5 =	vsel vm0, v15, v5;
	v15 =	vor.u32 s28, v1  }
0x4e: {  	[tilespmem:s31+$0xFFFFFF10] =	vst v0;
	v8 =	vld.idx.msk [tilespmem:v29+s2+$0x0], $0xffff;
	v3 =	vsel vm0, $0x4, v3;
	vm0 =	vgt.f32 v19, v5;
	vm1 =	vgt.f32 v4, v60  }
0x4f: {  	[tilespmem:s31+$0xFFFFFF20] =	vst v0;
	v21 =	vld.idx.msk [tilespmem:v30+s2+$0x0], $0xffff;
	v42 =	vmul.u32 $0x7, v15;
	v30 =	vadd.s32 $0x1, v27;
	v28 =	vadd.s32 $0x2, v27  }
0x50: {  	[tilespmem:s31+$0xFFFFFF30] =	vst v0;
	v25 =	vadd.s32 $0x3, v27;
	v24 =	vadd.s32 $0x4, v27;
	v10 =	vsel vm0, v19, v5  }
0x51: {  	[tilespmem:s31+$0xFFFFFF40] =	vst v0;
	v33 =	vld.idx.msk [tilespmem:v33+s2+$0x0], $0xffff;
	v11 =	vsel vm0, $0x5, v3;
	v4 =	vsel vm1, v4, v60;
	v39 =	vsel vm1, $0x1, v2  }
0x52: {  	[tilespmem:s31+$0xFFFFFF50] =	vst v0;
	v5 =	vld.idx.msk [tilespmem:v20+s2+$0x0], $0xffff;
	v20 =	vmul.u32 $0x7, v13;
	v3 =	vadd.s32 $0x5, v27;
	v60 =	vsel vm9, $0x1, v2  }
0x53: {  	[tilespmem:s31+$0xFFFFFF60] =	vst v0;
	v35 =	vld.idx.msk [tilespmem:v35+s2+$0x0], $0xffff;
	v13 =	vshll.u32 v13, $0x3;
	vm0 =	vgt.f32 v8, v10;
	vm1 =	vgt.f32 v59, v6  }
0x54: {  	[tilespmem:s31+$0xFFFFFF70] =	vst v0;
	v7 =	vld.idx.msk [tilespmem:v23+s2+$0x0], $0xffff;
	vm2 =	vgt.f32 v38, v4;
	v45 =	vadd.s32 $0x1, v42;
	v46 =	vadd.s32 $0x2, v42  }
0x55: {  	[tilespmem:s31+$0xFFFFFF80] =	vst v0;
	v37 =	vld.idx.msk [tilespmem:v37+s2+$0x0], $0xffff;
	v47 =	vadd.s32 $0x3, v42;
	v49 =	vadd.s32 $0x4, v42;
	v52 =	vadd.s32 $0x5, v42  }
0x56: {  	[tilespmem:s31+$0xFFFFFF90] =	vst v0;
	v53 =	vld.idx.msk [tilespmem:v53+s2+$0x0], $0xffff;
	v55 =	vadd.s32 $0x6, v42;
	v6 =	vsel vm1, v59, v6;
	v29 =	vadd.s32 $0x1, v20  }
0x57: {  	[tilespmem:s31+$0xFFFFFFA0] =	vst v0;
	v41 =	vld.idx.msk [tilespmem:v26+s2+$0x0], $0xffff;
	v22 =	vadd.s32 $0x2, v20;
	v26 =	vadd.s32 $0x3, v20;
	v23 =	vadd.s32 $0x4, v20  }
0x58: {  	[tilespmem:s31+$0xFFFFFFB0] =	vst v0;
	v63 =	vld.idx.msk [tilespmem:v56+s2+$0x0], $0xffff;
	v38 =	vsel vm2, v38, v4;
	v4 =	vadd.s32 $0x5, v20;
	v56 =	vsel vm1, $0x1, v2  }
0x59: {  	[tilespmem:s31+$0xFFFFFFC0] =	vst v0;
	v57 =	vld.idx.msk [tilespmem:v61+s2+$0x0], $0xffff;
	v39 =	vsel vm2, $0x2, v39;
	v11 =	vsel vm0, $0x6, v11;
	vm5 =	vgt.f32 v7, v38  }
0x5a: {  	[tilespmem:s31+$0xFFFFFFD0] =	vst v0;
	v32 =	vld.idx.msk [tilespmem:v32+s2+$0x0], $0xffff;
	v38 =	vsel vm5, v7, v38;
	v7 =	vadd.s32 $0x6, v20;
	vm3 =	vgt.f32 v5, v6  }
0x5b: {  	[tilespmem:s31+$0xFFFFFFE0] =	vst v0;
	v34 =	vld.idx.msk [tilespmem:v34+s2+$0x0], $0xffff;
	v39 =	vsel vm5, $0x3, v39;
	vm6 =	vgt.f32 v43, v38;
	v54 =	vsel vm3, v5, v6  }
0x5c: {  	[tilespmem:s31+$0xFFFFFFF0] =	vst v0;
	v36 =	vld.idx.msk [tilespmem:v36+s2+$0x0], $0xffff;
	v5 =	vadd.s32 $0x6, v27;
	v6 =	vadd.s32 $0x7, v27;
	v38 =	vsel vm6, v43, v38  }
0x5d: {  	[tilespmem:s31+$0x80] =	vst v0;
	v58 =	vld.idx.msk [tilespmem:v40+s2+$0x0], $0xffff;
	v48 =	vsel vm3, $0x2, v56;
	v43 =	vsel vm11, v51, v62;
	v39 =	vsel vm6, $0x4, v39  }
0x5e: {  	v19 =	vld.idx.msk [tilespmem:v17+s2+$0x0], $0xffff;
	vm7 =	vgt.f32 v41, v54;
	vm4 =	vgt.f32 v33, v38;
	vm15 =	vgt.f32 v53, v43  }
0x5f: {  	[tilespmem:s31+$0x90] =	vst v0;
	v45 =	vld.idx.msk [tilespmem:v45+s2+$0x0], $0xffff;
	v41 =	vsel vm7, v41, v54;
	v54 =	vadd.s32 $0x7, v42;
	v33 =	vsel vm4, v33, v38  }
0x60: {  	[tilespmem:s31+$0xA0] =	vst v0;
	v61 =	vld.idx.msk [tilespmem:v46+s2+$0x0], $0xffff;
	v59 =	vsel vm7, $0x3, v48;
	v43 =	vsel vm15, v53, v43;
	v48 =	vsel vm10, $0x2, v60  }
0x61: {  	[tilespmem:s31+$0xB0] =	vst v0;
	v51 =	vld.idx.msk [tilespmem:v52+s2+$0x0], $0xffff;
	v52 =	vsel vm4, $0x5, v39;
	vm8 =	vgt.f32 v32, v41;
	vm3 =	vgt.f32 v35, v33  }
0x62: {  	[tilespmem:s31+$0xC0] =	vst v0;
	v49 =	vld.idx.msk [tilespmem:v49+s2+$0x0], $0xffff;
	vm12 =	vgt.f32 v63, v43;
	v48 =	vsel vm11, $0x3, v48;
	v32 =	vsel vm8, v32, v41  }
0x63: {  	[tilespmem:s31+$0xD0] =	vst v0;
	v41 =	vld.idx.msk [tilespmem:v9+s2+$0x0], $0xffff;
	v9 =	vadd.s32 $0x7, v20;
	v43 =	vsel vm12, v63, v43;
	v40 =	vsel vm8, $0x4, v59  }
0x64: {  	[tilespmem:s31+$0xE0] =	vst v0;
	v42 =	vld.idx.msk [tilespmem:v42+s2+$0x0], $0xffff;
	v62 =	vsel vm15, $0x4, v48;
	v33 =	vsel vm3, v35, v33;
	v48 =	vsel vm0, v8, v10  }
0x65: {  	[tilespmem:s31+$0xFFFFFF00] =	vst v0;
	v10 =	vld.idx.msk [tilespmem:v55+s2+$0x0], $0xffff;
	v55 =	vsel vm3, $0x6, v52;
	vm1 =	vgt.f32 v34, v32;
	vm13 =	vgt.f32 v57, v43  }
0x66: {  	[tilespmem:s31+$0xF0] =	vst v0;
	v27 =	vld.idx.msk [tilespmem:v27+s2+$0x0], $0xffff;
	v46 =	vsel vm12, $0x5, v62;
	vm15 =	vgt.f32 v37, v33;
	v38 =	vsel vm13, v57, v43  }
0x67: {  	v44 =	vld.idx.msk [tilespmem:v23+s2+$0x0], $0xffff;
	vm3 =	vgt.f32 v21, v48;
	v8 =	vsel vm13, $0x6, v46;
	vm14 =	vgt.f32 v58, v38  }
0x68: {  	v63 =	vld.idx.msk [tilespmem:v47+s2+$0x0], $0xffff;
	v32 =	vsel vm1, v34, v32;
	v53 =	vsel vm1, $0x5, v40;
	v8 =	vsel vm14, $0x7, v8  }
0x69: {  	v20 =	vld.idx.msk [tilespmem:v20+s2+$0x0], $0xffff;
	v60 =	vsel vm15, $0x7, v55;
	vm1 =	vgt.f32 v45, v42;
	v31 =	vadd.s32 v31, v8  }
0x6a: {  	v57 =	vld.idx.msk [tilespmem:v30+s2+$0x0], $0xffff;
	v62 =	vsel vm3, $0x7, v11;
	v11 =	vshll.u32 v12, $0x3;
	v21 =	vsel vm1, v45, v42  }
0x6b: {  	v12 =	vshll.u32 v15, $0x3;
	v40 =	vld.idx.msk [tilespmem:v25+s2+$0x0], $0xffff;
	vm2 =	vgt.f32 v36, v32;
	vm0 =	vgt.f32 v61, v21  }
0x6c: {  	v43 =	vld.idx.msk [tilespmem:v26+s2+$0x0], $0xffff;
	v15 =	vadd.s32 v14, v60;
	v56 =	vsel vm1, $0x1, v2;
	v21 =	vsel vm0, v61, v21  }
0x6d: {  	v50 =	vsel vm2, v36, v32;
	v32 =	vld.idx.msk [tilespmem:v29+s2+$0x0], $0xffff;
	v59 =	vsel vm0, $0x2, v56;
	vm0 =	vgt.f32 v63, v21  }
0x6e: {  	v58 =	vsel vm2, $0x6, v53;
	vm1 =	vgt.f32 v41, v50;
	v21 =	vsel vm0, v63, v21;
	v61 =	vld.idx.msk [tilespmem:v31+s2+$0x0], $0xffff  }
0x6f: {  	[tilespmem:v17+s20+$0x0] =	vst.idx.msk $0xffff, v19;
	v38 =	vld.idx.msk [tilespmem:v28+s2+$0x0], $0xffff;
	v30 =	vsel vm1, $0x7, v58;
	v33 =	vsel vm0, $0x3, v59;
	vm0 =	vgt.f32 v49, v21  }
0x70: {  	v16 =	vadd.s32 v16, v62;
	v45 =	vld.idx.msk [tilespmem:v22+s2+$0x0], $0xffff;
	v14 =	vadd.s32 v18, v30;
	v21 =	vsel vm0, v49, v21  }
0x71: {  	v8 =	vld.idx.msk [tilespmem:v54+s2+$0x0], $0xffff;
	vm1 =	vgt.f32 v57, v27;
	v63 =	vsel vm0, $0x4, v33;
	vm0 =	vgt.f32 v51, v21  }
0x72: {  	v41 =	vld.idx.msk [tilespmem:v24+s2+$0x0], $0xffff;
	v46 =	vsel vm1, v57, v27;
	v33 =	vsel vm1, $0x1, v2;
	v18 =	vsel vm0, v51, v21  }
0x73: {  	s26 =	simm.s32 $0x4;
	s29 =	simm.s32 $0x10500;
	s28 =	simm.s32 $0xB0;
	vm1 =	vgt.f32 v32, v20;
	v17 =	vsel vm0, $0x5, v63;
	vm0 =	vgt.f32 v10, v18;
	[tilespmem:v31+s20+$0x0] =	vst.idx.msk $0xffff, v61  }
.LBB2_2:
0x74: {  	s30 =	sadd.s32 $0xFFFFFFD0, s28;
	[tilespmem:s29+$0x0] =	vst v0;
	s31 =	sadd.s32 $0xFFFFFFF0, s28;
	v19 =	vor.u32 s28, v1;
	s26 =	sadd.s32 $0x4, s26;
	vm2 =	vgt.f32 v38, v46;
	v47 =	vld.idx.msk [tilespmem:v3+s2+$0x0], $0xffff;
	v48 =	vsel vm1, v32, v20  }
0x75: {  	v20 =	vor.u32 s30, v1;
	s30 =	sadd.s32 $0xFFFFFFE0, s28;
	[tilespmem:s29+$0x10] =	vst v0;
	v32 =	vor.u32 s31, v1;
	v22 =	vmul.u32 $0x7, v19;
	p0 =	slt.u32 s26, $0x7C;
	v49 =	vld.idx.msk [tilespmem:v4+s2+$0x0], $0xffff  }
0x76: {  	v29 =	vmul.u32 $0x7, v20;
	v21 =	vor.u32 s30, v1;
	[tilespmem:s29+$0x20] =	vst v0;
	v50 =	vmul.u32 $0x7, v32;
	v42 =	vld.idx.msk [tilespmem:v5+s2+$0x0], $0xffff  }
0x77: {  	v51 =	vmul.u32 $0x7, v21;
	[tilespmem:s29+$0x30] =	vst v0;
	v30 =	vadd.s32 $0x1, v22;
	v23 =	vadd.s32 $0x2, v22;
	v39 =	vld.idx.msk [tilespmem:v7+s2+$0x0], $0xffff  }
0x78: {  	v31 =	vadd.s32 $0x1, v29;
	v28 =	vadd.s32 $0x2, v29;
	[tilespmem:s29+$0x40] =	vst v0;
	v4 =	vadd.s32 $0x1, v50;
	v37 =	vld.idx.msk [tilespmem:v6+s2+$0x0], $0xffff  }
0x79: {  	v26 =	vadd.s32 $0x3, v29;
	v52 =	vadd.s32 $0x1, v51;
	v53 =	vadd.s32 $0x2, v51;
	[tilespmem:s29+$0x50] =	vst v0;
	v36 =	vld.idx.msk [tilespmem:v9+s2+$0x0], $0xffff  }
0x7a: {  	v27 =	vadd.s32 $0x3, v22;
	v6 =	vadd.s32 $0x2, v50;
	v54 =	vadd.s32 $0x3, v51;
	[tilespmem:s29+$0x60] =	vst v0;
	v34 =	vld.idx.msk [tilespmem:v15+s2+$0x0], $0xffff  }
0x7b: {  	v24 =	vadd.s32 $0x4, v22;
	v25 =	vadd.s32 $0x4, v29;
	v55 =	vadd.s32 $0x4, v51;
	[tilespmem:s29+$0x70] =	vst v0;
	v35 =	vld.idx.msk [tilespmem:v16+s2+$0x0], $0xffff  }
0x7c: {  	vm4 =	vgt.f32 v45, v48;
	v3 =	vadd.s32 $0x5, v29;
	v9 =	vadd.s32 $0x3, v50;
	[tilespmem:s29+$0xFFFFFF10] =	vst v0;
	v56 =	vld.idx.msk [tilespmem:v50+s2+$0x0], $0xffff  }
0x7d: {  	v46 =	vsel vm2, v38, v46;
	v57 =	vadd.s32 $0x5, v51;
	[tilespmem:s29+$0xFFFFFF20] =	vst v0;
	v58 =	vld.idx.msk [tilespmem:v4+s2+$0x0], $0xffff;
	v4 =	vadd.s32 $0x5, v22  }
0x7e: {  	vm5 =	vgt.f32 v40, v46;
	v45 =	vsel vm4, v45, v48;
	v59 =	vadd.s32 $0x4, v50;
	[tilespmem:s29+$0xFFFFFF30] =	vst v0;
	v38 =	vld.idx.msk [tilespmem:v14+s2+$0x0], $0xffff  }
0x7f: {  	vm8 =	vgt.f32 v43, v45;
	v5 =	vadd.s32 $0x6, v29;
	v48 =	vadd.s32 $0x6, v51;
	[tilespmem:s29+$0xFFFFFF40] =	vst v0;
	v60 =	vld.idx.msk [tilespmem:v6+s2+$0x0], $0xffff  }
0x80: {  	v7 =	vadd.s32 $0x6, v22;
	v40 =	vsel vm5, v40, v46;
	v61 =	vadd.s32 $0x5, v50;
	[tilespmem:s29+$0xFFFFFF50] =	vst v0  }
0x81: {  	vm6 =	vgt.f32 v41, v40;
	v43 =	vsel vm8, v43, v45;
	v6 =	vadd.s32 $0x7, v29;
	[tilespmem:s29+$0xFFFFFF60] =	vst v0;
	v46 =	vld.idx.msk [tilespmem:v9+s2+$0x0], $0xffff  }
0x82: {  	v62 =	vadd.s32 $0x6, v50;
	v45 =	vadd.s32 $0x7, v51;
	vm7 =	vgt.f32 v44, v43;
	[tilespmem:s29+$0xFFFFFF70] =	vst v0  }
0x83: {  	v40 =	vsel vm6, v41, v40;
	v9 =	vadd.s32 $0x7, v22;
	vm9 =	vgt.f32 v58, v56;
	[tilespmem:s29+$0xFFFFFF80] =	vst v0;
	v59 =	vld.idx.msk [tilespmem:v59+s2+$0x0], $0xffff  }
0x84: {  	v43 =	vsel vm7, v44, v43;
	v50 =	vadd.s32 $0x7, v50;
	v41 =	vsel vm9, v58, v56;
	[tilespmem:s29+$0xFFFFFF90] =	vst v0  }
0x85: {  	vm3 =	vgt.f32 v47, v40;
	v56 =	vsel vm1, $0x1, v2;
	vm10 =	vgt.f32 v60, v41;
	[tilespmem:s29+$0xFFFFFFA0] =	vst v0;
	v44 =	vld.idx.msk [tilespmem:v61+s2+$0x0], $0xffff  }
0x86: {  	v33 =	vsel vm2, $0x2, v33;
	vm1 =	vgt.f32 v49, v43;
	v41 =	vsel vm10, v60, v41;
	[tilespmem:s29+$0xFFFFFFB0] =	vst v0  }
0x87: {  	v40 =	vsel vm3, v47, v40;
	v47 =	vsel vm4, $0x2, v56;
	vm11 =	vgt.f32 v46, v41;
	[tilespmem:s29+$0xFFFFFFC0] =	vst v0;
	v58 =	vld.idx.msk [tilespmem:v62+s2+$0x0], $0xffff  }
0x88: {  	v33 =	vsel vm5, $0x3, v33;
	v43 =	vsel vm1, v49, v43;
	v41 =	vsel vm11, v46, v41;
	[tilespmem:s29+$0xFFFFFFD0] =	vst v0  }
0x89: {  	vm4 =	vgt.f32 v42, v40;
	v47 =	vsel vm8, $0x3, v47;
	vm5 =	vgt.f32 v59, v41;
	[tilespmem:s29+$0xFFFFFFE0] =	vst v0;
	v46 =	vld.idx.msk [tilespmem:v50+s2+$0x0], $0xffff  }
0x8a: {  	v49 =	vsel vm9, $0x1, v2;
	vm2 =	vgt.f32 v39, v43;
	v41 =	vsel vm5, v59, v41;
	[tilespmem:s29+$0xFFFFFFF0] =	vst v0  }
0x8b: {  	v33 =	vsel vm6, $0x4, v33;
	v49 =	vsel vm10, $0x2, v49;
	vm8 =	vgt.f32 v44, v41;
	v50 =	vld.idx.msk [tilespmem:v52+s2+$0x0], $0xffff;
	[tilespmem:s29+$0x80] =	vst v0  }
0x8c: {  	v49 =	vsel vm11, $0x3, v49;
	v41 =	vsel vm8, v44, v41;
	v44 =	vsel vm7, $0x4, v47;
	v51 =	vld.idx.msk [tilespmem:v51+s2+$0x0], $0xffff;
	[tilespmem:s29+$0x90] =	vst v0  }
0x8d: {  	v40 =	vsel vm4, v42, v40;
	v49 =	vsel vm5, $0x4, v49;
	vm5 =	vgt.f32 v58, v41;
	v47 =	vld.idx.msk [tilespmem:v53+s2+$0x0], $0xffff;
	[tilespmem:s29+$0xA0] =	vst v0  }
0x8e: {  	v18 =	vsel vm0, v10, v18;
	v49 =	vsel vm8, $0x5, v49;
	v41 =	vsel vm5, v58, v41;
	v42 =	vld.idx.msk [tilespmem:v54+s2+$0x0], $0xffff;
	[tilespmem:s29+$0xB0] =	vst v0  }
0x8f: {  	v39 =	vsel vm2, v39, v43;
	v10 =	vsel vm5, $0x6, v49;
	vm5 =	vgt.f32 v46, v41;
	v52 =	vld.idx.msk [tilespmem:v55+s2+$0x0], $0xffff;
	[tilespmem:s29+$0xC0] =	vst v0  }
0x90: {  	v32 =	vshll.u32 v32, $0x3;
	v33 =	vsel vm3, $0x5, v33;
	v43 =	vsel vm5, $0x7, v10;
	v41 =	vld.idx.msk [tilespmem:v57+s2+$0x0], $0xffff;
	[tilespmem:s29+$0xD0] =	vst v0  }
0x91: {  	vm3 =	vgt.f32 v37, v40;
	v37 =	vsel vm1, $0x5, v44;
	v10 =	vld.idx.msk [tilespmem:v48+s2+$0x0], $0xffff;
	v48 =	vadd.s32 v32, v43;
	[tilespmem:s29+$0xE0] =	vst v0  }
0x92: {  	v33 =	vsel vm4, $0x6, v33;
	vm4 =	vgt.f32 v8, v18;
	vm1 =	vgt.f32 v50, v51;
	[tilespmem:s29+$0xF0] =	vst v0;
	v8 =	vld.idx.msk [tilespmem:v45+s2+$0x0], $0xffff  }
0x93: {  	v17 =	vsel vm0, $0x6, v17;
	v18 =	vsel vm1, v50, v51;
	v40 =	vsel vm1, $0x1, v2;
	[tilespmem:s29+$0xFFFFFF00] =	vst v0;
	v32 =	vld.idx.msk [tilespmem:v30+s2+$0x0], $0xffff  }
0x94: {  	vm1 =	vgt.f32 v36, v39;
	vm0 =	vgt.f32 v47, v18;
	v30 =	vld.idx.msk [tilespmem:v31+s2+$0x0], $0xffff;
	v31 =	vsel vm2, $0x6, v37  }
0x95: {  	v33 =	vsel vm3, $0x7, v33;
	v18 =	vsel vm0, v47, v18;
	v36 =	vsel vm0, $0x2, v40;
	v29 =	vld.idx.msk [tilespmem:v29+s2+$0x0], $0xffff;
	[tilespmem:v15+s20+$0x0] =	vst.idx.msk $0xffff, v34  }
0x96: {  	v17 =	vsel vm4, $0x7, v17;
	vm0 =	vgt.f32 v42, v18;
	v31 =	vsel vm1, $0x7, v31;
	v34 =	vld.idx.msk [tilespmem:v48+s2+$0x0], $0xffff;
	[tilespmem:v16+s20+$0x0] =	vst.idx.msk $0xffff, v35  }
0x97: {  	v16 =	vshll.u32 v20, $0x3;
	v15 =	vsel vm0, v42, v18;
	v18 =	vsel vm0, $0x3, v36;
	v20 =	vld.idx.msk [tilespmem:v22+s2+$0x0], $0xffff;
	[tilespmem:v14+s20+$0x0] =	vst.idx.msk $0xffff, v38  }
0x98: {  	v19 =	vshll.u32 v19, $0x3;
	v21 =	vshll.u32 v21, $0x3;
	vm0 =	vgt.f32 v52, v15;
	v38 =	vld.idx.msk [tilespmem:v28+s2+$0x0], $0xffff  }
.Ltmp0:
0x99: {  	v22 =	vsel vm0, v52, v15;
	v28 =	vsel vm0, $0x4, v18;
	v15 =	vadd.s32 v11, v33;
	v11 =	vmovc v16;
	v45 =	vld.idx.msk [tilespmem:v23+s2+$0x0], $0xffff;
	(pc) =	sbr.rel @p0 .LBB2_2-.Ltmp0, $4  }
0x9a: {  	v14 =	vadd.s32 v13, v31;
	v16 =	vadd.s32 v12, v17;
	vm0 =	vgt.f32 v41, v22;
	v40 =	vld.idx.msk [tilespmem:v26+s2+$0x0], $0xffff  }
0x9b: {  	v12 =	vmovc v21;
	vm1 =	vgt.f32 v30, v29;
	v18 =	vsel vm0, v41, v22;
	v17 =	vsel vm0, $0x5, v28;
	v43 =	vld.idx.msk [tilespmem:v27+s2+$0x0], $0xffff  }
0x9c: {  	v13 =	vmov v19;
	v46 =	vsel vm1, v30, v29;
	v33 =	vsel vm1, $0x1, v2;
	v41 =	vld.idx.msk [tilespmem:v25+s2+$0x0], $0xffff;
	[tilespmem:v48+s20+$0x0] =	vst.idx.msk $0xffff, v34  }
0x9d: {  	s28 =	sadd.s32 $0x40, s28;
	s29 =	sadd.s32 $0x200, s29;
	vm0 =	vgt.f32 v10, v18;
	vm1 =	vgt.f32 v32, v20;
	v44 =	vld.idx.msk [tilespmem:v24+s2+$0x0], $0xffff  }
0x9e: {  	_ =	sdelay $0x2  }
0x9f: {  	v19 =	vsel vm1, v32, v20  }
0xa0: {  	vm2 =	vgt.f32 v38, v46;
	v3 =	vld.idx.msk [tilespmem:v3+s2+$0x0], $0xffff;
	vm3 =	vgt.f32 v45, v19  }
0xa1: {  	v4 =	vld.idx.msk [tilespmem:v4+s2+$0x0], $0xffff;
	v51 =	vsel vm2, v38, v46;
	v19 =	vsel vm3, v45, v19  }
0xa2: {  	v5 =	vld.idx.msk [tilespmem:v5+s2+$0x0], $0xffff;
	vm4 =	vgt.f32 v40, v51;
	vm5 =	vgt.f32 v43, v19  }
0xa3: {  	v7 =	vld.idx.msk [tilespmem:v7+s2+$0x0], $0xffff;
	v21 =	vsel vm1, $0x1, v2;
	v20 =	vsel vm4, v40, v51;
	v19 =	vsel vm5, v43, v19  }
0xa4: {  	v22 =	vsel vm2, $0x2, v33;
	vm6 =	vgt.f32 v41, v20;
	vm7 =	vgt.f32 v44, v19  }
0xa5: {  	v6 =	vld.idx.msk [tilespmem:v6+s2+$0x0], $0xffff;
	v52 =	vsel vm3, $0x2, v21;
	v20 =	vsel vm6, v41, v20;
	v19 =	vsel vm7, v44, v19  }
0xa6: {  	v53 =	vsel vm4, $0x3, v22;
	vm8 =	vgt.f32 v3, v20;
	vm1 =	vgt.f32 v4, v19  }
0xa7: {  	v9 =	vld.idx.msk [tilespmem:v9+s2+$0x0], $0xffff;
	v54 =	vsel vm6, $0x4, v53;
	v3 =	vsel vm8, v3, v20;
	v4 =	vsel vm1, v4, v19  }
0xa8: {  	vm2 =	vgt.f32 v5, v3;
	v19 =	vsel vm5, $0x3, v52;
	vm3 =	vgt.f32 v7, v4  }
0xa9: {  	v19 =	vsel vm7, $0x4, v19;
	v3 =	vsel vm2, v5, v3;
	v5 =	vsel vm0, v10, v18  }
0xaa: {  	v4 =	vsel vm3, v7, v4;
	v7 =	vsel vm8, $0x5, v54;
	vm13 =	vgt.f32 v6, v3  }
0xab: {  	v3 =	vsel vm1, $0x5, v19;
	vm1 =	vgt.f32 v8, v5;
	v5 =	vsel vm0, $0x6, v17  }
0xac: {  	v6 =	vsel vm2, $0x6, v7;
	vm0 =	vgt.f32 v9, v4;
	v4 =	vsel vm1, $0x7, v5  }
0xad: {  	v3 =	vsel vm3, $0x6, v3;
	v6 =	vsel vm13, $0x7, v6;
	v4 =	vadd.s32 v12, v4  }
0xae: {  	v3 =	vsel vm0, $0x7, v3;
	v5 =	vadd.s32 v11, v6  }
0xaf: {  	v6 =	vld.idx.msk [tilespmem:v15+s2+$0x0], $0xffff;
	v3 =	vadd.s32 v13, v3  }
0xb0: {  	v8 =	vld.idx.msk [tilespmem:v14+s2+$0x0], $0xffff  }
0xb1: {  	v7 =	vld.idx.msk [tilespmem:v16+s2+$0x0], $0xffff  }
0xb2: {  	v10 =	vld.idx.msk [tilespmem:v4+s2+$0x0], $0xffff  }
0xb3: {  	v9 =	vld.idx.msk [tilespmem:v5+s2+$0x0], $0xffff  }
0xb4: {  	[tilespmem:v15+s20+$0x0] =	vst.idx.msk $0xffff, v6;
	v6 =	vld.idx.msk [tilespmem:v3+s2+$0x0], $0xffff  }
0xb5: {  	[tilespmem:v14+s20+$0x0] =	vst.idx.msk $0xffff, v8  }
0xb6: {  	[tilespmem:v16+s20+$0x0] =	vst.idx.msk $0xffff, v7  }
0xb7: {  	[tilespmem:v4+s20+$0x0] =	vst.idx.msk $0xffff, v10  }
0xb8: {  	[tilespmem:v5+s20+$0x0] =	vst.idx.msk $0xffff, v9  }
0xb9: {  	s26 =	simm.s32 $0x14100;
	[tilespmem:v3+s20+$0x0] =	vst.idx.msk $0xffff, v6  }
0xba: {  	[hbm4b:s5+s16] =	stream.strided.scatter [tilespmem:s20], [sflag:$0x3], $0x4000, s17, s16, $0x38;
	[tilespmem:$0x18000] =	vst v63  }
0xbb: {  	[tilespmem:s26+$0x0] =	vst v0  }
0xbc: {  	[tilespmem:s26+$0x10] =	vst v0  }
0xbd: {  	[tilespmem:s26+$0x20] =	vst v0  }
0xbe: {  	[tilespmem:s26+$0x30] =	vst v0  }
0xbf: {  	[tilespmem:s26+$0x40] =	vst v0  }
0xc0: {  	[tilespmem:s26+$0x50] =	vst v0  }
0xc1: {  	[tilespmem:s26+$0x60] =	vst v0  }
0xc2: {  	[tilespmem:s26+$0x70] =	vst v0  }
0xc3: {  	[tilespmem:s26+$0xFFFFFF10] =	vst v0  }
0xc4: {  	s28 =	simm.s32 $0x820;
	[tilespmem:s26+$0xFFFFFF20] =	vst v0  }
0xc5: {  	v3 =	vor.u32 s28, v1;
	[tilespmem:s26+$0xFFFFFF30] =	vst v0  }
0xc6: {  	v4 =	vmul.u32 $0x7, v3;
	[tilespmem:s26+$0xFFFFFF40] =	vst v0  }
0xc7: {  	[tilespmem:s26+$0xFFFFFF50] =	vst v0  }
0xc8: {  	[tilespmem:s26+$0xFFFFFF60] =	vst v0;
	v5 =	vadd.s32 $0x1, v4  }
0xc9: {  	[tilespmem:s26+$0xFFFFFF70] =	vst v0  }
0xca: {  	[tilespmem:s26+$0xFFFFFF80] =	vst v0;
	v6 =	vadd.s32 $0x2, v4  }
0xcb: {  	s29 =	simm.s32 $0x800;
	s28 =	simm.s32 $0x830;
	[tilespmem:s26+$0xFFFFFF90] =	vst v0  }
0xcc: {  	v10 =	vor.u32 s29, v1;
	v9 =	vor.u32 s28, v1;
	s28 =	simm.s32 $0x810;
	[tilespmem:s26+$0xFFFFFFA0] =	vst v0;
	v8 =	vadd.s32 $0x3, v4;
	v7 =	vld.idx.msk [tilespmem:v4+s2+$0x0], $0xffff  }
0xcd: {  	v13 =	vmul.u32 $0x7, v10;
	v14 =	vor.u32 s28, v1;
	[tilespmem:s26+$0xFFFFFFB0] =	vst v0;
	v12 =	vadd.s32 $0x4, v4;
	v5 =	vld.idx.msk [tilespmem:v5+s2+$0x0], $0xffff  }
0xce: {  	[tilespmem:s26+$0xFFFFFFC0] =	vst v0;
	v15 =	vmul.u32 $0x7, v14;
	v16 =	vadd.s32 $0x5, v4  }
0xcf: {  	v3 =	vshll.u32 v3, $0x3;
	v11 =	vmul.u32 $0x7, v9;
	v55 =	vadd.s32 $0x1, v13;
	[tilespmem:s26+$0xFFFFFFD0] =	vst v0;
	v6 =	vld.idx.msk [tilespmem:v6+s2+$0x0], $0xffff  }
0xd0: {  	v57 =	vadd.s32 $0x2, v13;
	v25 =	vadd.s32 $0x3, v13;
	[tilespmem:s26+$0xFFFFFFE0] =	vst v0;
	v56 =	vadd.s32 $0x1, v15  }
0xd1: {  	v35 =	vadd.s32 $0x4, v13;
	[tilespmem:s26+$0xFFFFFFF0] =	vst v0;
	v37 =	vadd.s32 $0x5, v13;
	v18 =	vadd.s32 $0x6, v4;
	v8 =	vld.idx.msk [tilespmem:v8+s2+$0x0], $0xffff  }
0xd2: {  	[tilespmem:s26+$0x80] =	vst v0;
	v17 =	vadd.s32 $0x1, v11;
	v19 =	vadd.s32 $0x2, v11;
	v12 =	vld.idx.msk [tilespmem:v12+s2+$0x0], $0xffff;
	vm0 =	vgt.f32 v5, v7  }
0xd3: {  	[tilespmem:s26+$0x90] =	vst v0;
	v34 =	vadd.s32 $0x3, v11;
	v23 =	vadd.s32 $0x2, v15;
	v16 =	vld.idx.msk [tilespmem:v16+s2+$0x0], $0xffff;
	v5 =	vsel vm0, v5, v7  }
0xd4: {  	[tilespmem:s26+$0xA0] =	vst v0;
	v36 =	vadd.s32 $0x4, v11;
	v4 =	vadd.s32 $0x7, v4;
	v28 =	vld.idx.msk [tilespmem:v15+s2+$0x0], $0xffff;
	vm1 =	vgt.f32 v6, v5  }
0xd5: {  	[tilespmem:s26+$0xFFFFFF00] =	vst v0;
	v24 =	vadd.s32 $0x3, v15;
	v26 =	vadd.s32 $0x4, v15;
	v21 =	vld.idx.msk [tilespmem:v56+s2+$0x0], $0xffff;
	v6 =	vsel vm1, v6, v5  }
0xd6: {  	[tilespmem:s26+$0xB0] =	vst v0;
	v27 =	vadd.s32 $0x5, v15;
	v29 =	vadd.s32 $0x6, v15;
	v58 =	vld.idx.msk [tilespmem:v13+s2+$0x0], $0xffff;
	vm2 =	vgt.f32 v8, v6  }
0xd7: {  	[tilespmem:s26+$0xC0] =	vst v0;
	v31 =	vadd.s32 $0x7, v15;
	v18 =	vld.idx.msk [tilespmem:v18+s2+$0x0], $0xffff;
	v7 =	vadd.s32 $0x6, v11;
	v8 =	vsel vm2, v8, v6  }
0xd8: {  	[tilespmem:s26+$0xD0] =	vst v0;
	v23 =	vld.idx.msk [tilespmem:v23+s2+$0x0], $0xffff;
	v30 =	vsel vm0, $0x1, v2;
	v5 =	vadd.s32 $0x5, v11;
	vm3 =	vgt.f32 v12, v8  }
0xd9: {  	[tilespmem:s26+$0xE0] =	vst v0;
	v4 =	vld.idx.msk [tilespmem:v4+s2+$0x0], $0xffff;
	v30 =	vsel vm1, $0x2, v30;
	v6 =	vadd.s32 $0x6, v13;
	v8 =	vsel vm3, v12, v8  }
0xda: {  	[tilespmem:s26+$0xF0] =	vst v0;
	v24 =	vld.idx.msk [tilespmem:v24+s2+$0x0], $0xffff;
	v15 =	vsel vm2, $0x3, v30;
	vm2 =	vgt.f32 v21, v28;
	vm0 =	vgt.f32 v16, v8  }
0xdb: {  	v30 =	vadd.s32 $0x7, v11;
	v11 =	vld.idx.msk [tilespmem:v11+s2+$0x0], $0xffff;
	v15 =	vsel vm3, $0x4, v15;
	v8 =	vsel vm0, v16, v8  }
0xdc: {  	v21 =	vsel vm2, v21, v28;
	v16 =	vld.idx.msk [tilespmem:v26+s2+$0x0], $0xffff;
	v15 =	vsel vm0, $0x5, v15;
	vm1 =	vgt.f32 v18, v8  }
0xdd: {  	v26 =	vld.idx.msk [tilespmem:v27+s2+$0x0], $0xffff;
	v18 =	vsel vm1, v18, v8;
	v15 =	vsel vm1, $0x6, v15;
	vm1 =	vgt.f32 v23, v21  }
0xde: {  	v12 =	vadd.s32 $0x7, v13;
	vm0 =	vgt.f32 v4, v18;
	v4 =	vld.idx.msk [tilespmem:v17+s2+$0x0], $0xffff;
	v18 =	vsel vm1, v23, v21  }
0xdf: {  	v13 =	vshll.u32 v10, $0x3;
	v17 =	vld.idx.msk [tilespmem:v55+s2+$0x0], $0xffff;
	v15 =	vsel vm0, $0x7, v15;
	vm0 =	vgt.f32 v24, v18  }
0xe0: {  	v3 =	vadd.s32 v3, v15;
	v15 =	vsel vm2, $0x1, v2;
	v10 =	vsel vm0, v24, v18  }
0xe1: {  	s31 =	simm.s32 $0x14300;
	v59 =	vld.idx.msk [tilespmem:v57+s2+$0x0], $0xffff;
	v18 =	vsel vm1, $0x2, v15;
	v15 =	vshll.u32 v14, $0x3;
	vm1 =	vgt.f32 v16, v10  }
0xe2: {  	[tilespmem:s31+$0x0] =	vst v0;
	v8 =	vld.idx.msk [tilespmem:v29+s2+$0x0], $0xffff;
	v14 =	vshll.u32 v9, $0x3;
	v9 =	vsel vm0, $0x3, v18;
	v16 =	vsel vm1, v16, v10  }
0xe3: {  	[tilespmem:s31+$0x10] =	vst v0;
	v60 =	vld.idx.msk [tilespmem:v19+s2+$0x0], $0xffff;
	v10 =	vadd.s32 $0xFFFFC000, v3;
	v9 =	vsel vm1, $0x4, v9;
	vm0 =	vgt.f32 v26, v16  }
0xe4: {  	[tilespmem:s31+$0x20] =	vst v0;
	vm1 =	vgt.f32 v17, v58;
	vm2 =	vgt.f32 v4, v11;
	v33 =	vsel vm0, v26, v16  }
0xe5: {  	s28 =	simm.s32 $0x870;
	[tilespmem:s31+$0x30] =	vst v0;
	v9 =	vsel vm0, $0x5, v9;
	v17 =	vsel vm1, v17, v58;
	v39 =	vsel vm1, $0x1, v2  }
0xe6: {  	s29 =	simm.s32 $0x840;
	[tilespmem:s31+$0x40] =	vst v0;
	v61 =	vsel vm2, v4, v11;
	v41 =	vsel vm2, $0x1, v2;
	v16 =	vor.u32 s28, v1  }
0xe7: {  	[tilespmem:s31+$0x50] =	vst v0;
	s28 =	simm.s32 $0x860;
	v11 =	vor.u32 s29, v1;
	vm0 =	vgt.f32 v8, v33;
	vm1 =	vgt.f32 v59, v17  }
0xe8: {  	[tilespmem:s31+$0x60] =	vst v0;
	v62 =	vld.idx.msk [tilespmem:v25+s2+$0x0], $0xffff;
	s29 =	simm.s32 $0x850;
	vm2 =	vgt.f32 v60, v61;
	v32 =	vor.u32 s28, v1;
	v27 =	vmul.u32 $0x7, v11  }
0xe9: {  	[tilespmem:s31+$0x70] =	vst v0;
	v35 =	vld.idx.msk [tilespmem:v35+s2+$0x0], $0xffff;
	v24 =	vor.u32 s29, v1;
	v42 =	vsel vm1, v59, v17;
	v17 =	vmul.u32 $0x7, v16  }
0xea: {  	[tilespmem:s31+$0xFFFFFF10] =	vst v0;
	v34 =	vld.idx.msk [tilespmem:v34+s2+$0x0], $0xffff;
	v43 =	vmul.u32 $0x7, v32;
	v44 =	vmul.u32 $0x7, v24;
	v38 =	vsel vm2, v60, v61  }
0xeb: {  	[tilespmem:s31+$0xFFFFFF20] =	vst v0;
	v37 =	vld.idx.msk [tilespmem:v37+s2+$0x0], $0xffff;
	v39 =	vsel vm1, $0x2, v39;
	v41 =	vsel vm2, $0x2, v41;
	v8 =	vsel vm0, v8, v33  }
0xec: {  	[tilespmem:s31+$0xFFFFFF30] =	vst v0;
	v36 =	vld.idx.msk [tilespmem:v36+s2+$0x0], $0xffff;
	v32 =	vshll.u32 v32, $0x3;
	v9 =	vsel vm0, $0x6, v9;
	v29 =	vadd.s32 $0x1, v27  }
0xed: {  	[tilespmem:s31+$0xFFFFFF40] =	vst v0;
	v57 =	vld.idx.msk [tilespmem:v6+s2+$0x0], $0xffff;
	v26 =	vadd.s32 $0x2, v27;
	v21 =	vadd.s32 $0x3, v27;
	v22 =	vadd.s32 $0x4, v27  }
0xee: {  	[tilespmem:s31+$0xFFFFFF50] =	vst v0;
	v23 =	vld.idx.msk [tilespmem:v3+s2+$0x0], $0xffff;
	v19 =	vadd.s32 $0x5, v27;
	vm3 =	vgt.f32 v62, v42;
	v3 =	vadd.s32 $0x1, v43  }
0xef: {  	[tilespmem:s31+$0xFFFFFF60] =	vst v0;
	v55 =	vld.idx.msk [tilespmem:v5+s2+$0x0], $0xffff;
	vm4 =	vgt.f32 v34, v38;
	v6 =	vadd.s32 $0x7, v27;
	v49 =	vadd.s32 $0x2, v43  }
0xf0: {  	[tilespmem:s31+$0xFFFFFF80] =	vst v0;
	v12 =	vld.idx.msk [tilespmem:v12+s2+$0x0], $0xffff;
	v28 =	vadd.s32 $0x1, v17;
	v18 =	vadd.s32 $0x2, v17;
	v53 =	vadd.s32 $0x3, v43  }
0xf1: {  	[tilespmem:s31+$0xFFFFFF90] =	vst v0;
	v58 =	vld.idx.msk [tilespmem:v7+s2+$0x0], $0xffff;
	v46 =	vadd.s32 $0x1, v44;
	v47 =	vadd.s32 $0x2, v44;
	v61 =	vadd.s32 $0x5, v43  }
0xf2: {  	[tilespmem:s31+$0xFFFFFFA0] =	vst v0;
	v48 =	vadd.s32 $0x3, v44;
	v42 =	vsel vm3, v62, v42;
	v62 =	vadd.s32 $0x6, v43;
	v52 =	vld.idx.msk [tilespmem:v43+s2+$0x0], $0xffff  }
0xf3: {  	[tilespmem:s31+$0xFFFFFFB0] =	vst v0;
	v25 =	vadd.s32 $0x3, v17;
	v50 =	vadd.s32 $0x4, v44;
	v34 =	vsel vm4, v34, v38;
	v54 =	vld.idx.msk [tilespmem:v3+s2+$0x0], $0xffff  }
0xf4: {  	[tilespmem:s31+$0xFFFFFFC0] =	vst v0;
	v20 =	vadd.s32 $0x4, v17;
	v51 =	vadd.s32 $0x5, v44;
	vm15 =	vgt.f32 v36, v34;
	v60 =	vld.idx.msk [tilespmem:v49+s2+$0x0], $0xffff  }
0xf5: {  	[tilespmem:s31+$0xFFFFFFD0] =	vst v0;
	v4 =	vadd.s32 $0x5, v17;
	v63 =	vadd.s32 $0x4, v43;
	v34 =	vsel vm15, v36, v34;
	v53 =	vld.idx.msk [tilespmem:v53+s2+$0x0], $0xffff  }
0xf6: {  	[tilespmem:s31+$0xFFFFFFE0] =	vst v0;
	v56 =	vadd.s32 $0x6, v44;
	v5 =	vadd.s32 $0x6, v17;
	vm13 =	vgt.f32 v55, v34;
	v49 =	vld.idx.msk [tilespmem:v61+s2+$0x0], $0xffff  }
0xf7: {  	[tilespmem:s31+$0xFFFFFFF0] =	vst v0;
	v38 =	vadd.s32 $0x7, v44;
	vm14 =	vgt.f32 v35, v42;
	v34 =	vsel vm13, v55, v34;
	v55 =	vld.idx.msk [tilespmem:v62+s2+$0x0], $0xffff  }
0xf8: {  	[tilespmem:s31+$0xFFFFFF70] =	vst v0;
	v7 =	vadd.s32 $0x7, v17;
	v41 =	vsel vm4, $0x3, v41;
	v35 =	vsel vm14, v35, v42;
	v61 =	vld.idx.msk [tilespmem:v46+s2+$0x0], $0xffff  }
0xf9: {  	v41 =	vsel vm15, $0x4, v41;
	[tilespmem:v10+s21+$0x0] =	vst.idx.msk $0xffff, v23;
	v10 =	vshll.u32 v16, $0x3;
	v62 =	vld.idx.msk [tilespmem:v44+s2+$0x0], $0xffff;
	vm9 =	vgt.f32 v54, v52  }
0xfa: {  	[tilespmem:s31+$0x80] =	vst v0;
	vm12 =	vgt.f32 v37, v35;
	v43 =	vadd.s32 $0x7, v43;
	v63 =	vld.idx.msk [tilespmem:v63+s2+$0x0], $0xffff;
	v52 =	vsel vm9, v54, v52  }
0xfb: {  	[tilespmem:s31+$0xFFFFFF00] =	vst v0;
	v35 =	vsel vm12, v37, v35;
	v3 =	vadd.s32 $0x6, v27;
	vm10 =	vgt.f32 v60, v52  }
0xfc: {  	v31 =	vld.idx.msk [tilespmem:v31+s2+$0x0], $0xffff;
	vm2 =	vgt.f32 v57, v35;
	vm1 =	vgt.f32 v58, v34;
	v40 =	vsel vm10, v60, v52  }
0xfd: {  	v30 =	vld.idx.msk [tilespmem:v30+s2+$0x0], $0xffff;
	v35 =	vsel vm2, v57, v35;
	v34 =	vsel vm1, v58, v34;
	vm11 =	vgt.f32 v53, v40  }
0xfe: {  	v29 =	vld.idx.msk [tilespmem:v29+s2+$0x0], $0xffff;
	vm15 =	vgt.f32 v12, v35;
	vm0 =	vgt.f32 v61, v62;
	v40 =	vsel vm11, v53, v40  }
0xff: {  	[tilespmem:s31+$0x90] =	vst v0;
	v26 =	vld.idx.msk [tilespmem:v26+s2+$0x0], $0xffff;
	v54 =	vsel vm3, $0x3, v39;
	v57 =	vsel vm0, v61, v62;
	vm3 =	vgt.f32 v63, v40  }
0x100: {  	[tilespmem:s31+$0xA0] =	vst v0;
	v59 =	vld.idx.msk [tilespmem:v43+s2+$0x0], $0xffff;
	v58 =	vsel vm0, $0x1, v2;
	v60 =	vsel vm9, $0x1, v2;
	v36 =	vsel vm3, v63, v40  }
0x101: {  	[tilespmem:s31+$0xB0] =	vst v0;
	v27 =	vld.idx.msk [tilespmem:v27+s2+$0x0], $0xffff;
	v37 =	vsel vm14, $0x4, v54;
	v43 =	vsel vm10, $0x2, v60;
	vm14 =	vgt.f32 v49, v36  }
0x102: {  	[tilespmem:s31+$0xC0] =	vst v0;
	v37 =	vsel vm12, $0x5, v37;
	v43 =	vsel vm11, $0x3, v43;
	v63 =	vld.idx.msk [tilespmem:v47+s2+$0x0], $0xffff;
	v36 =	vsel vm14, v49, v36  }
0x103: {  	[tilespmem:s31+$0xD0] =	vst v0;
	v48 =	vld.idx.msk [tilespmem:v48+s2+$0x0], $0xffff;
	v43 =	vsel vm3, $0x4, v43;
	v49 =	vsel vm13, $0x5, v41;
	vm3 =	vgt.f32 v55, v36  }
0x104: {  	[tilespmem:s31+$0xE0] =	vst v0;
	v12 =	vld.idx.msk [tilespmem:v56+s2+$0x0], $0xffff;
	v43 =	vsel vm14, $0x5, v43;
	v56 =	vsel vm1, $0x6, v49;
	v36 =	vsel vm3, v55, v36  }
0x105: {  	[tilespmem:s31+$0xF0] =	vst v0;
	v50 =	vld.idx.msk [tilespmem:v50+s2+$0x0], $0xffff;
	vm1 =	vgt.f32 v30, v34;
	v43 =	vsel vm3, $0x6, v43;
	vm3 =	vgt.f32 v59, v36  }
0x106: {  	v28 =	vld.idx.msk [tilespmem:v28+s2+$0x0], $0xffff;
	v55 =	vsel vm2, $0x6, v37;
	v60 =	vsel vm1, $0x7, v56;
	v53 =	vsel vm3, $0x7, v43  }
0x107: {  	v44 =	vld.idx.msk [tilespmem:v18+s2+$0x0], $0xffff;
	vm1 =	vgt.f32 v29, v27;
	vm0 =	vgt.f32 v63, v57;
	v54 =	vadd.s32 v32, v53  }
0x108: {  	v52 =	vld.idx.msk [tilespmem:v51+s2+$0x0], $0xffff;
	vm3 =	vgt.f32 v31, v8;
	v30 =	vsel vm0, v63, v57;
	v33 =	vsel vm0, $0x2, v58  }
0x109: {  	v8 =	vld.idx.msk [tilespmem:v38+s2+$0x0], $0xffff;
	v38 =	vsel vm1, $0x1, v2;
	v32 =	vsel vm15, $0x7, v55;
	v59 =	vsel vm3, $0x7, v9  }
0x10a: {  	v63 =	vld.idx.msk [tilespmem:v17+s2+$0x0], $0xffff;
	v9 =	vshll.u32 v11, $0x3;
	vm0 =	vgt.f32 v48, v30;
	v11 =	vshll.u32 v24, $0x3  }
0x10b: {  	v45 =	vld.idx.msk [tilespmem:v25+s2+$0x0], $0xffff;
	v24 =	vsel vm1, v29, v27;
	v16 =	vsel vm0, v48, v30;
	v62 =	vadd.s32 $0xFFFFC000, v54  }
0x10c: {  	v17 =	vsel vm0, $0x3, v33;
	v35 =	vadd.s32 v13, v32;
	v32 =	vadd.s32 v15, v59;
	v61 =	vld.idx.msk [tilespmem:v54+s2+$0x0], $0xffff  }
0x10d: {  	v40 =	vld.idx.msk [tilespmem:v21+s2+$0x0], $0xffff;
	v33 =	vadd.s32 v14, v60;
	vm1 =	vgt.f32 v26, v24;
	vm0 =	vgt.f32 v50, v16  }
0x10e: {  	v41 =	vld.idx.msk [tilespmem:v22+s2+$0x0], $0xffff;
	v14 =	vadd.s32 $0xFFFFC000, v35;
	v13 =	vadd.s32 $0xFFFFC000, v32;
	v15 =	vsel vm0, v50, v16  }
0x10f: {  	v37 =	vld.idx.msk [tilespmem:v19+s2+$0x0], $0xffff;
	v16 =	vsel vm0, $0x4, v17;
	vm0 =	vgt.f32 v52, v15;
	vm2 =	vgt.f32 v28, v63  }
0x110: {  	v43 =	vld.idx.msk [tilespmem:v20+s2+$0x0], $0xffff;
	v17 =	vsel vm0, v52, v15;
	v16 =	vsel vm0, $0x5, v16;
	v15 =	vadd.s32 $0xFFFFC000, v33  }
0x111: {  	s26 =	simm.s32 $0x4;
	s28 =	simm.s32 $0x8B0;
	s29 =	simm.s32 $0x14500;
	v46 =	vsel vm2, v28, v63;
	v42 =	vsel vm2, $0x1, v2;
	vm0 =	vgt.f32 v12, v17;
	[tilespmem:v62+s21+$0x0] =	vst.idx.msk $0xffff, v61  }
.LBB2_4:
0x112: {  	s30 =	sadd.s32 $0xFFFFFFD0, s28;
	[tilespmem:s29+$0x0] =	vst v0;
	s31 =	sadd.s32 $0xFFFFFFF0, s28;
	v18 =	vor.u32 s28, v1;
	s26 =	sadd.s32 $0x4, s26;
	v47 =	vsel vm1, v26, v24;
	vm2 =	vgt.f32 v44, v46;
	v48 =	vld.idx.msk [tilespmem:v4+s2+$0x0], $0xffff  }
0x113: {  	v26 =	vor.u32 s30, v1;
	s30 =	sadd.s32 $0xFFFFFFE0, s28;
	[tilespmem:s29+$0x10] =	vst v0;
	v34 =	vor.u32 s31, v1;
	v19 =	vmul.u32 $0x7, v18;
	p0 =	slt.u32 s26, $0x7C;
	v49 =	vld.idx.msk [tilespmem:v3+s2+$0x0], $0xffff  }
0x114: {  	v29 =	vmul.u32 $0x7, v26;
	v27 =	vor.u32 s30, v1;
	[tilespmem:s29+$0x20] =	vst v0;
	v50 =	vmul.u32 $0x7, v34;
	v51 =	vld.idx.msk [tilespmem:v5+s2+$0x0], $0xffff  }
0x115: {  	v52 =	vmul.u32 $0x7, v27;
	[tilespmem:s29+$0x30] =	vst v0;
	v30 =	vadd.s32 $0x1, v19;
	v20 =	vadd.s32 $0x2, v19;
	v39 =	vld.idx.msk [tilespmem:v6+s2+$0x0], $0xffff  }
0x116: {  	v31 =	vadd.s32 $0x1, v29;
	v28 =	vadd.s32 $0x2, v29;
	[tilespmem:s29+$0x40] =	vst v0;
	v3 =	vadd.s32 $0x1, v50;
	v36 =	vld.idx.msk [tilespmem:v7+s2+$0x0], $0xffff  }
0x117: {  	v25 =	vadd.s32 $0x3, v29;
	v53 =	vadd.s32 $0x1, v52;
	v54 =	vadd.s32 $0x2, v52;
	[tilespmem:s29+$0x50] =	vst v0;
	v35 =	vld.idx.msk [tilespmem:v35+s2+$0x0], $0xffff  }
0x118: {  	v24 =	vadd.s32 $0x3, v19;
	v5 =	vadd.s32 $0x2, v50;
	v55 =	vadd.s32 $0x3, v52;
	[tilespmem:s29+$0x60] =	vst v0;
	v32 =	vld.idx.msk [tilespmem:v32+s2+$0x0], $0xffff  }
0x119: {  	v21 =	vadd.s32 $0x4, v19;
	v23 =	vadd.s32 $0x4, v29;
	v56 =	vadd.s32 $0x4, v52;
	[tilespmem:s29+$0x70] =	vst v0;
	v33 =	vld.idx.msk [tilespmem:v33+s2+$0x0], $0xffff  }
0x11a: {  	v22 =	vadd.s32 $0x5, v29;
	v7 =	vadd.s32 $0x3, v50;
	v57 =	vadd.s32 $0x5, v52;
	[tilespmem:s29+$0xFFFFFF10] =	vst v0;
	v58 =	vld.idx.msk [tilespmem:v50+s2+$0x0], $0xffff  }
0x11b: {  	vm3 =	vgt.f32 v40, v47;
	v4 =	vadd.s32 $0x5, v19;
	v6 =	vsel vm2, v44, v46;
	[tilespmem:s29+$0xFFFFFF20] =	vst v0;
	v59 =	vld.idx.msk [tilespmem:v3+s2+$0x0], $0xffff  }
0x11c: {  	v44 =	vadd.s32 $0x4, v50;
	vm7 =	vgt.f32 v45, v6;
	v3 =	vadd.s32 $0x6, v29;
	[tilespmem:s29+$0xFFFFFF30] =	vst v0  }
0x11d: {  	v40 =	vsel vm3, v40, v47;
	v46 =	vadd.s32 $0x6, v52;
	[tilespmem:s29+$0xFFFFFF40] =	vst v0;
	v60 =	vld.idx.msk [tilespmem:v5+s2+$0x0], $0xffff;
	v5 =	vadd.s32 $0x6, v19  }
0x11e: {  	vm6 =	vgt.f32 v41, v40;
	v47 =	vadd.s32 $0x5, v50;
	v45 =	vsel vm7, v45, v6;
	[tilespmem:s29+$0xFFFFFF50] =	vst v0  }
0x11f: {  	v6 =	vadd.s32 $0x7, v29;
	v61 =	vadd.s32 $0x7, v52;
	vm8 =	vgt.f32 v43, v45;
	[tilespmem:s29+$0xFFFFFF60] =	vst v0;
	v62 =	vld.idx.msk [tilespmem:v7+s2+$0x0], $0xffff  }
0x120: {  	v63 =	vadd.s32 $0x6, v50;
	v40 =	vsel vm6, v41, v40;
	v7 =	vadd.s32 $0x7, v19;
	[tilespmem:s29+$0xFFFFFF70] =	vst v0  }
0x121: {  	v38 =	vsel vm1, $0x2, v38;
	v43 =	vsel vm8, v43, v45;
	vm9 =	vgt.f32 v59, v58;
	[tilespmem:s29+$0xFFFFFF80] =	vst v0;
	v41 =	vld.idx.msk [tilespmem:v44+s2+$0x0], $0xffff  }
0x122: {  	vm4 =	vgt.f32 v37, v40;
	v45 =	vadd.s32 $0x7, v50;
	v44 =	vsel vm9, v59, v58;
	[tilespmem:s29+$0xFFFFFF90] =	vst v0  }
0x123: {  	v42 =	vsel vm2, $0x2, v42;
	vm5 =	vgt.f32 v48, v43;
	vm10 =	vgt.f32 v60, v44;
	[tilespmem:s29+$0xFFFFFFA0] =	vst v0;
	v47 =	vld.idx.msk [tilespmem:v47+s2+$0x0], $0xffff  }
0x124: {  	v37 =	vsel vm4, v37, v40;
	v40 =	vsel vm5, v48, v43;
	v44 =	vsel vm10, v60, v44;
	[tilespmem:s29+$0xFFFFFFB0] =	vst v0  }
0x125: {  	v38 =	vsel vm3, $0x3, v38;
	v42 =	vsel vm7, $0x3, v42;
	vm11 =	vgt.f32 v62, v44;
	[tilespmem:s29+$0xFFFFFFC0] =	vst v0;
	v43 =	vld.idx.msk [tilespmem:v63+s2+$0x0], $0xffff  }
0x126: {  	vm2 =	vgt.f32 v49, v37;
	vm1 =	vgt.f32 v51, v40;
	v44 =	vsel vm11, v62, v44;
	[tilespmem:s29+$0xFFFFFFD0] =	vst v0  }
0x127: {  	v38 =	vsel vm6, $0x4, v38;
	v42 =	vsel vm8, $0x4, v42;
	vm3 =	vgt.f32 v41, v44;
	[tilespmem:s29+$0xFFFFFFE0] =	vst v0;
	v45 =	vld.idx.msk [tilespmem:v45+s2+$0x0], $0xffff  }
0x128: {  	v37 =	vsel vm2, v49, v37;
	v48 =	vsel vm9, $0x1, v2;
	v41 =	vsel vm3, v41, v44;
	[tilespmem:s29+$0xFFFFFFF0] =	vst v0  }
0x129: {  	v12 =	vsel vm0, v12, v17;
	v48 =	vsel vm10, $0x2, v48;
	vm6 =	vgt.f32 v47, v41;
	v44 =	vld.idx.msk [tilespmem:v53+s2+$0x0], $0xffff;
	[tilespmem:s29+$0x80] =	vst v0  }
0x12a: {  	v40 =	vsel vm1, v51, v40;
	v48 =	vsel vm11, $0x3, v48;
	v41 =	vsel vm6, v47, v41;
	v17 =	vld.idx.msk [tilespmem:v52+s2+$0x0], $0xffff;
	[tilespmem:s29+$0x90] =	vst v0  }
0x12b: {  	v38 =	vsel vm4, $0x5, v38;
	v48 =	vsel vm3, $0x4, v48;
	vm3 =	vgt.f32 v43, v41;
	v47 =	vld.idx.msk [tilespmem:v54+s2+$0x0], $0xffff;
	[tilespmem:s29+$0xA0] =	vst v0  }
0x12c: {  	v42 =	vsel vm5, $0x5, v42;
	v48 =	vsel vm6, $0x5, v48;
	v41 =	vsel vm3, v43, v41;
	v49 =	vld.idx.msk [tilespmem:v55+s2+$0x0], $0xffff;
	[tilespmem:s29+$0xB0] =	vst v0  }
0x12d: {  	vm4 =	vgt.f32 v39, v37;
	v48 =	vsel vm3, $0x6, v48;
	vm3 =	vgt.f32 v45, v41;
	v43 =	vld.idx.msk [tilespmem:v56+s2+$0x0], $0xffff;
	[tilespmem:s29+$0xC0] =	vst v0  }
0x12e: {  	v34 =	vshll.u32 v34, $0x3;
	v39 =	vsel vm3, $0x7, v48;
	vm3 =	vgt.f32 v8, v12;
	v37 =	vld.idx.msk [tilespmem:v57+s2+$0x0], $0xffff;
	[tilespmem:s29+$0xD0] =	vst v0  }
0x12f: {  	v16 =	vsel vm0, $0x6, v16;
	v38 =	vsel vm2, $0x6, v38;
	v34 =	vadd.s32 v34, v39;
	v12 =	vld.idx.msk [tilespmem:v46+s2+$0x0], $0xffff;
	[tilespmem:s29+$0xE0] =	vst v0  }
0x130: {  	v39 =	vsel vm1, $0x6, v42;
	vm1 =	vgt.f32 v36, v40;
	vm0 =	vgt.f32 v44, v17;
	v8 =	vld.idx.msk [tilespmem:v61+s2+$0x0], $0xffff;
	[tilespmem:s29+$0xF0] =	vst v0  }
0x131: {  	v38 =	vsel vm4, $0x7, v38;
	v17 =	vsel vm0, v44, v17;
	v36 =	vsel vm0, $0x1, v2;
	[tilespmem:s29+$0xFFFFFF00] =	vst v0;
	v30 =	vld.idx.msk [tilespmem:v30+s2+$0x0], $0xffff  }
0x132: {  	v16 =	vsel vm3, $0x7, v16;
	v39 =	vsel vm1, $0x7, v39;
	vm0 =	vgt.f32 v47, v17;
	v31 =	vld.idx.msk [tilespmem:v31+s2+$0x0], $0xffff;
	[tilespmem:v14+s21+$0x0] =	vst.idx.msk $0xffff, v35  }
0x133: {  	v14 =	vshll.u32 v26, $0x3;
	v17 =	vsel vm0, v47, v17;
	v26 =	vsel vm0, $0x2, v36;
	v29 =	vld.idx.msk [tilespmem:v29+s2+$0x0], $0xffff;
	[tilespmem:v13+s21+$0x0] =	vst.idx.msk $0xffff, v32  }
0x134: {  	v18 =	vshll.u32 v18, $0x3;
	v27 =	vshll.u32 v27, $0x3;
	vm0 =	vgt.f32 v49, v17;
	v36 =	vld.idx.msk [tilespmem:v34+s2+$0x0], $0xffff;
	[tilespmem:v15+s21+$0x0] =	vst.idx.msk $0xffff, v33  }
0x135: {  	v13 =	vsel vm0, v49, v17;
	v15 =	vsel vm0, $0x3, v26;
	v34 =	vadd.s32 $0xFFFFC000, v34;
	v19 =	vld.idx.msk [tilespmem:v19+s2+$0x0], $0xffff  }
0x136: {  	v35 =	vadd.s32 v9, v38;
	v32 =	vadd.s32 v11, v16;
	vm0 =	vgt.f32 v43, v13;
	v26 =	vld.idx.msk [tilespmem:v28+s2+$0x0], $0xffff  }
0x137: {  	v9 =	vmovc v14;
	v33 =	vadd.s32 v10, v39;
	v16 =	vsel vm0, v43, v13;
	v15 =	vsel vm0, $0x4, v15;
	v44 =	vld.idx.msk [tilespmem:v20+s2+$0x0], $0xffff  }
.Ltmp1:
0x138: {  	v14 =	vadd.s32 $0xFFFFC000, v35;
	v11 =	vmovc v27;
	v10 =	vmovc v18;
	v13 =	vadd.s32 $0xFFFFC000, v32;
	vm0 =	vgt.f32 v37, v16;
	v40 =	vld.idx.msk [tilespmem:v25+s2+$0x0], $0xffff;
	(pc) =	sbr.rel @p0 .LBB2_4-.Ltmp1, $4  }
0x139: {  	vm1 =	vgt.f32 v31, v29;
	v17 =	vsel vm0, v37, v16;
	v16 =	vsel vm0, $0x5, v15;
	v45 =	vld.idx.msk [tilespmem:v24+s2+$0x0], $0xffff  }
0x13a: {  	v15 =	vadd.s32 $0xFFFFC000, v33;
	v24 =	vsel vm1, v31, v29;
	v38 =	vsel vm1, $0x1, v2;
	v41 =	vld.idx.msk [tilespmem:v23+s2+$0x0], $0xffff;
	[tilespmem:v34+s21+$0x0] =	vst.idx.msk $0xffff, v36  }
0x13b: {  	vm0 =	vgt.f32 v12, v17;
	vm2 =	vgt.f32 v30, v19;
	v43 =	vld.idx.msk [tilespmem:v21+s2+$0x0], $0xffff  }
0x13c: {  	s28 =	sadd.s32 $0x40, s28;
	s29 =	sadd.s32 $0x200, s29;
	vm1 =	vgt.f32 v26, v24;
	v46 =	vsel vm2, v30, v19;
	v42 =	vsel vm2, $0x1, v2;
	v37 =	vld.idx.msk [tilespmem:v22+s2+$0x0], $0xffff  }
0x13d: {  	_ =	sdelay $0x2  }
0x13e: {  	vm2 =	vgt.f32 v44, v46  }
0x13f: {  	v18 =	vsel vm1, v26, v24;
	v4 =	vld.idx.msk [tilespmem:v4+s2+$0x0], $0xffff;
	v19 =	vsel vm2, v44, v46  }
0x140: {  	v3 =	vld.idx.msk [tilespmem:v3+s2+$0x0], $0xffff;
	vm3 =	vgt.f32 v40, v18;
	vm4 =	vgt.f32 v45, v19  }
0x141: {  	v5 =	vld.idx.msk [tilespmem:v5+s2+$0x0], $0xffff;
	v18 =	vsel vm3, v40, v18;
	v19 =	vsel vm4, v45, v19  }
0x142: {  	v20 =	vsel vm1, $0x2, v38;
	vm5 =	vgt.f32 v41, v18;
	vm6 =	vgt.f32 v43, v19  }
0x143: {  	v12 =	vsel vm0, v12, v17;
	v18 =	vsel vm5, v41, v18;
	v19 =	vsel vm6, v43, v19  }
0x144: {  	v6 =	vld.idx.msk [tilespmem:v6+s2+$0x0], $0xffff;
	v21 =	vsel vm2, $0x2, v42;
	vm1 =	vgt.f32 v37, v18;
	vm2 =	vgt.f32 v4, v19  }
0x145: {  	v18 =	vsel vm1, v37, v18;
	v4 =	vsel vm2, v4, v19;
	v19 =	vsel vm3, $0x3, v20  }
0x146: {  	v7 =	vld.idx.msk [tilespmem:v7+s2+$0x0], $0xffff;
	v20 =	vsel vm4, $0x3, v21;
	vm3 =	vgt.f32 v3, v18;
	vm12 =	vgt.f32 v5, v4  }
0x147: {  	v19 =	vsel vm5, $0x4, v19;
	v20 =	vsel vm6, $0x4, v20;
	v3 =	vsel vm3, v3, v18  }
0x148: {  	v4 =	vsel vm12, v5, v4;
	v5 =	vsel vm1, $0x5, v19;
	v17 =	vsel vm2, $0x5, v20  }
0x149: {  	vm1 =	vgt.f32 v6, v3;
	vm2 =	vgt.f32 v8, v12;
	v3 =	vsel vm3, $0x6, v5  }
0x14a: {  	v5 =	vsel vm0, $0x6, v16;
	v6 =	vsel vm12, $0x6, v17;
	v3 =	vsel vm1, $0x7, v3  }
0x14b: {  	vm0 =	vgt.f32 v7, v4;
	v4 =	vsel vm2, $0x7, v5;
	v3 =	vadd.s32 v9, v3  }
0x14c: {  	v5 =	vsel vm0, $0x7, v6;
	v4 =	vadd.s32 v11, v4  }
0x14d: {  	v6 =	vld.idx.msk [tilespmem:v35+s2+$0x0], $0xffff;
	v5 =	vadd.s32 v10, v5  }
0x14e: {  	v8 =	vld.idx.msk [tilespmem:v33+s2+$0x0], $0xffff  }
0x14f: {  	v7 =	vld.idx.msk [tilespmem:v32+s2+$0x0], $0xffff  }
0x150: {  	v9 =	vadd.s32 $0xFFFFC000, v3;
	v3 =	vld.idx.msk [tilespmem:v3+s2+$0x0], $0xffff  }
0x151: {  	v10 =	vadd.s32 $0xFFFFC000, v4;
	v4 =	vld.idx.msk [tilespmem:v4+s2+$0x0], $0xffff  }
0x152: {  	[tilespmem:v14+s21+$0x0] =	vst.idx.msk $0xffff, v6;
	v6 =	vadd.s32 $0xFFFFC000, v5;
	v5 =	vld.idx.msk [tilespmem:v5+s2+$0x0], $0xffff  }
0x153: {  	[tilespmem:v15+s21+$0x0] =	vst.idx.msk $0xffff, v8  }
0x154: {  	[tilespmem:v13+s21+$0x0] =	vst.idx.msk $0xffff, v7  }
0x155: {  	[tilespmem:v9+s21+$0x0] =	vst.idx.msk $0xffff, v3  }
0x156: {  	[tilespmem:v10+s21+$0x0] =	vst.idx.msk $0xffff, v4  }
0x157: {  	[tilespmem:v6+s21+$0x0] =	vst.idx.msk $0xffff, v5  }
0x158: {  	[hbm4b:s6+s16] =	stream.strided.scatter [tilespmem:s21], [sflag:$0x4], $0x4000, s17, s16, $0x38;
	[tilespmem:$0x18000] =	vst v63  }
0x159: {  	_ = 	snop  }
0x15a: {  	[tilespmem:s2], [sflag:$0x1] =	stream.strided.gather [hbm4b:s7+s16], $0x8000, s17, s16, $0x38;
	[tilespmem:$0x18000] =	vst v63  }
0x15b: {  	_ =	swait.ge [sflag:s22], $0x4000  }
0x15c: {  	[sflag:s22] =	ssyncset.done $0x0  }
0x15d: {  	[sflag:s22] =	ssyncadd.s32 $0xFFFFC000  }
0x15e: {  	_ =	swait.ge [sflag:s23], $0x8000  }
0x15f: {  	[sflag:s23] =	ssyncset.done $0x0  }
0x160: {  	s26 =	simm.s32 $0x10100;
	[sflag:s23] =	ssyncadd.s32 $0xFFFF8000  }
0x161: {  	[tilespmem:s26+$0x0] =	vst v0  }
0x162: {  	[tilespmem:s26+$0x10] =	vst v0  }
0x163: {  	[tilespmem:s26+$0x20] =	vst v0  }
0x164: {  	[tilespmem:s26+$0x30] =	vst v0  }
0x165: {  	[tilespmem:s26+$0x40] =	vst v0  }
0x166: {  	[tilespmem:s26+$0x50] =	vst v0  }
0x167: {  	[tilespmem:s26+$0x60] =	vst v0  }
0x168: {  	[tilespmem:s26+$0x70] =	vst v0  }
0x169: {  	[tilespmem:s26+$0xFFFFFF10] =	vst v0  }
0x16a: {  	[tilespmem:s26+$0xFFFFFF20] =	vst v0  }
0x16b: {  	[tilespmem:s26+$0xFFFFFF30] =	vst v0  }
0x16c: {  	[tilespmem:s26+$0xFFFFFF40] =	vst v0  }
0x16d: {  	s28 =	simm.s32 $0x20;
	[tilespmem:s26+$0xFFFFFF50] =	vst v0  }
0x16e: {  	v3 =	vor.u32 s28, v1;
	[tilespmem:s26+$0xFFFFFF60] =	vst v0  }
0x16f: {  	v4 =	vmul.u32 $0x7, v3;
	[tilespmem:s26+$0xFFFFFF80] =	vst v0  }
0x170: {  	s30 =	simm.s32 $0x60;
	[tilespmem:s26+$0xFFFFFF90] =	vst v0  }
0x171: {  	v31 =	vor.u32 s30, v1;
	v5 =	vadd.s32 $0x1, v4;
	[tilespmem:s26+$0xFFFFFFA0] =	vst v0  }
0x172: {  	v40 =	vmul.u32 $0x7, v31;
	[tilespmem:s26+$0xFFFFFFB0] =	vst v0  }
0x173: {  	v31 =	vshll.u32 v31, $0x3;
	s28 =	simm.s32 $0x30;
	v6 =	vadd.s32 $0x2, v4;
	[tilespmem:s26+$0xFFFFFFC0] =	vst v0  }
0x174: {  	v48 =	vadd.s32 $0x2, v40;
	v7 =	vor.u32 s28, v1;
	s28 =	simm.s32 $0x10;
	v9 =	vadd.s32 $0x3, v4;
	[tilespmem:s26+$0xFFFFFFD0] =	vst v0  }
0x175: {  	s29 =	simm.s32 $0x0;
	v51 =	vadd.s32 $0x3, v40;
	v11 =	vor.u32 s28, v1;
	v12 =	vadd.s32 $0x4, v4;
	[tilespmem:s26+$0xFFFFFFE0] =	vst v0;
	v8 =	vld.idx.msk [tilespmem:v4+s18+$0x0], $0xffff  }
0x176: {  	v10 =	vor.u32 s29, v1;
	v14 =	vmul.u32 $0x7, v11;
	v17 =	vadd.s32 $0x6, v4;
	[tilespmem:s26+$0xFFFFFFF0] =	vst v0;
	v5 =	vld.idx.msk [tilespmem:v5+s18+$0x0], $0xffff  }
0x177: {  	v53 =	vadd.s32 $0x4, v40;
	v16 =	vmul.u32 $0x7, v10;
	v3 =	vshll.u32 v3, $0x3;
	[tilespmem:s26+$0x80] =	vst v0  }
0x178: {  	v13 =	vmul.u32 $0x7, v7;
	v15 =	vadd.s32 $0x5, v4;
	v54 =	vadd.s32 $0x2, v14;
	[tilespmem:s26+$0x90] =	vst v0;
	v6 =	vld.idx.msk [tilespmem:v6+s18+$0x0], $0xffff  }
0x179: {  	v21 =	vadd.s32 $0x1, v16;
	v22 =	vadd.s32 $0x2, v16;
	v23 =	vadd.s32 $0x3, v16;
	[tilespmem:s26+$0xA0] =	vst v0;
	v9 =	vld.idx.msk [tilespmem:v9+s18+$0x0], $0xffff  }
0x17a: {  	v28 =	vadd.s32 $0x4, v16;
	v57 =	vadd.s32 $0x5, v16;
	v18 =	vadd.s32 $0x1, v13;
	[tilespmem:s26+$0xB0] =	vst v0;
	v12 =	vld.idx.msk [tilespmem:v12+s18+$0x0], $0xffff  }
0x17b: {  	v58 =	vadd.s32 $0x6, v16;
	v19 =	vadd.s32 $0x1, v14;
	[tilespmem:s26+$0xC0] =	vst v0;
	v17 =	vld.idx.msk [tilespmem:v17+s18+$0x0], $0xffff;
	vm0 =	vgt.f32 v5, v8  }
0x17c: {  	v37 =	vadd.s32 $0x7, v16;
	v20 =	vadd.s32 $0x2, v13;
	[tilespmem:s26+$0xD0] =	vst v0;
	v27 =	vld.idx.msk [tilespmem:v14+s18+$0x0], $0xffff;
	v5 =	vsel vm0, v5, v8  }
0x17d: {  	v55 =	vadd.s32 $0x3, v13;
	[tilespmem:s26+$0xE0] =	vst v0;
	v4 =	vadd.s32 $0x7, v4;
	v24 =	vld.idx.msk [tilespmem:v54+s18+$0x0], $0xffff;
	vm1 =	vgt.f32 v6, v5  }
0x17e: {  	v56 =	vadd.s32 $0x4, v13;
	v34 =	vadd.s32 $0x5, v13;
	[tilespmem:s26+$0xF0] =	vst v0;
	v8 =	vld.idx.msk [tilespmem:v15+s18+$0x0], $0xffff;
	v5 =	vsel vm1, v6, v5  }
0x17f: {  	v36 =	vadd.s32 $0x6, v13;
	v25 =	vadd.s32 $0x3, v14;
	[tilespmem:s26+$0xFFFFFF70] =	vst v0;
	v59 =	vld.idx.msk [tilespmem:v18+s18+$0x0], $0xffff;
	vm2 =	vgt.f32 v9, v5  }
0x180: {  	v29 =	vadd.s32 $0x6, v14;
	v30 =	vadd.s32 $0x7, v14;
	[tilespmem:s26+$0xFFFFFF00] =	vst v0;
	v6 =	vld.idx.msk [tilespmem:v19+s18+$0x0], $0xffff;
	v5 =	vsel vm2, v9, v5  }
0x181: {  	v60 =	vld.idx.msk [tilespmem:v16+s18+$0x0], $0xffff;
	v16 =	vshll.u32 v11, $0x3;
	v15 =	vadd.s32 $0x4, v14;
	vm3 =	vgt.f32 v12, v5  }
0x182: {  	v4 =	vld.idx.msk [tilespmem:v4+s18+$0x0], $0xffff;
	v19 =	vadd.s32 $0x5, v14;
	v14 =	vsel vm0, $0x1, v2;
	v5 =	vsel vm3, v12, v5  }
0x183: {  	v18 =	vshll.u32 v7, $0x3;
	v32 =	vld.idx.msk [tilespmem:v56+s18+$0x0], $0xffff;
	v14 =	vsel vm1, $0x2, v14;
	vm0 =	vgt.f32 v8, v5  }
0x184: {  	s31 =	simm.s32 $0x10300;
	v56 =	vadd.s32 $0x5, v40;
	v14 =	vsel vm2, $0x3, v14;
	v12 =	vld.idx.msk [tilespmem:v25+s18+$0x0], $0xffff;
	v5 =	vsel vm0, v8, v5  }
0x185: {  	[tilespmem:s31+$0x0] =	vst v0;
	v14 =	vsel vm3, $0x4, v14;
	vm1 =	vgt.f32 v6, v27;
	vm2 =	vgt.f32 v17, v5  }
0x186: {  	[tilespmem:s31+$0x10] =	vst v0;
	v15 =	vld.idx.msk [tilespmem:v15+s18+$0x0], $0xffff;
	v6 =	vsel vm1, v6, v27;
	v14 =	vsel vm0, $0x5, v14;
	v5 =	vsel vm2, v17, v5  }
0x187: {  	[tilespmem:s31+$0x20] =	vst v0;
	vm0 =	vgt.f32 v24, v6;
	v14 =	vsel vm2, $0x6, v14;
	vm2 =	vgt.f32 v4, v5  }
0x188: {  	[tilespmem:s31+$0x30] =	vst v0;
	v9 =	vadd.s32 $0x7, v13;
	v19 =	vld.idx.msk [tilespmem:v19+s18+$0x0], $0xffff;
	v5 =	vsel vm0, v24, v6;
	v6 =	vsel vm2, $0x7, v14  }
0x189: {  	s28 =	simm.s32 $0x70;
	[tilespmem:s31+$0x40] =	vst v0;
	v4 =	vld.idx.msk [tilespmem:v21+s18+$0x0], $0xffff;
	vm2 =	vgt.f32 v12, v5;
	v14 =	vshll.u32 v10, $0x3;
	v17 =	vadd.s32 v3, v6  }
0x18a: {  	s29 =	simm.s32 $0x40;
	[tilespmem:s31+$0x50] =	vst v0;
	v3 =	vsel vm1, $0x1, v2;
	v5 =	vsel vm2, v12, v5;
	v6 =	vld.idx.msk [tilespmem:v13+s18+$0x0], $0xffff;
	v13 =	vor.u32 s28, v1  }
0x18b: {  	[tilespmem:s31+$0x60] =	vst v0;
	v12 =	vor.u32 s29, v1;
	v3 =	vsel vm0, $0x2, v3;
	vm0 =	vgt.f32 v15, v5  }
0x18c: {  	[tilespmem:s31+$0x70] =	vst v0;
	v61 =	vld.idx.msk [tilespmem:v22+s18+$0x0], $0xffff;
	s28 =	simm.s32 $0x50;
	v27 =	vmul.u32 $0x7, v12;
	v3 =	vsel vm2, $0x3, v3;
	v5 =	vsel vm0, v15, v5  }
0x18d: {  	[tilespmem:s31+$0xFFFFFF10] =	vst v0;
	v8 =	vld.idx.msk [tilespmem:v29+s18+$0x0], $0xffff;
	v15 =	vor.u32 s28, v1;
	v3 =	vsel vm0, $0x4, v3;
	vm0 =	vgt.f32 v19, v5  }
0x18e: {  	[tilespmem:s31+$0xFFFFFF20] =	vst v0;
	v21 =	vld.idx.msk [tilespmem:v30+s18+$0x0], $0xffff;
	vm1 =	vgt.f32 v4, v60;
	v42 =	vmul.u32 $0x7, v15;
	v30 =	vadd.s32 $0x1, v27  }
0x18f: {  	[tilespmem:s31+$0xFFFFFF30] =	vst v0;
	v63 =	vld.idx.msk [tilespmem:v28+s18+$0x0], $0xffff;
	v28 =	vadd.s32 $0x2, v27;
	v25 =	vadd.s32 $0x3, v27;
	v24 =	vadd.s32 $0x4, v27  }
0x190: {  	[tilespmem:s31+$0xFFFFFF40] =	vst v0;
	v7 =	vld.idx.msk [tilespmem:v23+s18+$0x0], $0xffff;
	v10 =	vsel vm0, v19, v5;
	v11 =	vsel vm0, $0x5, v3;
	v4 =	vsel vm1, v4, v60  }
0x191: {  	[tilespmem:s31+$0xFFFFFF50] =	vst v0;
	v39 =	vsel vm1, $0x1, v2;
	v5 =	vld.idx.msk [tilespmem:v20+s18+$0x0], $0xffff;
	v20 =	vmul.u32 $0x7, v13;
	v60 =	vadd.s32 $0x1, v40  }
0x192: {  	[tilespmem:s31+$0xFFFFFF60] =	vst v0;
	v62 =	vld.idx.msk [tilespmem:v55+s18+$0x0], $0xffff;
	v3 =	vadd.s32 $0x5, v27;
	v13 =	vshll.u32 v13, $0x3;
	vm0 =	vgt.f32 v8, v10  }
0x193: {  	[tilespmem:s31+$0xFFFFFF70] =	vst v0;
	v33 =	vld.idx.msk [tilespmem:v57+s18+$0x0], $0xffff;
	vm1 =	vgt.f32 v59, v6;
	vm2 =	vgt.f32 v61, v4;
	v45 =	vadd.s32 $0x1, v42  }
0x194: {  	[tilespmem:s31+$0xFFFFFF80] =	vst v0;
	v34 =	vld.idx.msk [tilespmem:v34+s18+$0x0], $0xffff;
	v46 =	vadd.s32 $0x2, v42;
	v47 =	vadd.s32 $0x3, v42;
	v49 =	vadd.s32 $0x4, v42  }
0x195: {  	[tilespmem:s31+$0xFFFFFF90] =	vst v0;
	v50 =	vld.idx.msk [tilespmem:v40+s18+$0x0], $0xffff;
	v52 =	vadd.s32 $0x5, v42;
	v55 =	vadd.s32 $0x6, v42;
	v6 =	vsel vm1, v59, v6  }
0x196: {  	[tilespmem:s31+$0xFFFFFFA0] =	vst v0;
	v35 =	vld.idx.msk [tilespmem:v58+s18+$0x0], $0xffff;
	v29 =	vadd.s32 $0x1, v20;
	v22 =	vadd.s32 $0x2, v20;
	v26 =	vadd.s32 $0x3, v20  }
0x197: {  	[tilespmem:s31+$0xFFFFFFB0] =	vst v0;
	v48 =	vld.idx.msk [tilespmem:v48+s18+$0x0], $0xffff;
	v23 =	vadd.s32 $0x4, v20;
	v38 =	vsel vm2, v61, v4;
	v4 =	vadd.s32 $0x5, v20  }
0x198: {  	[tilespmem:s31+$0xFFFFFFC0] =	vst v0;
	v61 =	vadd.s32 $0x6, v40;
	v40 =	vadd.s32 $0x7, v40;
	vm13 =	vgt.f32 v7, v38;
	v44 =	vld.idx.msk [tilespmem:v60+s18+$0x0], $0xffff  }
0x199: {  	[tilespmem:s31+$0xFFFFFFD0] =	vst v0;
	v36 =	vld.idx.msk [tilespmem:v36+s18+$0x0], $0xffff;
	v39 =	vsel vm2, $0x2, v39;
	v11 =	vsel vm0, $0x6, v11;
	v38 =	vsel vm13, v7, v38  }
0x19a: {  	[tilespmem:s31+$0xFFFFFFE0] =	vst v0;
	v37 =	vld.idx.msk [tilespmem:v37+s18+$0x0], $0xffff;
	v7 =	vadd.s32 $0x6, v20;
	v39 =	vsel vm13, $0x3, v39;
	vm3 =	vgt.f32 v5, v6  }
0x19b: {  	[tilespmem:s31+$0xFFFFFFF0] =	vst v0;
	v51 =	vld.idx.msk [tilespmem:v51+s18+$0x0], $0xffff;
	vm14 =	vgt.f32 v63, v38;
	v54 =	vsel vm3, v5, v6;
	v5 =	vadd.s32 $0x6, v27  }
0x19c: {  	[tilespmem:s31+$0x80] =	vst v0;
	v6 =	vadd.s32 $0x7, v27;
	v38 =	vsel vm14, v63, v38;
	v63 =	vld.idx.msk [tilespmem:v56+s18+$0x0], $0xffff;
	v56 =	vsel vm1, $0x1, v2  }
0x19d: {  	[tilespmem:s31+$0x90] =	vst v0;
	v53 =	vld.idx.msk [tilespmem:v53+s18+$0x0], $0xffff;
	v39 =	vsel vm14, $0x4, v39;
	vm7 =	vgt.f32 v62, v54;
	vm9 =	vgt.f32 v44, v50  }
0x19e: {  	v19 =	vld.idx.msk [tilespmem:v17+s18+$0x0], $0xffff;
	vm4 =	vgt.f32 v33, v38;
	v41 =	vsel vm7, v62, v54;
	v44 =	vsel vm9, v44, v50  }
0x19f: {  	[tilespmem:s31+$0xA0] =	vst v0;
	v45 =	vld.idx.msk [tilespmem:v45+s18+$0x0], $0xffff;
	v54 =	vadd.s32 $0x7, v42;
	vm8 =	vgt.f32 v32, v41;
	vm10 =	vgt.f32 v48, v44  }
0x1a0: {  	v49 =	vld.idx.msk [tilespmem:v49+s18+$0x0], $0xffff;
	v33 =	vsel vm4, v33, v38;
	v32 =	vsel vm8, v32, v41;
	v62 =	vsel vm10, v48, v44  }
0x1a1: {  	[tilespmem:s31+$0xB0] =	vst v0;
	v41 =	vld.idx.msk [tilespmem:v9+s18+$0x0], $0xffff;
	v9 =	vadd.s32 $0x7, v20;
	vm1 =	vgt.f32 v34, v32;
	vm11 =	vgt.f32 v51, v62  }
0x1a2: {  	[tilespmem:s31+$0xFFFFFF00] =	vst v0;
	v57 =	vld.idx.msk [tilespmem:v61+s18+$0x0], $0xffff;
	v60 =	vsel vm9, $0x1, v2;
	v32 =	vsel vm1, v34, v32;
	v43 =	vsel vm11, v51, v62  }
0x1a3: {  	[tilespmem:s31+$0xC0] =	vst v0;
	v27 =	vld.idx.msk [tilespmem:v27+s18+$0x0], $0xffff;
	v48 =	vsel vm3, $0x2, v56;
	vm3 =	vgt.f32 v35, v33;
	vm15 =	vgt.f32 v53, v43  }
0x1a4: {  	[tilespmem:s31+$0xD0] =	vst v0;
	v58 =	vld.idx.msk [tilespmem:v40+s18+$0x0], $0xffff;
	vm2 =	vgt.f32 v36, v32;
	v59 =	vsel vm7, $0x3, v48;
	v43 =	vsel vm15, v53, v43  }
0x1a5: {  	[tilespmem:s31+$0xE0] =	vst v0;
	v61 =	vld.idx.msk [tilespmem:v46+s18+$0x0], $0xffff;
	v48 =	vsel vm10, $0x2, v60;
	v33 =	vsel vm3, v35, v33;
	vm12 =	vgt.f32 v63, v43  }
0x1a6: {  	[tilespmem:s31+$0xF0] =	vst v0;
	v42 =	vld.idx.msk [tilespmem:v42+s18+$0x0], $0xffff;
	v50 =	vsel vm2, v36, v32;
	v48 =	vsel vm11, $0x3, v48;
	v43 =	vsel vm12, v63, v43  }
0x1a7: {  	v20 =	vld.idx.msk [tilespmem:v20+s18+$0x0], $0xffff;
	v40 =	vsel vm8, $0x4, v59;
	v62 =	vsel vm15, $0x4, v48;
	vm13 =	vgt.f32 v57, v43  }
0x1a8: {  	v51 =	vld.idx.msk [tilespmem:v52+s18+$0x0], $0xffff;
	v52 =	vsel vm4, $0x5, v39;
	v46 =	vsel vm12, $0x5, v62;
	v38 =	vsel vm13, v57, v43  }
0x1a9: {  	v44 =	vld.idx.msk [tilespmem:v23+s18+$0x0], $0xffff;
	v48 =	vsel vm0, v8, v10;
	v8 =	vsel vm13, $0x6, v46;
	vm14 =	vgt.f32 v58, v38  }
0x1aa: {  	vm15 =	vgt.f32 v37, v33;
	v53 =	vsel vm1, $0x5, v40;
	v63 =	vld.idx.msk [tilespmem:v47+s18+$0x0], $0xffff;
	v8 =	vsel vm14, $0x7, v8  }
0x1ab: {  	v10 =	vld.idx.msk [tilespmem:v55+s18+$0x0], $0xffff;
	vm1 =	vgt.f32 v45, v42;
	v55 =	vsel vm3, $0x6, v52;
	v31 =	vadd.s32 v31, v8  }
0x1ac: {  	v32 =	vld.idx.msk [tilespmem:v29+s18+$0x0], $0xffff;
	vm3 =	vgt.f32 v21, v48;
	v21 =	vsel vm1, v45, v42;
	v56 =	vsel vm1, $0x1, v2  }
0x1ad: {  	v40 =	vld.idx.msk [tilespmem:v25+s18+$0x0], $0xffff;
	vm1 =	vgt.f32 v41, v50;
	v60 =	vsel vm15, $0x7, v55;
	vm0 =	vgt.f32 v61, v21  }
0x1ae: {  	v62 =	vsel vm3, $0x7, v11;
	v11 =	vshll.u32 v12, $0x3;
	v21 =	vsel vm0, v61, v21;
	v57 =	vld.idx.msk [tilespmem:v30+s18+$0x0], $0xffff  }
0x1af: {  	v45 =	vld.idx.msk [tilespmem:v22+s18+$0x0], $0xffff;
	v12 =	vshll.u32 v15, $0x3;
	v59 =	vsel vm0, $0x2, v56;
	vm0 =	vgt.f32 v63, v21  }
0x1b0: {  	v15 =	vadd.s32 v14, v60;
	v58 =	vsel vm2, $0x6, v53;
	v21 =	vsel vm0, v63, v21;
	v61 =	vld.idx.msk [tilespmem:v31+s18+$0x0], $0xffff  }
0x1b1: {  	[tilespmem:v17+s20+$0x0] =	vst.idx.msk $0xffff, v19;
	v38 =	vld.idx.msk [tilespmem:v28+s18+$0x0], $0xffff;
	v30 =	vsel vm1, $0x7, v58;
	v33 =	vsel vm0, $0x3, v59;
	vm0 =	vgt.f32 v49, v21  }
0x1b2: {  	v41 =	vld.idx.msk [tilespmem:v24+s18+$0x0], $0xffff;
	v16 =	vadd.s32 v16, v62;
	v14 =	vadd.s32 v18, v30;
	v21 =	vsel vm0, v49, v21  }
0x1b3: {  	v43 =	vld.idx.msk [tilespmem:v26+s18+$0x0], $0xffff;
	vm1 =	vgt.f32 v57, v27;
	v63 =	vsel vm0, $0x4, v33;
	vm0 =	vgt.f32 v51, v21  }
0x1b4: {  	v8 =	vld.idx.msk [tilespmem:v54+s18+$0x0], $0xffff;
	v46 =	vsel vm1, v57, v27;
	v33 =	vsel vm1, $0x1, v2;
	v18 =	vsel vm0, v51, v21  }
0x1b5: {  	s26 =	simm.s32 $0x4;
	s29 =	simm.s32 $0x10500;
	s28 =	simm.s32 $0xB0;
	vm1 =	vgt.f32 v32, v20;
	v17 =	vsel vm0, $0x5, v63;
	vm0 =	vgt.f32 v10, v18;
	[tilespmem:v31+s20+$0x0] =	vst.idx.msk $0xffff, v61  }
.LBB2_6:
0x1b6: {  	s30 =	sadd.s32 $0xFFFFFFD0, s28;
	[tilespmem:s29+$0x0] =	vst v0;
	s31 =	sadd.s32 $0xFFFFFFF0, s28;
	v19 =	vor.u32 s28, v1;
	s26 =	sadd.s32 $0x4, s26;
	vm2 =	vgt.f32 v38, v46;
	v47 =	vld.idx.msk [tilespmem:v3+s18+$0x0], $0xffff;
	v48 =	vsel vm1, v32, v20  }
0x1b7: {  	v20 =	vor.u32 s30, v1;
	s30 =	sadd.s32 $0xFFFFFFE0, s28;
	[tilespmem:s29+$0x10] =	vst v0;
	v32 =	vor.u32 s31, v1;
	v22 =	vmul.u32 $0x7, v19;
	p0 =	slt.u32 s26, $0x7C;
	v49 =	vld.idx.msk [tilespmem:v4+s18+$0x0], $0xffff  }
0x1b8: {  	v29 =	vmul.u32 $0x7, v20;
	v21 =	vor.u32 s30, v1;
	[tilespmem:s29+$0x20] =	vst v0;
	v50 =	vmul.u32 $0x7, v32;
	v42 =	vld.idx.msk [tilespmem:v5+s18+$0x0], $0xffff  }
0x1b9: {  	v51 =	vmul.u32 $0x7, v21;
	[tilespmem:s29+$0x30] =	vst v0;
	v30 =	vadd.s32 $0x1, v22;
	v23 =	vadd.s32 $0x2, v22;
	v39 =	vld.idx.msk [tilespmem:v7+s18+$0x0], $0xffff  }
0x1ba: {  	v31 =	vadd.s32 $0x1, v29;
	v28 =	vadd.s32 $0x2, v29;
	[tilespmem:s29+$0x40] =	vst v0;
	v4 =	vadd.s32 $0x1, v50;
	v37 =	vld.idx.msk [tilespmem:v6+s18+$0x0], $0xffff  }
0x1bb: {  	v26 =	vadd.s32 $0x3, v29;
	v52 =	vadd.s32 $0x1, v51;
	v53 =	vadd.s32 $0x2, v51;
	[tilespmem:s29+$0x50] =	vst v0;
	v36 =	vld.idx.msk [tilespmem:v9+s18+$0x0], $0xffff  }
0x1bc: {  	v27 =	vadd.s32 $0x3, v22;
	v6 =	vadd.s32 $0x2, v50;
	v54 =	vadd.s32 $0x3, v51;
	[tilespmem:s29+$0x60] =	vst v0;
	v34 =	vld.idx.msk [tilespmem:v15+s18+$0x0], $0xffff  }
0x1bd: {  	v24 =	vadd.s32 $0x4, v22;
	v25 =	vadd.s32 $0x4, v29;
	v55 =	vadd.s32 $0x4, v51;
	[tilespmem:s29+$0x70] =	vst v0;
	v35 =	vld.idx.msk [tilespmem:v16+s18+$0x0], $0xffff  }
0x1be: {  	vm4 =	vgt.f32 v45, v48;
	v3 =	vadd.s32 $0x5, v29;
	v9 =	vadd.s32 $0x3, v50;
	[tilespmem:s29+$0xFFFFFF10] =	vst v0;
	v56 =	vld.idx.msk [tilespmem:v50+s18+$0x0], $0xffff  }
0x1bf: {  	v46 =	vsel vm2, v38, v46;
	v57 =	vadd.s32 $0x5, v51;
	[tilespmem:s29+$0xFFFFFF20] =	vst v0;
	v58 =	vld.idx.msk [tilespmem:v4+s18+$0x0], $0xffff;
	v4 =	vadd.s32 $0x5, v22  }
0x1c0: {  	vm5 =	vgt.f32 v40, v46;
	v45 =	vsel vm4, v45, v48;
	v59 =	vadd.s32 $0x4, v50;
	[tilespmem:s29+$0xFFFFFF30] =	vst v0;
	v38 =	vld.idx.msk [tilespmem:v14+s18+$0x0], $0xffff  }
0x1c1: {  	vm8 =	vgt.f32 v43, v45;
	v5 =	vadd.s32 $0x6, v29;
	v48 =	vadd.s32 $0x6, v51;
	[tilespmem:s29+$0xFFFFFF40] =	vst v0;
	v60 =	vld.idx.msk [tilespmem:v6+s18+$0x0], $0xffff  }
0x1c2: {  	v7 =	vadd.s32 $0x6, v22;
	v40 =	vsel vm5, v40, v46;
	v61 =	vadd.s32 $0x5, v50;
	[tilespmem:s29+$0xFFFFFF50] =	vst v0  }
0x1c3: {  	vm6 =	vgt.f32 v41, v40;
	v43 =	vsel vm8, v43, v45;
	v6 =	vadd.s32 $0x7, v29;
	[tilespmem:s29+$0xFFFFFF60] =	vst v0;
	v46 =	vld.idx.msk [tilespmem:v9+s18+$0x0], $0xffff  }
0x1c4: {  	v62 =	vadd.s32 $0x6, v50;
	v45 =	vadd.s32 $0x7, v51;
	vm7 =	vgt.f32 v44, v43;
	[tilespmem:s29+$0xFFFFFF70] =	vst v0  }
0x1c5: {  	v40 =	vsel vm6, v41, v40;
	v9 =	vadd.s32 $0x7, v22;
	vm9 =	vgt.f32 v58, v56;
	[tilespmem:s29+$0xFFFFFF80] =	vst v0;
	v59 =	vld.idx.msk [tilespmem:v59+s18+$0x0], $0xffff  }
0x1c6: {  	v43 =	vsel vm7, v44, v43;
	v50 =	vadd.s32 $0x7, v50;
	v41 =	vsel vm9, v58, v56;
	[tilespmem:s29+$0xFFFFFF90] =	vst v0  }
0x1c7: {  	vm3 =	vgt.f32 v47, v40;
	v56 =	vsel vm1, $0x1, v2;
	vm10 =	vgt.f32 v60, v41;
	[tilespmem:s29+$0xFFFFFFA0] =	vst v0;
	v44 =	vld.idx.msk [tilespmem:v61+s18+$0x0], $0xffff  }
0x1c8: {  	v33 =	vsel vm2, $0x2, v33;
	vm1 =	vgt.f32 v49, v43;
	v41 =	vsel vm10, v60, v41;
	[tilespmem:s29+$0xFFFFFFB0] =	vst v0  }
0x1c9: {  	v40 =	vsel vm3, v47, v40;
	v47 =	vsel vm4, $0x2, v56;
	vm11 =	vgt.f32 v46, v41;
	[tilespmem:s29+$0xFFFFFFC0] =	vst v0;
	v58 =	vld.idx.msk [tilespmem:v62+s18+$0x0], $0xffff  }
0x1ca: {  	v33 =	vsel vm5, $0x3, v33;
	v43 =	vsel vm1, v49, v43;
	v41 =	vsel vm11, v46, v41;
	[tilespmem:s29+$0xFFFFFFD0] =	vst v0  }
0x1cb: {  	vm4 =	vgt.f32 v42, v40;
	v47 =	vsel vm8, $0x3, v47;
	vm5 =	vgt.f32 v59, v41;
	[tilespmem:s29+$0xFFFFFFE0] =	vst v0;
	v46 =	vld.idx.msk [tilespmem:v50+s18+$0x0], $0xffff  }
0x1cc: {  	v49 =	vsel vm9, $0x1, v2;
	vm2 =	vgt.f32 v39, v43;
	v41 =	vsel vm5, v59, v41;
	[tilespmem:s29+$0xFFFFFFF0] =	vst v0  }
0x1cd: {  	v33 =	vsel vm6, $0x4, v33;
	v49 =	vsel vm10, $0x2, v49;
	vm8 =	vgt.f32 v44, v41;
	v50 =	vld.idx.msk [tilespmem:v52+s18+$0x0], $0xffff;
	[tilespmem:s29+$0x80] =	vst v0  }
0x1ce: {  	v49 =	vsel vm11, $0x3, v49;
	v41 =	vsel vm8, v44, v41;
	v44 =	vsel vm7, $0x4, v47;
	v51 =	vld.idx.msk [tilespmem:v51+s18+$0x0], $0xffff;
	[tilespmem:s29+$0x90] =	vst v0  }
0x1cf: {  	v40 =	vsel vm4, v42, v40;
	v49 =	vsel vm5, $0x4, v49;
	vm5 =	vgt.f32 v58, v41;
	v47 =	vld.idx.msk [tilespmem:v53+s18+$0x0], $0xffff;
	[tilespmem:s29+$0xA0] =	vst v0  }
0x1d0: {  	v18 =	vsel vm0, v10, v18;
	v49 =	vsel vm8, $0x5, v49;
	v41 =	vsel vm5, v58, v41;
	v42 =	vld.idx.msk [tilespmem:v54+s18+$0x0], $0xffff;
	[tilespmem:s29+$0xB0] =	vst v0  }
0x1d1: {  	v39 =	vsel vm2, v39, v43;
	v10 =	vsel vm5, $0x6, v49;
	vm5 =	vgt.f32 v46, v41;
	v52 =	vld.idx.msk [tilespmem:v55+s18+$0x0], $0xffff;
	[tilespmem:s29+$0xC0] =	vst v0  }
0x1d2: {  	v32 =	vshll.u32 v32, $0x3;
	v33 =	vsel vm3, $0x5, v33;
	v43 =	vsel vm5, $0x7, v10;
	v41 =	vld.idx.msk [tilespmem:v57+s18+$0x0], $0xffff;
	[tilespmem:s29+$0xD0] =	vst v0  }
0x1d3: {  	vm3 =	vgt.f32 v37, v40;
	v37 =	vsel vm1, $0x5, v44;
	v10 =	vld.idx.msk [tilespmem:v48+s18+$0x0], $0xffff;
	v48 =	vadd.s32 v32, v43;
	[tilespmem:s29+$0xE0] =	vst v0  }
0x1d4: {  	v33 =	vsel vm4, $0x6, v33;
	vm4 =	vgt.f32 v8, v18;
	vm1 =	vgt.f32 v50, v51;
	[tilespmem:s29+$0xF0] =	vst v0;
	v8 =	vld.idx.msk [tilespmem:v45+s18+$0x0], $0xffff  }
0x1d5: {  	v17 =	vsel vm0, $0x6, v17;
	v18 =	vsel vm1, v50, v51;
	v40 =	vsel vm1, $0x1, v2;
	[tilespmem:s29+$0xFFFFFF00] =	vst v0;
	v32 =	vld.idx.msk [tilespmem:v30+s18+$0x0], $0xffff  }
0x1d6: {  	vm1 =	vgt.f32 v36, v39;
	vm0 =	vgt.f32 v47, v18;
	v30 =	vld.idx.msk [tilespmem:v31+s18+$0x0], $0xffff;
	v31 =	vsel vm2, $0x6, v37  }
0x1d7: {  	v33 =	vsel vm3, $0x7, v33;
	v18 =	vsel vm0, v47, v18;
	v36 =	vsel vm0, $0x2, v40;
	v29 =	vld.idx.msk [tilespmem:v29+s18+$0x0], $0xffff;
	[tilespmem:v15+s20+$0x0] =	vst.idx.msk $0xffff, v34  }
0x1d8: {  	v17 =	vsel vm4, $0x7, v17;
	vm0 =	vgt.f32 v42, v18;
	v31 =	vsel vm1, $0x7, v31;
	v34 =	vld.idx.msk [tilespmem:v48+s18+$0x0], $0xffff;
	[tilespmem:v16+s20+$0x0] =	vst.idx.msk $0xffff, v35  }
0x1d9: {  	v16 =	vshll.u32 v20, $0x3;
	v15 =	vsel vm0, v42, v18;
	v18 =	vsel vm0, $0x3, v36;
	v20 =	vld.idx.msk [tilespmem:v22+s18+$0x0], $0xffff;
	[tilespmem:v14+s20+$0x0] =	vst.idx.msk $0xffff, v38  }
0x1da: {  	v19 =	vshll.u32 v19, $0x3;
	v21 =	vshll.u32 v21, $0x3;
	vm0 =	vgt.f32 v52, v15;
	v38 =	vld.idx.msk [tilespmem:v28+s18+$0x0], $0xffff  }
.Ltmp2:
0x1db: {  	v22 =	vsel vm0, v52, v15;
	v28 =	vsel vm0, $0x4, v18;
	v15 =	vadd.s32 v11, v33;
	v11 =	vmovc v16;
	v45 =	vld.idx.msk [tilespmem:v23+s18+$0x0], $0xffff;
	(pc) =	sbr.rel @p0 .LBB2_6-.Ltmp2, $4  }
0x1dc: {  	v14 =	vadd.s32 v13, v31;
	v16 =	vadd.s32 v12, v17;
	vm0 =	vgt.f32 v41, v22;
	v40 =	vld.idx.msk [tilespmem:v26+s18+$0x0], $0xffff  }
0x1dd: {  	v12 =	vmovc v21;
	vm1 =	vgt.f32 v30, v29;
	v18 =	vsel vm0, v41, v22;
	v17 =	vsel vm0, $0x5, v28;
	v43 =	vld.idx.msk [tilespmem:v27+s18+$0x0], $0xffff  }
0x1de: {  	v13 =	vmov v19;
	v46 =	vsel vm1, v30, v29;
	v33 =	vsel vm1, $0x1, v2;
	v41 =	vld.idx.msk [tilespmem:v25+s18+$0x0], $0xffff;
	[tilespmem:v48+s20+$0x0] =	vst.idx.msk $0xffff, v34  }
0x1df: {  	s28 =	sadd.s32 $0x40, s28;
	s29 =	sadd.s32 $0x200, s29;
	vm0 =	vgt.f32 v10, v18;
	vm1 =	vgt.f32 v32, v20;
	v44 =	vld.idx.msk [tilespmem:v24+s18+$0x0], $0xffff  }
0x1e0: {  	_ =	sdelay $0x2  }
0x1e1: {  	v19 =	vsel vm1, v32, v20  }
0x1e2: {  	vm2 =	vgt.f32 v38, v46;
	v3 =	vld.idx.msk [tilespmem:v3+s18+$0x0], $0xffff;
	vm3 =	vgt.f32 v45, v19  }
0x1e3: {  	v4 =	vld.idx.msk [tilespmem:v4+s18+$0x0], $0xffff;
	v51 =	vsel vm2, v38, v46;
	v19 =	vsel vm3, v45, v19  }
0x1e4: {  	v5 =	vld.idx.msk [tilespmem:v5+s18+$0x0], $0xffff;
	vm4 =	vgt.f32 v40, v51;
	vm5 =	vgt.f32 v43, v19  }
0x1e5: {  	v7 =	vld.idx.msk [tilespmem:v7+s18+$0x0], $0xffff;
	v21 =	vsel vm1, $0x1, v2;
	v20 =	vsel vm4, v40, v51;
	v19 =	vsel vm5, v43, v19  }
0x1e6: {  	v22 =	vsel vm2, $0x2, v33;
	vm6 =	vgt.f32 v41, v20;
	vm7 =	vgt.f32 v44, v19  }
0x1e7: {  	v6 =	vld.idx.msk [tilespmem:v6+s18+$0x0], $0xffff;
	v52 =	vsel vm3, $0x2, v21;
	v20 =	vsel vm6, v41, v20;
	v19 =	vsel vm7, v44, v19  }
0x1e8: {  	v53 =	vsel vm4, $0x3, v22;
	vm8 =	vgt.f32 v3, v20;
	vm1 =	vgt.f32 v4, v19  }
0x1e9: {  	v9 =	vld.idx.msk [tilespmem:v9+s18+$0x0], $0xffff;
	v54 =	vsel vm6, $0x4, v53;
	v3 =	vsel vm8, v3, v20;
	v4 =	vsel vm1, v4, v19  }
0x1ea: {  	vm2 =	vgt.f32 v5, v3;
	v19 =	vsel vm5, $0x3, v52;
	vm3 =	vgt.f32 v7, v4  }
0x1eb: {  	v19 =	vsel vm7, $0x4, v19;
	v3 =	vsel vm2, v5, v3;
	v5 =	vsel vm0, v10, v18  }
0x1ec: {  	v4 =	vsel vm3, v7, v4;
	v7 =	vsel vm8, $0x5, v54;
	vm13 =	vgt.f32 v6, v3  }
0x1ed: {  	v3 =	vsel vm1, $0x5, v19;
	vm1 =	vgt.f32 v8, v5;
	v5 =	vsel vm0, $0x6, v17  }
0x1ee: {  	v6 =	vsel vm2, $0x6, v7;
	vm0 =	vgt.f32 v9, v4;
	v4 =	vsel vm1, $0x7, v5  }
0x1ef: {  	v3 =	vsel vm3, $0x6, v3;
	v6 =	vsel vm13, $0x7, v6;
	v4 =	vadd.s32 v12, v4  }
0x1f0: {  	v3 =	vsel vm0, $0x7, v3;
	v5 =	vadd.s32 v11, v6  }
0x1f1: {  	v6 =	vld.idx.msk [tilespmem:v15+s18+$0x0], $0xffff;
	v3 =	vadd.s32 v13, v3  }
0x1f2: {  	v8 =	vld.idx.msk [tilespmem:v14+s18+$0x0], $0xffff  }
0x1f3: {  	v7 =	vld.idx.msk [tilespmem:v16+s18+$0x0], $0xffff  }
0x1f4: {  	v10 =	vld.idx.msk [tilespmem:v4+s18+$0x0], $0xffff  }
0x1f5: {  	v9 =	vld.idx.msk [tilespmem:v5+s18+$0x0], $0xffff  }
0x1f6: {  	[tilespmem:v15+s20+$0x0] =	vst.idx.msk $0xffff, v6;
	v6 =	vld.idx.msk [tilespmem:v3+s18+$0x0], $0xffff  }
0x1f7: {  	[tilespmem:v14+s20+$0x0] =	vst.idx.msk $0xffff, v8  }
0x1f8: {  	[tilespmem:v16+s20+$0x0] =	vst.idx.msk $0xffff, v7  }
0x1f9: {  	[tilespmem:v4+s20+$0x0] =	vst.idx.msk $0xffff, v10  }
0x1fa: {  	[tilespmem:v5+s20+$0x0] =	vst.idx.msk $0xffff, v9  }
0x1fb: {  	[tilespmem:v3+s20+$0x0] =	vst.idx.msk $0xffff, v6  }
0x1fc: {  	[hbm4b:s8+s16] =	stream.strided.scatter [tilespmem:s20], [sflag:$0x3], $0x4000, s17, s16, $0x38;
	[tilespmem:$0x18000] =	vst v63  }
0x1fd: {  	_ =	swait.ge [sflag:s24], $0x4000  }
0x1fe: {  	[sflag:s24] =	ssyncset.done $0x0  }
0x1ff: {  	s26 =	simm.s32 $0x14100;
	[sflag:s24] =	ssyncadd.s32 $0xFFFFC000  }
0x200: {  	[tilespmem:s26+$0x0] =	vst v0  }
0x201: {  	[tilespmem:s26+$0x10] =	vst v0  }
0x202: {  	[tilespmem:s26+$0x20] =	vst v0  }
0x203: {  	[tilespmem:s26+$0x30] =	vst v0  }
0x204: {  	[tilespmem:s26+$0x40] =	vst v0  }
0x205: {  	[tilespmem:s26+$0x50] =	vst v0  }
0x206: {  	[tilespmem:s26+$0x60] =	vst v0  }
0x207: {  	[tilespmem:s26+$0x70] =	vst v0  }
0x208: {  	[tilespmem:s26+$0xFFFFFF10] =	vst v0  }
0x209: {  	s28 =	simm.s32 $0x820;
	[tilespmem:s26+$0xFFFFFF20] =	vst v0  }
0x20a: {  	v3 =	vor.u32 s28, v1;
	[tilespmem:s26+$0xFFFFFF30] =	vst v0  }
0x20b: {  	v4 =	vmul.u32 $0x7, v3;
	[tilespmem:s26+$0xFFFFFF40] =	vst v0  }
0x20c: {  	[tilespmem:s26+$0xFFFFFF50] =	vst v0  }
0x20d: {  	v5 =	vadd.s32 $0x1, v4;
	[tilespmem:s26+$0xFFFFFF60] =	vst v0  }
0x20e: {  	[tilespmem:s26+$0xFFFFFF70] =	vst v0  }
0x20f: {  	v6 =	vadd.s32 $0x2, v4;
	[tilespmem:s26+$0xFFFFFF80] =	vst v0  }
0x210: {  	s29 =	simm.s32 $0x800;
	s28 =	simm.s32 $0x830;
	[tilespmem:s26+$0xFFFFFF90] =	vst v0  }
0x211: {  	v10 =	vor.u32 s29, v1;
	v9 =	vor.u32 s28, v1;
	s28 =	simm.s32 $0x810;
	v8 =	vadd.s32 $0x3, v4;
	[tilespmem:s26+$0xFFFFFFA0] =	vst v0;
	v7 =	vld.idx.msk [tilespmem:v4+s18+$0x0], $0xffff  }
0x212: {  	v13 =	vmul.u32 $0x7, v10;
	v14 =	vor.u32 s28, v1;
	v12 =	vadd.s32 $0x4, v4;
	[tilespmem:s26+$0xFFFFFFB0] =	vst v0;
	v5 =	vld.idx.msk [tilespmem:v5+s18+$0x0], $0xffff  }
0x213: {  	v15 =	vmul.u32 $0x7, v14;
	v16 =	vadd.s32 $0x5, v4;
	[tilespmem:s26+$0xFFFFFFC0] =	vst v0  }
0x214: {  	v3 =	vshll.u32 v3, $0x3;
	v11 =	vmul.u32 $0x7, v9;
	v55 =	vadd.s32 $0x1, v13;
	[tilespmem:s26+$0xFFFFFFD0] =	vst v0;
	v6 =	vld.idx.msk [tilespmem:v6+s18+$0x0], $0xffff  }
0x215: {  	v57 =	vadd.s32 $0x2, v13;
	v25 =	vadd.s32 $0x3, v13;
	v56 =	vadd.s32 $0x1, v15;
	[tilespmem:s26+$0xFFFFFFE0] =	vst v0  }
0x216: {  	v35 =	vadd.s32 $0x4, v13;
	v37 =	vadd.s32 $0x5, v13;
	v18 =	vadd.s32 $0x6, v4;
	[tilespmem:s26+$0xFFFFFFF0] =	vst v0;
	v8 =	vld.idx.msk [tilespmem:v8+s18+$0x0], $0xffff  }
0x217: {  	v17 =	vadd.s32 $0x1, v11;
	v19 =	vadd.s32 $0x2, v11;
	[tilespmem:s26+$0x80] =	vst v0;
	v12 =	vld.idx.msk [tilespmem:v12+s18+$0x0], $0xffff;
	vm0 =	vgt.f32 v5, v7  }
0x218: {  	v34 =	vadd.s32 $0x3, v11;
	v23 =	vadd.s32 $0x2, v15;
	[tilespmem:s26+$0x90] =	vst v0;
	v16 =	vld.idx.msk [tilespmem:v16+s18+$0x0], $0xffff;
	v5 =	vsel vm0, v5, v7  }
0x219: {  	v36 =	vadd.s32 $0x4, v11;
	[tilespmem:s26+$0xA0] =	vst v0;
	v4 =	vadd.s32 $0x7, v4;
	v28 =	vld.idx.msk [tilespmem:v15+s18+$0x0], $0xffff;
	vm1 =	vgt.f32 v6, v5  }
0x21a: {  	v24 =	vadd.s32 $0x3, v15;
	v26 =	vadd.s32 $0x4, v15;
	[tilespmem:s26+$0xFFFFFF00] =	vst v0;
	v21 =	vld.idx.msk [tilespmem:v56+s18+$0x0], $0xffff;
	v6 =	vsel vm1, v6, v5  }
0x21b: {  	v27 =	vadd.s32 $0x5, v15;
	v29 =	vadd.s32 $0x6, v15;
	[tilespmem:s26+$0xB0] =	vst v0;
	v58 =	vld.idx.msk [tilespmem:v13+s18+$0x0], $0xffff;
	vm2 =	vgt.f32 v8, v6  }
0x21c: {  	[tilespmem:s26+$0xC0] =	vst v0;
	v31 =	vadd.s32 $0x7, v15;
	v18 =	vld.idx.msk [tilespmem:v18+s18+$0x0], $0xffff;
	v7 =	vadd.s32 $0x6, v11;
	v8 =	vsel vm2, v8, v6  }
0x21d: {  	[tilespmem:s26+$0xD0] =	vst v0;
	v23 =	vld.idx.msk [tilespmem:v23+s18+$0x0], $0xffff;
	v30 =	vsel vm0, $0x1, v2;
	v5 =	vadd.s32 $0x5, v11;
	vm3 =	vgt.f32 v12, v8  }
0x21e: {  	[tilespmem:s26+$0xE0] =	vst v0;
	v4 =	vld.idx.msk [tilespmem:v4+s18+$0x0], $0xffff;
	v30 =	vsel vm1, $0x2, v30;
	v6 =	vadd.s32 $0x6, v13;
	v8 =	vsel vm3, v12, v8  }
0x21f: {  	[tilespmem:s26+$0xF0] =	vst v0;
	v24 =	vld.idx.msk [tilespmem:v24+s18+$0x0], $0xffff;
	v15 =	vsel vm2, $0x3, v30;
	vm2 =	vgt.f32 v21, v28;
	vm0 =	vgt.f32 v16, v8  }
0x220: {  	v30 =	vadd.s32 $0x7, v11;
	v11 =	vld.idx.msk [tilespmem:v11+s18+$0x0], $0xffff;
	v15 =	vsel vm3, $0x4, v15;
	v8 =	vsel vm0, v16, v8  }
0x221: {  	v21 =	vsel vm2, v21, v28;
	v16 =	vld.idx.msk [tilespmem:v26+s18+$0x0], $0xffff;
	v15 =	vsel vm0, $0x5, v15;
	vm1 =	vgt.f32 v18, v8  }
0x222: {  	v26 =	vld.idx.msk [tilespmem:v27+s18+$0x0], $0xffff;
	v18 =	vsel vm1, v18, v8;
	v15 =	vsel vm1, $0x6, v15;
	vm1 =	vgt.f32 v23, v21  }
0x223: {  	v12 =	vadd.s32 $0x7, v13;
	vm0 =	vgt.f32 v4, v18;
	v4 =	vld.idx.msk [tilespmem:v17+s18+$0x0], $0xffff;
	v18 =	vsel vm1, v23, v21  }
0x224: {  	v13 =	vshll.u32 v10, $0x3;
	v17 =	vld.idx.msk [tilespmem:v55+s18+$0x0], $0xffff;
	v15 =	vsel vm0, $0x7, v15;
	vm0 =	vgt.f32 v24, v18  }
0x225: {  	v3 =	vadd.s32 v3, v15;
	v15 =	vsel vm2, $0x1, v2;
	v10 =	vsel vm0, v24, v18  }
0x226: {  	s31 =	simm.s32 $0x14300;
	v59 =	vld.idx.msk [tilespmem:v57+s18+$0x0], $0xffff;
	v18 =	vsel vm1, $0x2, v15;
	v15 =	vshll.u32 v14, $0x3;
	vm1 =	vgt.f32 v16, v10  }
0x227: {  	[tilespmem:s31+$0x0] =	vst v0;
	v8 =	vld.idx.msk [tilespmem:v29+s18+$0x0], $0xffff;
	v14 =	vshll.u32 v9, $0x3;
	v9 =	vsel vm0, $0x3, v18;
	v16 =	vsel vm1, v16, v10  }
0x228: {  	[tilespmem:s31+$0x10] =	vst v0;
	v60 =	vld.idx.msk [tilespmem:v19+s18+$0x0], $0xffff;
	v10 =	vadd.s32 $0xFFFFC000, v3;
	v9 =	vsel vm1, $0x4, v9;
	vm0 =	vgt.f32 v26, v16  }
0x229: {  	[tilespmem:s31+$0x20] =	vst v0;
	vm1 =	vgt.f32 v17, v58;
	vm2 =	vgt.f32 v4, v11;
	v33 =	vsel vm0, v26, v16  }
0x22a: {  	s28 =	simm.s32 $0x870;
	[tilespmem:s31+$0x30] =	vst v0;
	v9 =	vsel vm0, $0x5, v9;
	v17 =	vsel vm1, v17, v58;
	v39 =	vsel vm1, $0x1, v2  }
0x22b: {  	s29 =	simm.s32 $0x840;
	[tilespmem:s31+$0x40] =	vst v0;
	v61 =	vsel vm2, v4, v11;
	v41 =	vsel vm2, $0x1, v2;
	v16 =	vor.u32 s28, v1  }
0x22c: {  	[tilespmem:s31+$0x50] =	vst v0;
	s28 =	simm.s32 $0x860;
	v11 =	vor.u32 s29, v1;
	vm0 =	vgt.f32 v8, v33;
	vm1 =	vgt.f32 v59, v17  }
0x22d: {  	[tilespmem:s31+$0x60] =	vst v0;
	v62 =	vld.idx.msk [tilespmem:v25+s18+$0x0], $0xffff;
	s29 =	simm.s32 $0x850;
	vm2 =	vgt.f32 v60, v61;
	v32 =	vor.u32 s28, v1;
	v27 =	vmul.u32 $0x7, v11  }
0x22e: {  	[tilespmem:s31+$0x70] =	vst v0;
	v35 =	vld.idx.msk [tilespmem:v35+s18+$0x0], $0xffff;
	v24 =	vor.u32 s29, v1;
	v42 =	vsel vm1, v59, v17;
	v17 =	vmul.u32 $0x7, v16  }
0x22f: {  	[tilespmem:s31+$0xFFFFFF10] =	vst v0;
	v34 =	vld.idx.msk [tilespmem:v34+s18+$0x0], $0xffff;
	v43 =	vmul.u32 $0x7, v32;
	v44 =	vmul.u32 $0x7, v24;
	v38 =	vsel vm2, v60, v61  }
0x230: {  	[tilespmem:s31+$0xFFFFFF20] =	vst v0;
	v37 =	vld.idx.msk [tilespmem:v37+s18+$0x0], $0xffff;
	v39 =	vsel vm1, $0x2, v39;
	v41 =	vsel vm2, $0x2, v41;
	v8 =	vsel vm0, v8, v33  }
0x231: {  	[tilespmem:s31+$0xFFFFFF30] =	vst v0;
	v36 =	vld.idx.msk [tilespmem:v36+s18+$0x0], $0xffff;
	v32 =	vshll.u32 v32, $0x3;
	v9 =	vsel vm0, $0x6, v9;
	v29 =	vadd.s32 $0x1, v27  }
0x232: {  	[tilespmem:s31+$0xFFFFFF40] =	vst v0;
	v57 =	vld.idx.msk [tilespmem:v6+s18+$0x0], $0xffff;
	v26 =	vadd.s32 $0x2, v27;
	v21 =	vadd.s32 $0x3, v27;
	v22 =	vadd.s32 $0x4, v27  }
0x233: {  	[tilespmem:s31+$0xFFFFFF50] =	vst v0;
	v23 =	vld.idx.msk [tilespmem:v3+s18+$0x0], $0xffff;
	v19 =	vadd.s32 $0x5, v27;
	vm3 =	vgt.f32 v62, v42;
	v3 =	vadd.s32 $0x1, v43  }
0x234: {  	[tilespmem:s31+$0xFFFFFF60] =	vst v0;
	v55 =	vld.idx.msk [tilespmem:v5+s18+$0x0], $0xffff;
	vm4 =	vgt.f32 v34, v38;
	v6 =	vadd.s32 $0x7, v27;
	v49 =	vadd.s32 $0x2, v43  }
0x235: {  	[tilespmem:s31+$0xFFFFFF80] =	vst v0;
	v12 =	vld.idx.msk [tilespmem:v12+s18+$0x0], $0xffff;
	v28 =	vadd.s32 $0x1, v17;
	v18 =	vadd.s32 $0x2, v17;
	v53 =	vadd.s32 $0x3, v43  }
0x236: {  	[tilespmem:s31+$0xFFFFFF90] =	vst v0;
	v58 =	vld.idx.msk [tilespmem:v7+s18+$0x0], $0xffff;
	v46 =	vadd.s32 $0x1, v44;
	v47 =	vadd.s32 $0x2, v44;
	v61 =	vadd.s32 $0x5, v43  }
0x237: {  	[tilespmem:s31+$0xFFFFFFA0] =	vst v0;
	v48 =	vadd.s32 $0x3, v44;
	v42 =	vsel vm3, v62, v42;
	v62 =	vadd.s32 $0x6, v43;
	v52 =	vld.idx.msk [tilespmem:v43+s18+$0x0], $0xffff  }
0x238: {  	[tilespmem:s31+$0xFFFFFFB0] =	vst v0;
	v25 =	vadd.s32 $0x3, v17;
	v50 =	vadd.s32 $0x4, v44;
	v34 =	vsel vm4, v34, v38;
	v54 =	vld.idx.msk [tilespmem:v3+s18+$0x0], $0xffff  }
0x239: {  	[tilespmem:s31+$0xFFFFFFC0] =	vst v0;
	v20 =	vadd.s32 $0x4, v17;
	v51 =	vadd.s32 $0x5, v44;
	vm15 =	vgt.f32 v36, v34;
	v60 =	vld.idx.msk [tilespmem:v49+s18+$0x0], $0xffff  }
0x23a: {  	[tilespmem:s31+$0xFFFFFFD0] =	vst v0;
	v4 =	vadd.s32 $0x5, v17;
	v63 =	vadd.s32 $0x4, v43;
	v34 =	vsel vm15, v36, v34;
	v53 =	vld.idx.msk [tilespmem:v53+s18+$0x0], $0xffff  }
0x23b: {  	[tilespmem:s31+$0xFFFFFFE0] =	vst v0;
	v56 =	vadd.s32 $0x6, v44;
	v5 =	vadd.s32 $0x6, v17;
	vm13 =	vgt.f32 v55, v34;
	v49 =	vld.idx.msk [tilespmem:v61+s18+$0x0], $0xffff  }
0x23c: {  	[tilespmem:s31+$0xFFFFFFF0] =	vst v0;
	v38 =	vadd.s32 $0x7, v44;
	vm14 =	vgt.f32 v35, v42;
	v34 =	vsel vm13, v55, v34;
	v55 =	vld.idx.msk [tilespmem:v62+s18+$0x0], $0xffff  }
0x23d: {  	[tilespmem:s31+$0xFFFFFF70] =	vst v0;
	v7 =	vadd.s32 $0x7, v17;
	v41 =	vsel vm4, $0x3, v41;
	v35 =	vsel vm14, v35, v42;
	v61 =	vld.idx.msk [tilespmem:v46+s18+$0x0], $0xffff  }
0x23e: {  	v41 =	vsel vm15, $0x4, v41;
	[tilespmem:v10+s21+$0x0] =	vst.idx.msk $0xffff, v23;
	v10 =	vshll.u32 v16, $0x3;
	v62 =	vld.idx.msk [tilespmem:v44+s18+$0x0], $0xffff;
	vm9 =	vgt.f32 v54, v52  }
0x23f: {  	[tilespmem:s31+$0x80] =	vst v0;
	vm12 =	vgt.f32 v37, v35;
	v43 =	vadd.s32 $0x7, v43;
	v63 =	vld.idx.msk [tilespmem:v63+s18+$0x0], $0xffff;
	v52 =	vsel vm9, v54, v52  }
0x240: {  	[tilespmem:s31+$0xFFFFFF00] =	vst v0;
	v35 =	vsel vm12, v37, v35;
	v3 =	vadd.s32 $0x6, v27;
	vm10 =	vgt.f32 v60, v52  }
0x241: {  	v31 =	vld.idx.msk [tilespmem:v31+s18+$0x0], $0xffff;
	vm2 =	vgt.f32 v57, v35;
	vm1 =	vgt.f32 v58, v34;
	v40 =	vsel vm10, v60, v52  }
0x242: {  	v30 =	vld.idx.msk [tilespmem:v30+s18+$0x0], $0xffff;
	v35 =	vsel vm2, v57, v35;
	v34 =	vsel vm1, v58, v34;
	vm11 =	vgt.f32 v53, v40  }
0x243: {  	v29 =	vld.idx.msk [tilespmem:v29+s18+$0x0], $0xffff;
	vm15 =	vgt.f32 v12, v35;
	vm0 =	vgt.f32 v61, v62;
	v40 =	vsel vm11, v53, v40  }
0x244: {  	[tilespmem:s31+$0x90] =	vst v0;
	v26 =	vld.idx.msk [tilespmem:v26+s18+$0x0], $0xffff;
	v54 =	vsel vm3, $0x3, v39;
	v57 =	vsel vm0, v61, v62;
	vm3 =	vgt.f32 v63, v40  }
0x245: {  	[tilespmem:s31+$0xA0] =	vst v0;
	v59 =	vld.idx.msk [tilespmem:v43+s18+$0x0], $0xffff;
	v58 =	vsel vm0, $0x1, v2;
	v60 =	vsel vm9, $0x1, v2;
	v36 =	vsel vm3, v63, v40  }
0x246: {  	[tilespmem:s31+$0xB0] =	vst v0;
	v27 =	vld.idx.msk [tilespmem:v27+s18+$0x0], $0xffff;
	v37 =	vsel vm14, $0x4, v54;
	v43 =	vsel vm10, $0x2, v60;
	vm14 =	vgt.f32 v49, v36  }
0x247: {  	[tilespmem:s31+$0xC0] =	vst v0;
	v37 =	vsel vm12, $0x5, v37;
	v43 =	vsel vm11, $0x3, v43;
	v63 =	vld.idx.msk [tilespmem:v47+s18+$0x0], $0xffff;
	v36 =	vsel vm14, v49, v36  }
0x248: {  	[tilespmem:s31+$0xD0] =	vst v0;
	v48 =	vld.idx.msk [tilespmem:v48+s18+$0x0], $0xffff;
	v43 =	vsel vm3, $0x4, v43;
	v49 =	vsel vm13, $0x5, v41;
	vm3 =	vgt.f32 v55, v36  }
0x249: {  	[tilespmem:s31+$0xE0] =	vst v0;
	v12 =	vld.idx.msk [tilespmem:v56+s18+$0x0], $0xffff;
	v43 =	vsel vm14, $0x5, v43;
	v56 =	vsel vm1, $0x6, v49;
	v36 =	vsel vm3, v55, v36  }
0x24a: {  	[tilespmem:s31+$0xF0] =	vst v0;
	v50 =	vld.idx.msk [tilespmem:v50+s18+$0x0], $0xffff;
	vm1 =	vgt.f32 v30, v34;
	v43 =	vsel vm3, $0x6, v43;
	vm3 =	vgt.f32 v59, v36  }
0x24b: {  	v28 =	vld.idx.msk [tilespmem:v28+s18+$0x0], $0xffff;
	v55 =	vsel vm2, $0x6, v37;
	v60 =	vsel vm1, $0x7, v56;
	v53 =	vsel vm3, $0x7, v43  }
0x24c: {  	v44 =	vld.idx.msk [tilespmem:v18+s18+$0x0], $0xffff;
	vm1 =	vgt.f32 v29, v27;
	vm0 =	vgt.f32 v63, v57;
	v54 =	vadd.s32 v32, v53  }
0x24d: {  	v52 =	vld.idx.msk [tilespmem:v51+s18+$0x0], $0xffff;
	vm3 =	vgt.f32 v31, v8;
	v30 =	vsel vm0, v63, v57;
	v33 =	vsel vm0, $0x2, v58  }
0x24e: {  	v8 =	vld.idx.msk [tilespmem:v38+s18+$0x0], $0xffff;
	v38 =	vsel vm1, $0x1, v2;
	v32 =	vsel vm15, $0x7, v55;
	v59 =	vsel vm3, $0x7, v9  }
0x24f: {  	v63 =	vld.idx.msk [tilespmem:v17+s18+$0x0], $0xffff;
	v9 =	vshll.u32 v11, $0x3;
	vm0 =	vgt.f32 v48, v30;
	v11 =	vshll.u32 v24, $0x3  }
0x250: {  	v45 =	vld.idx.msk [tilespmem:v25+s18+$0x0], $0xffff;
	v24 =	vsel vm1, v29, v27;
	v16 =	vsel vm0, v48, v30;
	v62 =	vadd.s32 $0xFFFFC000, v54  }
0x251: {  	v17 =	vsel vm0, $0x3, v33;
	v35 =	vadd.s32 v13, v32;
	v32 =	vadd.s32 v15, v59;
	v61 =	vld.idx.msk [tilespmem:v54+s18+$0x0], $0xffff  }
0x252: {  	v40 =	vld.idx.msk [tilespmem:v21+s18+$0x0], $0xffff;
	v33 =	vadd.s32 v14, v60;
	vm1 =	vgt.f32 v26, v24;
	vm0 =	vgt.f32 v50, v16  }
0x253: {  	v41 =	vld.idx.msk [tilespmem:v22+s18+$0x0], $0xffff;
	v14 =	vadd.s32 $0xFFFFC000, v35;
	v13 =	vadd.s32 $0xFFFFC000, v32;
	v15 =	vsel vm0, v50, v16  }
0x254: {  	v37 =	vld.idx.msk [tilespmem:v19+s18+$0x0], $0xffff;
	v16 =	vsel vm0, $0x4, v17;
	vm0 =	vgt.f32 v52, v15;
	vm2 =	vgt.f32 v28, v63  }
0x255: {  	v43 =	vld.idx.msk [tilespmem:v20+s18+$0x0], $0xffff;
	v17 =	vsel vm0, v52, v15;
	v16 =	vsel vm0, $0x5, v16;
	v15 =	vadd.s32 $0xFFFFC000, v33  }
0x256: {  	s26 =	simm.s32 $0x4;
	s28 =	simm.s32 $0x8B0;
	s29 =	simm.s32 $0x14500;
	v46 =	vsel vm2, v28, v63;
	v42 =	vsel vm2, $0x1, v2;
	vm0 =	vgt.f32 v12, v17;
	[tilespmem:v62+s21+$0x0] =	vst.idx.msk $0xffff, v61  }
.LBB2_8:
0x257: {  	s30 =	sadd.s32 $0xFFFFFFD0, s28;
	[tilespmem:s29+$0x0] =	vst v0;
	s31 =	sadd.s32 $0xFFFFFFF0, s28;
	v18 =	vor.u32 s28, v1;
	s26 =	sadd.s32 $0x4, s26;
	v47 =	vsel vm1, v26, v24;
	vm2 =	vgt.f32 v44, v46;
	v48 =	vld.idx.msk [tilespmem:v4+s18+$0x0], $0xffff  }
0x258: {  	v26 =	vor.u32 s30, v1;
	s30 =	sadd.s32 $0xFFFFFFE0, s28;
	[tilespmem:s29+$0x10] =	vst v0;
	v34 =	vor.u32 s31, v1;
	v19 =	vmul.u32 $0x7, v18;
	p0 =	slt.u32 s26, $0x7C;
	v49 =	vld.idx.msk [tilespmem:v3+s18+$0x0], $0xffff  }
0x259: {  	v29 =	vmul.u32 $0x7, v26;
	v27 =	vor.u32 s30, v1;
	[tilespmem:s29+$0x20] =	vst v0;
	v50 =	vmul.u32 $0x7, v34;
	v51 =	vld.idx.msk [tilespmem:v5+s18+$0x0], $0xffff  }
0x25a: {  	v52 =	vmul.u32 $0x7, v27;
	[tilespmem:s29+$0x30] =	vst v0;
	v30 =	vadd.s32 $0x1, v19;
	v20 =	vadd.s32 $0x2, v19;
	v39 =	vld.idx.msk [tilespmem:v6+s18+$0x0], $0xffff  }
0x25b: {  	v31 =	vadd.s32 $0x1, v29;
	v28 =	vadd.s32 $0x2, v29;
	[tilespmem:s29+$0x40] =	vst v0;
	v3 =	vadd.s32 $0x1, v50;
	v36 =	vld.idx.msk [tilespmem:v7+s18+$0x0], $0xffff  }
0x25c: {  	v25 =	vadd.s32 $0x3, v29;
	v53 =	vadd.s32 $0x1, v52;
	v54 =	vadd.s32 $0x2, v52;
	[tilespmem:s29+$0x50] =	vst v0;
	v35 =	vld.idx.msk [tilespmem:v35+s18+$0x0], $0xffff  }
0x25d: {  	v24 =	vadd.s32 $0x3, v19;
	v5 =	vadd.s32 $0x2, v50;
	v55 =	vadd.s32 $0x3, v52;
	[tilespmem:s29+$0x60] =	vst v0;
	v32 =	vld.idx.msk [tilespmem:v32+s18+$0x0], $0xffff  }
0x25e: {  	v21 =	vadd.s32 $0x4, v19;
	v23 =	vadd.s32 $0x4, v29;
	v56 =	vadd.s32 $0x4, v52;
	[tilespmem:s29+$0x70] =	vst v0;
	v33 =	vld.idx.msk [tilespmem:v33+s18+$0x0], $0xffff  }
0x25f: {  	v22 =	vadd.s32 $0x5, v29;
	v7 =	vadd.s32 $0x3, v50;
	v57 =	vadd.s32 $0x5, v52;
	[tilespmem:s29+$0xFFFFFF10] =	vst v0;
	v58 =	vld.idx.msk [tilespmem:v50+s18+$0x0], $0xffff  }
0x260: {  	vm3 =	vgt.f32 v40, v47;
	v4 =	vadd.s32 $0x5, v19;
	v6 =	vsel vm2, v44, v46;
	[tilespmem:s29+$0xFFFFFF20] =	vst v0;
	v59 =	vld.idx.msk [tilespmem:v3+s18+$0x0], $0xffff  }
0x261: {  	v44 =	vadd.s32 $0x4, v50;
	vm7 =	vgt.f32 v45, v6;
	v3 =	vadd.s32 $0x6, v29;
	[tilespmem:s29+$0xFFFFFF30] =	vst v0  }
0x262: {  	v40 =	vsel vm3, v40, v47;
	v46 =	vadd.s32 $0x6, v52;
	[tilespmem:s29+$0xFFFFFF40] =	vst v0;
	v60 =	vld.idx.msk [tilespmem:v5+s18+$0x0], $0xffff;
	v5 =	vadd.s32 $0x6, v19  }
0x263: {  	vm6 =	vgt.f32 v41, v40;
	v47 =	vadd.s32 $0x5, v50;
	v45 =	vsel vm7, v45, v6;
	[tilespmem:s29+$0xFFFFFF50] =	vst v0  }
0x264: {  	v6 =	vadd.s32 $0x7, v29;
	v61 =	vadd.s32 $0x7, v52;
	vm8 =	vgt.f32 v43, v45;
	[tilespmem:s29+$0xFFFFFF60] =	vst v0;
	v62 =	vld.idx.msk [tilespmem:v7+s18+$0x0], $0xffff  }
0x265: {  	v63 =	vadd.s32 $0x6, v50;
	v40 =	vsel vm6, v41, v40;
	v7 =	vadd.s32 $0x7, v19;
	[tilespmem:s29+$0xFFFFFF70] =	vst v0  }
0x266: {  	v38 =	vsel vm1, $0x2, v38;
	v43 =	vsel vm8, v43, v45;
	vm9 =	vgt.f32 v59, v58;
	[tilespmem:s29+$0xFFFFFF80] =	vst v0;
	v41 =	vld.idx.msk [tilespmem:v44+s18+$0x0], $0xffff  }
0x267: {  	vm4 =	vgt.f32 v37, v40;
	v45 =	vadd.s32 $0x7, v50;
	v44 =	vsel vm9, v59, v58;
	[tilespmem:s29+$0xFFFFFF90] =	vst v0  }
0x268: {  	v42 =	vsel vm2, $0x2, v42;
	vm5 =	vgt.f32 v48, v43;
	vm10 =	vgt.f32 v60, v44;
	[tilespmem:s29+$0xFFFFFFA0] =	vst v0;
	v47 =	vld.idx.msk [tilespmem:v47+s18+$0x0], $0xffff  }
0x269: {  	v37 =	vsel vm4, v37, v40;
	v40 =	vsel vm5, v48, v43;
	v44 =	vsel vm10, v60, v44;
	[tilespmem:s29+$0xFFFFFFB0] =	vst v0  }
0x26a: {  	v38 =	vsel vm3, $0x3, v38;
	v42 =	vsel vm7, $0x3, v42;
	vm11 =	vgt.f32 v62, v44;
	[tilespmem:s29+$0xFFFFFFC0] =	vst v0;
	v43 =	vld.idx.msk [tilespmem:v63+s18+$0x0], $0xffff  }
0x26b: {  	vm2 =	vgt.f32 v49, v37;
	vm1 =	vgt.f32 v51, v40;
	v44 =	vsel vm11, v62, v44;
	[tilespmem:s29+$0xFFFFFFD0] =	vst v0  }
0x26c: {  	v38 =	vsel vm6, $0x4, v38;
	v42 =	vsel vm8, $0x4, v42;
	vm3 =	vgt.f32 v41, v44;
	[tilespmem:s29+$0xFFFFFFE0] =	vst v0;
	v45 =	vld.idx.msk [tilespmem:v45+s18+$0x0], $0xffff  }
0x26d: {  	v37 =	vsel vm2, v49, v37;
	v48 =	vsel vm9, $0x1, v2;
	v41 =	vsel vm3, v41, v44;
	[tilespmem:s29+$0xFFFFFFF0] =	vst v0  }
0x26e: {  	v12 =	vsel vm0, v12, v17;
	v48 =	vsel vm10, $0x2, v48;
	vm6 =	vgt.f32 v47, v41;
	v44 =	vld.idx.msk [tilespmem:v53+s18+$0x0], $0xffff;
	[tilespmem:s29+$0x80] =	vst v0  }
0x26f: {  	v40 =	vsel vm1, v51, v40;
	v48 =	vsel vm11, $0x3, v48;
	v41 =	vsel vm6, v47, v41;
	v17 =	vld.idx.msk [tilespmem:v52+s18+$0x0], $0xffff;
	[tilespmem:s29+$0x90] =	vst v0  }
0x270: {  	v38 =	vsel vm4, $0x5, v38;
	v48 =	vsel vm3, $0x4, v48;
	vm3 =	vgt.f32 v43, v41;
	v47 =	vld.idx.msk [tilespmem:v54+s18+$0x0], $0xffff;
	[tilespmem:s29+$0xA0] =	vst v0  }
0x271: {  	v42 =	vsel vm5, $0x5, v42;
	v48 =	vsel vm6, $0x5, v48;
	v41 =	vsel vm3, v43, v41;
	v49 =	vld.idx.msk [tilespmem:v55+s18+$0x0], $0xffff;
	[tilespmem:s29+$0xB0] =	vst v0  }
0x272: {  	vm4 =	vgt.f32 v39, v37;
	v48 =	vsel vm3, $0x6, v48;
	vm3 =	vgt.f32 v45, v41;
	v43 =	vld.idx.msk [tilespmem:v56+s18+$0x0], $0xffff;
	[tilespmem:s29+$0xC0] =	vst v0  }
0x273: {  	v34 =	vshll.u32 v34, $0x3;
	v39 =	vsel vm3, $0x7, v48;
	vm3 =	vgt.f32 v8, v12;
	v37 =	vld.idx.msk [tilespmem:v57+s18+$0x0], $0xffff;
	[tilespmem:s29+$0xD0] =	vst v0  }
0x274: {  	v16 =	vsel vm0, $0x6, v16;
	v38 =	vsel vm2, $0x6, v38;
	v34 =	vadd.s32 v34, v39;
	v12 =	vld.idx.msk [tilespmem:v46+s18+$0x0], $0xffff;
	[tilespmem:s29+$0xE0] =	vst v0  }
0x275: {  	v39 =	vsel vm1, $0x6, v42;
	vm1 =	vgt.f32 v36, v40;
	vm0 =	vgt.f32 v44, v17;
	v8 =	vld.idx.msk [tilespmem:v61+s18+$0x0], $0xffff;
	[tilespmem:s29+$0xF0] =	vst v0  }
0x276: {  	v38 =	vsel vm4, $0x7, v38;
	v17 =	vsel vm0, v44, v17;
	v36 =	vsel vm0, $0x1, v2;
	[tilespmem:s29+$0xFFFFFF00] =	vst v0;
	v30 =	vld.idx.msk [tilespmem:v30+s18+$0x0], $0xffff  }
0x277: {  	v16 =	vsel vm3, $0x7, v16;
	v39 =	vsel vm1, $0x7, v39;
	vm0 =	vgt.f32 v47, v17;
	v31 =	vld.idx.msk [tilespmem:v31+s18+$0x0], $0xffff;
	[tilespmem:v14+s21+$0x0] =	vst.idx.msk $0xffff, v35  }
0x278: {  	v14 =	vshll.u32 v26, $0x3;
	v17 =	vsel vm0, v47, v17;
	v26 =	vsel vm0, $0x2, v36;
	v29 =	vld.idx.msk [tilespmem:v29+s18+$0x0], $0xffff;
	[tilespmem:v13+s21+$0x0] =	vst.idx.msk $0xffff, v32  }
0x279: {  	v18 =	vshll.u32 v18, $0x3;
	v27 =	vshll.u32 v27, $0x3;
	vm0 =	vgt.f32 v49, v17;
	v36 =	vld.idx.msk [tilespmem:v34+s18+$0x0], $0xffff;
	[tilespmem:v15+s21+$0x0] =	vst.idx.msk $0xffff, v33  }
0x27a: {  	v13 =	vsel vm0, v49, v17;
	v15 =	vsel vm0, $0x3, v26;
	v34 =	vadd.s32 $0xFFFFC000, v34;
	v19 =	vld.idx.msk [tilespmem:v19+s18+$0x0], $0xffff  }
0x27b: {  	v35 =	vadd.s32 v9, v38;
	v32 =	vadd.s32 v11, v16;
	vm0 =	vgt.f32 v43, v13;
	v26 =	vld.idx.msk [tilespmem:v28+s18+$0x0], $0xffff  }
0x27c: {  	v9 =	vmovc v14;
	v33 =	vadd.s32 v10, v39;
	v16 =	vsel vm0, v43, v13;
	v15 =	vsel vm0, $0x4, v15;
	v44 =	vld.idx.msk [tilespmem:v20+s18+$0x0], $0xffff  }
.Ltmp3:
0x27d: {  	v14 =	vadd.s32 $0xFFFFC000, v35;
	v11 =	vmovc v27;
	v10 =	vmovc v18;
	v13 =	vadd.s32 $0xFFFFC000, v32;
	vm0 =	vgt.f32 v37, v16;
	v40 =	vld.idx.msk [tilespmem:v25+s18+$0x0], $0xffff;
	(pc) =	sbr.rel @p0 .LBB2_8-.Ltmp3, $4  }
0x27e: {  	vm1 =	vgt.f32 v31, v29;
	v17 =	vsel vm0, v37, v16;
	v16 =	vsel vm0, $0x5, v15;
	v45 =	vld.idx.msk [tilespmem:v24+s18+$0x0], $0xffff  }
0x27f: {  	v15 =	vadd.s32 $0xFFFFC000, v33;
	v24 =	vsel vm1, v31, v29;
	v38 =	vsel vm1, $0x1, v2;
	v41 =	vld.idx.msk [tilespmem:v23+s18+$0x0], $0xffff;
	[tilespmem:v34+s21+$0x0] =	vst.idx.msk $0xffff, v36  }
0x280: {  	vm0 =	vgt.f32 v12, v17;
	vm2 =	vgt.f32 v30, v19;
	v43 =	vld.idx.msk [tilespmem:v21+s18+$0x0], $0xffff  }
0x281: {  	s28 =	sadd.s32 $0x40, s28;
	s29 =	sadd.s32 $0x200, s29;
	vm1 =	vgt.f32 v26, v24;
	v46 =	vsel vm2, v30, v19;
	v42 =	vsel vm2, $0x1, v2;
	v37 =	vld.idx.msk [tilespmem:v22+s18+$0x0], $0xffff  }
0x282: {  	_ =	sdelay $0x2  }
0x283: {  	vm2 =	vgt.f32 v44, v46  }
0x284: {  	v18 =	vsel vm1, v26, v24;
	v4 =	vld.idx.msk [tilespmem:v4+s18+$0x0], $0xffff;
	v19 =	vsel vm2, v44, v46  }
0x285: {  	v3 =	vld.idx.msk [tilespmem:v3+s18+$0x0], $0xffff;
	vm3 =	vgt.f32 v40, v18;
	vm4 =	vgt.f32 v45, v19  }
0x286: {  	v5 =	vld.idx.msk [tilespmem:v5+s18+$0x0], $0xffff;
	v18 =	vsel vm3, v40, v18;
	v19 =	vsel vm4, v45, v19  }
0x287: {  	v20 =	vsel vm1, $0x2, v38;
	vm5 =	vgt.f32 v41, v18;
	vm6 =	vgt.f32 v43, v19  }
0x288: {  	v12 =	vsel vm0, v12, v17;
	v18 =	vsel vm5, v41, v18;
	v19 =	vsel vm6, v43, v19  }
0x289: {  	v6 =	vld.idx.msk [tilespmem:v6+s18+$0x0], $0xffff;
	v21 =	vsel vm2, $0x2, v42;
	vm1 =	vgt.f32 v37, v18;
	vm2 =	vgt.f32 v4, v19  }
0x28a: {  	v18 =	vsel vm1, v37, v18;
	v4 =	vsel vm2, v4, v19;
	v19 =	vsel vm3, $0x3, v20  }
0x28b: {  	v7 =	vld.idx.msk [tilespmem:v7+s18+$0x0], $0xffff;
	v20 =	vsel vm4, $0x3, v21;
	vm3 =	vgt.f32 v3, v18;
	vm12 =	vgt.f32 v5, v4  }
0x28c: {  	v19 =	vsel vm5, $0x4, v19;
	v20 =	vsel vm6, $0x4, v20;
	v3 =	vsel vm3, v3, v18  }
0x28d: {  	v4 =	vsel vm12, v5, v4;
	v5 =	vsel vm1, $0x5, v19;
	v17 =	vsel vm2, $0x5, v20  }
0x28e: {  	vm1 =	vgt.f32 v6, v3;
	vm2 =	vgt.f32 v8, v12;
	v3 =	vsel vm3, $0x6, v5  }
0x28f: {  	v5 =	vsel vm0, $0x6, v16;
	v6 =	vsel vm12, $0x6, v17;
	v3 =	vsel vm1, $0x7, v3  }
0x290: {  	vm0 =	vgt.f32 v7, v4;
	v4 =	vsel vm2, $0x7, v5;
	v3 =	vadd.s32 v9, v3  }
0x291: {  	v5 =	vsel vm0, $0x7, v6;
	v4 =	vadd.s32 v11, v4  }
0x292: {  	v6 =	vld.idx.msk [tilespmem:v35+s18+$0x0], $0xffff;
	v5 =	vadd.s32 v10, v5  }
0x293: {  	v8 =	vld.idx.msk [tilespmem:v33+s18+$0x0], $0xffff  }
0x294: {  	v7 =	vld.idx.msk [tilespmem:v32+s18+$0x0], $0xffff  }
0x295: {  	v9 =	vadd.s32 $0xFFFFC000, v3;
	v3 =	vld.idx.msk [tilespmem:v3+s18+$0x0], $0xffff  }
0x296: {  	v10 =	vadd.s32 $0xFFFFC000, v4;
	v4 =	vld.idx.msk [tilespmem:v4+s18+$0x0], $0xffff  }
0x297: {  	[tilespmem:v14+s21+$0x0] =	vst.idx.msk $0xffff, v6;
	v6 =	vadd.s32 $0xFFFFC000, v5;
	v5 =	vld.idx.msk [tilespmem:v5+s18+$0x0], $0xffff  }
0x298: {  	[tilespmem:v15+s21+$0x0] =	vst.idx.msk $0xffff, v8  }
0x299: {  	[tilespmem:v13+s21+$0x0] =	vst.idx.msk $0xffff, v7  }
0x29a: {  	[tilespmem:v9+s21+$0x0] =	vst.idx.msk $0xffff, v3  }
0x29b: {  	[tilespmem:v10+s21+$0x0] =	vst.idx.msk $0xffff, v4  }
0x29c: {  	[tilespmem:v6+s21+$0x0] =	vst.idx.msk $0xffff, v5  }
0x29d: {  	[hbm4b:s9+s16] =	stream.strided.scatter [tilespmem:s21], [sflag:$0x4], $0x4000, s17, s16, $0x38;
	[tilespmem:$0x18000] =	vst v63  }
0x29e: {  	_ = 	snop  }
0x29f: {  	[tilespmem:s18], [sflag:$0x2] =	stream.strided.gather [hbm4b:s10+s16], $0x8000, s17, s16, $0x38;
	[tilespmem:$0x18000] =	vst v63  }
0x2a0: {  	_ =	swait.ge [sflag:s22], $0x4000  }
0x2a1: {  	[sflag:s22] =	ssyncset.done $0x0  }
0x2a2: {  	[sflag:s22] =	ssyncadd.s32 $0xFFFFC000  }
0x2a3: {  	_ =	swait.ge [sflag:s19], $0x8000  }
0x2a4: {  	[sflag:s19] =	ssyncset.done $0x0  }
0x2a5: {  	s26 =	simm.s32 $0x10100;
	[sflag:s19] =	ssyncadd.s32 $0xFFFF8000  }
0x2a6: {  	[tilespmem:s26+$0x0] =	vst v0  }
0x2a7: {  	[tilespmem:s26+$0x10] =	vst v0  }
0x2a8: {  	[tilespmem:s26+$0x20] =	vst v0  }
0x2a9: {  	[tilespmem:s26+$0x30] =	vst v0  }
0x2aa: {  	[tilespmem:s26+$0x40] =	vst v0  }
0x2ab: {  	[tilespmem:s26+$0x50] =	vst v0  }
0x2ac: {  	[tilespmem:s26+$0x60] =	vst v0  }
0x2ad: {  	[tilespmem:s26+$0x70] =	vst v0  }
0x2ae: {  	[tilespmem:s26+$0xFFFFFF10] =	vst v0  }
0x2af: {  	[tilespmem:s26+$0xFFFFFF20] =	vst v0  }
0x2b0: {  	[tilespmem:s26+$0xFFFFFF30] =	vst v0  }
0x2b1: {  	[tilespmem:s26+$0xFFFFFF40] =	vst v0  }
0x2b2: {  	s28 =	simm.s32 $0x20;
	[tilespmem:s26+$0xFFFFFF50] =	vst v0  }
0x2b3: {  	v3 =	vor.u32 s28, v1;
	[tilespmem:s26+$0xFFFFFF60] =	vst v0  }
0x2b4: {  	v4 =	vmul.u32 $0x7, v3;
	[tilespmem:s26+$0xFFFFFF80] =	vst v0  }
0x2b5: {  	s30 =	simm.s32 $0x60;
	[tilespmem:s26+$0xFFFFFF90] =	vst v0  }
0x2b6: {  	v31 =	vor.u32 s30, v1;
	v5 =	vadd.s32 $0x1, v4;
	[tilespmem:s26+$0xFFFFFFA0] =	vst v0  }
0x2b7: {  	v40 =	vmul.u32 $0x7, v31;
	[tilespmem:s26+$0xFFFFFFB0] =	vst v0  }
0x2b8: {  	v31 =	vshll.u32 v31, $0x3;
	s28 =	simm.s32 $0x30;
	v6 =	vadd.s32 $0x2, v4;
	[tilespmem:s26+$0xFFFFFFC0] =	vst v0  }
0x2b9: {  	v48 =	vadd.s32 $0x2, v40;
	v7 =	vor.u32 s28, v1;
	s28 =	simm.s32 $0x10;
	v9 =	vadd.s32 $0x3, v4;
	[tilespmem:s26+$0xFFFFFFD0] =	vst v0  }
0x2ba: {  	s29 =	simm.s32 $0x0;
	v51 =	vadd.s32 $0x3, v40;
	v11 =	vor.u32 s28, v1;
	v12 =	vadd.s32 $0x4, v4;
	[tilespmem:s26+$0xFFFFFFE0] =	vst v0;
	v8 =	vld.idx.msk [tilespmem:v4+s2+$0x0], $0xffff  }
0x2bb: {  	v10 =	vor.u32 s29, v1;
	v14 =	vmul.u32 $0x7, v11;
	v17 =	vadd.s32 $0x6, v4;
	[tilespmem:s26+$0xFFFFFFF0] =	vst v0;
	v5 =	vld.idx.msk [tilespmem:v5+s2+$0x0], $0xffff  }
0x2bc: {  	v53 =	vadd.s32 $0x4, v40;
	v16 =	vmul.u32 $0x7, v10;
	v3 =	vshll.u32 v3, $0x3;
	[tilespmem:s26+$0x80] =	vst v0  }
0x2bd: {  	v13 =	vmul.u32 $0x7, v7;
	v15 =	vadd.s32 $0x5, v4;
	v54 =	vadd.s32 $0x2, v14;
	[tilespmem:s26+$0x90] =	vst v0;
	v6 =	vld.idx.msk [tilespmem:v6+s2+$0x0], $0xffff  }
0x2be: {  	v21 =	vadd.s32 $0x1, v16;
	v22 =	vadd.s32 $0x2, v16;
	v23 =	vadd.s32 $0x3, v16;
	[tilespmem:s26+$0xA0] =	vst v0;
	v9 =	vld.idx.msk [tilespmem:v9+s2+$0x0], $0xffff  }
0x2bf: {  	v28 =	vadd.s32 $0x4, v16;
	v57 =	vadd.s32 $0x5, v16;
	v18 =	vadd.s32 $0x1, v13;
	[tilespmem:s26+$0xB0] =	vst v0;
	v12 =	vld.idx.msk [tilespmem:v12+s2+$0x0], $0xffff  }
0x2c0: {  	v58 =	vadd.s32 $0x6, v16;
	v19 =	vadd.s32 $0x1, v14;
	[tilespmem:s26+$0xC0] =	vst v0;
	v17 =	vld.idx.msk [tilespmem:v17+s2+$0x0], $0xffff;
	vm0 =	vgt.f32 v5, v8  }
0x2c1: {  	v37 =	vadd.s32 $0x7, v16;
	v20 =	vadd.s32 $0x2, v13;
	[tilespmem:s26+$0xD0] =	vst v0;
	v27 =	vld.idx.msk [tilespmem:v14+s2+$0x0], $0xffff;
	v5 =	vsel vm0, v5, v8  }
0x2c2: {  	v55 =	vadd.s32 $0x3, v13;
	[tilespmem:s26+$0xE0] =	vst v0;
	v4 =	vadd.s32 $0x7, v4;
	v24 =	vld.idx.msk [tilespmem:v54+s2+$0x0], $0xffff;
	vm1 =	vgt.f32 v6, v5  }
0x2c3: {  	v56 =	vadd.s32 $0x4, v13;
	v34 =	vadd.s32 $0x5, v13;
	[tilespmem:s26+$0xF0] =	vst v0;
	v8 =	vld.idx.msk [tilespmem:v15+s2+$0x0], $0xffff;
	v5 =	vsel vm1, v6, v5  }
0x2c4: {  	v36 =	vadd.s32 $0x6, v13;
	v25 =	vadd.s32 $0x3, v14;
	[tilespmem:s26+$0xFFFFFF70] =	vst v0;
	v59 =	vld.idx.msk [tilespmem:v18+s2+$0x0], $0xffff;
	vm2 =	vgt.f32 v9, v5  }
0x2c5: {  	v29 =	vadd.s32 $0x6, v14;
	v30 =	vadd.s32 $0x7, v14;
	[tilespmem:s26+$0xFFFFFF00] =	vst v0;
	v6 =	vld.idx.msk [tilespmem:v19+s2+$0x0], $0xffff;
	v5 =	vsel vm2, v9, v5  }
0x2c6: {  	v60 =	vld.idx.msk [tilespmem:v16+s2+$0x0], $0xffff;
	v16 =	vshll.u32 v11, $0x3;
	v15 =	vadd.s32 $0x4, v14;
	vm3 =	vgt.f32 v12, v5  }
0x2c7: {  	v4 =	vld.idx.msk [tilespmem:v4+s2+$0x0], $0xffff;
	v19 =	vadd.s32 $0x5, v14;
	v14 =	vsel vm0, $0x1, v2;
	v5 =	vsel vm3, v12, v5  }
0x2c8: {  	v18 =	vshll.u32 v7, $0x3;
	v32 =	vld.idx.msk [tilespmem:v56+s2+$0x0], $0xffff;
	v14 =	vsel vm1, $0x2, v14;
	vm0 =	vgt.f32 v8, v5  }
0x2c9: {  	s31 =	simm.s32 $0x10300;
	v56 =	vadd.s32 $0x5, v40;
	v14 =	vsel vm2, $0x3, v14;
	v12 =	vld.idx.msk [tilespmem:v25+s2+$0x0], $0xffff;
	v5 =	vsel vm0, v8, v5  }
0x2ca: {  	[tilespmem:s31+$0x0] =	vst v0;
	v14 =	vsel vm3, $0x4, v14;
	vm1 =	vgt.f32 v6, v27;
	vm2 =	vgt.f32 v17, v5  }
0x2cb: {  	[tilespmem:s31+$0x10] =	vst v0;
	v15 =	vld.idx.msk [tilespmem:v15+s2+$0x0], $0xffff;
	v6 =	vsel vm1, v6, v27;
	v14 =	vsel vm0, $0x5, v14;
	v5 =	vsel vm2, v17, v5  }
0x2cc: {  	[tilespmem:s31+$0x20] =	vst v0;
	vm0 =	vgt.f32 v24, v6;
	v14 =	vsel vm2, $0x6, v14;
	vm2 =	vgt.f32 v4, v5  }
0x2cd: {  	[tilespmem:s31+$0x30] =	vst v0;
	v9 =	vadd.s32 $0x7, v13;
	v19 =	vld.idx.msk [tilespmem:v19+s2+$0x0], $0xffff;
	v5 =	vsel vm0, v24, v6;
	v6 =	vsel vm2, $0x7, v14  }
0x2ce: {  	s28 =	simm.s32 $0x70;
	[tilespmem:s31+$0x40] =	vst v0;
	v4 =	vld.idx.msk [tilespmem:v21+s2+$0x0], $0xffff;
	vm2 =	vgt.f32 v12, v5;
	v14 =	vshll.u32 v10, $0x3;
	v17 =	vadd.s32 v3, v6  }
0x2cf: {  	s29 =	simm.s32 $0x40;
	[tilespmem:s31+$0x50] =	vst v0;
	v3 =	vsel vm1, $0x1, v2;
	v5 =	vsel vm2, v12, v5;
	v6 =	vld.idx.msk [tilespmem:v13+s2+$0x0], $0xffff;
	v13 =	vor.u32 s28, v1  }
0x2d0: {  	[tilespmem:s31+$0x60] =	vst v0;
	v12 =	vor.u32 s29, v1;
	v3 =	vsel vm0, $0x2, v3;
	vm0 =	vgt.f32 v15, v5  }
0x2d1: {  	[tilespmem:s31+$0x70] =	vst v0;
	v61 =	vld.idx.msk [tilespmem:v22+s2+$0x0], $0xffff;
	s28 =	simm.s32 $0x50;
	v27 =	vmul.u32 $0x7, v12;
	v3 =	vsel vm2, $0x3, v3;
	v5 =	vsel vm0, v15, v5  }
0x2d2: {  	[tilespmem:s31+$0xFFFFFF10] =	vst v0;
	v8 =	vld.idx.msk [tilespmem:v29+s2+$0x0], $0xffff;
	v15 =	vor.u32 s28, v1;
	v3 =	vsel vm0, $0x4, v3;
	vm0 =	vgt.f32 v19, v5  }
0x2d3: {  	[tilespmem:s31+$0xFFFFFF20] =	vst v0;
	v21 =	vld.idx.msk [tilespmem:v30+s2+$0x0], $0xffff;
	vm1 =	vgt.f32 v4, v60;
	v42 =	vmul.u32 $0x7, v15;
	v30 =	vadd.s32 $0x1, v27  }
0x2d4: {  	[tilespmem:s31+$0xFFFFFF30] =	vst v0;
	v63 =	vld.idx.msk [tilespmem:v28+s2+$0x0], $0xffff;
	v28 =	vadd.s32 $0x2, v27;
	v25 =	vadd.s32 $0x3, v27;
	v24 =	vadd.s32 $0x4, v27  }
0x2d5: {  	[tilespmem:s31+$0xFFFFFF40] =	vst v0;
	v7 =	vld.idx.msk [tilespmem:v23+s2+$0x0], $0xffff;
	v10 =	vsel vm0, v19, v5;
	v11 =	vsel vm0, $0x5, v3;
	v4 =	vsel vm1, v4, v60  }
0x2d6: {  	[tilespmem:s31+$0xFFFFFF50] =	vst v0;
	v39 =	vsel vm1, $0x1, v2;
	v5 =	vld.idx.msk [tilespmem:v20+s2+$0x0], $0xffff;
	v20 =	vmul.u32 $0x7, v13;
	v60 =	vadd.s32 $0x1, v40  }
0x2d7: {  	[tilespmem:s31+$0xFFFFFF60] =	vst v0;
	v62 =	vld.idx.msk [tilespmem:v55+s2+$0x0], $0xffff;
	v3 =	vadd.s32 $0x5, v27;
	v13 =	vshll.u32 v13, $0x3;
	vm0 =	vgt.f32 v8, v10  }
0x2d8: {  	[tilespmem:s31+$0xFFFFFF70] =	vst v0;
	v33 =	vld.idx.msk [tilespmem:v57+s2+$0x0], $0xffff;
	vm1 =	vgt.f32 v59, v6;
	vm2 =	vgt.f32 v61, v4;
	v45 =	vadd.s32 $0x1, v42  }
0x2d9: {  	[tilespmem:s31+$0xFFFFFF80] =	vst v0;
	v34 =	vld.idx.msk [tilespmem:v34+s2+$0x0], $0xffff;
	v46 =	vadd.s32 $0x2, v42;
	v47 =	vadd.s32 $0x3, v42;
	v49 =	vadd.s32 $0x4, v42  }
0x2da: {  	[tilespmem:s31+$0xFFFFFF90] =	vst v0;
	v50 =	vld.idx.msk [tilespmem:v40+s2+$0x0], $0xffff;
	v52 =	vadd.s32 $0x5, v42;
	v55 =	vadd.s32 $0x6, v42;
	v6 =	vsel vm1, v59, v6  }
0x2db: {  	[tilespmem:s31+$0xFFFFFFA0] =	vst v0;
	v35 =	vld.idx.msk [tilespmem:v58+s2+$0x0], $0xffff;
	v29 =	vadd.s32 $0x1, v20;
	v22 =	vadd.s32 $0x2, v20;
	v26 =	vadd.s32 $0x3, v20  }
0x2dc: {  	[tilespmem:s31+$0xFFFFFFB0] =	vst v0;
	v48 =	vld.idx.msk [tilespmem:v48+s2+$0x0], $0xffff;
	v23 =	vadd.s32 $0x4, v20;
	v38 =	vsel vm2, v61, v4;
	v4 =	vadd.s32 $0x5, v20  }
0x2dd: {  	[tilespmem:s31+$0xFFFFFFC0] =	vst v0;
	v61 =	vadd.s32 $0x6, v40;
	v40 =	vadd.s32 $0x7, v40;
	vm13 =	vgt.f32 v7, v38;
	v44 =	vld.idx.msk [tilespmem:v60+s2+$0x0], $0xffff  }
0x2de: {  	[tilespmem:s31+$0xFFFFFFD0] =	vst v0;
	v36 =	vld.idx.msk [tilespmem:v36+s2+$0x0], $0xffff;
	v39 =	vsel vm2, $0x2, v39;
	v11 =	vsel vm0, $0x6, v11;
	v38 =	vsel vm13, v7, v38  }
0x2df: {  	[tilespmem:s31+$0xFFFFFFE0] =	vst v0;
	v37 =	vld.idx.msk [tilespmem:v37+s2+$0x0], $0xffff;
	v7 =	vadd.s32 $0x6, v20;
	v39 =	vsel vm13, $0x3, v39;
	vm3 =	vgt.f32 v5, v6  }
0x2e0: {  	[tilespmem:s31+$0xFFFFFFF0] =	vst v0;
	v51 =	vld.idx.msk [tilespmem:v51+s2+$0x0], $0xffff;
	vm14 =	vgt.f32 v63, v38;
	v54 =	vsel vm3, v5, v6;
	v5 =	vadd.s32 $0x6, v27  }
0x2e1: {  	[tilespmem:s31+$0x80] =	vst v0;
	v6 =	vadd.s32 $0x7, v27;
	v38 =	vsel vm14, v63, v38;
	v63 =	vld.idx.msk [tilespmem:v56+s2+$0x0], $0xffff;
	v56 =	vsel vm1, $0x1, v2  }
0x2e2: {  	[tilespmem:s31+$0x90] =	vst v0;
	v53 =	vld.idx.msk [tilespmem:v53+s2+$0x0], $0xffff;
	v39 =	vsel vm14, $0x4, v39;
	vm7 =	vgt.f32 v62, v54;
	vm9 =	vgt.f32 v44, v50  }
0x2e3: {  	v19 =	vld.idx.msk [tilespmem:v17+s2+$0x0], $0xffff;
	vm4 =	vgt.f32 v33, v38;
	v41 =	vsel vm7, v62, v54;
	v44 =	vsel vm9, v44, v50  }
0x2e4: {  	[tilespmem:s31+$0xA0] =	vst v0;
	v45 =	vld.idx.msk [tilespmem:v45+s2+$0x0], $0xffff;
	v54 =	vadd.s32 $0x7, v42;
	vm8 =	vgt.f32 v32, v41;
	vm10 =	vgt.f32 v48, v44  }
0x2e5: {  	v49 =	vld.idx.msk [tilespmem:v49+s2+$0x0], $0xffff;
	v33 =	vsel vm4, v33, v38;
	v32 =	vsel vm8, v32, v41;
	v62 =	vsel vm10, v48, v44  }
0x2e6: {  	[tilespmem:s31+$0xB0] =	vst v0;
	v41 =	vld.idx.msk [tilespmem:v9+s2+$0x0], $0xffff;
	v9 =	vadd.s32 $0x7, v20;
	vm1 =	vgt.f32 v34, v32;
	vm11 =	vgt.f32 v51, v62  }
0x2e7: {  	[tilespmem:s31+$0xFFFFFF00] =	vst v0;
	v57 =	vld.idx.msk [tilespmem:v61+s2+$0x0], $0xffff;
	v60 =	vsel vm9, $0x1, v2;
	v32 =	vsel vm1, v34, v32;
	v43 =	vsel vm11, v51, v62  }
0x2e8: {  	[tilespmem:s31+$0xC0] =	vst v0;
	v27 =	vld.idx.msk [tilespmem:v27+s2+$0x0], $0xffff;
	v48 =	vsel vm3, $0x2, v56;
	vm3 =	vgt.f32 v35, v33;
	vm15 =	vgt.f32 v53, v43  }
0x2e9: {  	[tilespmem:s31+$0xD0] =	vst v0;
	v58 =	vld.idx.msk [tilespmem:v40+s2+$0x0], $0xffff;
	vm2 =	vgt.f32 v36, v32;
	v59 =	vsel vm7, $0x3, v48;
	v43 =	vsel vm15, v53, v43  }
0x2ea: {  	[tilespmem:s31+$0xE0] =	vst v0;
	v61 =	vld.idx.msk [tilespmem:v46+s2+$0x0], $0xffff;
	v48 =	vsel vm10, $0x2, v60;
	v33 =	vsel vm3, v35, v33;
	vm12 =	vgt.f32 v63, v43  }
0x2eb: {  	[tilespmem:s31+$0xF0] =	vst v0;
	v42 =	vld.idx.msk [tilespmem:v42+s2+$0x0], $0xffff;
	v50 =	vsel vm2, v36, v32;
	v48 =	vsel vm11, $0x3, v48;
	v43 =	vsel vm12, v63, v43  }
0x2ec: {  	v20 =	vld.idx.msk [tilespmem:v20+s2+$0x0], $0xffff;
	v40 =	vsel vm8, $0x4, v59;
	v62 =	vsel vm15, $0x4, v48;
	vm13 =	vgt.f32 v57, v43  }
0x2ed: {  	v51 =	vld.idx.msk [tilespmem:v52+s2+$0x0], $0xffff;
	v52 =	vsel vm4, $0x5, v39;
	v46 =	vsel vm12, $0x5, v62;
	v38 =	vsel vm13, v57, v43  }
0x2ee: {  	v44 =	vld.idx.msk [tilespmem:v23+s2+$0x0], $0xffff;
	v48 =	vsel vm0, v8, v10;
	v8 =	vsel vm13, $0x6, v46;
	vm14 =	vgt.f32 v58, v38  }
0x2ef: {  	vm15 =	vgt.f32 v37, v33;
	v53 =	vsel vm1, $0x5, v40;
	v63 =	vld.idx.msk [tilespmem:v47+s2+$0x0], $0xffff;
	v8 =	vsel vm14, $0x7, v8  }
0x2f0: {  	v10 =	vld.idx.msk [tilespmem:v55+s2+$0x0], $0xffff;
	vm1 =	vgt.f32 v45, v42;
	v55 =	vsel vm3, $0x6, v52;
	v31 =	vadd.s32 v31, v8  }
0x2f1: {  	v32 =	vld.idx.msk [tilespmem:v29+s2+$0x0], $0xffff;
	vm3 =	vgt.f32 v21, v48;
	v21 =	vsel vm1, v45, v42;
	v56 =	vsel vm1, $0x1, v2  }
0x2f2: {  	v40 =	vld.idx.msk [tilespmem:v25+s2+$0x0], $0xffff;
	vm1 =	vgt.f32 v41, v50;
	v60 =	vsel vm15, $0x7, v55;
	vm0 =	vgt.f32 v61, v21  }
0x2f3: {  	v62 =	vsel vm3, $0x7, v11;
	v11 =	vshll.u32 v12, $0x3;
	v21 =	vsel vm0, v61, v21;
	v57 =	vld.idx.msk [tilespmem:v30+s2+$0x0], $0xffff  }
0x2f4: {  	v45 =	vld.idx.msk [tilespmem:v22+s2+$0x0], $0xffff;
	v12 =	vshll.u32 v15, $0x3;
	v59 =	vsel vm0, $0x2, v56;
	vm0 =	vgt.f32 v63, v21  }
0x2f5: {  	v15 =	vadd.s32 v14, v60;
	v58 =	vsel vm2, $0x6, v53;
	v21 =	vsel vm0, v63, v21;
	v61 =	vld.idx.msk [tilespmem:v31+s2+$0x0], $0xffff  }
0x2f6: {  	[tilespmem:v17+s20+$0x0] =	vst.idx.msk $0xffff, v19;
	v38 =	vld.idx.msk [tilespmem:v28+s2+$0x0], $0xffff;
	v30 =	vsel vm1, $0x7, v58;
	v33 =	vsel vm0, $0x3, v59;
	vm0 =	vgt.f32 v49, v21  }
0x2f7: {  	v41 =	vld.idx.msk [tilespmem:v24+s2+$0x0], $0xffff;
	v16 =	vadd.s32 v16, v62;
	v14 =	vadd.s32 v18, v30;
	v21 =	vsel vm0, v49, v21  }
0x2f8: {  	v43 =	vld.idx.msk [tilespmem:v26+s2+$0x0], $0xffff;
	vm1 =	vgt.f32 v57, v27;
	v63 =	vsel vm0, $0x4, v33;
	vm0 =	vgt.f32 v51, v21  }
0x2f9: {  	v8 =	vld.idx.msk [tilespmem:v54+s2+$0x0], $0xffff;
	v46 =	vsel vm1, v57, v27;
	v33 =	vsel vm1, $0x1, v2;
	v18 =	vsel vm0, v51, v21  }
0x2fa: {  	s26 =	simm.s32 $0x4;
	s29 =	simm.s32 $0x10500;
	s28 =	simm.s32 $0xB0;
	vm1 =	vgt.f32 v32, v20;
	v17 =	vsel vm0, $0x5, v63;
	vm0 =	vgt.f32 v10, v18;
	[tilespmem:v31+s20+$0x0] =	vst.idx.msk $0xffff, v61  }
.LBB2_10:
0x2fb: {  	s30 =	sadd.s32 $0xFFFFFFD0, s28;
	[tilespmem:s29+$0x0] =	vst v0;
	s31 =	sadd.s32 $0xFFFFFFF0, s28;
	v19 =	vor.u32 s28, v1;
	s26 =	sadd.s32 $0x4, s26;
	vm2 =	vgt.f32 v38, v46;
	v47 =	vld.idx.msk [tilespmem:v3+s2+$0x0], $0xffff;
	v48 =	vsel vm1, v32, v20  }
0x2fc: {  	v20 =	vor.u32 s30, v1;
	s30 =	sadd.s32 $0xFFFFFFE0, s28;
	[tilespmem:s29+$0x10] =	vst v0;
	v32 =	vor.u32 s31, v1;
	v22 =	vmul.u32 $0x7, v19;
	p0 =	slt.u32 s26, $0x7C;
	v49 =	vld.idx.msk [tilespmem:v4+s2+$0x0], $0xffff  }
0x2fd: {  	v29 =	vmul.u32 $0x7, v20;
	v21 =	vor.u32 s30, v1;
	[tilespmem:s29+$0x20] =	vst v0;
	v50 =	vmul.u32 $0x7, v32;
	v42 =	vld.idx.msk [tilespmem:v5+s2+$0x0], $0xffff  }
0x2fe: {  	v51 =	vmul.u32 $0x7, v21;
	[tilespmem:s29+$0x30] =	vst v0;
	v30 =	vadd.s32 $0x1, v22;
	v23 =	vadd.s32 $0x2, v22;
	v39 =	vld.idx.msk [tilespmem:v7+s2+$0x0], $0xffff  }
0x2ff: {  	v31 =	vadd.s32 $0x1, v29;
	v28 =	vadd.s32 $0x2, v29;
	[tilespmem:s29+$0x40] =	vst v0;
	v4 =	vadd.s32 $0x1, v50;
	v37 =	vld.idx.msk [tilespmem:v6+s2+$0x0], $0xffff  }
0x300: {  	v26 =	vadd.s32 $0x3, v29;
	v52 =	vadd.s32 $0x1, v51;
	v53 =	vadd.s32 $0x2, v51;
	[tilespmem:s29+$0x50] =	vst v0;
	v36 =	vld.idx.msk [tilespmem:v9+s2+$0x0], $0xffff  }
0x301: {  	v27 =	vadd.s32 $0x3, v22;
	v6 =	vadd.s32 $0x2, v50;
	v54 =	vadd.s32 $0x3, v51;
	[tilespmem:s29+$0x60] =	vst v0;
	v34 =	vld.idx.msk [tilespmem:v15+s2+$0x0], $0xffff  }
0x302: {  	v24 =	vadd.s32 $0x4, v22;
	v25 =	vadd.s32 $0x4, v29;
	v55 =	vadd.s32 $0x4, v51;
	[tilespmem:s29+$0x70] =	vst v0;
	v35 =	vld.idx.msk [tilespmem:v16+s2+$0x0], $0xffff  }
0x303: {  	vm4 =	vgt.f32 v45, v48;
	v3 =	vadd.s32 $0x5, v29;
	v9 =	vadd.s32 $0x3, v50;
	[tilespmem:s29+$0xFFFFFF10] =	vst v0;
	v56 =	vld.idx.msk [tilespmem:v50+s2+$0x0], $0xffff  }
0x304: {  	v46 =	vsel vm2, v38, v46;
	v57 =	vadd.s32 $0x5, v51;
	[tilespmem:s29+$0xFFFFFF20] =	vst v0;
	v58 =	vld.idx.msk [tilespmem:v4+s2+$0x0], $0xffff;
	v4 =	vadd.s32 $0x5, v22  }
0x305: {  	vm5 =	vgt.f32 v40, v46;
	v45 =	vsel vm4, v45, v48;
	v59 =	vadd.s32 $0x4, v50;
	[tilespmem:s29+$0xFFFFFF30] =	vst v0;
	v38 =	vld.idx.msk [tilespmem:v14+s2+$0x0], $0xffff  }
0x306: {  	vm8 =	vgt.f32 v43, v45;
	v5 =	vadd.s32 $0x6, v29;
	v48 =	vadd.s32 $0x6, v51;
	[tilespmem:s29+$0xFFFFFF40] =	vst v0;
	v60 =	vld.idx.msk [tilespmem:v6+s2+$0x0], $0xffff  }
0x307: {  	v7 =	vadd.s32 $0x6, v22;
	v40 =	vsel vm5, v40, v46;
	v61 =	vadd.s32 $0x5, v50;
	[tilespmem:s29+$0xFFFFFF50] =	vst v0  }
0x308: {  	vm6 =	vgt.f32 v41, v40;
	v43 =	vsel vm8, v43, v45;
	v6 =	vadd.s32 $0x7, v29;
	[tilespmem:s29+$0xFFFFFF60] =	vst v0;
	v46 =	vld.idx.msk [tilespmem:v9+s2+$0x0], $0xffff  }
0x309: {  	v62 =	vadd.s32 $0x6, v50;
	v45 =	vadd.s32 $0x7, v51;
	vm7 =	vgt.f32 v44, v43;
	[tilespmem:s29+$0xFFFFFF70] =	vst v0  }
0x30a: {  	v40 =	vsel vm6, v41, v40;
	v9 =	vadd.s32 $0x7, v22;
	vm9 =	vgt.f32 v58, v56;
	[tilespmem:s29+$0xFFFFFF80] =	vst v0;
	v59 =	vld.idx.msk [tilespmem:v59+s2+$0x0], $0xffff  }
0x30b: {  	v43 =	vsel vm7, v44, v43;
	v50 =	vadd.s32 $0x7, v50;
	v41 =	vsel vm9, v58, v56;
	[tilespmem:s29+$0xFFFFFF90] =	vst v0  }
0x30c: {  	vm3 =	vgt.f32 v47, v40;
	v56 =	vsel vm1, $0x1, v2;
	vm10 =	vgt.f32 v60, v41;
	[tilespmem:s29+$0xFFFFFFA0] =	vst v0;
	v44 =	vld.idx.msk [tilespmem:v61+s2+$0x0], $0xffff  }
0x30d: {  	v33 =	vsel vm2, $0x2, v33;
	vm1 =	vgt.f32 v49, v43;
	v41 =	vsel vm10, v60, v41;
	[tilespmem:s29+$0xFFFFFFB0] =	vst v0  }
0x30e: {  	v40 =	vsel vm3, v47, v40;
	v47 =	vsel vm4, $0x2, v56;
	vm11 =	vgt.f32 v46, v41;
	[tilespmem:s29+$0xFFFFFFC0] =	vst v0;
	v58 =	vld.idx.msk [tilespmem:v62+s2+$0x0], $0xffff  }
0x30f: {  	v33 =	vsel vm5, $0x3, v33;
	v43 =	vsel vm1, v49, v43;
	v41 =	vsel vm11, v46, v41;
	[tilespmem:s29+$0xFFFFFFD0] =	vst v0  }
0x310: {  	vm4 =	vgt.f32 v42, v40;
	v47 =	vsel vm8, $0x3, v47;
	vm5 =	vgt.f32 v59, v41;
	[tilespmem:s29+$0xFFFFFFE0] =	vst v0;
	v46 =	vld.idx.msk [tilespmem:v50+s2+$0x0], $0xffff  }
0x311: {  	v49 =	vsel vm9, $0x1, v2;
	vm2 =	vgt.f32 v39, v43;
	v41 =	vsel vm5, v59, v41;
	[tilespmem:s29+$0xFFFFFFF0] =	vst v0  }
0x312: {  	v33 =	vsel vm6, $0x4, v33;
	v49 =	vsel vm10, $0x2, v49;
	vm8 =	vgt.f32 v44, v41;
	v50 =	vld.idx.msk [tilespmem:v52+s2+$0x0], $0xffff;
	[tilespmem:s29+$0x80] =	vst v0  }
0x313: {  	v49 =	vsel vm11, $0x3, v49;
	v41 =	vsel vm8, v44, v41;
	v44 =	vsel vm7, $0x4, v47;
	v51 =	vld.idx.msk [tilespmem:v51+s2+$0x0], $0xffff;
	[tilespmem:s29+$0x90] =	vst v0  }
0x314: {  	v40 =	vsel vm4, v42, v40;
	v49 =	vsel vm5, $0x4, v49;
	vm5 =	vgt.f32 v58, v41;
	v47 =	vld.idx.msk [tilespmem:v53+s2+$0x0], $0xffff;
	[tilespmem:s29+$0xA0] =	vst v0  }
0x315: {  	v18 =	vsel vm0, v10, v18;
	v49 =	vsel vm8, $0x5, v49;
	v41 =	vsel vm5, v58, v41;
	v42 =	vld.idx.msk [tilespmem:v54+s2+$0x0], $0xffff;
	[tilespmem:s29+$0xB0] =	vst v0  }
0x316: {  	v39 =	vsel vm2, v39, v43;
	v10 =	vsel vm5, $0x6, v49;
	vm5 =	vgt.f32 v46, v41;
	v52 =	vld.idx.msk [tilespmem:v55+s2+$0x0], $0xffff;
	[tilespmem:s29+$0xC0] =	vst v0  }
0x317: {  	v32 =	vshll.u32 v32, $0x3;
	v33 =	vsel vm3, $0x5, v33;
	v43 =	vsel vm5, $0x7, v10;
	v41 =	vld.idx.msk [tilespmem:v57+s2+$0x0], $0xffff;
	[tilespmem:s29+$0xD0] =	vst v0  }
0x318: {  	vm3 =	vgt.f32 v37, v40;
	v37 =	vsel vm1, $0x5, v44;
	v10 =	vld.idx.msk [tilespmem:v48+s2+$0x0], $0xffff;
	v48 =	vadd.s32 v32, v43;
	[tilespmem:s29+$0xE0] =	vst v0  }
0x319: {  	v33 =	vsel vm4, $0x6, v33;
	vm4 =	vgt.f32 v8, v18;
	vm1 =	vgt.f32 v50, v51;
	[tilespmem:s29+$0xF0] =	vst v0;
	v8 =	vld.idx.msk [tilespmem:v45+s2+$0x0], $0xffff  }
0x31a: {  	v17 =	vsel vm0, $0x6, v17;
	v18 =	vsel vm1, v50, v51;
	v40 =	vsel vm1, $0x1, v2;
	[tilespmem:s29+$0xFFFFFF00] =	vst v0;
	v32 =	vld.idx.msk [tilespmem:v30+s2+$0x0], $0xffff  }
0x31b: {  	vm1 =	vgt.f32 v36, v39;
	vm0 =	vgt.f32 v47, v18;
	v30 =	vld.idx.msk [tilespmem:v31+s2+$0x0], $0xffff;
	v31 =	vsel vm2, $0x6, v37  }
0x31c: {  	v33 =	vsel vm3, $0x7, v33;
	v18 =	vsel vm0, v47, v18;
	v36 =	vsel vm0, $0x2, v40;
	v29 =	vld.idx.msk [tilespmem:v29+s2+$0x0], $0xffff;
	[tilespmem:v15+s20+$0x0] =	vst.idx.msk $0xffff, v34  }
0x31d: {  	v17 =	vsel vm4, $0x7, v17;
	vm0 =	vgt.f32 v42, v18;
	v31 =	vsel vm1, $0x7, v31;
	v34 =	vld.idx.msk [tilespmem:v48+s2+$0x0], $0xffff;
	[tilespmem:v16+s20+$0x0] =	vst.idx.msk $0xffff, v35  }
0x31e: {  	v16 =	vshll.u32 v20, $0x3;
	v15 =	vsel vm0, v42, v18;
	v18 =	vsel vm0, $0x3, v36;
	v20 =	vld.idx.msk [tilespmem:v22+s2+$0x0], $0xffff;
	[tilespmem:v14+s20+$0x0] =	vst.idx.msk $0xffff, v38  }
0x31f: {  	v19 =	vshll.u32 v19, $0x3;
	v21 =	vshll.u32 v21, $0x3;
	vm0 =	vgt.f32 v52, v15;
	v38 =	vld.idx.msk [tilespmem:v28+s2+$0x0], $0xffff  }
.Ltmp4:
0x320: {  	v22 =	vsel vm0, v52, v15;
	v28 =	vsel vm0, $0x4, v18;
	v15 =	vadd.s32 v11, v33;
	v11 =	vmovc v16;
	v45 =	vld.idx.msk [tilespmem:v23+s2+$0x0], $0xffff;
	(pc) =	sbr.rel @p0 .LBB2_10-.Ltmp4, $4  }
0x321: {  	v14 =	vadd.s32 v13, v31;
	v16 =	vadd.s32 v12, v17;
	vm0 =	vgt.f32 v41, v22;
	v40 =	vld.idx.msk [tilespmem:v26+s2+$0x0], $0xffff  }
0x322: {  	v12 =	vmovc v21;
	vm1 =	vgt.f32 v30, v29;
	v18 =	vsel vm0, v41, v22;
	v17 =	vsel vm0, $0x5, v28;
	v43 =	vld.idx.msk [tilespmem:v27+s2+$0x0], $0xffff  }
0x323: {  	v13 =	vmov v19;
	v46 =	vsel vm1, v30, v29;
	v33 =	vsel vm1, $0x1, v2;
	v41 =	vld.idx.msk [tilespmem:v25+s2+$0x0], $0xffff;
	[tilespmem:v48+s20+$0x0] =	vst.idx.msk $0xffff, v34  }
0x324: {  	s28 =	sadd.s32 $0x40, s28;
	s29 =	sadd.s32 $0x200, s29;
	vm0 =	vgt.f32 v10, v18;
	vm1 =	vgt.f32 v32, v20;
	v44 =	vld.idx.msk [tilespmem:v24+s2+$0x0], $0xffff  }
0x325: {  	_ =	sdelay $0x2  }
0x326: {  	v19 =	vsel vm1, v32, v20  }
0x327: {  	vm2 =	vgt.f32 v38, v46;
	v3 =	vld.idx.msk [tilespmem:v3+s2+$0x0], $0xffff;
	vm3 =	vgt.f32 v45, v19  }
0x328: {  	v4 =	vld.idx.msk [tilespmem:v4+s2+$0x0], $0xffff;
	v51 =	vsel vm2, v38, v46;
	v19 =	vsel vm3, v45, v19  }
0x329: {  	v5 =	vld.idx.msk [tilespmem:v5+s2+$0x0], $0xffff;
	vm4 =	vgt.f32 v40, v51;
	vm5 =	vgt.f32 v43, v19  }
0x32a: {  	v7 =	vld.idx.msk [tilespmem:v7+s2+$0x0], $0xffff;
	v21 =	vsel vm1, $0x1, v2;
	v20 =	vsel vm4, v40, v51;
	v19 =	vsel vm5, v43, v19  }
0x32b: {  	v22 =	vsel vm2, $0x2, v33;
	vm6 =	vgt.f32 v41, v20;
	vm7 =	vgt.f32 v44, v19  }
0x32c: {  	v6 =	vld.idx.msk [tilespmem:v6+s2+$0x0], $0xffff;
	v52 =	vsel vm3, $0x2, v21;
	v20 =	vsel vm6, v41, v20;
	v19 =	vsel vm7, v44, v19  }
0x32d: {  	v53 =	vsel vm4, $0x3, v22;
	vm8 =	vgt.f32 v3, v20;
	vm1 =	vgt.f32 v4, v19  }
0x32e: {  	v9 =	vld.idx.msk [tilespmem:v9+s2+$0x0], $0xffff;
	v54 =	vsel vm6, $0x4, v53;
	v3 =	vsel vm8, v3, v20;
	v4 =	vsel vm1, v4, v19  }
0x32f: {  	vm2 =	vgt.f32 v5, v3;
	v19 =	vsel vm5, $0x3, v52;
	vm3 =	vgt.f32 v7, v4  }
0x330: {  	v19 =	vsel vm7, $0x4, v19;
	v3 =	vsel vm2, v5, v3;
	v5 =	vsel vm0, v10, v18  }
0x331: {  	v4 =	vsel vm3, v7, v4;
	v7 =	vsel vm8, $0x5, v54;
	vm13 =	vgt.f32 v6, v3  }
0x332: {  	v3 =	vsel vm1, $0x5, v19;
	vm1 =	vgt.f32 v8, v5;
	v5 =	vsel vm0, $0x6, v17  }
0x333: {  	v6 =	vsel vm2, $0x6, v7;
	vm0 =	vgt.f32 v9, v4;
	v4 =	vsel vm1, $0x7, v5  }
0x334: {  	v3 =	vsel vm3, $0x6, v3;
	v6 =	vsel vm13, $0x7, v6;
	v4 =	vadd.s32 v12, v4  }
0x335: {  	v3 =	vsel vm0, $0x7, v3;
	v5 =	vadd.s32 v11, v6  }
0x336: {  	v6 =	vld.idx.msk [tilespmem:v15+s2+$0x0], $0xffff;
	v3 =	vadd.s32 v13, v3  }
0x337: {  	v8 =	vld.idx.msk [tilespmem:v14+s2+$0x0], $0xffff  }
0x338: {  	v7 =	vld.idx.msk [tilespmem:v16+s2+$0x0], $0xffff  }
0x339: {  	v10 =	vld.idx.msk [tilespmem:v4+s2+$0x0], $0xffff  }
0x33a: {  	v9 =	vld.idx.msk [tilespmem:v5+s2+$0x0], $0xffff  }
0x33b: {  	[tilespmem:v15+s20+$0x0] =	vst.idx.msk $0xffff, v6;
	v6 =	vld.idx.msk [tilespmem:v3+s2+$0x0], $0xffff  }
0x33c: {  	[tilespmem:v14+s20+$0x0] =	vst.idx.msk $0xffff, v8  }
0x33d: {  	[tilespmem:v16+s20+$0x0] =	vst.idx.msk $0xffff, v7  }
0x33e: {  	[tilespmem:v4+s20+$0x0] =	vst.idx.msk $0xffff, v10  }
0x33f: {  	[tilespmem:v5+s20+$0x0] =	vst.idx.msk $0xffff, v9  }
0x340: {  	[tilespmem:v3+s20+$0x0] =	vst.idx.msk $0xffff, v6  }
0x341: {  	[hbm4b:s11+s16] =	stream.strided.scatter [tilespmem:s20], [sflag:$0x3], $0x4000, s17, s16, $0x38;
	[tilespmem:$0x18000] =	vst v63  }
0x342: {  	_ =	swait.ge [sflag:s24], $0x4000  }
0x343: {  	[sflag:s24] =	ssyncset.done $0x0  }
0x344: {  	s26 =	simm.s32 $0x14100;
	[sflag:s24] =	ssyncadd.s32 $0xFFFFC000  }
0x345: {  	[tilespmem:s26+$0x0] =	vst v0  }
0x346: {  	[tilespmem:s26+$0x10] =	vst v0  }
0x347: {  	[tilespmem:s26+$0x20] =	vst v0  }
0x348: {  	[tilespmem:s26+$0x30] =	vst v0  }
0x349: {  	[tilespmem:s26+$0x40] =	vst v0  }
0x34a: {  	[tilespmem:s26+$0x50] =	vst v0  }
0x34b: {  	[tilespmem:s26+$0x60] =	vst v0  }
0x34c: {  	[tilespmem:s26+$0x70] =	vst v0  }
0x34d: {  	[tilespmem:s26+$0xFFFFFF10] =	vst v0  }
0x34e: {  	s28 =	simm.s32 $0x820;
	[tilespmem:s26+$0xFFFFFF20] =	vst v0  }
0x34f: {  	v3 =	vor.u32 s28, v1;
	[tilespmem:s26+$0xFFFFFF30] =	vst v0  }
0x350: {  	v4 =	vmul.u32 $0x7, v3;
	[tilespmem:s26+$0xFFFFFF40] =	vst v0  }
0x351: {  	[tilespmem:s26+$0xFFFFFF50] =	vst v0  }
0x352: {  	v5 =	vadd.s32 $0x1, v4;
	[tilespmem:s26+$0xFFFFFF60] =	vst v0  }
0x353: {  	[tilespmem:s26+$0xFFFFFF70] =	vst v0  }
0x354: {  	v6 =	vadd.s32 $0x2, v4;
	[tilespmem:s26+$0xFFFFFF80] =	vst v0  }
0x355: {  	s29 =	simm.s32 $0x800;
	s28 =	simm.s32 $0x830;
	[tilespmem:s26+$0xFFFFFF90] =	vst v0  }
0x356: {  	v10 =	vor.u32 s29, v1;
	v9 =	vor.u32 s28, v1;
	s28 =	simm.s32 $0x810;
	v8 =	vadd.s32 $0x3, v4;
	[tilespmem:s26+$0xFFFFFFA0] =	vst v0;
	v7 =	vld.idx.msk [tilespmem:v4+s2+$0x0], $0xffff  }
0x357: {  	v13 =	vmul.u32 $0x7, v10;
	v14 =	vor.u32 s28, v1;
	v12 =	vadd.s32 $0x4, v4;
	[tilespmem:s26+$0xFFFFFFB0] =	vst v0;
	v5 =	vld.idx.msk [tilespmem:v5+s2+$0x0], $0xffff  }
0x358: {  	v15 =	vmul.u32 $0x7, v14;
	v16 =	vadd.s32 $0x5, v4;
	[tilespmem:s26+$0xFFFFFFC0] =	vst v0  }
0x359: {  	v3 =	vshll.u32 v3, $0x3;
	v11 =	vmul.u32 $0x7, v9;
	v55 =	vadd.s32 $0x1, v13;
	[tilespmem:s26+$0xFFFFFFD0] =	vst v0;
	v6 =	vld.idx.msk [tilespmem:v6+s2+$0x0], $0xffff  }
0x35a: {  	v57 =	vadd.s32 $0x2, v13;
	v25 =	vadd.s32 $0x3, v13;
	v56 =	vadd.s32 $0x1, v15;
	[tilespmem:s26+$0xFFFFFFE0] =	vst v0  }
0x35b: {  	v35 =	vadd.s32 $0x4, v13;
	v37 =	vadd.s32 $0x5, v13;
	v18 =	vadd.s32 $0x6, v4;
	[tilespmem:s26+$0xFFFFFFF0] =	vst v0;
	v8 =	vld.idx.msk [tilespmem:v8+s2+$0x0], $0xffff  }
0x35c: {  	v17 =	vadd.s32 $0x1, v11;
	v19 =	vadd.s32 $0x2, v11;
	[tilespmem:s26+$0x80] =	vst v0;
	v12 =	vld.idx.msk [tilespmem:v12+s2+$0x0], $0xffff;
	vm0 =	vgt.f32 v5, v7  }
0x35d: {  	v34 =	vadd.s32 $0x3, v11;
	v23 =	vadd.s32 $0x2, v15;
	[tilespmem:s26+$0x90] =	vst v0;
	v16 =	vld.idx.msk [tilespmem:v16+s2+$0x0], $0xffff;
	v5 =	vsel vm0, v5, v7  }
0x35e: {  	v36 =	vadd.s32 $0x4, v11;
	[tilespmem:s26+$0xA0] =	vst v0;
	v4 =	vadd.s32 $0x7, v4;
	v28 =	vld.idx.msk [tilespmem:v15+s2+$0x0], $0xffff;
	vm1 =	vgt.f32 v6, v5  }
0x35f: {  	v24 =	vadd.s32 $0x3, v15;
	v26 =	vadd.s32 $0x4, v15;
	[tilespmem:s26+$0xFFFFFF00] =	vst v0;
	v21 =	vld.idx.msk [tilespmem:v56+s2+$0x0], $0xffff;
	v6 =	vsel vm1, v6, v5  }
0x360: {  	v27 =	vadd.s32 $0x5, v15;
	v29 =	vadd.s32 $0x6, v15;
	[tilespmem:s26+$0xB0] =	vst v0;
	v58 =	vld.idx.msk [tilespmem:v13+s2+$0x0], $0xffff;
	vm2 =	vgt.f32 v8, v6  }
0x361: {  	[tilespmem:s26+$0xC0] =	vst v0;
	v31 =	vadd.s32 $0x7, v15;
	v18 =	vld.idx.msk [tilespmem:v18+s2+$0x0], $0xffff;
	v7 =	vadd.s32 $0x6, v11;
	v8 =	vsel vm2, v8, v6  }
0x362: {  	[tilespmem:s26+$0xD0] =	vst v0;
	v23 =	vld.idx.msk [tilespmem:v23+s2+$0x0], $0xffff;
	v30 =	vsel vm0, $0x1, v2;
	v5 =	vadd.s32 $0x5, v11;
	vm3 =	vgt.f32 v12, v8  }
0x363: {  	[tilespmem:s26+$0xE0] =	vst v0;
	v4 =	vld.idx.msk [tilespmem:v4+s2+$0x0], $0xffff;
	v30 =	vsel vm1, $0x2, v30;
	v6 =	vadd.s32 $0x6, v13;
	v8 =	vsel vm3, v12, v8  }
0x364: {  	[tilespmem:s26+$0xF0] =	vst v0;
	v24 =	vld.idx.msk [tilespmem:v24+s2+$0x0], $0xffff;
	v15 =	vsel vm2, $0x3, v30;
	vm2 =	vgt.f32 v21, v28;
	vm0 =	vgt.f32 v16, v8  }
0x365: {  	v30 =	vadd.s32 $0x7, v11;
	v11 =	vld.idx.msk [tilespmem:v11+s2+$0x0], $0xffff;
	v15 =	vsel vm3, $0x4, v15;
	v8 =	vsel vm0, v16, v8  }
0x366: {  	v21 =	vsel vm2, v21, v28;
	v16 =	vld.idx.msk [tilespmem:v26+s2+$0x0], $0xffff;
	v15 =	vsel vm0, $0x5, v15;
	vm1 =	vgt.f32 v18, v8  }
0x367: {  	v26 =	vld.idx.msk [tilespmem:v27+s2+$0x0], $0xffff;
	v18 =	vsel vm1, v18, v8;
	v15 =	vsel vm1, $0x6, v15;
	vm1 =	vgt.f32 v23, v21  }
0x368: {  	v12 =	vadd.s32 $0x7, v13;
	vm0 =	vgt.f32 v4, v18;
	v4 =	vld.idx.msk [tilespmem:v17+s2+$0x0], $0xffff;
	v18 =	vsel vm1, v23, v21  }
0x369: {  	v13 =	vshll.u32 v10, $0x3;
	v17 =	vld.idx.msk [tilespmem:v55+s2+$0x0], $0xffff;
	v15 =	vsel vm0, $0x7, v15;
	vm0 =	vgt.f32 v24, v18  }
0x36a: {  	v3 =	vadd.s32 v3, v15;
	v15 =	vsel vm2, $0x1, v2;
	v10 =	vsel vm0, v24, v18  }
0x36b: {  	s31 =	simm.s32 $0x14300;
	v59 =	vld.idx.msk [tilespmem:v57+s2+$0x0], $0xffff;
	v18 =	vsel vm1, $0x2, v15;
	v15 =	vshll.u32 v14, $0x3;
	vm1 =	vgt.f32 v16, v10  }
0x36c: {  	[tilespmem:s31+$0x0] =	vst v0;
	v8 =	vld.idx.msk [tilespmem:v29+s2+$0x0], $0xffff;
	v14 =	vshll.u32 v9, $0x3;
	v9 =	vsel vm0, $0x3, v18;
	v16 =	vsel vm1, v16, v10  }
0x36d: {  	[tilespmem:s31+$0x10] =	vst v0;
	v60 =	vld.idx.msk [tilespmem:v19+s2+$0x0], $0xffff;
	v10 =	vadd.s32 $0xFFFFC000, v3;
	v9 =	vsel vm1, $0x4, v9;
	vm0 =	vgt.f32 v26, v16  }
0x36e: {  	[tilespmem:s31+$0x20] =	vst v0;
	vm1 =	vgt.f32 v17, v58;
	vm2 =	vgt.f32 v4, v11;
	v33 =	vsel vm0, v26, v16  }
0x36f: {  	s28 =	simm.s32 $0x870;
	[tilespmem:s31+$0x30] =	vst v0;
	v9 =	vsel vm0, $0x5, v9;
	v17 =	vsel vm1, v17, v58;
	v39 =	vsel vm1, $0x1, v2  }
0x370: {  	s29 =	simm.s32 $0x840;
	[tilespmem:s31+$0x40] =	vst v0;
	v61 =	vsel vm2, v4, v11;
	v41 =	vsel vm2, $0x1, v2;
	v16 =	vor.u32 s28, v1  }
0x371: {  	[tilespmem:s31+$0x50] =	vst v0;
	s28 =	simm.s32 $0x860;
	v11 =	vor.u32 s29, v1;
	vm0 =	vgt.f32 v8, v33;
	vm1 =	vgt.f32 v59, v17  }
0x372: {  	[tilespmem:s31+$0x60] =	vst v0;
	v62 =	vld.idx.msk [tilespmem:v25+s2+$0x0], $0xffff;
	s29 =	simm.s32 $0x850;
	vm2 =	vgt.f32 v60, v61;
	v32 =	vor.u32 s28, v1;
	v27 =	vmul.u32 $0x7, v11  }
0x373: {  	[tilespmem:s31+$0x70] =	vst v0;
	v35 =	vld.idx.msk [tilespmem:v35+s2+$0x0], $0xffff;
	v24 =	vor.u32 s29, v1;
	v42 =	vsel vm1, v59, v17;
	v17 =	vmul.u32 $0x7, v16  }
0x374: {  	[tilespmem:s31+$0xFFFFFF10] =	vst v0;
	v34 =	vld.idx.msk [tilespmem:v34+s2+$0x0], $0xffff;
	v43 =	vmul.u32 $0x7, v32;
	v44 =	vmul.u32 $0x7, v24;
	v38 =	vsel vm2, v60, v61  }
0x375: {  	[tilespmem:s31+$0xFFFFFF20] =	vst v0;
	v37 =	vld.idx.msk [tilespmem:v37+s2+$0x0], $0xffff;
	v39 =	vsel vm1, $0x2, v39;
	v41 =	vsel vm2, $0x2, v41;
	v8 =	vsel vm0, v8, v33  }
0x376: {  	[tilespmem:s31+$0xFFFFFF30] =	vst v0;
	v36 =	vld.idx.msk [tilespmem:v36+s2+$0x0], $0xffff;
	v32 =	vshll.u32 v32, $0x3;
	v9 =	vsel vm0, $0x6, v9;
	v29 =	vadd.s32 $0x1, v27  }
0x377: {  	[tilespmem:s31+$0xFFFFFF40] =	vst v0;
	v57 =	vld.idx.msk [tilespmem:v6+s2+$0x0], $0xffff;
	v26 =	vadd.s32 $0x2, v27;
	v21 =	vadd.s32 $0x3, v27;
	v22 =	vadd.s32 $0x4, v27  }
0x378: {  	[tilespmem:s31+$0xFFFFFF50] =	vst v0;
	v23 =	vld.idx.msk [tilespmem:v3+s2+$0x0], $0xffff;
	v19 =	vadd.s32 $0x5, v27;
	vm3 =	vgt.f32 v62, v42;
	v3 =	vadd.s32 $0x1, v43  }
0x379: {  	[tilespmem:s31+$0xFFFFFF60] =	vst v0;
	v55 =	vld.idx.msk [tilespmem:v5+s2+$0x0], $0xffff;
	vm4 =	vgt.f32 v34, v38;
	v6 =	vadd.s32 $0x7, v27;
	v49 =	vadd.s32 $0x2, v43  }
0x37a: {  	[tilespmem:s31+$0xFFFFFF80] =	vst v0;
	v12 =	vld.idx.msk [tilespmem:v12+s2+$0x0], $0xffff;
	v28 =	vadd.s32 $0x1, v17;
	v18 =	vadd.s32 $0x2, v17;
	v53 =	vadd.s32 $0x3, v43  }
0x37b: {  	[tilespmem:s31+$0xFFFFFF90] =	vst v0;
	v58 =	vld.idx.msk [tilespmem:v7+s2+$0x0], $0xffff;
	v46 =	vadd.s32 $0x1, v44;
	v47 =	vadd.s32 $0x2, v44;
	v61 =	vadd.s32 $0x5, v43  }
0x37c: {  	[tilespmem:s31+$0xFFFFFFA0] =	vst v0;
	v48 =	vadd.s32 $0x3, v44;
	v42 =	vsel vm3, v62, v42;
	v62 =	vadd.s32 $0x6, v43;
	v52 =	vld.idx.msk [tilespmem:v43+s2+$0x0], $0xffff  }
0x37d: {  	[tilespmem:s31+$0xFFFFFFB0] =	vst v0;
	v25 =	vadd.s32 $0x3, v17;
	v50 =	vadd.s32 $0x4, v44;
	v34 =	vsel vm4, v34, v38;
	v54 =	vld.idx.msk [tilespmem:v3+s2+$0x0], $0xffff  }
0x37e: {  	[tilespmem:s31+$0xFFFFFFC0] =	vst v0;
	v20 =	vadd.s32 $0x4, v17;
	v51 =	vadd.s32 $0x5, v44;
	vm15 =	vgt.f32 v36, v34;
	v60 =	vld.idx.msk [tilespmem:v49+s2+$0x0], $0xffff  }
0x37f: {  	[tilespmem:s31+$0xFFFFFFD0] =	vst v0;
	v4 =	vadd.s32 $0x5, v17;
	v63 =	vadd.s32 $0x4, v43;
	v34 =	vsel vm15, v36, v34;
	v53 =	vld.idx.msk [tilespmem:v53+s2+$0x0], $0xffff  }
0x380: {  	[tilespmem:s31+$0xFFFFFFE0] =	vst v0;
	v56 =	vadd.s32 $0x6, v44;
	v5 =	vadd.s32 $0x6, v17;
	vm13 =	vgt.f32 v55, v34;
	v49 =	vld.idx.msk [tilespmem:v61+s2+$0x0], $0xffff  }
0x381: {  	[tilespmem:s31+$0xFFFFFFF0] =	vst v0;
	v38 =	vadd.s32 $0x7, v44;
	vm14 =	vgt.f32 v35, v42;
	v34 =	vsel vm13, v55, v34;
	v55 =	vld.idx.msk [tilespmem:v62+s2+$0x0], $0xffff  }
0x382: {  	[tilespmem:s31+$0xFFFFFF70] =	vst v0;
	v7 =	vadd.s32 $0x7, v17;
	v41 =	vsel vm4, $0x3, v41;
	v35 =	vsel vm14, v35, v42;
	v61 =	vld.idx.msk [tilespmem:v46+s2+$0x0], $0xffff  }
0x383: {  	v41 =	vsel vm15, $0x4, v41;
	[tilespmem:v10+s21+$0x0] =	vst.idx.msk $0xffff, v23;
	v10 =	vshll.u32 v16, $0x3;
	v62 =	vld.idx.msk [tilespmem:v44+s2+$0x0], $0xffff;
	vm9 =	vgt.f32 v54, v52  }
0x384: {  	[tilespmem:s31+$0x80] =	vst v0;
	vm12 =	vgt.f32 v37, v35;
	v43 =	vadd.s32 $0x7, v43;
	v63 =	vld.idx.msk [tilespmem:v63+s2+$0x0], $0xffff;
	v52 =	vsel vm9, v54, v52  }
0x385: {  	[tilespmem:s31+$0xFFFFFF00] =	vst v0;
	v35 =	vsel vm12, v37, v35;
	v3 =	vadd.s32 $0x6, v27;
	vm10 =	vgt.f32 v60, v52  }
0x386: {  	v31 =	vld.idx.msk [tilespmem:v31+s2+$0x0], $0xffff;
	vm2 =	vgt.f32 v57, v35;
	vm1 =	vgt.f32 v58, v34;
	v40 =	vsel vm10, v60, v52  }
0x387: {  	v30 =	vld.idx.msk [tilespmem:v30+s2+$0x0], $0xffff;
	v35 =	vsel vm2, v57, v35;
	v34 =	vsel vm1, v58, v34;
	vm11 =	vgt.f32 v53, v40  }
0x388: {  	v29 =	vld.idx.msk [tilespmem:v29+s2+$0x0], $0xffff;
	vm15 =	vgt.f32 v12, v35;
	vm0 =	vgt.f32 v61, v62;
	v40 =	vsel vm11, v53, v40  }
0x389: {  	[tilespmem:s31+$0x90] =	vst v0;
	v26 =	vld.idx.msk [tilespmem:v26+s2+$0x0], $0xffff;
	v54 =	vsel vm3, $0x3, v39;
	v57 =	vsel vm0, v61, v62;
	vm3 =	vgt.f32 v63, v40  }
0x38a: {  	[tilespmem:s31+$0xA0] =	vst v0;
	v59 =	vld.idx.msk [tilespmem:v43+s2+$0x0], $0xffff;
	v58 =	vsel vm0, $0x1, v2;
	v60 =	vsel vm9, $0x1, v2;
	v36 =	vsel vm3, v63, v40  }
0x38b: {  	[tilespmem:s31+$0xB0] =	vst v0;
	v27 =	vld.idx.msk [tilespmem:v27+s2+$0x0], $0xffff;
	v37 =	vsel vm14, $0x4, v54;
	v43 =	vsel vm10, $0x2, v60;
	vm14 =	vgt.f32 v49, v36  }
0x38c: {  	[tilespmem:s31+$0xC0] =	vst v0;
	v37 =	vsel vm12, $0x5, v37;
	v43 =	vsel vm11, $0x3, v43;
	v63 =	vld.idx.msk [tilespmem:v47+s2+$0x0], $0xffff;
	v36 =	vsel vm14, v49, v36  }
0x38d: {  	[tilespmem:s31+$0xD0] =	vst v0;
	v48 =	vld.idx.msk [tilespmem:v48+s2+$0x0], $0xffff;
	v43 =	vsel vm3, $0x4, v43;
	v49 =	vsel vm13, $0x5, v41;
	vm3 =	vgt.f32 v55, v36  }
0x38e: {  	[tilespmem:s31+$0xE0] =	vst v0;
	v12 =	vld.idx.msk [tilespmem:v56+s2+$0x0], $0xffff;
	v43 =	vsel vm14, $0x5, v43;
	v56 =	vsel vm1, $0x6, v49;
	v36 =	vsel vm3, v55, v36  }
0x38f: {  	[tilespmem:s31+$0xF0] =	vst v0;
	v50 =	vld.idx.msk [tilespmem:v50+s2+$0x0], $0xffff;
	vm1 =	vgt.f32 v30, v34;
	v43 =	vsel vm3, $0x6, v43;
	vm3 =	vgt.f32 v59, v36  }
0x390: {  	v28 =	vld.idx.msk [tilespmem:v28+s2+$0x0], $0xffff;
	v55 =	vsel vm2, $0x6, v37;
	v60 =	vsel vm1, $0x7, v56;
	v53 =	vsel vm3, $0x7, v43  }
0x391: {  	v44 =	vld.idx.msk [tilespmem:v18+s2+$0x0], $0xffff;
	vm1 =	vgt.f32 v29, v27;
	vm0 =	vgt.f32 v63, v57;
	v54 =	vadd.s32 v32, v53  }
0x392: {  	v52 =	vld.idx.msk [tilespmem:v51+s2+$0x0], $0xffff;
	vm3 =	vgt.f32 v31, v8;
	v30 =	vsel vm0, v63, v57;
	v33 =	vsel vm0, $0x2, v58  }
0x393: {  	v8 =	vld.idx.msk [tilespmem:v38+s2+$0x0], $0xffff;
	v38 =	vsel vm1, $0x1, v2;
	v32 =	vsel vm15, $0x7, v55;
	v59 =	vsel vm3, $0x7, v9  }
0x394: {  	v63 =	vld.idx.msk [tilespmem:v17+s2+$0x0], $0xffff;
	v9 =	vshll.u32 v11, $0x3;
	vm0 =	vgt.f32 v48, v30;
	v11 =	vshll.u32 v24, $0x3  }
0x395: {  	v45 =	vld.idx.msk [tilespmem:v25+s2+$0x0], $0xffff;
	v24 =	vsel vm1, v29, v27;
	v16 =	vsel vm0, v48, v30;
	v62 =	vadd.s32 $0xFFFFC000, v54  }
0x396: {  	v17 =	vsel vm0, $0x3, v33;
	v35 =	vadd.s32 v13, v32;
	v32 =	vadd.s32 v15, v59;
	v61 =	vld.idx.msk [tilespmem:v54+s2+$0x0], $0xffff  }
0x397: {  	v40 =	vld.idx.msk [tilespmem:v21+s2+$0x0], $0xffff;
	v33 =	vadd.s32 v14, v60;
	vm1 =	vgt.f32 v26, v24;
	vm0 =	vgt.f32 v50, v16  }
0x398: {  	v41 =	vld.idx.msk [tilespmem:v22+s2+$0x0], $0xffff;
	v14 =	vadd.s32 $0xFFFFC000, v35;
	v13 =	vadd.s32 $0xFFFFC000, v32;
	v15 =	vsel vm0, v50, v16  }
0x399: {  	v37 =	vld.idx.msk [tilespmem:v19+s2+$0x0], $0xffff;
	v16 =	vsel vm0, $0x4, v17;
	vm0 =	vgt.f32 v52, v15;
	vm2 =	vgt.f32 v28, v63  }
0x39a: {  	v43 =	vld.idx.msk [tilespmem:v20+s2+$0x0], $0xffff;
	v17 =	vsel vm0, v52, v15;
	v16 =	vsel vm0, $0x5, v16;
	v15 =	vadd.s32 $0xFFFFC000, v33  }
0x39b: {  	s26 =	simm.s32 $0x4;
	s28 =	simm.s32 $0x8B0;
	s29 =	simm.s32 $0x14500;
	v46 =	vsel vm2, v28, v63;
	v42 =	vsel vm2, $0x1, v2;
	vm0 =	vgt.f32 v12, v17;
	[tilespmem:v62+s21+$0x0] =	vst.idx.msk $0xffff, v61  }
.LBB2_12:
0x39c: {  	s30 =	sadd.s32 $0xFFFFFFD0, s28;
	[tilespmem:s29+$0x0] =	vst v0;
	s31 =	sadd.s32 $0xFFFFFFF0, s28;
	v18 =	vor.u32 s28, v1;
	s26 =	sadd.s32 $0x4, s26;
	v47 =	vsel vm1, v26, v24;
	vm2 =	vgt.f32 v44, v46;
	v48 =	vld.idx.msk [tilespmem:v4+s2+$0x0], $0xffff  }
0x39d: {  	v26 =	vor.u32 s30, v1;
	s30 =	sadd.s32 $0xFFFFFFE0, s28;
	[tilespmem:s29+$0x10] =	vst v0;
	v34 =	vor.u32 s31, v1;
	v19 =	vmul.u32 $0x7, v18;
	p0 =	slt.u32 s26, $0x7C;
	v49 =	vld.idx.msk [tilespmem:v3+s2+$0x0], $0xffff  }
0x39e: {  	v29 =	vmul.u32 $0x7, v26;
	v27 =	vor.u32 s30, v1;
	[tilespmem:s29+$0x20] =	vst v0;
	v50 =	vmul.u32 $0x7, v34;
	v51 =	vld.idx.msk [tilespmem:v5+s2+$0x0], $0xffff  }
0x39f: {  	v52 =	vmul.u32 $0x7, v27;
	[tilespmem:s29+$0x30] =	vst v0;
	v30 =	vadd.s32 $0x1, v19;
	v20 =	vadd.s32 $0x2, v19;
	v39 =	vld.idx.msk [tilespmem:v6+s2+$0x0], $0xffff  }
0x3a0: {  	v31 =	vadd.s32 $0x1, v29;
	v28 =	vadd.s32 $0x2, v29;
	[tilespmem:s29+$0x40] =	vst v0;
	v3 =	vadd.s32 $0x1, v50;
	v36 =	vld.idx.msk [tilespmem:v7+s2+$0x0], $0xffff  }
0x3a1: {  	v25 =	vadd.s32 $0x3, v29;
	v53 =	vadd.s32 $0x1, v52;
	v54 =	vadd.s32 $0x2, v52;
	[tilespmem:s29+$0x50] =	vst v0;
	v35 =	vld.idx.msk [tilespmem:v35+s2+$0x0], $0xffff  }
0x3a2: {  	v24 =	vadd.s32 $0x3, v19;
	v5 =	vadd.s32 $0x2, v50;
	v55 =	vadd.s32 $0x3, v52;
	[tilespmem:s29+$0x60] =	vst v0;
	v32 =	vld.idx.msk [tilespmem:v32+s2+$0x0], $0xffff  }
0x3a3: {  	v21 =	vadd.s32 $0x4, v19;
	v23 =	vadd.s32 $0x4, v29;
	v56 =	vadd.s32 $0x4, v52;
	[tilespmem:s29+$0x70] =	vst v0;
	v33 =	vld.idx.msk [tilespmem:v33+s2+$0x0], $0xffff  }
0x3a4: {  	v22 =	vadd.s32 $0x5, v29;
	v7 =	vadd.s32 $0x3, v50;
	v57 =	vadd.s32 $0x5, v52;
	[tilespmem:s29+$0xFFFFFF10] =	vst v0;
	v58 =	vld.idx.msk [tilespmem:v50+s2+$0x0], $0xffff  }
0x3a5: {  	vm3 =	vgt.f32 v40, v47;
	v4 =	vadd.s32 $0x5, v19;
	v6 =	vsel vm2, v44, v46;
	[tilespmem:s29+$0xFFFFFF20] =	vst v0;
	v59 =	vld.idx.msk [tilespmem:v3+s2+$0x0], $0xffff  }
0x3a6: {  	v44 =	vadd.s32 $0x4, v50;
	vm7 =	vgt.f32 v45, v6;
	v3 =	vadd.s32 $0x6, v29;
	[tilespmem:s29+$0xFFFFFF30] =	vst v0  }
0x3a7: {  	v40 =	vsel vm3, v40, v47;
	v46 =	vadd.s32 $0x6, v52;
	[tilespmem:s29+$0xFFFFFF40] =	vst v0;
	v60 =	vld.idx.msk [tilespmem:v5+s2+$0x0], $0xffff;
	v5 =	vadd.s32 $0x6, v19  }
0x3a8: {  	vm6 =	vgt.f32 v41, v40;
	v47 =	vadd.s32 $0x5, v50;
	v45 =	vsel vm7, v45, v6;
	[tilespmem:s29+$0xFFFFFF50] =	vst v0  }
0x3a9: {  	v6 =	vadd.s32 $0x7, v29;
	v61 =	vadd.s32 $0x7, v52;
	vm8 =	vgt.f32 v43, v45;
	[tilespmem:s29+$0xFFFFFF60] =	vst v0;
	v62 =	vld.idx.msk [tilespmem:v7+s2+$0x0], $0xffff  }
0x3aa: {  	v63 =	vadd.s32 $0x6, v50;
	v40 =	vsel vm6, v41, v40;
	v7 =	vadd.s32 $0x7, v19;
	[tilespmem:s29+$0xFFFFFF70] =	vst v0  }
0x3ab: {  	v38 =	vsel vm1, $0x2, v38;
	v43 =	vsel vm8, v43, v45;
	vm9 =	vgt.f32 v59, v58;
	[tilespmem:s29+$0xFFFFFF80] =	vst v0;
	v41 =	vld.idx.msk [tilespmem:v44+s2+$0x0], $0xffff  }
0x3ac: {  	vm4 =	vgt.f32 v37, v40;
	v45 =	vadd.s32 $0x7, v50;
	v44 =	vsel vm9, v59, v58;
	[tilespmem:s29+$0xFFFFFF90] =	vst v0  }
0x3ad: {  	v42 =	vsel vm2, $0x2, v42;
	vm5 =	vgt.f32 v48, v43;
	vm10 =	vgt.f32 v60, v44;
	[tilespmem:s29+$0xFFFFFFA0] =	vst v0;
	v47 =	vld.idx.msk [tilespmem:v47+s2+$0x0], $0xffff  }
0x3ae: {  	v37 =	vsel vm4, v37, v40;
	v40 =	vsel vm5, v48, v43;
	v44 =	vsel vm10, v60, v44;
	[tilespmem:s29+$0xFFFFFFB0] =	vst v0  }
0x3af: {  	v38 =	vsel vm3, $0x3, v38;
	v42 =	vsel vm7, $0x3, v42;
	vm11 =	vgt.f32 v62, v44;
	[tilespmem:s29+$0xFFFFFFC0] =	vst v0;
	v43 =	vld.idx.msk [tilespmem:v63+s2+$0x0], $0xffff  }
0x3b0: {  	vm2 =	vgt.f32 v49, v37;
	vm1 =	vgt.f32 v51, v40;
	v44 =	vsel vm11, v62, v44;
	[tilespmem:s29+$0xFFFFFFD0] =	vst v0  }
0x3b1: {  	v38 =	vsel vm6, $0x4, v38;
	v42 =	vsel vm8, $0x4, v42;
	vm3 =	vgt.f32 v41, v44;
	[tilespmem:s29+$0xFFFFFFE0] =	vst v0;
	v45 =	vld.idx.msk [tilespmem:v45+s2+$0x0], $0xffff  }
0x3b2: {  	v37 =	vsel vm2, v49, v37;
	v48 =	vsel vm9, $0x1, v2;
	v41 =	vsel vm3, v41, v44;
	[tilespmem:s29+$0xFFFFFFF0] =	vst v0  }
0x3b3: {  	v12 =	vsel vm0, v12, v17;
	v48 =	vsel vm10, $0x2, v48;
	vm6 =	vgt.f32 v47, v41;
	v44 =	vld.idx.msk [tilespmem:v53+s2+$0x0], $0xffff;
	[tilespmem:s29+$0x80] =	vst v0  }
0x3b4: {  	v40 =	vsel vm1, v51, v40;
	v48 =	vsel vm11, $0x3, v48;
	v41 =	vsel vm6, v47, v41;
	v17 =	vld.idx.msk [tilespmem:v52+s2+$0x0], $0xffff;
	[tilespmem:s29+$0x90] =	vst v0  }
0x3b5: {  	v38 =	vsel vm4, $0x5, v38;
	v48 =	vsel vm3, $0x4, v48;
	vm3 =	vgt.f32 v43, v41;
	v47 =	vld.idx.msk [tilespmem:v54+s2+$0x0], $0xffff;
	[tilespmem:s29+$0xA0] =	vst v0  }
0x3b6: {  	v42 =	vsel vm5, $0x5, v42;
	v48 =	vsel vm6, $0x5, v48;
	v41 =	vsel vm3, v43, v41;
	v49 =	vld.idx.msk [tilespmem:v55+s2+$0x0], $0xffff;
	[tilespmem:s29+$0xB0] =	vst v0  }
0x3b7: {  	vm4 =	vgt.f32 v39, v37;
	v48 =	vsel vm3, $0x6, v48;
	vm3 =	vgt.f32 v45, v41;
	v43 =	vld.idx.msk [tilespmem:v56+s2+$0x0], $0xffff;
	[tilespmem:s29+$0xC0] =	vst v0  }
0x3b8: {  	v34 =	vshll.u32 v34, $0x3;
	v39 =	vsel vm3, $0x7, v48;
	vm3 =	vgt.f32 v8, v12;
	v37 =	vld.idx.msk [tilespmem:v57+s2+$0x0], $0xffff;
	[tilespmem:s29+$0xD0] =	vst v0  }
0x3b9: {  	v16 =	vsel vm0, $0x6, v16;
	v38 =	vsel vm2, $0x6, v38;
	v34 =	vadd.s32 v34, v39;
	v12 =	vld.idx.msk [tilespmem:v46+s2+$0x0], $0xffff;
	[tilespmem:s29+$0xE0] =	vst v0  }
0x3ba: {  	v39 =	vsel vm1, $0x6, v42;
	vm1 =	vgt.f32 v36, v40;
	vm0 =	vgt.f32 v44, v17;
	v8 =	vld.idx.msk [tilespmem:v61+s2+$0x0], $0xffff;
	[tilespmem:s29+$0xF0] =	vst v0  }
0x3bb: {  	v38 =	vsel vm4, $0x7, v38;
	v17 =	vsel vm0, v44, v17;
	v36 =	vsel vm0, $0x1, v2;
	[tilespmem:s29+$0xFFFFFF00] =	vst v0;
	v30 =	vld.idx.msk [tilespmem:v30+s2+$0x0], $0xffff  }
0x3bc: {  	v16 =	vsel vm3, $0x7, v16;
	v39 =	vsel vm1, $0x7, v39;
	vm0 =	vgt.f32 v47, v17;
	v31 =	vld.idx.msk [tilespmem:v31+s2+$0x0], $0xffff;
	[tilespmem:v14+s21+$0x0] =	vst.idx.msk $0xffff, v35  }
0x3bd: {  	v14 =	vshll.u32 v26, $0x3;
	v17 =	vsel vm0, v47, v17;
	v26 =	vsel vm0, $0x2, v36;
	v29 =	vld.idx.msk [tilespmem:v29+s2+$0x0], $0xffff;
	[tilespmem:v13+s21+$0x0] =	vst.idx.msk $0xffff, v32  }
0x3be: {  	v18 =	vshll.u32 v18, $0x3;
	v27 =	vshll.u32 v27, $0x3;
	vm0 =	vgt.f32 v49, v17;
	v36 =	vld.idx.msk [tilespmem:v34+s2+$0x0], $0xffff;
	[tilespmem:v15+s21+$0x0] =	vst.idx.msk $0xffff, v33  }
0x3bf: {  	v13 =	vsel vm0, v49, v17;
	v15 =	vsel vm0, $0x3, v26;
	v34 =	vadd.s32 $0xFFFFC000, v34;
	v19 =	vld.idx.msk [tilespmem:v19+s2+$0x0], $0xffff  }
0x3c0: {  	v35 =	vadd.s32 v9, v38;
	v32 =	vadd.s32 v11, v16;
	vm0 =	vgt.f32 v43, v13;
	v26 =	vld.idx.msk [tilespmem:v28+s2+$0x0], $0xffff  }
0x3c1: {  	v9 =	vmovc v14;
	v33 =	vadd.s32 v10, v39;
	v16 =	vsel vm0, v43, v13;
	v15 =	vsel vm0, $0x4, v15;
	v44 =	vld.idx.msk [tilespmem:v20+s2+$0x0], $0xffff  }
.Ltmp5:
0x3c2: {  	v14 =	vadd.s32 $0xFFFFC000, v35;
	v11 =	vmovc v27;
	v10 =	vmovc v18;
	v13 =	vadd.s32 $0xFFFFC000, v32;
	vm0 =	vgt.f32 v37, v16;
	v40 =	vld.idx.msk [tilespmem:v25+s2+$0x0], $0xffff;
	(pc) =	sbr.rel @p0 .LBB2_12-.Ltmp5, $4  }
0x3c3: {  	vm1 =	vgt.f32 v31, v29;
	v17 =	vsel vm0, v37, v16;
	v16 =	vsel vm0, $0x5, v15;
	v45 =	vld.idx.msk [tilespmem:v24+s2+$0x0], $0xffff  }
0x3c4: {  	v15 =	vadd.s32 $0xFFFFC000, v33;
	v24 =	vsel vm1, v31, v29;
	v38 =	vsel vm1, $0x1, v2;
	v41 =	vld.idx.msk [tilespmem:v23+s2+$0x0], $0xffff;
	[tilespmem:v34+s21+$0x0] =	vst.idx.msk $0xffff, v36  }
0x3c5: {  	vm0 =	vgt.f32 v12, v17;
	vm2 =	vgt.f32 v30, v19;
	v43 =	vld.idx.msk [tilespmem:v21+s2+$0x0], $0xffff  }
0x3c6: {  	s28 =	sadd.s32 $0x40, s28;
	s29 =	sadd.s32 $0x200, s29;
	vm1 =	vgt.f32 v26, v24;
	v46 =	vsel vm2, v30, v19;
	v42 =	vsel vm2, $0x1, v2;
	v37 =	vld.idx.msk [tilespmem:v22+s2+$0x0], $0xffff  }
0x3c7: {  	_ =	sdelay $0x2  }
0x3c8: {  	vm2 =	vgt.f32 v44, v46  }
0x3c9: {  	v18 =	vsel vm1, v26, v24;
	v4 =	vld.idx.msk [tilespmem:v4+s2+$0x0], $0xffff;
	v19 =	vsel vm2, v44, v46  }
0x3ca: {  	v3 =	vld.idx.msk [tilespmem:v3+s2+$0x0], $0xffff;
	vm3 =	vgt.f32 v40, v18;
	vm4 =	vgt.f32 v45, v19  }
0x3cb: {  	v5 =	vld.idx.msk [tilespmem:v5+s2+$0x0], $0xffff;
	v18 =	vsel vm3, v40, v18;
	v19 =	vsel vm4, v45, v19  }
0x3cc: {  	v20 =	vsel vm1, $0x2, v38;
	vm5 =	vgt.f32 v41, v18;
	vm6 =	vgt.f32 v43, v19  }
0x3cd: {  	v12 =	vsel vm0, v12, v17;
	v18 =	vsel vm5, v41, v18;
	v19 =	vsel vm6, v43, v19  }
0x3ce: {  	v6 =	vld.idx.msk [tilespmem:v6+s2+$0x0], $0xffff;
	v21 =	vsel vm2, $0x2, v42;
	vm1 =	vgt.f32 v37, v18;
	vm2 =	vgt.f32 v4, v19  }
0x3cf: {  	v18 =	vsel vm1, v37, v18;
	v4 =	vsel vm2, v4, v19;
	v19 =	vsel vm3, $0x3, v20  }
0x3d0: {  	v7 =	vld.idx.msk [tilespmem:v7+s2+$0x0], $0xffff;
	v20 =	vsel vm4, $0x3, v21;
	vm3 =	vgt.f32 v3, v18;
	vm12 =	vgt.f32 v5, v4  }
0x3d1: {  	v19 =	vsel vm5, $0x4, v19;
	v20 =	vsel vm6, $0x4, v20;
	v3 =	vsel vm3, v3, v18  }
0x3d2: {  	v4 =	vsel vm12, v5, v4;
	v5 =	vsel vm1, $0x5, v19;
	v17 =	vsel vm2, $0x5, v20  }
0x3d3: {  	vm1 =	vgt.f32 v6, v3;
	vm2 =	vgt.f32 v8, v12;
	v3 =	vsel vm3, $0x6, v5  }
0x3d4: {  	v5 =	vsel vm0, $0x6, v16;
	v6 =	vsel vm12, $0x6, v17;
	v3 =	vsel vm1, $0x7, v3  }
0x3d5: {  	vm0 =	vgt.f32 v7, v4;
	v4 =	vsel vm2, $0x7, v5;
	v3 =	vadd.s32 v9, v3  }
0x3d6: {  	v5 =	vsel vm0, $0x7, v6;
	v4 =	vadd.s32 v11, v4  }
0x3d7: {  	v6 =	vld.idx.msk [tilespmem:v35+s2+$0x0], $0xffff;
	v5 =	vadd.s32 v10, v5  }
0x3d8: {  	v8 =	vld.idx.msk [tilespmem:v33+s2+$0x0], $0xffff  }
0x3d9: {  	v7 =	vld.idx.msk [tilespmem:v32+s2+$0x0], $0xffff  }
0x3da: {  	v9 =	vadd.s32 $0xFFFFC000, v3;
	v3 =	vld.idx.msk [tilespmem:v3+s2+$0x0], $0xffff  }
0x3db: {  	v10 =	vadd.s32 $0xFFFFC000, v4;
	v4 =	vld.idx.msk [tilespmem:v4+s2+$0x0], $0xffff  }
0x3dc: {  	[tilespmem:v14+s21+$0x0] =	vst.idx.msk $0xffff, v6;
	v6 =	vadd.s32 $0xFFFFC000, v5;
	v5 =	vld.idx.msk [tilespmem:v5+s2+$0x0], $0xffff  }
0x3dd: {  	[tilespmem:v15+s21+$0x0] =	vst.idx.msk $0xffff, v8  }
0x3de: {  	[tilespmem:v13+s21+$0x0] =	vst.idx.msk $0xffff, v7  }
0x3df: {  	[tilespmem:v9+s21+$0x0] =	vst.idx.msk $0xffff, v3  }
0x3e0: {  	[tilespmem:v10+s21+$0x0] =	vst.idx.msk $0xffff, v4  }
0x3e1: {  	[tilespmem:v6+s21+$0x0] =	vst.idx.msk $0xffff, v5  }
0x3e2: {  	[hbm4b:s12+s16] =	stream.strided.scatter [tilespmem:s21], [sflag:$0x4], $0x4000, s17, s16, $0x38;
	[tilespmem:$0x18000] =	vst v63  }
0x3e3: {  	_ =	swait.ge [sflag:s22], $0x4000  }
0x3e4: {  	[sflag:s22] =	ssyncset.done $0x0  }
0x3e5: {  	[sflag:s22] =	ssyncadd.s32 $0xFFFFC000  }
0x3e6: {  	_ =	swait.ge [sflag:s23], $0x8000  }
0x3e7: {  	[sflag:s23] =	ssyncset.done $0x0  }
0x3e8: {  	s26 =	simm.s32 $0x10100;
	[sflag:s23] =	ssyncadd.s32 $0xFFFF8000  }
0x3e9: {  	[tilespmem:s26+$0x0] =	vst v0  }
0x3ea: {  	[tilespmem:s26+$0x10] =	vst v0  }
0x3eb: {  	[tilespmem:s26+$0x20] =	vst v0  }
0x3ec: {  	[tilespmem:s26+$0x30] =	vst v0  }
0x3ed: {  	[tilespmem:s26+$0x40] =	vst v0  }
0x3ee: {  	[tilespmem:s26+$0x50] =	vst v0  }
0x3ef: {  	[tilespmem:s26+$0x60] =	vst v0  }
0x3f0: {  	[tilespmem:s26+$0x70] =	vst v0  }
0x3f1: {  	[tilespmem:s26+$0xFFFFFF10] =	vst v0  }
0x3f2: {  	[tilespmem:s26+$0xFFFFFF20] =	vst v0  }
0x3f3: {  	[tilespmem:s26+$0xFFFFFF30] =	vst v0  }
0x3f4: {  	[tilespmem:s26+$0xFFFFFF40] =	vst v0  }
0x3f5: {  	[tilespmem:s26+$0xFFFFFF50] =	vst v0  }
0x3f6: {  	[tilespmem:s26+$0xFFFFFF60] =	vst v0  }
0x3f7: {  	s28 =	simm.s32 $0x20;
	[tilespmem:s26+$0xFFFFFF80] =	vst v0  }
0x3f8: {  	v3 =	vor.u32 s28, v1;
	[tilespmem:s26+$0xFFFFFF90] =	vst v0  }
0x3f9: {  	v4 =	vmul.u32 $0x7, v3;
	[tilespmem:s26+$0xFFFFFFA0] =	vst v0  }
0x3fa: {  	s30 =	simm.s32 $0x60;
	[tilespmem:s26+$0xFFFFFFB0] =	vst v0  }
0x3fb: {  	v31 =	vor.u32 s30, v1;
	v5 =	vadd.s32 $0x1, v4;
	[tilespmem:s26+$0xFFFFFFC0] =	vst v0  }
0x3fc: {  	v40 =	vmul.u32 $0x7, v31;
	[tilespmem:s26+$0xFFFFFFD0] =	vst v0  }
0x3fd: {  	v31 =	vshll.u32 v31, $0x3;
	s28 =	simm.s32 $0x30;
	v6 =	vadd.s32 $0x2, v4;
	[tilespmem:s26+$0xFFFFFFE0] =	vst v0  }
0x3fe: {  	s29 =	simm.s32 $0x0;
	v48 =	vadd.s32 $0x2, v40;
	v7 =	vor.u32 s28, v1;
	s28 =	simm.s32 $0x10;
	v9 =	vadd.s32 $0x3, v4;
	[tilespmem:s26+$0xFFFFFFF0] =	vst v0  }
0x3ff: {  	v10 =	vor.u32 s29, v1;
	v11 =	vor.u32 s28, v1;
	v12 =	vadd.s32 $0x4, v4;
	[tilespmem:s26+$0x80] =	vst v0;
	v8 =	vld.idx.msk [tilespmem:v4+s18+$0x0], $0xffff  }
0x400: {  	v13 =	vmul.u32 $0x7, v7;
	v14 =	vmul.u32 $0x7, v11;
	v17 =	vadd.s32 $0x6, v4;
	[tilespmem:s26+$0x90] =	vst v0;
	v5 =	vld.idx.msk [tilespmem:v5+s18+$0x0], $0xffff  }
0x401: {  	v51 =	vadd.s32 $0x3, v40;
	v53 =	vadd.s32 $0x4, v40;
	v16 =	vmul.u32 $0x7, v10;
	[tilespmem:s26+$0xA0] =	vst v0  }
0x402: {  	v3 =	vshll.u32 v3, $0x3;
	v15 =	vadd.s32 $0x5, v4;
	v18 =	vadd.s32 $0x1, v13;
	[tilespmem:s26+$0xB0] =	vst v0;
	v6 =	vld.idx.msk [tilespmem:v6+s18+$0x0], $0xffff  }
0x403: {  	v21 =	vadd.s32 $0x1, v16;
	v22 =	vadd.s32 $0x2, v16;
	v23 =	vadd.s32 $0x3, v16;
	[tilespmem:s26+$0xC0] =	vst v0;
	v9 =	vld.idx.msk [tilespmem:v9+s18+$0x0], $0xffff  }
0x404: {  	v28 =	vadd.s32 $0x4, v16;
	v57 =	vadd.s32 $0x5, v16;
	v58 =	vadd.s32 $0x6, v16;
	[tilespmem:s26+$0xD0] =	vst v0;
	v12 =	vld.idx.msk [tilespmem:v12+s18+$0x0], $0xffff  }
0x405: {  	v37 =	vadd.s32 $0x7, v16;
	v19 =	vadd.s32 $0x1, v14;
	[tilespmem:s26+$0xE0] =	vst v0;
	v17 =	vld.idx.msk [tilespmem:v17+s18+$0x0], $0xffff;
	vm0 =	vgt.f32 v5, v8  }
0x406: {  	v20 =	vadd.s32 $0x2, v13;
	v54 =	vadd.s32 $0x2, v14;
	[tilespmem:s26+$0xF0] =	vst v0;
	v27 =	vld.idx.msk [tilespmem:v14+s18+$0x0], $0xffff;
	v5 =	vsel vm0, v5, v8  }
0x407: {  	v55 =	vadd.s32 $0x3, v13;
	[tilespmem:s26+$0xFFFFFF70] =	vst v0;
	v4 =	vadd.s32 $0x7, v4;
	v59 =	vld.idx.msk [tilespmem:v18+s18+$0x0], $0xffff;
	vm1 =	vgt.f32 v6, v5  }
0x408: {  	v56 =	vadd.s32 $0x4, v13;
	v34 =	vadd.s32 $0x5, v13;
	[tilespmem:s26+$0xFFFFFF00] =	vst v0;
	v8 =	vld.idx.msk [tilespmem:v15+s18+$0x0], $0xffff;
	v5 =	vsel vm1, v6, v5  }
0x409: {  	v36 =	vadd.s32 $0x6, v13;
	v25 =	vadd.s32 $0x3, v14;
	v60 =	vld.idx.msk [tilespmem:v16+s18+$0x0], $0xffff;
	vm2 =	vgt.f32 v9, v5  }
0x40a: {  	v29 =	vadd.s32 $0x6, v14;
	v30 =	vadd.s32 $0x7, v14;
	v6 =	vld.idx.msk [tilespmem:v19+s18+$0x0], $0xffff;
	v5 =	vsel vm2, v9, v5  }
0x40b: {  	v16 =	vshll.u32 v11, $0x3;
	v24 =	vld.idx.msk [tilespmem:v54+s18+$0x0], $0xffff;
	v15 =	vadd.s32 $0x4, v14;
	vm3 =	vgt.f32 v12, v5  }
0x40c: {  	v4 =	vld.idx.msk [tilespmem:v4+s18+$0x0], $0xffff;
	v19 =	vadd.s32 $0x5, v14;
	v14 =	vsel vm0, $0x1, v2;
	v5 =	vsel vm3, v12, v5  }
0x40d: {  	v18 =	vshll.u32 v7, $0x3;
	v32 =	vld.idx.msk [tilespmem:v56+s18+$0x0], $0xffff;
	v14 =	vsel vm1, $0x2, v14;
	vm0 =	vgt.f32 v8, v5  }
0x40e: {  	s31 =	simm.s32 $0x10300;
	v56 =	vadd.s32 $0x5, v40;
	v14 =	vsel vm2, $0x3, v14;
	v12 =	vld.idx.msk [tilespmem:v25+s18+$0x0], $0xffff;
	v5 =	vsel vm0, v8, v5  }
0x40f: {  	[tilespmem:s31+$0x0] =	vst v0;
	v14 =	vsel vm3, $0x4, v14;
	vm1 =	vgt.f32 v6, v27;
	vm2 =	vgt.f32 v17, v5  }
0x410: {  	[tilespmem:s31+$0x10] =	vst v0;
	v15 =	vld.idx.msk [tilespmem:v15+s18+$0x0], $0xffff;
	v6 =	vsel vm1, v6, v27;
	v14 =	vsel vm0, $0x5, v14;
	v5 =	vsel vm2, v17, v5  }
0x411: {  	[tilespmem:s31+$0x20] =	vst v0;
	vm0 =	vgt.f32 v24, v6;
	v14 =	vsel vm2, $0x6, v14;
	vm2 =	vgt.f32 v4, v5  }
0x412: {  	[tilespmem:s31+$0x30] =	vst v0;
	v9 =	vadd.s32 $0x7, v13;
	v19 =	vld.idx.msk [tilespmem:v19+s18+$0x0], $0xffff;
	v5 =	vsel vm0, v24, v6;
	v6 =	vsel vm2, $0x7, v14  }
0x413: {  	s28 =	simm.s32 $0x70;
	[tilespmem:s31+$0x40] =	vst v0;
	v4 =	vld.idx.msk [tilespmem:v21+s18+$0x0], $0xffff;
	vm2 =	vgt.f32 v12, v5;
	v14 =	vshll.u32 v10, $0x3;
	v17 =	vadd.s32 v3, v6  }
0x414: {  	s29 =	simm.s32 $0x40;
	[tilespmem:s31+$0x50] =	vst v0;
	v3 =	vsel vm1, $0x1, v2;
	v5 =	vsel vm2, v12, v5;
	v6 =	vld.idx.msk [tilespmem:v13+s18+$0x0], $0xffff;
	v13 =	vor.u32 s28, v1  }
0x415: {  	[tilespmem:s31+$0x60] =	vst v0;
	v12 =	vor.u32 s29, v1;
	v3 =	vsel vm0, $0x2, v3;
	vm0 =	vgt.f32 v15, v5  }
0x416: {  	[tilespmem:s31+$0x70] =	vst v0;
	v61 =	vld.idx.msk [tilespmem:v22+s18+$0x0], $0xffff;
	s28 =	simm.s32 $0x50;
	v27 =	vmul.u32 $0x7, v12;
	v3 =	vsel vm2, $0x3, v3;
	v5 =	vsel vm0, v15, v5  }
0x417: {  	[tilespmem:s31+$0xFFFFFF10] =	vst v0;
	v8 =	vld.idx.msk [tilespmem:v29+s18+$0x0], $0xffff;
	v15 =	vor.u32 s28, v1;
	v3 =	vsel vm0, $0x4, v3;
	vm0 =	vgt.f32 v19, v5  }
0x418: {  	[tilespmem:s31+$0xFFFFFF20] =	vst v0;
	v21 =	vld.idx.msk [tilespmem:v30+s18+$0x0], $0xffff;
	vm1 =	vgt.f32 v4, v60;
	v42 =	vmul.u32 $0x7, v15;
	v30 =	vadd.s32 $0x1, v27  }
0x419: {  	[tilespmem:s31+$0xFFFFFF30] =	vst v0;
	v63 =	vld.idx.msk [tilespmem:v28+s18+$0x0], $0xffff;
	v28 =	vadd.s32 $0x2, v27;
	v25 =	vadd.s32 $0x3, v27;
	v24 =	vadd.s32 $0x4, v27  }
0x41a: {  	[tilespmem:s31+$0xFFFFFF40] =	vst v0;
	v7 =	vld.idx.msk [tilespmem:v23+s18+$0x0], $0xffff;
	v10 =	vsel vm0, v19, v5;
	v11 =	vsel vm0, $0x5, v3;
	v4 =	vsel vm1, v4, v60  }
0x41b: {  	[tilespmem:s31+$0xFFFFFF50] =	vst v0;
	v39 =	vsel vm1, $0x1, v2;
	v5 =	vld.idx.msk [tilespmem:v20+s18+$0x0], $0xffff;
	v20 =	vmul.u32 $0x7, v13;
	v60 =	vadd.s32 $0x1, v40  }
0x41c: {  	[tilespmem:s31+$0xFFFFFF60] =	vst v0;
	v62 =	vld.idx.msk [tilespmem:v55+s18+$0x0], $0xffff;
	v3 =	vadd.s32 $0x5, v27;
	v13 =	vshll.u32 v13, $0x3;
	vm0 =	vgt.f32 v8, v10  }
0x41d: {  	[tilespmem:s31+$0xFFFFFF70] =	vst v0;
	v33 =	vld.idx.msk [tilespmem:v57+s18+$0x0], $0xffff;
	vm1 =	vgt.f32 v59, v6;
	vm2 =	vgt.f32 v61, v4;
	v45 =	vadd.s32 $0x1, v42  }
0x41e: {  	[tilespmem:s31+$0xFFFFFF80] =	vst v0;
	v34 =	vld.idx.msk [tilespmem:v34+s18+$0x0], $0xffff;
	v46 =	vadd.s32 $0x2, v42;
	v47 =	vadd.s32 $0x3, v42;
	v49 =	vadd.s32 $0x4, v42  }
0x41f: {  	[tilespmem:s31+$0xFFFFFF90] =	vst v0;
	v50 =	vld.idx.msk [tilespmem:v40+s18+$0x0], $0xffff;
	v52 =	vadd.s32 $0x5, v42;
	v55 =	vadd.s32 $0x6, v42;
	v6 =	vsel vm1, v59, v6  }
0x420: {  	[tilespmem:s31+$0xFFFFFFA0] =	vst v0;
	v35 =	vld.idx.msk [tilespmem:v58+s18+$0x0], $0xffff;
	v29 =	vadd.s32 $0x1, v20;
	v22 =	vadd.s32 $0x2, v20;
	v26 =	vadd.s32 $0x3, v20  }
0x421: {  	[tilespmem:s31+$0xFFFFFFB0] =	vst v0;
	v48 =	vld.idx.msk [tilespmem:v48+s18+$0x0], $0xffff;
	v23 =	vadd.s32 $0x4, v20;
	v38 =	vsel vm2, v61, v4;
	v4 =	vadd.s32 $0x5, v20  }
0x422: {  	[tilespmem:s31+$0xFFFFFFC0] =	vst v0;
	v61 =	vadd.s32 $0x6, v40;
	v40 =	vadd.s32 $0x7, v40;
	vm13 =	vgt.f32 v7, v38;
	v44 =	vld.idx.msk [tilespmem:v60+s18+$0x0], $0xffff  }
0x423: {  	[tilespmem:s31+$0xFFFFFFD0] =	vst v0;
	v36 =	vld.idx.msk [tilespmem:v36+s18+$0x0], $0xffff;
	v39 =	vsel vm2, $0x2, v39;
	v11 =	vsel vm0, $0x6, v11;
	v38 =	vsel vm13, v7, v38  }
0x424: {  	[tilespmem:s31+$0xFFFFFFE0] =	vst v0;
	v37 =	vld.idx.msk [tilespmem:v37+s18+$0x0], $0xffff;
	v7 =	vadd.s32 $0x6, v20;
	v39 =	vsel vm13, $0x3, v39;
	vm3 =	vgt.f32 v5, v6  }
0x425: {  	[tilespmem:s31+$0xFFFFFFF0] =	vst v0;
	v51 =	vld.idx.msk [tilespmem:v51+s18+$0x0], $0xffff;
	vm14 =	vgt.f32 v63, v38;
	v54 =	vsel vm3, v5, v6;
	v5 =	vadd.s32 $0x6, v27  }
0x426: {  	[tilespmem:s31+$0x80] =	vst v0;
	v6 =	vadd.s32 $0x7, v27;
	v38 =	vsel vm14, v63, v38;
	v63 =	vld.idx.msk [tilespmem:v56+s18+$0x0], $0xffff;
	v56 =	vsel vm1, $0x1, v2  }
0x427: {  	[tilespmem:s31+$0x90] =	vst v0;
	v53 =	vld.idx.msk [tilespmem:v53+s18+$0x0], $0xffff;
	v39 =	vsel vm14, $0x4, v39;
	vm7 =	vgt.f32 v62, v54;
	vm9 =	vgt.f32 v44, v50  }
0x428: {  	v19 =	vld.idx.msk [tilespmem:v17+s18+$0x0], $0xffff;
	vm4 =	vgt.f32 v33, v38;
	v41 =	vsel vm7, v62, v54;
	v44 =	vsel vm9, v44, v50  }
0x429: {  	[tilespmem:s31+$0xA0] =	vst v0;
	v45 =	vld.idx.msk [tilespmem:v45+s18+$0x0], $0xffff;
	v54 =	vadd.s32 $0x7, v42;
	vm8 =	vgt.f32 v32, v41;
	vm10 =	vgt.f32 v48, v44  }
0x42a: {  	v49 =	vld.idx.msk [tilespmem:v49+s18+$0x0], $0xffff;
	v33 =	vsel vm4, v33, v38;
	v32 =	vsel vm8, v32, v41;
	v62 =	vsel vm10, v48, v44  }
0x42b: {  	[tilespmem:s31+$0xB0] =	vst v0;
	v41 =	vld.idx.msk [tilespmem:v9+s18+$0x0], $0xffff;
	v9 =	vadd.s32 $0x7, v20;
	vm1 =	vgt.f32 v34, v32;
	vm11 =	vgt.f32 v51, v62  }
0x42c: {  	[tilespmem:s31+$0xFFFFFF00] =	vst v0;
	v57 =	vld.idx.msk [tilespmem:v61+s18+$0x0], $0xffff;
	v60 =	vsel vm9, $0x1, v2;
	v32 =	vsel vm1, v34, v32;
	v43 =	vsel vm11, v51, v62  }
0x42d: {  	[tilespmem:s31+$0xC0] =	vst v0;
	v27 =	vld.idx.msk [tilespmem:v27+s18+$0x0], $0xffff;
	v48 =	vsel vm3, $0x2, v56;
	vm3 =	vgt.f32 v35, v33;
	vm15 =	vgt.f32 v53, v43  }
0x42e: {  	[tilespmem:s31+$0xD0] =	vst v0;
	v58 =	vld.idx.msk [tilespmem:v40+s18+$0x0], $0xffff;
	vm2 =	vgt.f32 v36, v32;
	v59 =	vsel vm7, $0x3, v48;
	v43 =	vsel vm15, v53, v43  }
0x42f: {  	[tilespmem:s31+$0xE0] =	vst v0;
	v61 =	vld.idx.msk [tilespmem:v46+s18+$0x0], $0xffff;
	v48 =	vsel vm10, $0x2, v60;
	v33 =	vsel vm3, v35, v33;
	vm12 =	vgt.f32 v63, v43  }
0x430: {  	[tilespmem:s31+$0xF0] =	vst v0;
	v42 =	vld.idx.msk [tilespmem:v42+s18+$0x0], $0xffff;
	v50 =	vsel vm2, v36, v32;
	v48 =	vsel vm11, $0x3, v48;
	v43 =	vsel vm12, v63, v43  }
0x431: {  	v20 =	vld.idx.msk [tilespmem:v20+s18+$0x0], $0xffff;
	v40 =	vsel vm8, $0x4, v59;
	v62 =	vsel vm15, $0x4, v48;
	vm13 =	vgt.f32 v57, v43  }
0x432: {  	v51 =	vld.idx.msk [tilespmem:v52+s18+$0x0], $0xffff;
	v52 =	vsel vm4, $0x5, v39;
	v46 =	vsel vm12, $0x5, v62;
	v38 =	vsel vm13, v57, v43  }
0x433: {  	v44 =	vld.idx.msk [tilespmem:v23+s18+$0x0], $0xffff;
	v48 =	vsel vm0, v8, v10;
	v8 =	vsel vm13, $0x6, v46;
	vm14 =	vgt.f32 v58, v38  }
0x434: {  	vm15 =	vgt.f32 v37, v33;
	v53 =	vsel vm1, $0x5, v40;
	v63 =	vld.idx.msk [tilespmem:v47+s18+$0x0], $0xffff;
	v8 =	vsel vm14, $0x7, v8  }
0x435: {  	v10 =	vld.idx.msk [tilespmem:v55+s18+$0x0], $0xffff;
	vm1 =	vgt.f32 v45, v42;
	v55 =	vsel vm3, $0x6, v52;
	v31 =	vadd.s32 v31, v8  }
0x436: {  	v32 =	vld.idx.msk [tilespmem:v29+s18+$0x0], $0xffff;
	vm3 =	vgt.f32 v21, v48;
	v21 =	vsel vm1, v45, v42;
	v56 =	vsel vm1, $0x1, v2  }
0x437: {  	v40 =	vld.idx.msk [tilespmem:v25+s18+$0x0], $0xffff;
	vm1 =	vgt.f32 v41, v50;
	v60 =	vsel vm15, $0x7, v55;
	vm0 =	vgt.f32 v61, v21  }
0x438: {  	v62 =	vsel vm3, $0x7, v11;
	v11 =	vshll.u32 v12, $0x3;
	v21 =	vsel vm0, v61, v21;
	v57 =	vld.idx.msk [tilespmem:v30+s18+$0x0], $0xffff  }
0x439: {  	v45 =	vld.idx.msk [tilespmem:v22+s18+$0x0], $0xffff;
	v12 =	vshll.u32 v15, $0x3;
	v59 =	vsel vm0, $0x2, v56;
	vm0 =	vgt.f32 v63, v21  }
0x43a: {  	v15 =	vadd.s32 v14, v60;
	v58 =	vsel vm2, $0x6, v53;
	v21 =	vsel vm0, v63, v21;
	v61 =	vld.idx.msk [tilespmem:v31+s18+$0x0], $0xffff  }
0x43b: {  	[tilespmem:v17+s20+$0x0] =	vst.idx.msk $0xffff, v19;
	v38 =	vld.idx.msk [tilespmem:v28+s18+$0x0], $0xffff;
	v30 =	vsel vm1, $0x7, v58;
	v33 =	vsel vm0, $0x3, v59;
	vm0 =	vgt.f32 v49, v21  }
0x43c: {  	v41 =	vld.idx.msk [tilespmem:v24+s18+$0x0], $0xffff;
	v16 =	vadd.s32 v16, v62;
	v14 =	vadd.s32 v18, v30;
	v21 =	vsel vm0, v49, v21  }
0x43d: {  	v43 =	vld.idx.msk [tilespmem:v26+s18+$0x0], $0xffff;
	vm1 =	vgt.f32 v57, v27;
	v63 =	vsel vm0, $0x4, v33;
	vm0 =	vgt.f32 v51, v21  }
0x43e: {  	v8 =	vld.idx.msk [tilespmem:v54+s18+$0x0], $0xffff;
	v46 =	vsel vm1, v57, v27;
	v33 =	vsel vm1, $0x1, v2;
	v18 =	vsel vm0, v51, v21  }
0x43f: {  	s26 =	simm.s32 $0x4;
	s29 =	simm.s32 $0x10500;
	s28 =	simm.s32 $0xB0;
	vm1 =	vgt.f32 v32, v20;
	v17 =	vsel vm0, $0x5, v63;
	vm0 =	vgt.f32 v10, v18;
	[tilespmem:v31+s20+$0x0] =	vst.idx.msk $0xffff, v61  }
.LBB2_14:
0x440: {  	s30 =	sadd.s32 $0xFFFFFFD0, s28;
	[tilespmem:s29+$0x0] =	vst v0;
	s31 =	sadd.s32 $0xFFFFFFF0, s28;
	v19 =	vor.u32 s28, v1;
	s26 =	sadd.s32 $0x4, s26;
	vm2 =	vgt.f32 v38, v46;
	v47 =	vld.idx.msk [tilespmem:v3+s18+$0x0], $0xffff;
	v48 =	vsel vm1, v32, v20  }
0x441: {  	v20 =	vor.u32 s30, v1;
	s30 =	sadd.s32 $0xFFFFFFE0, s28;
	[tilespmem:s29+$0x10] =	vst v0;
	v32 =	vor.u32 s31, v1;
	v22 =	vmul.u32 $0x7, v19;
	p0 =	slt.u32 s26, $0x7C;
	v49 =	vld.idx.msk [tilespmem:v4+s18+$0x0], $0xffff  }
0x442: {  	v29 =	vmul.u32 $0x7, v20;
	v21 =	vor.u32 s30, v1;
	[tilespmem:s29+$0x20] =	vst v0;
	v50 =	vmul.u32 $0x7, v32;
	v42 =	vld.idx.msk [tilespmem:v5+s18+$0x0], $0xffff  }
0x443: {  	v51 =	vmul.u32 $0x7, v21;
	[tilespmem:s29+$0x30] =	vst v0;
	v30 =	vadd.s32 $0x1, v22;
	v23 =	vadd.s32 $0x2, v22;
	v39 =	vld.idx.msk [tilespmem:v7+s18+$0x0], $0xffff  }
0x444: {  	v31 =	vadd.s32 $0x1, v29;
	v28 =	vadd.s32 $0x2, v29;
	[tilespmem:s29+$0x40] =	vst v0;
	v4 =	vadd.s32 $0x1, v50;
	v37 =	vld.idx.msk [tilespmem:v6+s18+$0x0], $0xffff  }
0x445: {  	v26 =	vadd.s32 $0x3, v29;
	v52 =	vadd.s32 $0x1, v51;
	v53 =	vadd.s32 $0x2, v51;
	[tilespmem:s29+$0x50] =	vst v0;
	v36 =	vld.idx.msk [tilespmem:v9+s18+$0x0], $0xffff  }
0x446: {  	v27 =	vadd.s32 $0x3, v22;
	v6 =	vadd.s32 $0x2, v50;
	v54 =	vadd.s32 $0x3, v51;
	[tilespmem:s29+$0x60] =	vst v0;
	v34 =	vld.idx.msk [tilespmem:v15+s18+$0x0], $0xffff  }
0x447: {  	v24 =	vadd.s32 $0x4, v22;
	v25 =	vadd.s32 $0x4, v29;
	v55 =	vadd.s32 $0x4, v51;
	[tilespmem:s29+$0x70] =	vst v0;
	v35 =	vld.idx.msk [tilespmem:v16+s18+$0x0], $0xffff  }
0x448: {  	vm4 =	vgt.f32 v45, v48;
	v3 =	vadd.s32 $0x5, v29;
	v9 =	vadd.s32 $0x3, v50;
	[tilespmem:s29+$0xFFFFFF10] =	vst v0;
	v56 =	vld.idx.msk [tilespmem:v50+s18+$0x0], $0xffff  }
0x449: {  	v46 =	vsel vm2, v38, v46;
	v57 =	vadd.s32 $0x5, v51;
	[tilespmem:s29+$0xFFFFFF20] =	vst v0;
	v58 =	vld.idx.msk [tilespmem:v4+s18+$0x0], $0xffff;
	v4 =	vadd.s32 $0x5, v22  }
0x44a: {  	vm5 =	vgt.f32 v40, v46;
	v45 =	vsel vm4, v45, v48;
	v59 =	vadd.s32 $0x4, v50;
	[tilespmem:s29+$0xFFFFFF30] =	vst v0;
	v38 =	vld.idx.msk [tilespmem:v14+s18+$0x0], $0xffff  }
0x44b: {  	vm8 =	vgt.f32 v43, v45;
	v5 =	vadd.s32 $0x6, v29;
	v48 =	vadd.s32 $0x6, v51;
	[tilespmem:s29+$0xFFFFFF40] =	vst v0;
	v60 =	vld.idx.msk [tilespmem:v6+s18+$0x0], $0xffff  }
0x44c: {  	v7 =	vadd.s32 $0x6, v22;
	v40 =	vsel vm5, v40, v46;
	v61 =	vadd.s32 $0x5, v50;
	[tilespmem:s29+$0xFFFFFF50] =	vst v0  }
0x44d: {  	vm6 =	vgt.f32 v41, v40;
	v43 =	vsel vm8, v43, v45;
	v6 =	vadd.s32 $0x7, v29;
	[tilespmem:s29+$0xFFFFFF60] =	vst v0;
	v46 =	vld.idx.msk [tilespmem:v9+s18+$0x0], $0xffff  }
0x44e: {  	v62 =	vadd.s32 $0x6, v50;
	v45 =	vadd.s32 $0x7, v51;
	vm7 =	vgt.f32 v44, v43;
	[tilespmem:s29+$0xFFFFFF70] =	vst v0  }
0x44f: {  	v40 =	vsel vm6, v41, v40;
	v9 =	vadd.s32 $0x7, v22;
	vm9 =	vgt.f32 v58, v56;
	[tilespmem:s29+$0xFFFFFF80] =	vst v0;
	v59 =	vld.idx.msk [tilespmem:v59+s18+$0x0], $0xffff  }
0x450: {  	v43 =	vsel vm7, v44, v43;
	v50 =	vadd.s32 $0x7, v50;
	v41 =	vsel vm9, v58, v56;
	[tilespmem:s29+$0xFFFFFF90] =	vst v0  }
0x451: {  	vm3 =	vgt.f32 v47, v40;
	v56 =	vsel vm1, $0x1, v2;
	vm10 =	vgt.f32 v60, v41;
	[tilespmem:s29+$0xFFFFFFA0] =	vst v0;
	v44 =	vld.idx.msk [tilespmem:v61+s18+$0x0], $0xffff  }
0x452: {  	v33 =	vsel vm2, $0x2, v33;
	vm1 =	vgt.f32 v49, v43;
	v41 =	vsel vm10, v60, v41;
	[tilespmem:s29+$0xFFFFFFB0] =	vst v0  }
0x453: {  	v40 =	vsel vm3, v47, v40;
	v47 =	vsel vm4, $0x2, v56;
	vm11 =	vgt.f32 v46, v41;
	[tilespmem:s29+$0xFFFFFFC0] =	vst v0;
	v58 =	vld.idx.msk [tilespmem:v62+s18+$0x0], $0xffff  }
0x454: {  	v33 =	vsel vm5, $0x3, v33;
	v43 =	vsel vm1, v49, v43;
	v41 =	vsel vm11, v46, v41;
	[tilespmem:s29+$0xFFFFFFD0] =	vst v0  }
0x455: {  	vm4 =	vgt.f32 v42, v40;
	v47 =	vsel vm8, $0x3, v47;
	vm5 =	vgt.f32 v59, v41;
	[tilespmem:s29+$0xFFFFFFE0] =	vst v0;
	v46 =	vld.idx.msk [tilespmem:v50+s18+$0x0], $0xffff  }
0x456: {  	v49 =	vsel vm9, $0x1, v2;
	vm2 =	vgt.f32 v39, v43;
	v41 =	vsel vm5, v59, v41;
	[tilespmem:s29+$0xFFFFFFF0] =	vst v0  }
0x457: {  	v33 =	vsel vm6, $0x4, v33;
	v49 =	vsel vm10, $0x2, v49;
	vm8 =	vgt.f32 v44, v41;
	v50 =	vld.idx.msk [tilespmem:v52+s18+$0x0], $0xffff;
	[tilespmem:s29+$0x80] =	vst v0  }
0x458: {  	v49 =	vsel vm11, $0x3, v49;
	v41 =	vsel vm8, v44, v41;
	v44 =	vsel vm7, $0x4, v47;
	v51 =	vld.idx.msk [tilespmem:v51+s18+$0x0], $0xffff;
	[tilespmem:s29+$0x90] =	vst v0  }
0x459: {  	v40 =	vsel vm4, v42, v40;
	v49 =	vsel vm5, $0x4, v49;
	vm5 =	vgt.f32 v58, v41;
	v47 =	vld.idx.msk [tilespmem:v53+s18+$0x0], $0xffff;
	[tilespmem:s29+$0xA0] =	vst v0  }
0x45a: {  	v18 =	vsel vm0, v10, v18;
	v49 =	vsel vm8, $0x5, v49;
	v41 =	vsel vm5, v58, v41;
	v42 =	vld.idx.msk [tilespmem:v54+s18+$0x0], $0xffff;
	[tilespmem:s29+$0xB0] =	vst v0  }
0x45b: {  	v39 =	vsel vm2, v39, v43;
	v10 =	vsel vm5, $0x6, v49;
	vm5 =	vgt.f32 v46, v41;
	v52 =	vld.idx.msk [tilespmem:v55+s18+$0x0], $0xffff;
	[tilespmem:s29+$0xC0] =	vst v0  }
0x45c: {  	v32 =	vshll.u32 v32, $0x3;
	v33 =	vsel vm3, $0x5, v33;
	v43 =	vsel vm5, $0x7, v10;
	v41 =	vld.idx.msk [tilespmem:v57+s18+$0x0], $0xffff;
	[tilespmem:s29+$0xD0] =	vst v0  }
0x45d: {  	vm3 =	vgt.f32 v37, v40;
	v37 =	vsel vm1, $0x5, v44;
	v10 =	vld.idx.msk [tilespmem:v48+s18+$0x0], $0xffff;
	v48 =	vadd.s32 v32, v43;
	[tilespmem:s29+$0xE0] =	vst v0  }
0x45e: {  	v33 =	vsel vm4, $0x6, v33;
	vm4 =	vgt.f32 v8, v18;
	vm1 =	vgt.f32 v50, v51;
	[tilespmem:s29+$0xF0] =	vst v0;
	v8 =	vld.idx.msk [tilespmem:v45+s18+$0x0], $0xffff  }
0x45f: {  	v17 =	vsel vm0, $0x6, v17;
	v18 =	vsel vm1, v50, v51;
	v40 =	vsel vm1, $0x1, v2;
	[tilespmem:s29+$0xFFFFFF00] =	vst v0;
	v32 =	vld.idx.msk [tilespmem:v30+s18+$0x0], $0xffff  }
0x460: {  	vm1 =	vgt.f32 v36, v39;
	vm0 =	vgt.f32 v47, v18;
	v30 =	vld.idx.msk [tilespmem:v31+s18+$0x0], $0xffff;
	v31 =	vsel vm2, $0x6, v37  }
0x461: {  	v33 =	vsel vm3, $0x7, v33;
	v18 =	vsel vm0, v47, v18;
	v36 =	vsel vm0, $0x2, v40;
	v29 =	vld.idx.msk [tilespmem:v29+s18+$0x0], $0xffff;
	[tilespmem:v15+s20+$0x0] =	vst.idx.msk $0xffff, v34  }
0x462: {  	v17 =	vsel vm4, $0x7, v17;
	vm0 =	vgt.f32 v42, v18;
	v31 =	vsel vm1, $0x7, v31;
	v34 =	vld.idx.msk [tilespmem:v48+s18+$0x0], $0xffff;
	[tilespmem:v16+s20+$0x0] =	vst.idx.msk $0xffff, v35  }
0x463: {  	v16 =	vshll.u32 v20, $0x3;
	v15 =	vsel vm0, v42, v18;
	v18 =	vsel vm0, $0x3, v36;
	v20 =	vld.idx.msk [tilespmem:v22+s18+$0x0], $0xffff;
	[tilespmem:v14+s20+$0x0] =	vst.idx.msk $0xffff, v38  }
0x464: {  	v19 =	vshll.u32 v19, $0x3;
	v21 =	vshll.u32 v21, $0x3;
	vm0 =	vgt.f32 v52, v15;
	v38 =	vld.idx.msk [tilespmem:v28+s18+$0x0], $0xffff  }
.Ltmp6:
0x465: {  	v22 =	vsel vm0, v52, v15;
	v28 =	vsel vm0, $0x4, v18;
	v15 =	vadd.s32 v11, v33;
	v11 =	vmovc v16;
	v45 =	vld.idx.msk [tilespmem:v23+s18+$0x0], $0xffff;
	(pc) =	sbr.rel @p0 .LBB2_14-.Ltmp6, $4  }
0x466: {  	v14 =	vadd.s32 v13, v31;
	v16 =	vadd.s32 v12, v17;
	vm0 =	vgt.f32 v41, v22;
	v40 =	vld.idx.msk [tilespmem:v26+s18+$0x0], $0xffff  }
0x467: {  	v12 =	vmovc v21;
	vm1 =	vgt.f32 v30, v29;
	v18 =	vsel vm0, v41, v22;
	v17 =	vsel vm0, $0x5, v28;
	v43 =	vld.idx.msk [tilespmem:v27+s18+$0x0], $0xffff  }
0x468: {  	v13 =	vmov v19;
	v46 =	vsel vm1, v30, v29;
	v33 =	vsel vm1, $0x1, v2;
	v41 =	vld.idx.msk [tilespmem:v25+s18+$0x0], $0xffff;
	[tilespmem:v48+s20+$0x0] =	vst.idx.msk $0xffff, v34  }
0x469: {  	s28 =	sadd.s32 $0x40, s28;
	s29 =	sadd.s32 $0x200, s29;
	vm0 =	vgt.f32 v10, v18;
	vm1 =	vgt.f32 v32, v20;
	v44 =	vld.idx.msk [tilespmem:v24+s18+$0x0], $0xffff  }
0x46a: {  	_ =	sdelay $0x2  }
0x46b: {  	v19 =	vsel vm1, v32, v20  }
0x46c: {  	vm2 =	vgt.f32 v38, v46;
	v3 =	vld.idx.msk [tilespmem:v3+s18+$0x0], $0xffff;
	vm3 =	vgt.f32 v45, v19  }
0x46d: {  	v4 =	vld.idx.msk [tilespmem:v4+s18+$0x0], $0xffff;
	v51 =	vsel vm2, v38, v46;
	v19 =	vsel vm3, v45, v19  }
0x46e: {  	v5 =	vld.idx.msk [tilespmem:v5+s18+$0x0], $0xffff;
	vm4 =	vgt.f32 v40, v51;
	vm5 =	vgt.f32 v43, v19  }
0x46f: {  	v7 =	vld.idx.msk [tilespmem:v7+s18+$0x0], $0xffff;
	v21 =	vsel vm1, $0x1, v2;
	v20 =	vsel vm4, v40, v51;
	v19 =	vsel vm5, v43, v19  }
0x470: {  	v22 =	vsel vm2, $0x2, v33;
	vm6 =	vgt.f32 v41, v20;
	vm7 =	vgt.f32 v44, v19  }
0x471: {  	v6 =	vld.idx.msk [tilespmem:v6+s18+$0x0], $0xffff;
	v52 =	vsel vm3, $0x2, v21;
	v20 =	vsel vm6, v41, v20;
	v19 =	vsel vm7, v44, v19  }
0x472: {  	v53 =	vsel vm4, $0x3, v22;
	vm8 =	vgt.f32 v3, v20;
	vm1 =	vgt.f32 v4, v19  }
0x473: {  	v9 =	vld.idx.msk [tilespmem:v9+s18+$0x0], $0xffff;
	v54 =	vsel vm6, $0x4, v53;
	v3 =	vsel vm8, v3, v20;
	v4 =	vsel vm1, v4, v19  }
0x474: {  	vm2 =	vgt.f32 v5, v3;
	v19 =	vsel vm5, $0x3, v52;
	vm3 =	vgt.f32 v7, v4  }
0x475: {  	v19 =	vsel vm7, $0x4, v19;
	v3 =	vsel vm2, v5, v3;
	v5 =	vsel vm0, v10, v18  }
0x476: {  	v4 =	vsel vm3, v7, v4;
	v7 =	vsel vm8, $0x5, v54;
	vm13 =	vgt.f32 v6, v3  }
0x477: {  	v3 =	vsel vm1, $0x5, v19;
	vm1 =	vgt.f32 v8, v5;
	v5 =	vsel vm0, $0x6, v17  }
0x478: {  	v6 =	vsel vm2, $0x6, v7;
	vm0 =	vgt.f32 v9, v4;
	v4 =	vsel vm1, $0x7, v5  }
0x479: {  	v3 =	vsel vm3, $0x6, v3;
	v6 =	vsel vm13, $0x7, v6;
	v4 =	vadd.s32 v12, v4  }
0x47a: {  	v3 =	vsel vm0, $0x7, v3;
	v5 =	vadd.s32 v11, v6  }
0x47b: {  	v6 =	vld.idx.msk [tilespmem:v15+s18+$0x0], $0xffff;
	v3 =	vadd.s32 v13, v3  }
0x47c: {  	v8 =	vld.idx.msk [tilespmem:v14+s18+$0x0], $0xffff  }
0x47d: {  	v7 =	vld.idx.msk [tilespmem:v16+s18+$0x0], $0xffff  }
0x47e: {  	v10 =	vld.idx.msk [tilespmem:v4+s18+$0x0], $0xffff  }
0x47f: {  	v9 =	vld.idx.msk [tilespmem:v5+s18+$0x0], $0xffff  }
0x480: {  	[tilespmem:v15+s20+$0x0] =	vst.idx.msk $0xffff, v6;
	v6 =	vld.idx.msk [tilespmem:v3+s18+$0x0], $0xffff  }
0x481: {  	[tilespmem:v14+s20+$0x0] =	vst.idx.msk $0xffff, v8  }
0x482: {  	[tilespmem:v16+s20+$0x0] =	vst.idx.msk $0xffff, v7  }
0x483: {  	[tilespmem:v4+s20+$0x0] =	vst.idx.msk $0xffff, v10  }
0x484: {  	[tilespmem:v5+s20+$0x0] =	vst.idx.msk $0xffff, v9  }
0x485: {  	[tilespmem:v3+s20+$0x0] =	vst.idx.msk $0xffff, v6  }
0x486: {  	[hbm4b:s13+s16] =	stream.strided.scatter [tilespmem:s20], [sflag:$0x3], $0x4000, s17, s16, $0x38;
	[tilespmem:$0x18000] =	vst v63  }
0x487: {  	_ =	swait.ge [sflag:s24], $0x4000  }
0x488: {  	[sflag:s24] =	ssyncset.done $0x0  }
0x489: {  	s26 =	simm.s32 $0x14100;
	[sflag:s24] =	ssyncadd.s32 $0xFFFFC000  }
0x48a: {  	[tilespmem:s26+$0x0] =	vst v0  }
0x48b: {  	[tilespmem:s26+$0x10] =	vst v0  }
0x48c: {  	[tilespmem:s26+$0x20] =	vst v0  }
0x48d: {  	[tilespmem:s26+$0x30] =	vst v0  }
0x48e: {  	[tilespmem:s26+$0x40] =	vst v0  }
0x48f: {  	[tilespmem:s26+$0x50] =	vst v0  }
0x490: {  	[tilespmem:s26+$0x60] =	vst v0  }
0x491: {  	[tilespmem:s26+$0x70] =	vst v0  }
0x492: {  	[tilespmem:s26+$0xFFFFFF10] =	vst v0  }
0x493: {  	s28 =	simm.s32 $0x820;
	[tilespmem:s26+$0xFFFFFF20] =	vst v0  }
0x494: {  	v3 =	vor.u32 s28, v1;
	[tilespmem:s26+$0xFFFFFF30] =	vst v0  }
0x495: {  	v4 =	vmul.u32 $0x7, v3;
	[tilespmem:s26+$0xFFFFFF40] =	vst v0  }
0x496: {  	[tilespmem:s26+$0xFFFFFF50] =	vst v0  }
0x497: {  	v5 =	vadd.s32 $0x1, v4;
	[tilespmem:s26+$0xFFFFFF60] =	vst v0  }
0x498: {  	[tilespmem:s26+$0xFFFFFF70] =	vst v0  }
0x499: {  	v6 =	vadd.s32 $0x2, v4;
	[tilespmem:s26+$0xFFFFFF80] =	vst v0  }
0x49a: {  	s29 =	simm.s32 $0x800;
	s28 =	simm.s32 $0x830;
	[tilespmem:s26+$0xFFFFFF90] =	vst v0  }
0x49b: {  	v10 =	vor.u32 s29, v1;
	v9 =	vor.u32 s28, v1;
	s28 =	simm.s32 $0x810;
	v8 =	vadd.s32 $0x3, v4;
	[tilespmem:s26+$0xFFFFFFA0] =	vst v0;
	v7 =	vld.idx.msk [tilespmem:v4+s18+$0x0], $0xffff  }
0x49c: {  	v13 =	vmul.u32 $0x7, v10;
	v14 =	vor.u32 s28, v1;
	v12 =	vadd.s32 $0x4, v4;
	[tilespmem:s26+$0xFFFFFFB0] =	vst v0;
	v5 =	vld.idx.msk [tilespmem:v5+s18+$0x0], $0xffff  }
0x49d: {  	v15 =	vmul.u32 $0x7, v14;
	v16 =	vadd.s32 $0x5, v4;
	[tilespmem:s26+$0xFFFFFFC0] =	vst v0  }
0x49e: {  	v3 =	vshll.u32 v3, $0x3;
	v11 =	vmul.u32 $0x7, v9;
	v55 =	vadd.s32 $0x1, v13;
	[tilespmem:s26+$0xFFFFFFD0] =	vst v0;
	v6 =	vld.idx.msk [tilespmem:v6+s18+$0x0], $0xffff  }
0x49f: {  	v57 =	vadd.s32 $0x2, v13;
	v25 =	vadd.s32 $0x3, v13;
	v56 =	vadd.s32 $0x1, v15;
	[tilespmem:s26+$0xFFFFFFE0] =	vst v0  }
0x4a0: {  	v35 =	vadd.s32 $0x4, v13;
	v37 =	vadd.s32 $0x5, v13;
	v18 =	vadd.s32 $0x6, v4;
	[tilespmem:s26+$0xFFFFFFF0] =	vst v0;
	v8 =	vld.idx.msk [tilespmem:v8+s18+$0x0], $0xffff  }
0x4a1: {  	v17 =	vadd.s32 $0x1, v11;
	v19 =	vadd.s32 $0x2, v11;
	[tilespmem:s26+$0x80] =	vst v0;
	v12 =	vld.idx.msk [tilespmem:v12+s18+$0x0], $0xffff;
	vm0 =	vgt.f32 v5, v7  }
0x4a2: {  	v34 =	vadd.s32 $0x3, v11;
	v23 =	vadd.s32 $0x2, v15;
	[tilespmem:s26+$0x90] =	vst v0;
	v16 =	vld.idx.msk [tilespmem:v16+s18+$0x0], $0xffff;
	v5 =	vsel vm0, v5, v7  }
0x4a3: {  	v36 =	vadd.s32 $0x4, v11;
	[tilespmem:s26+$0xA0] =	vst v0;
	v4 =	vadd.s32 $0x7, v4;
	v28 =	vld.idx.msk [tilespmem:v15+s18+$0x0], $0xffff;
	vm1 =	vgt.f32 v6, v5  }
0x4a4: {  	v24 =	vadd.s32 $0x3, v15;
	v26 =	vadd.s32 $0x4, v15;
	[tilespmem:s26+$0xFFFFFF00] =	vst v0;
	v21 =	vld.idx.msk [tilespmem:v56+s18+$0x0], $0xffff;
	v6 =	vsel vm1, v6, v5  }
0x4a5: {  	v27 =	vadd.s32 $0x5, v15;
	v29 =	vadd.s32 $0x6, v15;
	[tilespmem:s26+$0xB0] =	vst v0;
	v58 =	vld.idx.msk [tilespmem:v13+s18+$0x0], $0xffff;
	vm2 =	vgt.f32 v8, v6  }
0x4a6: {  	[tilespmem:s26+$0xC0] =	vst v0;
	v31 =	vadd.s32 $0x7, v15;
	v18 =	vld.idx.msk [tilespmem:v18+s18+$0x0], $0xffff;
	v7 =	vadd.s32 $0x6, v11;
	v8 =	vsel vm2, v8, v6  }
0x4a7: {  	[tilespmem:s26+$0xD0] =	vst v0;
	v23 =	vld.idx.msk [tilespmem:v23+s18+$0x0], $0xffff;
	v30 =	vsel vm0, $0x1, v2;
	v5 =	vadd.s32 $0x5, v11;
	vm3 =	vgt.f32 v12, v8  }
0x4a8: {  	[tilespmem:s26+$0xE0] =	vst v0;
	v4 =	vld.idx.msk [tilespmem:v4+s18+$0x0], $0xffff;
	v30 =	vsel vm1, $0x2, v30;
	v6 =	vadd.s32 $0x6, v13;
	v8 =	vsel vm3, v12, v8  }
0x4a9: {  	[tilespmem:s26+$0xF0] =	vst v0;
	v24 =	vld.idx.msk [tilespmem:v24+s18+$0x0], $0xffff;
	v15 =	vsel vm2, $0x3, v30;
	vm2 =	vgt.f32 v21, v28;
	vm0 =	vgt.f32 v16, v8  }
0x4aa: {  	v30 =	vadd.s32 $0x7, v11;
	v11 =	vld.idx.msk [tilespmem:v11+s18+$0x0], $0xffff;
	v15 =	vsel vm3, $0x4, v15;
	v8 =	vsel vm0, v16, v8  }
0x4ab: {  	v21 =	vsel vm2, v21, v28;
	v16 =	vld.idx.msk [tilespmem:v26+s18+$0x0], $0xffff;
	v15 =	vsel vm0, $0x5, v15;
	vm1 =	vgt.f32 v18, v8  }
0x4ac: {  	v26 =	vld.idx.msk [tilespmem:v27+s18+$0x0], $0xffff;
	v18 =	vsel vm1, v18, v8;
	v15 =	vsel vm1, $0x6, v15;
	vm1 =	vgt.f32 v23, v21  }
0x4ad: {  	v12 =	vadd.s32 $0x7, v13;
	vm0 =	vgt.f32 v4, v18;
	v4 =	vld.idx.msk [tilespmem:v17+s18+$0x0], $0xffff;
	v18 =	vsel vm1, v23, v21  }
0x4ae: {  	v13 =	vshll.u32 v10, $0x3;
	v17 =	vld.idx.msk [tilespmem:v55+s18+$0x0], $0xffff;
	v15 =	vsel vm0, $0x7, v15;
	vm0 =	vgt.f32 v24, v18  }
0x4af: {  	v3 =	vadd.s32 v3, v15;
	v15 =	vsel vm2, $0x1, v2;
	v10 =	vsel vm0, v24, v18  }
0x4b0: {  	s31 =	simm.s32 $0x14300;
	v59 =	vld.idx.msk [tilespmem:v57+s18+$0x0], $0xffff;
	v18 =	vsel vm1, $0x2, v15;
	v15 =	vshll.u32 v14, $0x3;
	vm1 =	vgt.f32 v16, v10  }
0x4b1: {  	[tilespmem:s31+$0x0] =	vst v0;
	v8 =	vld.idx.msk [tilespmem:v29+s18+$0x0], $0xffff;
	v14 =	vshll.u32 v9, $0x3;
	v9 =	vsel vm0, $0x3, v18;
	v16 =	vsel vm1, v16, v10  }
0x4b2: {  	[tilespmem:s31+$0x10] =	vst v0;
	v60 =	vld.idx.msk [tilespmem:v19+s18+$0x0], $0xffff;
	v10 =	vadd.s32 $0xFFFFC000, v3;
	v9 =	vsel vm1, $0x4, v9;
	vm0 =	vgt.f32 v26, v16  }
0x4b3: {  	[tilespmem:s31+$0x20] =	vst v0;
	vm1 =	vgt.f32 v17, v58;
	vm2 =	vgt.f32 v4, v11;
	v33 =	vsel vm0, v26, v16  }
0x4b4: {  	s28 =	simm.s32 $0x870;
	[tilespmem:s31+$0x30] =	vst v0;
	v9 =	vsel vm0, $0x5, v9;
	v17 =	vsel vm1, v17, v58;
	v39 =	vsel vm1, $0x1, v2  }
0x4b5: {  	s29 =	simm.s32 $0x840;
	[tilespmem:s31+$0x40] =	vst v0;
	v61 =	vsel vm2, v4, v11;
	v41 =	vsel vm2, $0x1, v2;
	v16 =	vor.u32 s28, v1  }
0x4b6: {  	[tilespmem:s31+$0x50] =	vst v0;
	s28 =	simm.s32 $0x860;
	v11 =	vor.u32 s29, v1;
	vm0 =	vgt.f32 v8, v33;
	vm1 =	vgt.f32 v59, v17  }
0x4b7: {  	[tilespmem:s31+$0x60] =	vst v0;
	v62 =	vld.idx.msk [tilespmem:v25+s18+$0x0], $0xffff;
	s29 =	simm.s32 $0x850;
	vm2 =	vgt.f32 v60, v61;
	v32 =	vor.u32 s28, v1;
	v27 =	vmul.u32 $0x7, v11  }
0x4b8: {  	[tilespmem:s31+$0x70] =	vst v0;
	v35 =	vld.idx.msk [tilespmem:v35+s18+$0x0], $0xffff;
	v24 =	vor.u32 s29, v1;
	v42 =	vsel vm1, v59, v17;
	v17 =	vmul.u32 $0x7, v16  }
0x4b9: {  	[tilespmem:s31+$0xFFFFFF10] =	vst v0;
	v34 =	vld.idx.msk [tilespmem:v34+s18+$0x0], $0xffff;
	v43 =	vmul.u32 $0x7, v32;
	v44 =	vmul.u32 $0x7, v24;
	v38 =	vsel vm2, v60, v61  }
0x4ba: {  	[tilespmem:s31+$0xFFFFFF20] =	vst v0;
	v37 =	vld.idx.msk [tilespmem:v37+s18+$0x0], $0xffff;
	v39 =	vsel vm1, $0x2, v39;
	v41 =	vsel vm2, $0x2, v41;
	v8 =	vsel vm0, v8, v33  }
0x4bb: {  	[tilespmem:s31+$0xFFFFFF30] =	vst v0;
	v36 =	vld.idx.msk [tilespmem:v36+s18+$0x0], $0xffff;
	v32 =	vshll.u32 v32, $0x3;
	v9 =	vsel vm0, $0x6, v9;
	v29 =	vadd.s32 $0x1, v27  }
0x4bc: {  	[tilespmem:s31+$0xFFFFFF40] =	vst v0;
	v57 =	vld.idx.msk [tilespmem:v6+s18+$0x0], $0xffff;
	v26 =	vadd.s32 $0x2, v27;
	v21 =	vadd.s32 $0x3, v27;
	v22 =	vadd.s32 $0x4, v27  }
0x4bd: {  	[tilespmem:s31+$0xFFFFFF50] =	vst v0;
	v23 =	vld.idx.msk [tilespmem:v3+s18+$0x0], $0xffff;
	v19 =	vadd.s32 $0x5, v27;
	vm3 =	vgt.f32 v62, v42;
	v3 =	vadd.s32 $0x1, v43  }
0x4be: {  	[tilespmem:s31+$0xFFFFFF60] =	vst v0;
	v55 =	vld.idx.msk [tilespmem:v5+s18+$0x0], $0xffff;
	vm4 =	vgt.f32 v34, v38;
	v6 =	vadd.s32 $0x7, v27;
	v49 =	vadd.s32 $0x2, v43  }
0x4bf: {  	[tilespmem:s31+$0xFFFFFF80] =	vst v0;
	v12 =	vld.idx.msk [tilespmem:v12+s18+$0x0], $0xffff;
	v28 =	vadd.s32 $0x1, v17;
	v18 =	vadd.s32 $0x2, v17;
	v53 =	vadd.s32 $0x3, v43  }
0x4c0: {  	[tilespmem:s31+$0xFFFFFF90] =	vst v0;
	v58 =	vld.idx.msk [tilespmem:v7+s18+$0x0], $0xffff;
	v46 =	vadd.s32 $0x1, v44;
	v47 =	vadd.s32 $0x2, v44;
	v61 =	vadd.s32 $0x5, v43  }
0x4c1: {  	[tilespmem:s31+$0xFFFFFFA0] =	vst v0;
	v48 =	vadd.s32 $0x3, v44;
	v42 =	vsel vm3, v62, v42;
	v62 =	vadd.s32 $0x6, v43;
	v52 =	vld.idx.msk [tilespmem:v43+s18+$0x0], $0xffff  }
0x4c2: {  	[tilespmem:s31+$0xFFFFFFB0] =	vst v0;
	v25 =	vadd.s32 $0x3, v17;
	v50 =	vadd.s32 $0x4, v44;
	v34 =	vsel vm4, v34, v38;
	v54 =	vld.idx.msk [tilespmem:v3+s18+$0x0], $0xffff  }
0x4c3: {  	[tilespmem:s31+$0xFFFFFFC0] =	vst v0;
	v20 =	vadd.s32 $0x4, v17;
	v51 =	vadd.s32 $0x5, v44;
	vm15 =	vgt.f32 v36, v34;
	v60 =	vld.idx.msk [tilespmem:v49+s18+$0x0], $0xffff  }
0x4c4: {  	[tilespmem:s31+$0xFFFFFFD0] =	vst v0;
	v4 =	vadd.s32 $0x5, v17;
	v63 =	vadd.s32 $0x4, v43;
	v34 =	vsel vm15, v36, v34;
	v53 =	vld.idx.msk [tilespmem:v53+s18+$0x0], $0xffff  }
0x4c5: {  	[tilespmem:s31+$0xFFFFFFE0] =	vst v0;
	v56 =	vadd.s32 $0x6, v44;
	v5 =	vadd.s32 $0x6, v17;
	vm13 =	vgt.f32 v55, v34;
	v49 =	vld.idx.msk [tilespmem:v61+s18+$0x0], $0xffff  }
0x4c6: {  	[tilespmem:s31+$0xFFFFFFF0] =	vst v0;
	v38 =	vadd.s32 $0x7, v44;
	vm14 =	vgt.f32 v35, v42;
	v34 =	vsel vm13, v55, v34;
	v55 =	vld.idx.msk [tilespmem:v62+s18+$0x0], $0xffff  }
0x4c7: {  	[tilespmem:s31+$0xFFFFFF70] =	vst v0;
	v7 =	vadd.s32 $0x7, v17;
	v41 =	vsel vm4, $0x3, v41;
	v35 =	vsel vm14, v35, v42;
	v61 =	vld.idx.msk [tilespmem:v46+s18+$0x0], $0xffff  }
0x4c8: {  	v41 =	vsel vm15, $0x4, v41;
	[tilespmem:v10+s21+$0x0] =	vst.idx.msk $0xffff, v23;
	v10 =	vshll.u32 v16, $0x3;
	v62 =	vld.idx.msk [tilespmem:v44+s18+$0x0], $0xffff;
	vm9 =	vgt.f32 v54, v52  }
0x4c9: {  	[tilespmem:s31+$0x80] =	vst v0;
	vm12 =	vgt.f32 v37, v35;
	v43 =	vadd.s32 $0x7, v43;
	v63 =	vld.idx.msk [tilespmem:v63+s18+$0x0], $0xffff;
	v52 =	vsel vm9, v54, v52  }
0x4ca: {  	[tilespmem:s31+$0xFFFFFF00] =	vst v0;
	v35 =	vsel vm12, v37, v35;
	v3 =	vadd.s32 $0x6, v27;
	vm10 =	vgt.f32 v60, v52  }
0x4cb: {  	v31 =	vld.idx.msk [tilespmem:v31+s18+$0x0], $0xffff;
	vm2 =	vgt.f32 v57, v35;
	vm1 =	vgt.f32 v58, v34;
	v40 =	vsel vm10, v60, v52  }
0x4cc: {  	v30 =	vld.idx.msk [tilespmem:v30+s18+$0x0], $0xffff;
	v35 =	vsel vm2, v57, v35;
	v34 =	vsel vm1, v58, v34;
	vm11 =	vgt.f32 v53, v40  }
0x4cd: {  	v29 =	vld.idx.msk [tilespmem:v29+s18+$0x0], $0xffff;
	vm15 =	vgt.f32 v12, v35;
	vm0 =	vgt.f32 v61, v62;
	v40 =	vsel vm11, v53, v40  }
0x4ce: {  	[tilespmem:s31+$0x90] =	vst v0;
	v26 =	vld.idx.msk [tilespmem:v26+s18+$0x0], $0xffff;
	v54 =	vsel vm3, $0x3, v39;
	v57 =	vsel vm0, v61, v62;
	vm3 =	vgt.f32 v63, v40  }
0x4cf: {  	[tilespmem:s31+$0xA0] =	vst v0;
	v59 =	vld.idx.msk [tilespmem:v43+s18+$0x0], $0xffff;
	v58 =	vsel vm0, $0x1, v2;
	v60 =	vsel vm9, $0x1, v2;
	v36 =	vsel vm3, v63, v40  }
0x4d0: {  	[tilespmem:s31+$0xB0] =	vst v0;
	v27 =	vld.idx.msk [tilespmem:v27+s18+$0x0], $0xffff;
	v37 =	vsel vm14, $0x4, v54;
	v43 =	vsel vm10, $0x2, v60;
	vm14 =	vgt.f32 v49, v36  }
0x4d1: {  	[tilespmem:s31+$0xC0] =	vst v0;
	v37 =	vsel vm12, $0x5, v37;
	v43 =	vsel vm11, $0x3, v43;
	v63 =	vld.idx.msk [tilespmem:v47+s18+$0x0], $0xffff;
	v36 =	vsel vm14, v49, v36  }
0x4d2: {  	[tilespmem:s31+$0xD0] =	vst v0;
	v48 =	vld.idx.msk [tilespmem:v48+s18+$0x0], $0xffff;
	v43 =	vsel vm3, $0x4, v43;
	v49 =	vsel vm13, $0x5, v41;
	vm3 =	vgt.f32 v55, v36  }
0x4d3: {  	[tilespmem:s31+$0xE0] =	vst v0;
	v12 =	vld.idx.msk [tilespmem:v56+s18+$0x0], $0xffff;
	v43 =	vsel vm14, $0x5, v43;
	v56 =	vsel vm1, $0x6, v49;
	v36 =	vsel vm3, v55, v36  }
0x4d4: {  	[tilespmem:s31+$0xF0] =	vst v0;
	v50 =	vld.idx.msk [tilespmem:v50+s18+$0x0], $0xffff;
	vm1 =	vgt.f32 v30, v34;
	v43 =	vsel vm3, $0x6, v43;
	vm3 =	vgt.f32 v59, v36  }
0x4d5: {  	v28 =	vld.idx.msk [tilespmem:v28+s18+$0x0], $0xffff;
	v55 =	vsel vm2, $0x6, v37;
	v60 =	vsel vm1, $0x7, v56;
	v53 =	vsel vm3, $0x7, v43  }
0x4d6: {  	v44 =	vld.idx.msk [tilespmem:v18+s18+$0x0], $0xffff;
	vm1 =	vgt.f32 v29, v27;
	vm0 =	vgt.f32 v63, v57;
	v54 =	vadd.s32 v32, v53  }
0x4d7: {  	v52 =	vld.idx.msk [tilespmem:v51+s18+$0x0], $0xffff;
	vm3 =	vgt.f32 v31, v8;
	v30 =	vsel vm0, v63, v57;
	v33 =	vsel vm0, $0x2, v58  }
0x4d8: {  	v8 =	vld.idx.msk [tilespmem:v38+s18+$0x0], $0xffff;
	v38 =	vsel vm1, $0x1, v2;
	v32 =	vsel vm15, $0x7, v55;
	v59 =	vsel vm3, $0x7, v9  }
0x4d9: {  	v63 =	vld.idx.msk [tilespmem:v17+s18+$0x0], $0xffff;
	v9 =	vshll.u32 v11, $0x3;
	vm0 =	vgt.f32 v48, v30;
	v11 =	vshll.u32 v24, $0x3  }
0x4da: {  	v45 =	vld.idx.msk [tilespmem:v25+s18+$0x0], $0xffff;
	v24 =	vsel vm1, v29, v27;
	v16 =	vsel vm0, v48, v30;
	v62 =	vadd.s32 $0xFFFFC000, v54  }
0x4db: {  	v17 =	vsel vm0, $0x3, v33;
	v35 =	vadd.s32 v13, v32;
	v32 =	vadd.s32 v15, v59;
	v61 =	vld.idx.msk [tilespmem:v54+s18+$0x0], $0xffff  }
0x4dc: {  	v40 =	vld.idx.msk [tilespmem:v21+s18+$0x0], $0xffff;
	v33 =	vadd.s32 v14, v60;
	vm1 =	vgt.f32 v26, v24;
	vm0 =	vgt.f32 v50, v16  }
0x4dd: {  	v41 =	vld.idx.msk [tilespmem:v22+s18+$0x0], $0xffff;
	v14 =	vadd.s32 $0xFFFFC000, v35;
	v13 =	vadd.s32 $0xFFFFC000, v32;
	v15 =	vsel vm0, v50, v16  }
0x4de: {  	v37 =	vld.idx.msk [tilespmem:v19+s18+$0x0], $0xffff;
	v16 =	vsel vm0, $0x4, v17;
	vm0 =	vgt.f32 v52, v15;
	vm2 =	vgt.f32 v28, v63  }
0x4df: {  	v43 =	vld.idx.msk [tilespmem:v20+s18+$0x0], $0xffff;
	v17 =	vsel vm0, v52, v15;
	v16 =	vsel vm0, $0x5, v16;
	v15 =	vadd.s32 $0xFFFFC000, v33  }
0x4e0: {  	s26 =	simm.s32 $0x4;
	s28 =	simm.s32 $0x8B0;
	s29 =	simm.s32 $0x14500;
	v46 =	vsel vm2, v28, v63;
	v42 =	vsel vm2, $0x1, v2;
	vm0 =	vgt.f32 v12, v17;
	[tilespmem:v62+s21+$0x0] =	vst.idx.msk $0xffff, v61  }
.LBB2_16:
0x4e1: {  	s30 =	sadd.s32 $0xFFFFFFD0, s28;
	[tilespmem:s29+$0x0] =	vst v0;
	s31 =	sadd.s32 $0xFFFFFFF0, s28;
	v18 =	vor.u32 s28, v1;
	s26 =	sadd.s32 $0x4, s26;
	v47 =	vsel vm1, v26, v24;
	vm2 =	vgt.f32 v44, v46;
	v48 =	vld.idx.msk [tilespmem:v4+s18+$0x0], $0xffff  }
0x4e2: {  	v26 =	vor.u32 s30, v1;
	s30 =	sadd.s32 $0xFFFFFFE0, s28;
	[tilespmem:s29+$0x10] =	vst v0;
	v34 =	vor.u32 s31, v1;
	v19 =	vmul.u32 $0x7, v18;
	p0 =	slt.u32 s26, $0x7C;
	v49 =	vld.idx.msk [tilespmem:v3+s18+$0x0], $0xffff  }
0x4e3: {  	v29 =	vmul.u32 $0x7, v26;
	v27 =	vor.u32 s30, v1;
	[tilespmem:s29+$0x20] =	vst v0;
	v50 =	vmul.u32 $0x7, v34;
	v51 =	vld.idx.msk [tilespmem:v5+s18+$0x0], $0xffff  }
0x4e4: {  	v52 =	vmul.u32 $0x7, v27;
	[tilespmem:s29+$0x30] =	vst v0;
	v30 =	vadd.s32 $0x1, v19;
	v20 =	vadd.s32 $0x2, v19;
	v39 =	vld.idx.msk [tilespmem:v6+s18+$0x0], $0xffff  }
0x4e5: {  	v31 =	vadd.s32 $0x1, v29;
	v28 =	vadd.s32 $0x2, v29;
	[tilespmem:s29+$0x40] =	vst v0;
	v3 =	vadd.s32 $0x1, v50;
	v36 =	vld.idx.msk [tilespmem:v7+s18+$0x0], $0xffff  }
0x4e6: {  	v25 =	vadd.s32 $0x3, v29;
	v53 =	vadd.s32 $0x1, v52;
	v54 =	vadd.s32 $0x2, v52;
	[tilespmem:s29+$0x50] =	vst v0;
	v35 =	vld.idx.msk [tilespmem:v35+s18+$0x0], $0xffff  }
0x4e7: {  	v24 =	vadd.s32 $0x3, v19;
	v5 =	vadd.s32 $0x2, v50;
	v55 =	vadd.s32 $0x3, v52;
	[tilespmem:s29+$0x60] =	vst v0;
	v32 =	vld.idx.msk [tilespmem:v32+s18+$0x0], $0xffff  }
0x4e8: {  	v21 =	vadd.s32 $0x4, v19;
	v23 =	vadd.s32 $0x4, v29;
	v56 =	vadd.s32 $0x4, v52;
	[tilespmem:s29+$0x70] =	vst v0;
	v33 =	vld.idx.msk [tilespmem:v33+s18+$0x0], $0xffff  }
0x4e9: {  	v22 =	vadd.s32 $0x5, v29;
	v7 =	vadd.s32 $0x3, v50;
	v57 =	vadd.s32 $0x5, v52;
	[tilespmem:s29+$0xFFFFFF10] =	vst v0;
	v58 =	vld.idx.msk [tilespmem:v50+s18+$0x0], $0xffff  }
0x4ea: {  	vm3 =	vgt.f32 v40, v47;
	v4 =	vadd.s32 $0x5, v19;
	v6 =	vsel vm2, v44, v46;
	[tilespmem:s29+$0xFFFFFF20] =	vst v0;
	v59 =	vld.idx.msk [tilespmem:v3+s18+$0x0], $0xffff  }
0x4eb: {  	v44 =	vadd.s32 $0x4, v50;
	vm7 =	vgt.f32 v45, v6;
	v3 =	vadd.s32 $0x6, v29;
	[tilespmem:s29+$0xFFFFFF30] =	vst v0  }
0x4ec: {  	v40 =	vsel vm3, v40, v47;
	v46 =	vadd.s32 $0x6, v52;
	[tilespmem:s29+$0xFFFFFF40] =	vst v0;
	v60 =	vld.idx.msk [tilespmem:v5+s18+$0x0], $0xffff;
	v5 =	vadd.s32 $0x6, v19  }
0x4ed: {  	vm6 =	vgt.f32 v41, v40;
	v47 =	vadd.s32 $0x5, v50;
	v45 =	vsel vm7, v45, v6;
	[tilespmem:s29+$0xFFFFFF50] =	vst v0  }
0x4ee: {  	v6 =	vadd.s32 $0x7, v29;
	v61 =	vadd.s32 $0x7, v52;
	vm8 =	vgt.f32 v43, v45;
	[tilespmem:s29+$0xFFFFFF60] =	vst v0;
	v62 =	vld.idx.msk [tilespmem:v7+s18+$0x0], $0xffff  }
0x4ef: {  	v63 =	vadd.s32 $0x6, v50;
	v40 =	vsel vm6, v41, v40;
	v7 =	vadd.s32 $0x7, v19;
	[tilespmem:s29+$0xFFFFFF70] =	vst v0  }
0x4f0: {  	v38 =	vsel vm1, $0x2, v38;
	v43 =	vsel vm8, v43, v45;
	vm9 =	vgt.f32 v59, v58;
	[tilespmem:s29+$0xFFFFFF80] =	vst v0;
	v41 =	vld.idx.msk [tilespmem:v44+s18+$0x0], $0xffff  }
0x4f1: {  	vm4 =	vgt.f32 v37, v40;
	v45 =	vadd.s32 $0x7, v50;
	v44 =	vsel vm9, v59, v58;
	[tilespmem:s29+$0xFFFFFF90] =	vst v0  }
0x4f2: {  	v42 =	vsel vm2, $0x2, v42;
	vm5 =	vgt.f32 v48, v43;
	vm10 =	vgt.f32 v60, v44;
	[tilespmem:s29+$0xFFFFFFA0] =	vst v0;
	v47 =	vld.idx.msk [tilespmem:v47+s18+$0x0], $0xffff  }
0x4f3: {  	v37 =	vsel vm4, v37, v40;
	v40 =	vsel vm5, v48, v43;
	v44 =	vsel vm10, v60, v44;
	[tilespmem:s29+$0xFFFFFFB0] =	vst v0  }
0x4f4: {  	v38 =	vsel vm3, $0x3, v38;
	v42 =	vsel vm7, $0x3, v42;
	vm11 =	vgt.f32 v62, v44;
	[tilespmem:s29+$0xFFFFFFC0] =	vst v0;
	v43 =	vld.idx.msk [tilespmem:v63+s18+$0x0], $0xffff  }
0x4f5: {  	vm2 =	vgt.f32 v49, v37;
	vm1 =	vgt.f32 v51, v40;
	v44 =	vsel vm11, v62, v44;
	[tilespmem:s29+$0xFFFFFFD0] =	vst v0  }
0x4f6: {  	v38 =	vsel vm6, $0x4, v38;
	v42 =	vsel vm8, $0x4, v42;
	vm3 =	vgt.f32 v41, v44;
	[tilespmem:s29+$0xFFFFFFE0] =	vst v0;
	v45 =	vld.idx.msk [tilespmem:v45+s18+$0x0], $0xffff  }
0x4f7: {  	v37 =	vsel vm2, v49, v37;
	v48 =	vsel vm9, $0x1, v2;
	v41 =	vsel vm3, v41, v44;
	[tilespmem:s29+$0xFFFFFFF0] =	vst v0  }
0x4f8: {  	v12 =	vsel vm0, v12, v17;
	v48 =	vsel vm10, $0x2, v48;
	vm6 =	vgt.f32 v47, v41;
	v44 =	vld.idx.msk [tilespmem:v53+s18+$0x0], $0xffff;
	[tilespmem:s29+$0x80] =	vst v0  }
0x4f9: {  	v40 =	vsel vm1, v51, v40;
	v48 =	vsel vm11, $0x3, v48;
	v41 =	vsel vm6, v47, v41;
	v17 =	vld.idx.msk [tilespmem:v52+s18+$0x0], $0xffff;
	[tilespmem:s29+$0x90] =	vst v0  }
0x4fa: {  	v38 =	vsel vm4, $0x5, v38;
	v48 =	vsel vm3, $0x4, v48;
	vm3 =	vgt.f32 v43, v41;
	v47 =	vld.idx.msk [tilespmem:v54+s18+$0x0], $0xffff;
	[tilespmem:s29+$0xA0] =	vst v0  }
0x4fb: {  	v42 =	vsel vm5, $0x5, v42;
	v48 =	vsel vm6, $0x5, v48;
	v41 =	vsel vm3, v43, v41;
	v49 =	vld.idx.msk [tilespmem:v55+s18+$0x0], $0xffff;
	[tilespmem:s29+$0xB0] =	vst v0  }
0x4fc: {  	vm4 =	vgt.f32 v39, v37;
	v48 =	vsel vm3, $0x6, v48;
	vm3 =	vgt.f32 v45, v41;
	v43 =	vld.idx.msk [tilespmem:v56+s18+$0x0], $0xffff;
	[tilespmem:s29+$0xC0] =	vst v0  }
0x4fd: {  	v34 =	vshll.u32 v34, $0x3;
	v39 =	vsel vm3, $0x7, v48;
	vm3 =	vgt.f32 v8, v12;
	v37 =	vld.idx.msk [tilespmem:v57+s18+$0x0], $0xffff;
	[tilespmem:s29+$0xD0] =	vst v0  }
0x4fe: {  	v16 =	vsel vm0, $0x6, v16;
	v38 =	vsel vm2, $0x6, v38;
	v34 =	vadd.s32 v34, v39;
	v12 =	vld.idx.msk [tilespmem:v46+s18+$0x0], $0xffff;
	[tilespmem:s29+$0xE0] =	vst v0  }
0x4ff: {  	v39 =	vsel vm1, $0x6, v42;
	vm1 =	vgt.f32 v36, v40;
	vm0 =	vgt.f32 v44, v17;
	v8 =	vld.idx.msk [tilespmem:v61+s18+$0x0], $0xffff;
	[tilespmem:s29+$0xF0] =	vst v0  }
0x500: {  	v38 =	vsel vm4, $0x7, v38;
	v17 =	vsel vm0, v44, v17;
	v36 =	vsel vm0, $0x1, v2;
	[tilespmem:s29+$0xFFFFFF00] =	vst v0;
	v30 =	vld.idx.msk [tilespmem:v30+s18+$0x0], $0xffff  }
0x501: {  	v16 =	vsel vm3, $0x7, v16;
	v39 =	vsel vm1, $0x7, v39;
	vm0 =	vgt.f32 v47, v17;
	v31 =	vld.idx.msk [tilespmem:v31+s18+$0x0], $0xffff;
	[tilespmem:v14+s21+$0x0] =	vst.idx.msk $0xffff, v35  }
0x502: {  	v14 =	vshll.u32 v26, $0x3;
	v17 =	vsel vm0, v47, v17;
	v26 =	vsel vm0, $0x2, v36;
	v29 =	vld.idx.msk [tilespmem:v29+s18+$0x0], $0xffff;
	[tilespmem:v13+s21+$0x0] =	vst.idx.msk $0xffff, v32  }
0x503: {  	v18 =	vshll.u32 v18, $0x3;
	v27 =	vshll.u32 v27, $0x3;
	vm0 =	vgt.f32 v49, v17;
	v36 =	vld.idx.msk [tilespmem:v34+s18+$0x0], $0xffff;
	[tilespmem:v15+s21+$0x0] =	vst.idx.msk $0xffff, v33  }
0x504: {  	v13 =	vsel vm0, v49, v17;
	v15 =	vsel vm0, $0x3, v26;
	v34 =	vadd.s32 $0xFFFFC000, v34;
	v19 =	vld.idx.msk [tilespmem:v19+s18+$0x0], $0xffff  }
0x505: {  	v35 =	vadd.s32 v9, v38;
	v32 =	vadd.s32 v11, v16;
	vm0 =	vgt.f32 v43, v13;
	v26 =	vld.idx.msk [tilespmem:v28+s18+$0x0], $0xffff  }
0x506: {  	v9 =	vmovc v14;
	v33 =	vadd.s32 v10, v39;
	v16 =	vsel vm0, v43, v13;
	v15 =	vsel vm0, $0x4, v15;
	v44 =	vld.idx.msk [tilespmem:v20+s18+$0x0], $0xffff  }
.Ltmp7:
0x507: {  	v14 =	vadd.s32 $0xFFFFC000, v35;
	v11 =	vmovc v27;
	v10 =	vmovc v18;
	v13 =	vadd.s32 $0xFFFFC000, v32;
	vm0 =	vgt.f32 v37, v16;
	v40 =	vld.idx.msk [tilespmem:v25+s18+$0x0], $0xffff;
	(pc) =	sbr.rel @p0 .LBB2_16-.Ltmp7, $4  }
0x508: {  	vm1 =	vgt.f32 v31, v29;
	v17 =	vsel vm0, v37, v16;
	v16 =	vsel vm0, $0x5, v15;
	v45 =	vld.idx.msk [tilespmem:v24+s18+$0x0], $0xffff  }
0x509: {  	v15 =	vadd.s32 $0xFFFFC000, v33;
	v24 =	vsel vm1, v31, v29;
	v38 =	vsel vm1, $0x1, v2;
	v41 =	vld.idx.msk [tilespmem:v23+s18+$0x0], $0xffff;
	[tilespmem:v34+s21+$0x0] =	vst.idx.msk $0xffff, v36  }
0x50a: {  	vm0 =	vgt.f32 v12, v17;
	vm2 =	vgt.f32 v30, v19;
	v43 =	vld.idx.msk [tilespmem:v21+s18+$0x0], $0xffff  }
0x50b: {  	s28 =	sadd.s32 $0x40, s28;
	s29 =	sadd.s32 $0x200, s29;
	vm1 =	vgt.f32 v26, v24;
	v46 =	vsel vm2, v30, v19;
	v42 =	vsel vm2, $0x1, v2;
	v37 =	vld.idx.msk [tilespmem:v22+s18+$0x0], $0xffff  }
0x50c: {  	_ =	sdelay $0x1  }
0x50d: {  	v18 =	vsel vm1, v26, v24  }
0x50e: {  	vm2 =	vgt.f32 v44, v46;
	v20 =	vsel vm1, $0x2, v38;
	v12 =	vsel vm0, v12, v17  }
0x50f: {  	v4 =	vld.idx.msk [tilespmem:v4+s18+$0x0], $0xffff;
	v55 =	vsel vm0, $0x6, v16;
	vm3 =	vgt.f32 v40, v18;
	v19 =	vsel vm2, v44, v46  }
0x510: {  	v3 =	vld.idx.msk [tilespmem:v3+s18+$0x0], $0xffff;
	v21 =	vsel vm2, $0x2, v42;
	vm4 =	vgt.f32 v45, v19;
	v18 =	vsel vm3, v40, v18  }
0x511: {  	v5 =	vld.idx.msk [tilespmem:v5+s18+$0x0], $0xffff;
	vm14 =	vgt.f32 v8, v12;
	vm5 =	vgt.f32 v41, v18;
	v19 =	vsel vm4, v45, v19  }
0x512: {  	v51 =	vsel vm3, $0x3, v20;
	vm6 =	vgt.f32 v43, v19;
	v18 =	vsel vm5, v41, v18  }
0x513: {  	v6 =	vld.idx.msk [tilespmem:v6+s18+$0x0], $0xffff;
	v57 =	vsel vm14, $0x7, v55;
	v19 =	vsel vm6, v43, v19;
	vm9 =	vgt.f32 v37, v18  }
0x514: {  	v7 =	vld.idx.msk [tilespmem:v7+s18+$0x0], $0xffff;
	v52 =	vsel vm4, $0x3, v21;
	vm10 =	vgt.f32 v4, v19;
	v18 =	vsel vm9, v37, v18  }
0x515: {  	v20 =	vsel vm6, $0x4, v52;
	v4 =	vsel vm10, v4, v19;
	vm11 =	vgt.f32 v3, v18  }
0x516: {  	v19 =	vsel vm5, $0x4, v51;
	v54 =	vsel vm10, $0x5, v20;
	vm12 =	vgt.f32 v5, v4  }
0x517: {  	v3 =	vsel vm11, v3, v18;
	v53 =	vsel vm9, $0x5, v19;
	v4 =	vsel vm12, v5, v4  }
0x518: {  	vm13 =	vgt.f32 v6, v3;
	v3 =	vsel vm11, $0x6, v53;
	v56 =	vsel vm12, $0x6, v54  }
0x519: {  	v3 =	vsel vm13, $0x7, v3;
	vm15 =	vgt.f32 v7, v4;
	v4 =	vadd.s32 v11, v57  }
0x51a: {  	v3 =	vadd.s32 v9, v3;
	v58 =	vsel vm15, $0x7, v56  }
0x51b: {  	v59 =	vld.idx.msk [tilespmem:v35+s18+$0x0], $0xffff;
	v5 =	vadd.s32 v10, v58  }
0x51c: {  	v60 =	vld.idx.msk [tilespmem:v32+s18+$0x0], $0xffff  }
0x51d: {  	v61 =	vld.idx.msk [tilespmem:v33+s18+$0x0], $0xffff  }
0x51e: {  	v62 =	vadd.s32 $0xFFFFC000, v4;
	v4 =	vld.idx.msk [tilespmem:v4+s18+$0x0], $0xffff  }
0x51f: {  	v9 =	vadd.s32 $0xFFFFC000, v3;
	v3 =	vld.idx.msk [tilespmem:v3+s18+$0x0], $0xffff  }
0x520: {  	[tilespmem:v14+s21+$0x0] =	vst.idx.msk $0xffff, v59;
	v63 =	vadd.s32 $0xFFFFC000, v5;
	v5 =	vld.idx.msk [tilespmem:v5+s18+$0x0], $0xffff  }
0x521: {  	[tilespmem:v13+s21+$0x0] =	vst.idx.msk $0xffff, v60  }
0x522: {  	[tilespmem:v15+s21+$0x0] =	vst.idx.msk $0xffff, v61  }
0x523: {  	[tilespmem:v62+s21+$0x0] =	vst.idx.msk $0xffff, v4  }
0x524: {  	[tilespmem:v9+s21+$0x0] =	vst.idx.msk $0xffff, v3  }
0x525: {  	s25 =	sadd.s32 $0x1, s25;
	[tilespmem:v63+s21+$0x0] =	vst.idx.msk $0xffff, v5  }
0x526: {  	[hbm4b:s14+s16] =	stream.strided.scatter [tilespmem:s21], [sflag:$0x4], $0x4000, s17, s16, $0x38;
	[tilespmem:$0x18000] =	vst v63  }
0x527: {  	p0 =	sne.s32 s25, s15;
	_ =	swait.ge [sflag:s22], $0x4000  }
.Ltmp8:
0x528: {  	[sflag:s22] =	ssyncset.done $0x0;
	(pc) =	sbr.rel @p0 .LBB2_1-.Ltmp8, $4  }
0x529: {  	[sflag:s22] =	ssyncadd.s32 $0xFFFFC000  }
0x52a: {  	_ =	swait.ge [sflag:s24], $0x4000  }
0x52b: {  	[sflag:s24] =	ssyncset.done $0x0  }
0x52c: {  	[sflag:s24] =	ssyncadd.s32 $0xFFFFC000  }
0x52d: {  	_ =	sfence.sel $0x180000  }
0x52e: {  	[bflag:$0x0] =	sbarrier.arrive $0xFFFF  }
0x52f: {  	p0 =	sne.s32 s1, $0x0;
	_ =	strace $0x90000047  }
0x530: {  	s0 =	sadd.s32 @!p0 $0x100000, s0;
	[bflag:$0x2] =	sbarrier.arrive $0xFFFF  }
0x531: {  	[sflag:s0] =	ssyncadd.tile.s32 @!p0 $0x1;
	_ =	shalt  }
.Lfunc_end2:
_tile_overlayer_lowered:
.L_overlay_start_2:
0x532: {  	(tag) =	ssettag $0x2  }
0x533: {  	s0 =	rddreg [dreg:$0x0];
	s2 =	stileid.u32  }
0x534: {  	s1 =	rddreg [dreg:$0x1];
	p0 =	sne.s32 s2, $0x0  }
0x535: {  	s3 =	rddreg [dreg:$0x2];
	[bflag:$0x3] =	sbarrier.arrive $0xFFFF;
	s2 =	simm.s32 @!p0 $0x1C05  }
0x536: {  	[timem:s3], [sflag:s2] =	dma.local @!p0 [hbm:s0], s1  }
0x537: {  	s0 =	simm.s32 @!p0 $0x5  }
0x538: {  	_ =	swait.ge @!p0 [sflag:s0], s1  }
0x539: {  	s1 =	ssub.s32 @!p0 $0x0, s1;
	[sflag:s0] =	ssyncset.done @!p0 $0x0  }
0x53a: {  	[sflag:s0] =	ssyncadd.s32 @!p0 s1  }
0x53b: {  	[bflag:$0x3] =	sbarrier.arrive $0xFFFF  }
0x53c: {  	_ =	shalt  }

</sc_bundles>
